<compile_context>
chip_gen: v7x
topology: tpu7x:2x2x1
jax: 0.10.2.dev20260603
libtpu: 0.0.44.dev20260713+nightly
codegen_flags: <defaults>
</compile_context>

<pallas_src>
import functools

import jax
import jax.numpy as jnp
from jax import lax
from jax.experimental import pallas as pl
from jax.experimental.pallas import tpu as pltpu
from jax.experimental.pallas import tpu_sc as plsc

_ROWS = 8192


_DN_T = (((0,), (1,)), ((), ()))


def _proj_body(ut, it, ct, at_, gt, wu, wi, wc, wa, wg, pu, pi_, pc, pa, pg):
    f32, bf16 = jnp.float32, jnp.bfloat16
    pu[...] = lax.dot_general(wu[...].astype(bf16), ut[...].astype(bf16),
                              _DN_T, preferred_element_type=f32)[0]
    pi_[...] = lax.dot_general(wi[...].astype(bf16), it[...].astype(bf16),
                               _DN_T, preferred_element_type=f32)[0]
    pc[...] = lax.dot_general(wc[...].astype(bf16), ct[...].astype(bf16),
                              _DN_T, preferred_element_type=f32)[0]

    @pl.when(pl.program_id(0) == 0)
    def _():
        pa[...] = lax.dot_general(wa[...], at_[...], _DN_T, preferred_element_type=f32)
        pg[...] = lax.dot_general(wg[...], gt[...], _DN_T, preferred_element_type=f32)


def _project(user_table, item_table, context_table, age_table, gender_table,
             wu, wi, wc, wa, wg):
    v = user_table.shape[0]
    grid = (v + _ROWS - 1) // _ROWS
    emb = user_table.shape[1]
    side = age_table.shape[1]
    na, ng = age_table.shape[0], gender_table.shape[0]
    big = pl.BlockSpec((_ROWS, emb), lambda i: (i, 0))
    whole = lambda s: pl.BlockSpec(s, lambda i: (0, 0))
    return pl.pallas_call(
        _proj_body,
        grid=(grid,),
        in_specs=[
            big, big, big,
            whole((na, side)), whole((ng, side)),
            whole((emb, 1)), whole((emb, 1)), whole((emb, 1)),
            whole((side, 1)), whole((side, 1)),
        ],
        out_specs=[
            pl.BlockSpec((_ROWS,), lambda i: (i,)),
            pl.BlockSpec((_ROWS,), lambda i: (i,)),
            pl.BlockSpec((_ROWS,), lambda i: (i,)),
            whole((1, na)), whole((1, ng)),
        ],
        out_shape=[
            jax.ShapeDtypeStruct((grid * _ROWS,), jnp.float32),
            jax.ShapeDtypeStruct((grid * _ROWS,), jnp.float32),
            jax.ShapeDtypeStruct((grid * _ROWS,), jnp.float32),
            jax.ShapeDtypeStruct((1, na), jnp.float32),
            jax.ShapeDtypeStruct((1, ng), jnp.float32),
        ],
    )(user_table, item_table, context_table, age_table, gender_table,
      wu, wi, wc, wa, wg)


_NW = 32
_L = 16
_CTX = 20


def _sc_body(vocab, b_per_w,
             pu_h, pi_h, pc_h, pa_h, pg_h, uidx_h, iidx_h, aidx_h, gidx_h,
             cidx_h, upc_h, wb_h, out_h,
             uidx_v, iidx_v, aidx_v, gidx_v, upc_v, cidx_v, cvals,
             puv, piv, pa_t, pg_t, wb_v, out_v, pc_sh, sem, csem):
    wid = lax.axis_index("s") * 2 + lax.axis_index("c")
    base = wid * b_per_w
    pltpu.sync_copy(uidx_h.at[pl.ds(base, b_per_w)], uidx_v)
    pltpu.sync_copy(iidx_h.at[pl.ds(base, b_per_w)], iidx_v)
    d1 = pltpu.async_copy(pu_h.at[uidx_v], puv, sem)
    d2 = pltpu.async_copy(pi_h.at[iidx_v], piv, sem)
    stg = [
        pltpu.async_copy(cidx_h.at[pl.ds(base * _CTX, b_per_w * _CTX)], cidx_v, csem),
        pltpu.async_copy(aidx_h.at[pl.ds(base, b_per_w)], aidx_v, csem),
        pltpu.async_copy(gidx_h.at[pl.ds(base, b_per_w)], gidx_v, csem),
        pltpu.async_copy(upc_h.at[pl.ds(base, b_per_w)], upc_v, csem),
        pltpu.async_copy(pa_h, pa_t, csem),
        pltpu.async_copy(pg_h, pg_t, csem),
        pltpu.async_copy(wb_h, wb_v, csem),
    ]
    @pl.when(lax.axis_index("s") == 0)
    def _():
        pltpu.sync_copy(pc_h, pc_sh)
    for d in stg:
        d.wait()
    plsc.subcore_barrier()
    dc = pltpu.async_copy(pc_sh.at[cidx_v], cvals, csem)
    dc.wait()
    d1.wait()
    d2.wait()

    wt = wb_v[pl.ds(0, _L)]
    bv = wb_v[pl.ds(_L, _L)]
    lane = lax.iota(jnp.int32, _L)
    nchunk = b_per_w // _L
    for c in range(nchunk):
        s = c * _L
        acc = upc_v[pl.ds(s, _L)] * wt + bv
        acc = acc + puv[pl.ds(s, _L)]
        acc = acc + piv[pl.ds(s, _L)]
        acc = acc + plsc.load_gather(pa_t, [aidx_v[pl.ds(s, _L)]])
        acc = acc + plsc.load_gather(pg_t, [gidx_v[pl.ds(s, _L)]])
        cbase = lane * _CTX + s * _CTX
        for j in range(_CTX):
            acc = acc + plsc.load_gather(cvals, [cbase + j])
        out_v[pl.ds(s, _L)] = acc
    pltpu.sync_copy(out_v, out_h.at[pl.ds(base, b_per_w)])


def _sc_lookup(pu, pi, pc, pa, pg, uidx, iidx, aidx, gidx, cidx, upc, wb):
    b = uidx.shape[0]
    b_per_w = b // _NW
    vocab = pc.shape[0]
    mesh = plsc.VectorSubcoreMesh(core_axis_name="c", subcore_axis_name="s")
    f32, i32 = jnp.float32, jnp.int32
    kern = functools.partial(
        pl.kernel,
        mesh=mesh,
        compiler_params=pltpu.CompilerParams(needs_layout_passes=False),
        out_type=jax.ShapeDtypeStruct((b,), f32),
        scratch_types=[
            pltpu.VMEM((b_per_w,), i32),
            pltpu.VMEM((b_per_w,), i32),
            pltpu.VMEM((b_per_w,), i32),
            pltpu.VMEM((b_per_w,), i32),
            pltpu.VMEM((b_per_w,), f32),
            pltpu.VMEM((b_per_w * _CTX,), i32),
            pltpu.VMEM((b_per_w * _CTX,), f32),
            pltpu.VMEM((b_per_w,), f32),
            pltpu.VMEM((b_per_w,), f32),
            pltpu.VMEM((pa.shape[0],), f32),
            pltpu.VMEM((pg.shape[0],), f32),
            pltpu.VMEM((wb.shape[0],), f32),
            pltpu.VMEM((b_per_w,), f32),
            pltpu.VMEM_SHARED((vocab,), f32),
            pltpu.SemaphoreType.DMA,
            pltpu.SemaphoreType.DMA,
        ],
    )(functools.partial(_sc_body, vocab, b_per_w))
    return kern(pu, pi, pc, pa, pg, uidx, iidx, aidx, gidx, cidx, upc, wb)


def kernel(user_idx, gender, age, context_idx, item_idx, user_product_count,
           user_table, gender_table, age_table, context_table, item_table, W, b):
    emb = user_table.shape[1]
    side = gender_table.shape[1]
    bsz = user_idx.shape[0]
    o0, o1, o2, o3, o4 = emb, emb + side, emb + 2 * side, 2 * emb + 2 * side, 3 * emb + 2 * side
    wu = W[:o0]
    wg = W[o0:o1]
    wa = W[o1:o2]
    wc = W[o2:o3] * (5.0 / context_idx.shape[1])
    wi = W[o3:o4]
    pu2, pi2, pc2, pa2, pg2 = _project(
        user_table, item_table, context_table, age_table, gender_table,
        wu, wi, wc, wa, wg)
    pa = jnp.pad(pa2[0], (0, 128 - pa2.shape[1]))
    pg = jnp.pad(pg2[0], (0, 16 - pg2.shape[1]))
    wb = jnp.concatenate([
        jnp.broadcast_to(W[o4, 0], (16,)),
        jnp.broadcast_to(b[0], (16,)),
    ]).astype(jnp.float32)
    out1 = _sc_lookup(
        pu2, pi2, pc2, pa, pg,
        user_idx, item_idx, age, gender,
        context_idx.reshape(-1), user_product_count, wb)
    return out1.reshape(bsz, 1)

# --- scband reference (transcript-rebuilt; emitter-appended) ---
"""Pipeline reference for scband-serving-model-60009283059858 (READ-ONLY COPY).

The authoritative reference and input builder live on the scoring server;
editing this copy changes nothing except your own understanding.
"""

import jax, jax.numpy as jnp
import numpy as np

B = 16384
USER_VOCAB = 100000
ITEM_VOCAB = 100000
CTX_VOCAB = 100000
EMB = 64
SIDE = 16
CTX_LEN = 20
DENSE_IN = 64 + 16 + 16 + 64 + 64 + 1  # 225


def setup_inputs(seed: int = 0) -> dict:
    key = jax.random.key(seed)
    ks = [jax.random.fold_in(key, i) for i in range(16)]
    user_idx = jax.random.randint(ks[0], (B,), 0, USER_VOCAB, dtype=jnp.int32)
    gender = jax.random.randint(ks[1], (B,), 0, 2, dtype=jnp.int32)
    age = jax.random.randint(ks[2], (B,), 0, 100, dtype=jnp.int32)
    context_idx = jax.random.randint(ks[3], (B, CTX_LEN), 0, CTX_VOCAB, dtype=jnp.int32)
    item_idx = jax.random.randint(ks[4], (B,), 0, ITEM_VOCAB, dtype=jnp.int32)
    user_product_count = jax.random.uniform(ks[5], (B,), dtype=jnp.float32)
    user_table = jax.random.normal(ks[6], (USER_VOCAB, EMB), dtype=jnp.float32) * 0.05
    gender_table = jax.random.normal(ks[7], (2, SIDE), dtype=jnp.float32) * 0.05
    age_table = jax.random.normal(ks[8], (100, SIDE), dtype=jnp.float32) * 0.05
    context_table = jax.random.normal(ks[9], (CTX_VOCAB, EMB), dtype=jnp.float32) * 0.05
    item_table = jax.random.normal(ks[10], (ITEM_VOCAB, EMB), dtype=jnp.float32) * 0.05
    W = jax.random.normal(ks[11], (DENSE_IN, 1), dtype=jnp.float32) * 0.05
    b = jnp.zeros((1,), dtype=jnp.float32)
    return {
        "user_idx": user_idx, "gender": gender, "age": age,
        "context_idx": context_idx, "item_idx": item_idx,
        "user_product_count": user_product_count,
        "user_table": user_table, "gender_table": gender_table,
        "age_table": age_table, "context_table": context_table,
        "item_table": item_table, "W": W, "b": b,
    }


def reference(user_idx, gender, age, context_idx, item_idx, user_product_count,
              user_table, gender_table, age_table, context_table, item_table, W, b):
    u = jnp.take(user_table, user_idx, axis=0)
    ge = jnp.take(gender_table, gender, axis=0)
    ae = jnp.take(age_table, age, axis=0)
    ce = jnp.mean(jnp.take(context_table, context_idx, axis=0), axis=1) * 5.0
    ue = jnp.concatenate([u, ge, ae, ce], axis=-1)
    ie = jnp.take(item_table, item_idx, axis=0)
    x = jnp.concatenate([ue, ie, user_product_count[:, None]], axis=-1)
    out = x @ W + b
    return out

if __name__ == "__main__":
    import jax
    _d = setup_inputs()
    print(jax.jit(kernel)(*tuple(_d.values())))

</pallas_src>

<mosaic_0001>
#map = affine_map<(d0, d1) -> (0)>
module attributes {stable_mosaic.version = 14 : i64} {
  func.func @_sc_body(%arg0: i32, %arg1: i32, %arg2: memref<106496xf32, #tpu.memory_space<hbm>>, %arg3: memref<106496xf32, #tpu.memory_space<hbm>>, %arg4: memref<106496xf32, #tpu.memory_space<hbm>>, %arg5: memref<128xf32, #tpu.memory_space<hbm>>, %arg6: memref<16xf32, #tpu.memory_space<hbm>>, %arg7: memref<16384xi32, #tpu.memory_space<hbm>>, %arg8: memref<16384xi32, #tpu.memory_space<hbm>>, %arg9: memref<16384xi32, #tpu.memory_space<hbm>>, %arg10: memref<16384xi32, #tpu.memory_space<hbm>>, %arg11: memref<327680xi32, #tpu.memory_space<hbm>>, %arg12: memref<16384xf32, #tpu.memory_space<hbm>>, %arg13: memref<32xf32, #tpu.memory_space<hbm>>, %arg14: memref<16384xf32, #tpu.memory_space<hbm>>, %arg15: memref<512xi32, #tpu.memory_space<vmem>>, %arg16: memref<512xi32, #tpu.memory_space<vmem>>, %arg17: memref<512xi32, #tpu.memory_space<vmem>>, %arg18: memref<512xi32, #tpu.memory_space<vmem>>, %arg19: memref<512xf32, #tpu.memory_space<vmem>>, %arg20: memref<10240xi32, #tpu.memory_space<vmem>>, %arg21: memref<10240xf32, #tpu.memory_space<vmem>>, %arg22: memref<512xf32, #tpu.memory_space<vmem>>, %arg23: memref<512xf32, #tpu.memory_space<vmem>>, %arg24: memref<128xf32, #tpu.memory_space<vmem>>, %arg25: memref<16xf32, #tpu.memory_space<vmem>>, %arg26: memref<32xf32, #tpu.memory_space<vmem>>, %arg27: memref<512xf32, #tpu.memory_space<vmem>>, %arg28: memref<106496xf32, #tpu.memory_space<vmem_shared>>, %arg29: memref<!tpu.dma_semaphore, #tpu.memory_space<semaphore_mem>>, %arg30: memref<!tpu.dma_semaphore, #tpu.memory_space<semaphore_mem>>) attributes {dimension_semantics = [#tpu.dimension_semantics<core_parallel>, #tpu.dimension_semantics<subcore_parallel>], iteration_bounds = array<i64: 2, 16>, scalar_prefetch = 0 : i64, scratch_operands = 16 : i64, tpu.core_type = #tpu.core_type<sc_vector_subcore>, window_params = [{transform_indices = #map}, {transform_indices = #map}, {transform_indices = #map}, {transform_indices = #map}, {transform_indices = #map}, {transform_indices = #map}, {transform_indices = #map}, {transform_indices = #map}, {transform_indices = #map}, {transform_indices = #map}, {transform_indices = #map}, {transform_indices = #map}, {transform_indices = #map}]} {
    %mul3A = arith.constant 2 : i32
    %mul3A_0 = arith.muli %arg1, %mul3A : i32
    %add3A = arith.addi %mul3A_0, %arg0 : i32
    %mul3A_1 = arith.constant 512 : i32
    %mul3A_2 = arith.muli %add3A, %mul3A_1 : i32
    "tpu.region"() ({
      %run_scoped3A = tpu.sem_alloc : memref<!tpu.dma_semaphore, #tpu.memory_space<semaphore_mem>>
      %dma_start3A_4066 = tpu.memref_slice %arg7[%mul3A_2] : memref<16384xi32, #tpu.memory_space<hbm>> -> memref<512xi32, #tpu.memory_space<hbm>>
      %dma_start3A_4067 = tpu.memref_slice %arg7[%mul3A_2] : memref<16384xi32, #tpu.memory_space<hbm>> -> memref<512xi32, #tpu.memory_space<hbm>>
      tpu.enqueue_dma source(%dma_start3A_4067 : memref<512xi32, #tpu.memory_space<hbm>>) target(%arg15 : memref<512xi32, #tpu.memory_space<vmem>>) target_semaphore(%run_scoped3A : memref<!tpu.dma_semaphore, #tpu.memory_space<semaphore_mem>>)
      %dma_wait3A_4068 = tpu.memref_slice %arg7[%mul3A_2] : memref<16384xi32, #tpu.memory_space<hbm>> -> memref<512xi32, #tpu.memory_space<hbm>>
      %dma_wait3A_4069 = tpu.memref_slice %arg7[%mul3A_2] : memref<16384xi32, #tpu.memory_space<hbm>> -> memref<512xi32, #tpu.memory_space<hbm>>
      tpu.wait_dma2 semaphore(%run_scoped3A : memref<!tpu.dma_semaphore, #tpu.memory_space<semaphore_mem>>) src(%dma_wait3A_4069 : memref<512xi32, #tpu.memory_space<hbm>>) dst(%arg15 : memref<512xi32, #tpu.memory_space<vmem>>)
      tpu.yield
    }) : () -> ()
    "tpu.region"() ({
      %run_scoped3A = tpu.sem_alloc : memref<!tpu.dma_semaphore, #tpu.memory_space<semaphore_mem>>
      %dma_start3A_4066 = tpu.memref_slice %arg8[%mul3A_2] : memref<16384xi32, #tpu.memory_space<hbm>> -> memref<512xi32, #tpu.memory_space<hbm>>
      %dma_start3A_4067 = tpu.memref_slice %arg8[%mul3A_2] : memref<16384xi32, #tpu.memory_space<hbm>> -> memref<512xi32, #tpu.memory_space<hbm>>
      tpu.enqueue_dma source(%dma_start3A_4067 : memref<512xi32, #tpu.memory_space<hbm>>) target(%arg16 : memref<512xi32, #tpu.memory_space<vmem>>) target_semaphore(%run_scoped3A : memref<!tpu.dma_semaphore, #tpu.memory_space<semaphore_mem>>)
      %dma_wait3A_4068 = tpu.memref_slice %arg8[%mul3A_2] : memref<16384xi32, #tpu.memory_space<hbm>> -> memref<512xi32, #tpu.memory_space<hbm>>
      %dma_wait3A_4069 = tpu.memref_slice %arg8[%mul3A_2] : memref<16384xi32, #tpu.memory_space<hbm>> -> memref<512xi32, #tpu.memory_space<hbm>>
      tpu.wait_dma2 semaphore(%run_scoped3A : memref<!tpu.dma_semaphore, #tpu.memory_space<semaphore_mem>>) src(%dma_wait3A_4069 : memref<512xi32, #tpu.memory_space<hbm>>) dst(%arg16 : memref<512xi32, #tpu.memory_space<vmem>>)
      tpu.yield
    }) : () -> ()
    %dma_start3A = arith.constant 0 : i32
    %dma_start3A_3 = tpu.memref_slice %arg2[%dma_start3A] : memref<106496xf32, #tpu.memory_space<hbm>> -> memref<106496xf32, #tpu.memory_space<hbm>>
    tpu.enqueue_indirect_dma source(%dma_start3A_3 : memref<106496xf32, #tpu.memory_space<hbm>>) target(%arg22 : memref<512xf32, #tpu.memory_space<vmem>>) offsets(%arg15 : memref<512xi32, #tpu.memory_space<vmem>>) semaphore(%arg29 : memref<!tpu.dma_semaphore, #tpu.memory_space<semaphore_mem>>)
    %dma_start3A_4 = arith.constant 0 : i32
    %dma_start3A_5 = tpu.memref_slice %arg3[%dma_start3A_4] : memref<106496xf32, #tpu.memory_space<hbm>> -> memref<106496xf32, #tpu.memory_space<hbm>>
    tpu.enqueue_indirect_dma source(%dma_start3A_5 : memref<106496xf32, #tpu.memory_space<hbm>>) target(%arg23 : memref<512xf32, #tpu.memory_space<vmem>>) offsets(%arg16 : memref<512xi32, #tpu.memory_space<vmem>>) semaphore(%arg29 : memref<!tpu.dma_semaphore, #tpu.memory_space<semaphore_mem>>)
    %mul3A_6 = arith.constant 20 : i32
    %mul3A_7 = arith.muli %mul3A_2, %mul3A_6 : i32
    %dma_start3A_8 = tpu.memref_slice %arg11[%mul3A_7] : memref<327680xi32, #tpu.memory_space<hbm>> -> memref<10240xi32, #tpu.memory_space<hbm>>
    %dma_start3A_9 = tpu.memref_slice %arg11[%mul3A_7] : memref<327680xi32, #tpu.memory_space<hbm>> -> memref<10240xi32, #tpu.memory_space<hbm>>
    tpu.enqueue_dma source(%dma_start3A_9 : memref<10240xi32, #tpu.memory_space<hbm>>) target(%arg20 : memref<10240xi32, #tpu.memory_space<vmem>>) target_semaphore(%arg30 : memref<!tpu.dma_semaphore, #tpu.memory_space<semaphore_mem>>)
    %dma_start3A_10 = tpu.memref_slice %arg9[%mul3A_2] : memref<16384xi32, #tpu.memory_space<hbm>> -> memref<512xi32, #tpu.memory_space<hbm>>
    %dma_start3A_11 = tpu.memref_slice %arg9[%mul3A_2] : memref<16384xi32, #tpu.memory_space<hbm>> -> memref<512xi32, #tpu.memory_space<hbm>>
    tpu.enqueue_dma source(%dma_start3A_11 : memref<512xi32, #tpu.memory_space<hbm>>) target(%arg17 : memref<512xi32, #tpu.memory_space<vmem>>) target_semaphore(%arg30 : memref<!tpu.dma_semaphore, #tpu.memory_space<semaphore_mem>>)
    %dma_start3A_12 = tpu.memref_slice %arg10[%mul3A_2] : memref<16384xi32, #tpu.memory_space<hbm>> -> memref<512xi32, #tpu.memory_space<hbm>>
    %dma_start3A_13 = tpu.memref_slice %arg10[%mul3A_2] : memref<16384xi32, #tpu.memory_space<hbm>> -> memref<512xi32, #tpu.memory_space<hbm>>
    tpu.enqueue_dma source(%dma_start3A_13 : memref<512xi32, #tpu.memory_space<hbm>>) target(%arg18 : memref<512xi32, #tpu.memory_space<vmem>>) target_semaphore(%arg30 : memref<!tpu.dma_semaphore, #tpu.memory_space<semaphore_mem>>)
    %dma_start3A_14 = tpu.memref_slice %arg12[%mul3A_2] : memref<16384xf32, #tpu.memory_space<hbm>> -> memref<512xf32, #tpu.memory_space<hbm>>
    %dma_start3A_15 = tpu.memref_slice %arg12[%mul3A_2] : memref<16384xf32, #tpu.memory_space<hbm>> -> memref<512xf32, #tpu.memory_space<hbm>>
    tpu.enqueue_dma source(%dma_start3A_15 : memref<512xf32, #tpu.memory_space<hbm>>) target(%arg19 : memref<512xf32, #tpu.memory_space<vmem>>) target_semaphore(%arg30 : memref<!tpu.dma_semaphore, #tpu.memory_space<semaphore_mem>>)
    tpu.enqueue_dma source(%arg5 : memref<128xf32, #tpu.memory_space<hbm>>) target(%arg24 : memref<128xf32, #tpu.memory_space<vmem>>) target_semaphore(%arg30 : memref<!tpu.dma_semaphore, #tpu.memory_space<semaphore_mem>>)
    tpu.enqueue_dma source(%arg6 : memref<16xf32, #tpu.memory_space<hbm>>) target(%arg25 : memref<16xf32, #tpu.memory_space<vmem>>) target_semaphore(%arg30 : memref<!tpu.dma_semaphore, #tpu.memory_space<semaphore_mem>>)
    tpu.enqueue_dma source(%arg13 : memref<32xf32, #tpu.memory_space<hbm>>) target(%arg26 : memref<32xf32, #tpu.memory_space<vmem>>) target_semaphore(%arg30 : memref<!tpu.dma_semaphore, #tpu.memory_space<semaphore_mem>>)
    %eq3A = arith.constant 0 : i32
    %eq3A_16 = arith.cmpi eq, %arg1, %eq3A : i32
    %convert_element_type3A = arith.extui %eq3A_16 : i1 to i32
    %cond3A = arith.constant 0 : i32
    %cond3A_17 = arith.cmpi ne, %convert_element_type3A, %cond3A : i32
    scf.if %cond3A_17 {
      "tpu.region"() ({
        %run_scoped3A = tpu.sem_alloc : memref<!tpu.dma_semaphore, #tpu.memory_space<semaphore_mem>>
        tpu.enqueue_dma source(%arg4 : memref<106496xf32, #tpu.memory_space<hbm>>) target(%arg28 : memref<106496xf32, #tpu.memory_space<vmem_shared>>) target_semaphore(%run_scoped3A : memref<!tpu.dma_semaphore, #tpu.memory_space<semaphore_mem>>)
        tpu.wait_dma2 semaphore(%run_scoped3A : memref<!tpu.dma_semaphore, #tpu.memory_space<semaphore_mem>>) src(%arg4 : memref<106496xf32, #tpu.memory_space<hbm>>) dst(%arg28 : memref<106496xf32, #tpu.memory_space<vmem_shared>>)
        tpu.yield
      }) : () -> ()
    } else {
    }
    %dma_wait3A = tpu.memref_slice %arg11[%mul3A_7] : memref<327680xi32, #tpu.memory_space<hbm>> -> memref<10240xi32, #tpu.memory_space<hbm>>
    %dma_wait3A_18 = tpu.memref_slice %arg11[%mul3A_7] : memref<327680xi32, #tpu.memory_space<hbm>> -> memref<10240xi32, #tpu.memory_space<hbm>>
    tpu.wait_dma2 semaphore(%arg30 : memref<!tpu.dma_semaphore, #tpu.memory_space<semaphore_mem>>) src(%dma_wait3A_18 : memref<10240xi32, #tpu.memory_space<hbm>>) dst(%arg20 : memref<10240xi32, #tpu.memory_space<vmem>>)
    %dma_wait3A_19 = tpu.memref_slice %arg9[%mul3A_2] : memref<16384xi32, #tpu.memory_space<hbm>> -> memref<512xi32, #tpu.memory_space<hbm>>
    %dma_wait3A_20 = tpu.memref_slice %arg9[%mul3A_2] : memref<16384xi32, #tpu.memory_space<hbm>> -> memref<512xi32, #tpu.memory_space<hbm>>
    tpu.wait_dma2 semaphore(%arg30 : memref<!tpu.dma_semaphore, #tpu.memory_space<semaphore_mem>>) src(%dma_wait3A_20 : memref<512xi32, #tpu.memory_space<hbm>>) dst(%arg17 : memref<512xi32, #tpu.memory_space<vmem>>)
    %dma_wait3A_21 = tpu.memref_slice %arg10[%mul3A_2] : memref<16384xi32, #tpu.memory_space<hbm>> -> memref<512xi32, #tpu.memory_space<hbm>>
    %dma_wait3A_22 = tpu.memref_slice %arg10[%mul3A_2] : memref<16384xi32, #tpu.memory_space<hbm>> -> memref<512xi32, #tpu.memory_space<hbm>>
    tpu.wait_dma2 semaphore(%arg30 : memref<!tpu.dma_semaphore, #tpu.memory_space<semaphore_mem>>) src(%dma_wait3A_22 : memref<512xi32, #tpu.memory_space<hbm>>) dst(%arg18 : memref<512xi32, #tpu.memory_space<vmem>>)
    %dma_wait3A_23 = tpu.memref_slice %arg12[%mul3A_2] : memref<16384xf32, #tpu.memory_space<hbm>> -> memref<512xf32, #tpu.memory_space<hbm>>
    %dma_wait3A_24 = tpu.memref_slice %arg12[%mul3A_2] : memref<16384xf32, #tpu.memory_space<hbm>> -> memref<512xf32, #tpu.memory_space<hbm>>
    tpu.wait_dma2 semaphore(%arg30 : memref<!tpu.dma_semaphore, #tpu.memory_space<semaphore_mem>>) src(%dma_wait3A_24 : memref<512xf32, #tpu.memory_space<hbm>>) dst(%arg19 : memref<512xf32, #tpu.memory_space<vmem>>)
    tpu.wait_dma2 semaphore(%arg30 : memref<!tpu.dma_semaphore, #tpu.memory_space<semaphore_mem>>) src(%arg5 : memref<128xf32, #tpu.memory_space<hbm>>) dst(%arg24 : memref<128xf32, #tpu.memory_space<vmem>>)
    tpu.wait_dma2 semaphore(%arg30 : memref<!tpu.dma_semaphore, #tpu.memory_space<semaphore_mem>>) src(%arg6 : memref<16xf32, #tpu.memory_space<hbm>>) dst(%arg25 : memref<16xf32, #tpu.memory_space<vmem>>)
    tpu.wait_dma2 semaphore(%arg30 : memref<!tpu.dma_semaphore, #tpu.memory_space<semaphore_mem>>) src(%arg13 : memref<32xf32, #tpu.memory_space<hbm>>) dst(%arg26 : memref<32xf32, #tpu.memory_space<vmem>>)
    %barrier3A = arith.constant 0 : index
    tpu.barrier barrier_id(%barrier3A)
    %dma_start3A_25 = arith.constant 0 : i32
    %dma_start3A_26 = tpu.memref_slice %arg28[%dma_start3A_25] : memref<106496xf32, #tpu.memory_space<vmem_shared>> -> memref<106496xf32, #tpu.memory_space<vmem_shared>>
    tpu.enqueue_indirect_dma source(%dma_start3A_26 : memref<106496xf32, #tpu.memory_space<vmem_shared>>) target(%arg21 : memref<10240xf32, #tpu.memory_space<vmem>>) offsets(%arg20 : memref<10240xi32, #tpu.memory_space<vmem>>) semaphore(%arg30 : memref<!tpu.dma_semaphore, #tpu.memory_space<semaphore_mem>>)
    %dma_wait3A_27 = arith.constant 0 : i32
    %dma_wait3A_28 = tpu.memref_slice %arg28[%dma_wait3A_27] : memref<106496xf32, #tpu.memory_space<vmem_shared>> -> memref<106496xf32, #tpu.memory_space<vmem_shared>>
    tpu.wait_indirect_dma semaphore(%arg30 : memref<!tpu.dma_semaphore, #tpu.memory_space<semaphore_mem>>) src(%dma_wait3A_28 : memref<106496xf32, #tpu.memory_space<vmem_shared>>) dst(%arg21 : memref<10240xf32, #tpu.memory_space<vmem>>)
    %dma_wait3A_29 = arith.constant 0 : i32
    %dma_wait3A_30 = tpu.memref_slice %arg2[%dma_wait3A_29] : memref<106496xf32, #tpu.memory_space<hbm>> -> memref<106496xf32, #tpu.memory_space<hbm>>
    tpu.wait_indirect_dma semaphore(%arg29 : memref<!tpu.dma_semaphore, #tpu.memory_space<semaphore_mem>>) src(%dma_wait3A_30 : memref<106496xf32, #tpu.memory_space<hbm>>) dst(%arg22 : memref<512xf32, #tpu.memory_space<vmem>>)
    %dma_wait3A_31 = arith.constant 0 : i32
    %dma_wait3A_32 = tpu.memref_slice %arg3[%dma_wait3A_31] : memref<106496xf32, #tpu.memory_space<hbm>> -> memref<106496xf32, #tpu.memory_space<hbm>>
    tpu.wait_indirect_dma semaphore(%arg29 : memref<!tpu.dma_semaphore, #tpu.memory_space<semaphore_mem>>) src(%dma_wait3A_32 : memref<106496xf32, #tpu.memory_space<hbm>>) dst(%arg23 : memref<512xf32, #tpu.memory_space<vmem>>)
    %get3A = arith.constant 0 : index
    %get3A_33 = tpu.vector_load %arg26[%get3A] {strides = array<i32>} : memref<32xf32, #tpu.memory_space<vmem>>, vector<16xf32>,
    %get3A_34 = arith.constant 16 : index
    %get3A_35 = tpu.vector_load %arg26[%get3A_34] {strides = array<i32>} : memref<32xf32, #tpu.memory_space<vmem>>, vector<16xf32>,
    %iota3A = tpu.iota {dimensions = array<i32: 0>} : vector<16xi32>
    %get3A_36 = arith.constant 0 : index
    %get3A_37 = tpu.vector_load %arg19[%get3A_36] {strides = array<i32>} : memref<512xf32, #tpu.memory_space<vmem>>, vector<16xf32>,
    %mul3A_38 = arith.mulf %get3A_37, %get3A_33 : vector<16xf32>
    %add3A_39 = arith.addf %mul3A_38, %get3A_35 : vector<16xf32>
    %get3A_40 = arith.constant 0 : index
    %get3A_41 = tpu.vector_load %arg22[%get3A_40] {strides = array<i32>} : memref<512xf32, #tpu.memory_space<vmem>>, vector<16xf32>,
    %add3A_42 = arith.addf %add3A_39, %get3A_41 : vector<16xf32>
    %get3A_43 = arith.constant 0 : index
    %get3A_44 = tpu.vector_load %arg23[%get3A_43] {strides = array<i32>} : memref<512xf32, #tpu.memory_space<vmem>>, vector<16xf32>,
    %add3A_45 = arith.addf %add3A_42, %get3A_44 : vector<16xf32>
    %get3A_46 = arith.constant 0 : index
    %get3A_47 = tpu.vector_load %arg17[%get3A_46] {strides = array<i32>} : memref<512xi32, #tpu.memory_space<vmem>>, vector<16xi32>,
    %gather3A = tpu.vector_load_idx %arg24[%get3A_47] : memref<128xf32, #tpu.memory_space<vmem>>[vector<16xi32>], vector<16xf32>,
    %add3A_48 = arith.addf %add3A_45, %gather3A : vector<16xf32>
    %get3A_49 = arith.constant 0 : index
    %get3A_50 = tpu.vector_load %arg18[%get3A_49] {strides = array<i32>} : memref<512xi32, #tpu.memory_space<vmem>>, vector<16xi32>,
    %gather3A_51 = tpu.vector_load_idx %arg25[%get3A_50] : memref<16xf32, #tpu.memory_space<vmem>>[vector<16xi32>], vector<16xf32>,
    %add3A_52 = arith.addf %add3A_48, %gather3A_51 : vector<16xf32>
    %mul3A_53 = arith.constant 20 : i32
    %mul3A_54 = vector.broadcast %mul3A_53 : i32 to vector<16xi32>
    %mul3A_55 = arith.muli %iota3A, %mul3A_54 : vector<16xi32>
    %add3A_56 = arith.constant 0 : i32
    %add3A_57 = vector.broadcast %add3A_56 : i32 to vector<16xi32>
    %add3A_58 = arith.addi %mul3A_55, %add3A_57 : vector<16xi32>
    %add3A_59 = arith.constant 0 : i32
    %add3A_60 = vector.broadcast %add3A_59 : i32 to vector<16xi32>
    %add3A_61 = arith.addi %add3A_58, %add3A_60 : vector<16xi32>
    %gather3A_62 = tpu.vector_load_idx %arg21[%add3A_61] : memref<10240xf32, #tpu.memory_space<vmem>>[vector<16xi32>], vector<16xf32>,
    %add3A_63 = arith.addf %add3A_52, %gather3A_62 : vector<16xf32>
    %add3A_64 = arith.constant 1 : i32
    %add3A_65 = vector.broadcast %add3A_64 : i32 to vector<16xi32>
    %add3A_66 = arith.addi %add3A_58, %add3A_65 : vector<16xi32>
    %gather3A_67 = tpu.vector_load_idx %arg21[%add3A_66] : memref<10240xf32, #tpu.memory_space<vmem>>[vector<16xi32>], vector<16xf32>,
    %add3A_68 = arith.addf %add3A_63, %gather3A_67 : vector<16xf32>
    %add3A_69 = arith.constant 2 : i32
    %add3A_70 = vector.broadcast %add3A_69 : i32 to vector<16xi32>
    %add3A_71 = arith.addi %add3A_58, %add3A_70 : vector<16xi32>
    %gather3A_72 = tpu.vector_load_idx %arg21[%add3A_71] : memref<10240xf32, #tpu.memory_space<vmem>>[vector<16xi32>], vector<16xf32>,
    %add3A_73 = arith.addf %add3A_68, %gather3A_72 : vector<16xf32>
    %add3A_74 = arith.constant 3 : i32
    %add3A_75 = vector.broadcast %add3A_74 : i32 to vector<16xi32>
    %add3A_76 = arith.addi %add3A_58, %add3A_75 : vector<16xi32>
    %gather3A_77 = tpu.vector_load_idx %arg21[%add3A_76] : memref<10240xf32, #tpu.memory_space<vmem>>[vector<16xi32>], vector<16xf32>,
    %add3A_78 = arith.addf %add3A_73, %gather3A_77 : vector<16xf32>
    %add3A_79 = arith.constant 4 : i32
    %add3A_80 = vector.broadcast %add3A_79 : i32 to vector<16xi32>
    %add3A_81 = arith.addi %add3A_58, %add3A_80 : vector<16xi32>
    %gather3A_82 = tpu.vector_load_idx %arg21[%add3A_81] : memref<10240xf32, #tpu.memory_space<vmem>>[vector<16xi32>], vector<16xf32>,
    %add3A_83 = arith.addf %add3A_78, %gather3A_82 : vector<16xf32>
    %add3A_84 = arith.constant 5 : i32
    %add3A_85 = vector.broadcast %add3A_84 : i32 to vector<16xi32>
    %add3A_86 = arith.addi %add3A_58, %add3A_85 : vector<16xi32>
    %gather3A_87 = tpu.vector_load_idx %arg21[%add3A_86] : memref<10240xf32, #tpu.memory_space<vmem>>[vector<16xi32>], vector<16xf32>,
    %add3A_88 = arith.addf %add3A_83, %gather3A_87 : vector<16xf32>
    %add3A_89 = arith.constant 6 : i32
    %add3A_90 = vector.broadcast %add3A_89 : i32 to vector<16xi32>
    %add3A_91 = arith.addi %add3A_58, %add3A_90 : vector<16xi32>
    %gather3A_92 = tpu.vector_load_idx %arg21[%add3A_91] : memref<10240xf32, #tpu.memory_space<vmem>>[vector<16xi32>], vector<16xf32>,
    %add3A_93 = arith.addf %add3A_88, %gather3A_92 : vector<16xf32>
    %add3A_94 = arith.constant 7 : i32
    %add3A_95 = vector.broadcast %add3A_94 : i32 to vector<16xi32>
    %add3A_96 = arith.addi %add3A_58, %add3A_95 : vector<16xi32>
    %gather3A_97 = tpu.vector_load_idx %arg21[%add3A_96] : memref<10240xf32, #tpu.memory_space<vmem>>[vector<16xi32>], vector<16xf32>,
    %add3A_98 = arith.addf %add3A_93, %gather3A_97 : vector<16xf32>
    %add3A_99 = arith.constant 8 : i32
    %add3A_100 = vector.broadcast %add3A_99 : i32 to vector<16xi32>
    %add3A_101 = arith.addi %add3A_58, %add3A_100 : vector<16xi32>
    %gather3A_102 = tpu.vector_load_idx %arg21[%add3A_101] : memref<10240xf32, #tpu.memory_space<vmem>>[vector<16xi32>], vector<16xf32>,
    %add3A_103 = arith.addf %add3A_98, %gather3A_102 : vector<16xf32>
    %add3A_104 = arith.constant 9 : i32
    %add3A_105 = vector.broadcast %add3A_104 : i32 to vector<16xi32>
    %add3A_106 = arith.addi %add3A_58, %add3A_105 : vector<16xi32>
    %gather3A_107 = tpu.vector_load_idx %arg21[%add3A_106] : memref<10240xf32, #tpu.memory_space<vmem>>[vector<16xi32>], vector<16xf32>,
    %add3A_108 = arith.addf %add3A_103, %gather3A_107 : vector<16xf32>
    %add3A_109 = arith.constant 10 : i32
    %add3A_110 = vector.broadcast %add3A_109 : i32 to vector<16xi32>
    %add3A_111 = arith.addi %add3A_58, %add3A_110 : vector<16xi32>
    %gather3A_112 = tpu.vector_load_idx %arg21[%add3A_111] : memref<10240xf32, #tpu.memory_space<vmem>>[vector<16xi32>], vector<16xf32>,
    %add3A_113 = arith.addf %add3A_108, %gather3A_112 : vector<16xf32>
    %add3A_114 = arith.constant 11 : i32
    %add3A_115 = vector.broadcast %add3A_114 : i32 to vector<16xi32>
    %add3A_116 = arith.addi %add3A_58, %add3A_115 : vector<16xi32>
    %gather3A_117 = tpu.vector_load_idx %arg21[%add3A_116] : memref<10240xf32, #tpu.memory_space<vmem>>[vector<16xi32>], vector<16xf32>,
    %add3A_118 = arith.addf %add3A_113, %gather3A_117 : vector<16xf32>
    %add3A_119 = arith.constant 12 : i32
    %add3A_120 = vector.broadcast %add3A_119 : i32 to vector<16xi32>
    %add3A_121 = arith.addi %add3A_58, %add3A_120 : vector<16xi32>
    %gather3A_122 = tpu.vector_load_idx %arg21[%add3A_121] : memref<10240xf32, #tpu.memory_space<vmem>>[vector<16xi32>], vector<16xf32>,
    %add3A_123 = arith.addf %add3A_118, %gather3A_122 : vector<16xf32>
    %add3A_124 = arith.constant 13 : i32
    %add3A_125 = vector.broadcast %add3A_124 : i32 to vector<16xi32>
    %add3A_126 = arith.addi %add3A_58, %add3A_125 : vector<16xi32>
    %gather3A_127 = tpu.vector_load_idx %arg21[%add3A_126] : memref<10240xf32, #tpu.memory_space<vmem>>[vector<16xi32>], vector<16xf32>,
    %add3A_128 = arith.addf %add3A_123, %gather3A_127 : vector<16xf32>
    %add3A_129 = arith.constant 14 : i32
    %add3A_130 = vector.broadcast %add3A_129 : i32 to vector<16xi32>
    %add3A_131 = arith.addi %add3A_58, %add3A_130 : vector<16xi32>
    %gather3A_132 = tpu.vector_load_idx %arg21[%add3A_131] : memref<10240xf32, #tpu.memory_space<vmem>>[vector<16xi32>], vector<16xf32>,
    %add3A_133 = arith.addf %add3A_128, %gather3A_132 : vector<16xf32>
    %add3A_134 = arith.constant 15 : i32
    %add3A_135 = vector.broadcast %add3A_134 : i32 to vector<16xi32>
    %add3A_136 = arith.addi %add3A_58, %add3A_135 : vector<16xi32>
    %gather3A_137 = tpu.vector_load_idx %arg21[%add3A_136] : memref<10240xf32, #tpu.memory_space<vmem>>[vector<16xi32>], vector<16xf32>,
    %add3A_138 = arith.addf %add3A_133, %gather3A_137 : vector<16xf32>
    %add3A_139 = arith.constant 16 : i32
    %add3A_140 = vector.broadcast %add3A_139 : i32 to vector<16xi32>
    %add3A_141 = arith.addi %add3A_58, %add3A_140 : vector<16xi32>
    %gather3A_142 = tpu.vector_load_idx %arg21[%add3A_141] : memref<10240xf32, #tpu.memory_space<vmem>>[vector<16xi32>], vector<16xf32>,
    %add3A_143 = arith.addf %add3A_138, %gather3A_142 : vector<16xf32>
    %add3A_144 = arith.constant 17 : i32
    %add3A_145 = vector.broadcast %add3A_144 : i32 to vector<16xi32>
    %add3A_146 = arith.addi %add3A_58, %add3A_145 : vector<16xi32>
    %gather3A_147 = tpu.vector_load_idx %arg21[%add3A_146] : memref<10240xf32, #tpu.memory_space<vmem>>[vector<16xi32>], vector<16xf32>,
    %add3A_148 = arith.addf %add3A_143, %gather3A_147 : vector<16xf32>
    %add3A_149 = arith.constant 18 : i32
    %add3A_150 = vector.broadcast %add3A_149 : i32 to vector<16xi32>
    %add3A_151 = arith.addi %add3A_58, %add3A_150 : vector<16xi32>
    %gather3A_152 = tpu.vector_load_idx %arg21[%add3A_151] : memref<10240xf32, #tpu.memory_space<vmem>>[vector<16xi32>], vector<16xf32>,
    %add3A_153 = arith.addf %add3A_148, %gather3A_152 : vector<16xf32>
    %add3A_154 = arith.constant 19 : i32
    %add3A_155 = vector.broadcast %add3A_154 : i32 to vector<16xi32>
    %add3A_156 = arith.addi %add3A_58, %add3A_155 : vector<16xi32>
    %gather3A_157 = tpu.vector_load_idx %arg21[%add3A_156] : memref<10240xf32, #tpu.memory_space<vmem>>[vector<16xi32>], vector<16xf32>,
    %add3A_158 = arith.addf %add3A_153, %gather3A_157 : vector<16xf32>
    %swap3A = arith.constant 0 : index
    %swap3A_159 = tpu.vector_load %arg27[%swap3A] {strides = array<i32>} : memref<512xf32, #tpu.memory_space<vmem>>, vector<16xf32>,
    tpu.vector_store %arg27[%swap3A], %add3A_158 {strides = array<i32>} : memref<512xf32, #tpu.memory_space<vmem>>, vector<16xf32>,
    %get3A_160 = arith.constant 16 : index
    %get3A_161 = tpu.vector_load %arg19[%get3A_160] {strides = array<i32>} : memref<512xf32, #tpu.memory_space<vmem>>, vector<16xf32>,
    %mul3A_162 = arith.mulf %get3A_161, %get3A_33 : vector<16xf32>
    %add3A_163 = arith.addf %mul3A_162, %get3A_35 : vector<16xf32>
    %get3A_164 = arith.constant 16 : index
    %get3A_165 = tpu.vector_load %arg22[%get3A_164] {strides = array<i32>} : memref<512xf32, #tpu.memory_space<vmem>>, vector<16xf32>,
    %add3A_166 = arith.addf %add3A_163, %get3A_165 : vector<16xf32>
    %get3A_167 = arith.constant 16 : index
    %get3A_168 = tpu.vector_load %arg23[%get3A_167] {strides = array<i32>} : memref<512xf32, #tpu.memory_space<vmem>>, vector<16xf32>,
    %add3A_169 = arith.addf %add3A_166, %get3A_168 : vector<16xf32>
    %get3A_170 = arith.constant 16 : index
    %get3A_171 = tpu.vector_load %arg17[%get3A_170] {strides = array<i32>} : memref<512xi32, #tpu.memory_space<vmem>>, vector<16xi32>,
    %gather3A_172 = tpu.vector_load_idx %arg24[%get3A_171] : memref<128xf32, #tpu.memory_space<vmem>>[vector<16xi32>], vector<16xf32>,
    %add3A_173 = arith.addf %add3A_169, %gather3A_172 : vector<16xf32>
    %get3A_174 = arith.constant 16 : index
    %get3A_175 = tpu.vector_load %arg18[%get3A_174] {strides = array<i32>} : memref<512xi32, #tpu.memory_space<vmem>>, vector<16xi32>,
    %gather3A_176 = tpu.vector_load_idx %arg25[%get3A_175] : memref<16xf32, #tpu.memory_space<vmem>>[vector<16xi32>], vector<16xf32>,
    %add3A_177 = arith.addf %add3A_173, %gather3A_176 : vector<16xf32>
    %mul3A_178 = arith.constant 20 : i32
    %mul3A_179 = vector.broadcast %mul3A_178 : i32 to vector<16xi32>
    %mul3A_180 = arith.muli %iota3A, %mul3A_179 : vector<16xi32>
    %add3A_181 = arith.constant 320 : i32
    %add3A_182 = vector.broadcast %add3A_181 : i32 to vector<16xi32>
    %add3A_183 = arith.addi %mul3A_180, %add3A_182 : vector<16xi32>
    %add3A_184 = arith.constant 0 : i32
    %add3A_185 = vector.broadcast %add3A_184 : i32 to vector<16xi32>
    %add3A_186 = arith.addi %add3A_183, %add3A_185 : vector<16xi32>
    %gather3A_187 = tpu.vector_load_idx %arg21[%add3A_186] : memref<10240xf32, #tpu.memory_space<vmem>>[vector<16xi32>], vector<16xf32>,
    %add3A_188 = arith.addf %add3A_177, %gather3A_187 : vector<16xf32>
    %add3A_189 = arith.constant 1 : i32
    %add3A_190 = vector.broadcast %add3A_189 : i32 to vector<16xi32>
    %add3A_191 = arith.addi %add3A_183, %add3A_190 : vector<16xi32>
    %gather3A_192 = tpu.vector_load_idx %arg21[%add3A_191] : memref<10240xf32, #tpu.memory_space<vmem>>[vector<16xi32>], vector<16xf32>,
    %add3A_193 = arith.addf %add3A_188, %gather3A_192 : vector<16xf32>
    %add3A_194 = arith.constant 2 : i32
    %add3A_195 = vector.broadcast %add3A_194 : i32 to vector<16xi32>
    %add3A_196 = arith.addi %add3A_183, %add3A_195 : vector<16xi32>
    %gather3A_197 = tpu.vector_load_idx %arg21[%add3A_196] : memref<10240xf32, #tpu.memory_space<vmem>>[vector<16xi32>], vector<16xf32>,
    %add3A_198 = arith.addf %add3A_193, %gather3A_197 : vector<16xf32>
    %add3A_199 = arith.constant 3 : i32
    %add3A_200 = vector.broadcast %add3A_199 : i32 to vector<16xi32>
    %add3A_201 = arith.addi %add3A_183, %add3A_200 : vector<16xi32>
    %gather3A_202 = tpu.vector_load_idx %arg21[%add3A_201] : memref<10240xf32, #tpu.memory_space<vmem>>[vector<16xi32>], vector<16xf32>,
    %add3A_203 = arith.addf %add3A_198, %gather3A_202 : vector<16xf32>
    %add3A_204 = arith.constant 4 : i32
    %add3A_205 = vector.broadcast %add3A_204 : i32 to vector<16xi32>
    %add3A_206 = arith.addi %add3A_183, %add3A_205 : vector<16xi32>
    %gather3A_207 = tpu.vector_load_idx %arg21[%add3A_206] : memref<10240xf32, #tpu.memory_space<vmem>>[vector<16xi32>], vector<16xf32>,
    %add3A_208 = arith.addf %add3A_203, %gather3A_207 : vector<16xf32>
    %add3A_209 = arith.constant 5 : i32
    %add3A_210 = vector.broadcast %add3A_209 : i32 to vector<16xi32>
    %add3A_211 = arith.addi %add3A_183, %add3A_210 : vector<16xi32>
    %gather3A_212 = tpu.vector_load_idx %arg21[%add3A_211] : memref<10240xf32, #tpu.memory_space<vmem>>[vector<16xi32>], vector<16xf32>,
    %add3A_213 = arith.addf %add3A_208, %gather3A_212 : vector<16xf32>
    %add3A_214 = arith.constant 6 : i32
    %add3A_215 = vector.broadcast %add3A_214 : i32 to vector<16xi32>
    %add3A_216 = arith.addi %add3A_183, %add3A_215 : vector<16xi32>
    %gather3A_217 = tpu.vector_load_idx %arg21[%add3A_216] : memref<10240xf32, #tpu.memory_space<vmem>>[vector<16xi32>], vector<16xf32>,
    %add3A_218 = arith.addf %add3A_213, %gather3A_217 : vector<16xf32>
    %add3A_219 = arith.constant 7 : i32
    %add3A_220 = vector.broadcast %add3A_219 : i32 to vector<16xi32>
    %add3A_221 = arith.addi %add3A_183, %add3A_220 : vector<16xi32>
    %gather3A_222 = tpu.vector_load_idx %arg21[%add3A_221] : memref<10240xf32, #tpu.memory_space<vmem>>[vector<16xi32>], vector<16xf32>,
    %add3A_223 = arith.addf %add3A_218, %gather3A_222 : vector<16xf32>
    %add3A_224 = arith.constant 8 : i32
    %add3A_225 = vector.broadcast %add3A_224 : i32 to vector<16xi32>
    %add3A_226 = arith.addi %add3A_183, %add3A_225 : vector<16xi32>
    %gather3A_227 = tpu.vector_load_idx %arg21[%add3A_226] : memref<10240xf32, #tpu.memory_space<vmem>>[vector<16xi32>], vector<16xf32>,
    %add3A_228 = arith.addf %add3A_223, %gather3A_227 : vector<16xf32>
    %add3A_229 = arith.constant 9 : i32
    %add3A_230 = vector.broadcast %add3A_229 : i32 to vector<16xi32>
    %add3A_231 = arith.addi %add3A_183, %add3A_230 : vector<16xi32>
    %gather3A_232 = tpu.vector_load_idx %arg21[%add3A_231] : memref<10240xf32, #tpu.memory_space<vmem>>[vector<16xi32>], vector<16xf32>,
    %add3A_233 = arith.addf %add3A_228, %gather3A_232 : vector<16xf32>
    %add3A_234 = arith.constant 10 : i32
    %add3A_235 = vector.broadcast %add3A_234 : i32 to vector<16xi32>
    %add3A_236 = arith.addi %add3A_183, %add3A_235 : vector<16xi32>
    %gather3A_237 = tpu.vector_load_idx %arg21[%add3A_236] : memref<10240xf32, #tpu.memory_space<vmem>>[vector<16xi32>], vector<16xf32>,
    %add3A_238 = arith.addf %add3A_233, %gather3A_237 : vector<16xf32>
    %add3A_239 = arith.constant 11 : i32
    %add3A_240 = vector.broadcast %add3A_239 : i32 to vector<16xi32>
    %add3A_241 = arith.addi %add3A_183, %add3A_240 : vector<16xi32>
    %gather3A_242 = tpu.vector_load_idx %arg21[%add3A_241] : memref<10240xf32, #tpu.memory_space<vmem>>[vector<16xi32>], vector<16xf32>,
    %add3A_243 = arith.addf %add3A_238, %gather3A_242 : vector<16xf32>
    %add3A_244 = arith.constant 12 : i32
    %add3A_245 = vector.broadcast %add3A_244 : i32 to vector<16xi32>
    %add3A_246 = arith.addi %add3A_183, %add3A_245 : vector<16xi32>
    %gather3A_247 = tpu.vector_load_idx %arg21[%add3A_246] : memref<10240xf32, #tpu.memory_space<vmem>>[vector<16xi32>], vector<16xf32>,
    %add3A_248 = arith.addf %add3A_243, %gather3A_247 : vector<16xf32>
    %add3A_249 = arith.constant 13 : i32
    %add3A_250 = vector.broadcast %add3A_249 : i32 to vector<16xi32>
    %add3A_251 = arith.addi %add3A_183, %add3A_250 : vector<16xi32>
    %gather3A_252 = tpu.vector_load_idx %arg21[%add3A_251] : memref<10240xf32, #tpu.memory_space<vmem>>[vector<16xi32>], vector<16xf32>,
    %add3A_253 = arith.addf %add3A_248, %gather3A_252 : vector<16xf32>
    %add3A_254 = arith.constant 14 : i32
    %add3A_255 = vector.broadcast %add3A_254 : i32 to vector<16xi32>
    %add3A_256 = arith.addi %add3A_183, %add3A_255 : vector<16xi32>
    %gather3A_257 = tpu.vector_load_idx %arg21[%add3A_256] : memref<10240xf32, #tpu.memory_space<vmem>>[vector<16xi32>], vector<16xf32>,
    %add3A_258 = arith.addf %add3A_253, %gather3A_257 : vector<16xf32>
    %add3A_259 = arith.constant 15 : i32
    %add3A_260 = vector.broadcast %add3A_259 : i32 to vector<16xi32>
    %add3A_261 = arith.addi %add3A_183, %add3A_260 : vector<16xi32>
    %gather3A_262 = tpu.vector_load_idx %arg21[%add3A_261] : memref<10240xf32, #tpu.memory_space<vmem>>[vector<16xi32>], vector<16xf32>,
    %add3A_263 = arith.addf %add3A_258, %gather3A_262 : vector<16xf32>
    %add3A_264 = arith.constant 16 : i32
    %add3A_265 = vector.broadcast %add3A_264 : i32 to vector<16xi32>
    %add3A_266 = arith.addi %add3A_183, %add3A_265 : vector<16xi32>
    %gather3A_267 = tpu.vector_load_idx %arg21[%add3A_266] : memref<10240xf32, #tpu.memory_space<vmem>>[vector<16xi32>], vector<16xf32>,
    %add3A_268 = arith.addf %add3A_263, %gather3A_267 : vector<16xf32>
    %add3A_269 = arith.constant 17 : i32
    %add3A_270 = vector.broadcast %add3A_269 : i32 to vector<16xi32>
    %add3A_271 = arith.addi %add3A_183, %add3A_270 : vector<16xi32>
    %gather3A_272 = tpu.vector_load_idx %arg21[%add3A_271] : memref<10240xf32, #tpu.memory_space<vmem>>[vector<16xi32>], vector<16xf32>,
    %add3A_273 = arith.addf %add3A_268, %gather3A_272 : vector<16xf32>
    %add3A_274 = arith.constant 18 : i32
    %add3A_275 = vector.broadcast %add3A_274 : i32 to vector<16xi32>
    %add3A_276 = arith.addi %add3A_183, %add3A_275 : vector<16xi32>
    %gather3A_277 = tpu.vector_load_idx %arg21[%add3A_276] : memref<10240xf32, #tpu.memory_space<vmem>>[vector<16xi32>], vector<16xf32>,
    %add3A_278 = arith.addf %add3A_273, %gather3A_277 : vector<16xf32>
    %add3A_279 = arith.constant 19 : i32
    %add3A_280 = vector.broadcast %add3A_279 : i32 to vector<16xi32>
    %add3A_281 = arith.addi %add3A_183, %add3A_280 : vector<16xi32>
    %gather3A_282 = tpu.vector_load_idx %arg21[%add3A_281] : memref<10240xf32, #tpu.memory_space<vmem>>[vector<16xi32>], vector<16xf32>,
    %add3A_283 = arith.addf %add3A_278, %gather3A_282 : vector<16xf32>
    %swap3A_284 = arith.constant 16 : index
    %swap3A_285 = tpu.vector_load %arg27[%swap3A_284] {strides = array<i32>} : memref<512xf32, #tpu.memory_space<vmem>>, vector<16xf32>,
    tpu.vector_store %arg27[%swap3A_284], %add3A_283 {strides = array<i32>} : memref<512xf32, #tpu.memory_space<vmem>>, vector<16xf32>,
    %get3A_286 = arith.constant 32 : index
    %get3A_287 = tpu.vector_load %arg19[%get3A_286] {strides = array<i32>} : memref<512xf32, #tpu.memory_space<vmem>>, vector<16xf32>,
    %mul3A_288 = arith.mulf %get3A_287, %get3A_33 : vector<16xf32>
    %add3A_289 = arith.addf %mul3A_288, %get3A_35 : vector<16xf32>
    %get3A_290 = arith.constant 32 : index
    %get3A_291 = tpu.vector_load %arg22[%get3A_290] {strides = array<i32>} : memref<512xf32, #tpu.memory_space<vmem>>, vector<16xf32>,
    %add3A_292 = arith.addf %add3A_289, %get3A_291 : vector<16xf32>
    %get3A_293 = arith.constant 32 : index
    %get3A_294 = tpu.vector_load %arg23[%get3A_293] {strides = array<i32>} : memref<512xf32, #tpu.memory_space<vmem>>, vector<16xf32>,
    %add3A_295 = arith.addf %add3A_292, %get3A_294 : vector<16xf32>
    %get3A_296 = arith.constant 32 : index
    %get3A_297 = tpu.vector_load %arg17[%get3A_296] {strides = array<i32>} : memref<512xi32, #tpu.memory_space<vmem>>, vector<16xi32>,
    %gather3A_298 = tpu.vector_load_idx %arg24[%get3A_297] : memref<128xf32, #tpu.memory_space<vmem>>[vector<16xi32>], vector<16xf32>,
    %add3A_299 = arith.addf %add3A_295, %gather3A_298 : vector<16xf32>
    %get3A_300 = arith.constant 32 : index
    %get3A_301 = tpu.vector_load %arg18[%get3A_300] {strides = array<i32>} : memref<512xi32, #tpu.memory_space<vmem>>, vector<16xi32>,
    %gather3A_302 = tpu.vector_load_idx %arg25[%get3A_301] : memref<16xf32, #tpu.memory_space<vmem>>[vector<16xi32>], vector<16xf32>,
    %add3A_303 = arith.addf %add3A_299, %gather3A_302 : vector<16xf32>
    %mul3A_304 = arith.constant 20 : i32
    %mul3A_305 = vector.broadcast %mul3A_304 : i32 to vector<16xi32>
    %mul3A_306 = arith.muli %iota3A, %mul3A_305 : vector<16xi32>
    %add3A_307 = arith.constant 640 : i32
    %add3A_308 = vector.broadcast %add3A_307 : i32 to vector<16xi32>
    %add3A_309 = arith.addi %mul3A_306, %add3A_308 : vector<16xi32>
    %add3A_310 = arith.constant 0 : i32
    %add3A_311 = vector.broadcast %add3A_310 : i32 to vector<16xi32>
    %add3A_312 = arith.addi %add3A_309, %add3A_311 : vector<16xi32>
    %gather3A_313 = tpu.vector_load_idx %arg21[%add3A_312] : memref<10240xf32, #tpu.memory_space<vmem>>[vector<16xi32>], vector<16xf32>,
    %add3A_314 = arith.addf %add3A_303, %gather3A_313 : vector<16xf32>
    %add3A_315 = arith.constant 1 : i32
    %add3A_316 = vector.broadcast %add3A_315 : i32 to vector<16xi32>
    %add3A_317 = arith.addi %add3A_309, %add3A_316 : vector<16xi32>
    %gather3A_318 = tpu.vector_load_idx %arg21[%add3A_317] : memref<10240xf32, #tpu.memory_space<vmem>>[vector<16xi32>], vector<16xf32>,
    %add3A_319 = arith.addf %add3A_314, %gather3A_318 : vector<16xf32>
    %add3A_320 = arith.constant 2 : i32
    %add3A_321 = vector.broadcast %add3A_320 : i32 to vector<16xi32>
    %add3A_322 = arith.addi %add3A_309, %add3A_321 : vector<16xi32>
    %gather3A_323 = tpu.vector_load_idx %arg21[%add3A_322] : memref<10240xf32, #tpu.memory_space<vmem>>[vector<16xi32>], vector<16xf32>,
    %add3A_324 = arith.addf %add3A_319, %gather3A_323 : vector<16xf32>
    %add3A_325 = arith.constant 3 : i32
    %add3A_326 = vector.broadcast %add3A_325 : i32 to vector<16xi32>
    %add3A_327 = arith.addi %add3A_309, %add3A_326 : vector<16xi32>
    %gather3A_328 = tpu.vector_load_idx %arg21[%add3A_327] : memref<10240xf32, #tpu.memory_space<vmem>>[vector<16xi32>], vector<16xf32>,
    %add3A_329 = arith.addf %add3A_324, %gather3A_328 : vector<16xf32>
    %add3A_330 = arith.constant 4 : i32
    %add3A_331 = vector.broadcast %add3A_330 : i32 to vector<16xi32>
    %add3A_332 = arith.addi %add3A_309, %add3A_331 : vector<16xi32>
    %gather3A_333 = tpu.vector_load_idx %arg21[%add3A_332] : memref<10240xf32, #tpu.memory_space<vmem>>[vector<16xi32>], vector<16xf32>,
    %add3A_334 = arith.addf %add3A_329, %gather3A_333 : vector<16xf32>
    %add3A_335 = arith.constant 5 : i32
    %add3A_336 = vector.broadcast %add3A_335 : i32 to vector<16xi32>
    %add3A_337 = arith.addi %add3A_309, %add3A_336 : vector<16xi32>
    %gather3A_338 = tpu.vector_load_idx %arg21[%add3A_337] : memref<10240xf32, #tpu.memory_space<vmem>>[vector<16xi32>], vector<16xf32>,
    %add3A_339 = arith.addf %add3A_334, %gather3A_338 : vector<16xf32>
    %add3A_340 = arith.constant 6 : i32
    %add3A_341 = vector.broadcast %add3A_340 : i32 to vector<16xi32>
    %add3A_342 = arith.addi %add3A_309, %add3A_341 : vector<16xi32>
    %gather3A_343 = tpu.vector_load_idx %arg21[%add3A_342] : memref<10240xf32, #tpu.memory_space<vmem>>[vector<16xi32>], vector<16xf32>,
    %add3A_344 = arith.addf %add3A_339, %gather3A_343 : vector<16xf32>
    %add3A_345 = arith.constant 7 : i32
    %add3A_346 = vector.broadcast %add3A_345 : i32 to vector<16xi32>
    %add3A_347 = arith.addi %add3A_309, %add3A_346 : vector<16xi32>
    %gather3A_348 = tpu.vector_load_idx %arg21[%add3A_347] : memref<10240xf32, #tpu.memory_space<vmem>>[vector<16xi32>], vector<16xf32>,
    %add3A_349 = arith.addf %add3A_344, %gather3A_348 : vector<16xf32>
    %add3A_350 = arith.constant 8 : i32
    %add3A_351 = vector.broadcast %add3A_350 : i32 to vector<16xi32>
    %add3A_352 = arith.addi %add3A_309, %add3A_351 : vector<16xi32>
    %gather3A_353 = tpu.vector_load_idx %arg21[%add3A_352] : memref<10240xf32, #tpu.memory_space<vmem>>[vector<16xi32>], vector<16xf32>,
    %add3A_354 = arith.addf %add3A_349, %gather3A_353 : vector<16xf32>
    %add3A_355 = arith.constant 9 : i32
    %add3A_356 = vector.broadcast %add3A_355 : i32 to vector<16xi32>
    %add3A_357 = arith.addi %add3A_309, %add3A_356 : vector<16xi32>
    %gather3A_358 = tpu.vector_load_idx %arg21[%add3A_357] : memref<10240xf32, #tpu.memory_space<vmem>>[vector<16xi32>], vector<16xf32>,
    %add3A_359 = arith.addf %add3A_354, %gather3A_358 : vector<16xf32>
    %add3A_360 = arith.constant 10 : i32
    %add3A_361 = vector.broadcast %add3A_360 : i32 to vector<16xi32>
    %add3A_362 = arith.addi %add3A_309, %add3A_361 : vector<16xi32>
    %gather3A_363 = tpu.vector_load_idx %arg21[%add3A_362] : memref<10240xf32, #tpu.memory_space<vmem>>[vector<16xi32>], vector<16xf32>,
    %add3A_364 = arith.addf %add3A_359, %gather3A_363 : vector<16xf32>
    %add3A_365 = arith.constant 11 : i32
    %add3A_366 = vector.broadcast %add3A_365 : i32 to vector<16xi32>
    %add3A_367 = arith.addi %add3A_309, %add3A_366 : vector<16xi32>
    %gather3A_368 = tpu.vector_load_idx %arg21[%add3A_367] : memref<10240xf32, #tpu.memory_space<vmem>>[vector<16xi32>], vector<16xf32>,
    %add3A_369 = arith.addf %add3A_364, %gather3A_368 : vector<16xf32>
    %add3A_370 = arith.constant 12 : i32
    %add3A_371 = vector.broadcast %add3A_370 : i32 to vector<16xi32>
    %add3A_372 = arith.addi %add3A_309, %add3A_371 : vector<16xi32>
    %gather3A_373 = tpu.vector_load_idx %arg21[%add3A_372] : memref<10240xf32, #tpu.memory_space<vmem>>[vector<16xi32>], vector<16xf32>,
    %add3A_374 = arith.addf %add3A_369, %gather3A_373 : vector<16xf32>
    %add3A_375 = arith.constant 13 : i32
    %add3A_376 = vector.broadcast %add3A_375 : i32 to vector<16xi32>
    %add3A_377 = arith.addi %add3A_309, %add3A_376 : vector<16xi32>
    %gather3A_378 = tpu.vector_load_idx %arg21[%add3A_377] : memref<10240xf32, #tpu.memory_space<vmem>>[vector<16xi32>], vector<16xf32>,
    %add3A_379 = arith.addf %add3A_374, %gather3A_378 : vector<16xf32>
    %add3A_380 = arith.constant 14 : i32
    %add3A_381 = vector.broadcast %add3A_380 : i32 to vector<16xi32>
    %add3A_382 = arith.addi %add3A_309, %add3A_381 : vector<16xi32>
    %gather3A_383 = tpu.vector_load_idx %arg21[%add3A_382] : memref<10240xf32, #tpu.memory_space<vmem>>[vector<16xi32>], vector<16xf32>,
    %add3A_384 = arith.addf %add3A_379, %gather3A_383 : vector<16xf32>
    %add3A_385 = arith.constant 15 : i32
    %add3A_386 = vector.broadcast %add3A_385 : i32 to vector<16xi32>
    %add3A_387 = arith.addi %add3A_309, %add3A_386 : vector<16xi32>
    %gather3A_388 = tpu.vector_load_idx %arg21[%add3A_387] : memref<10240xf32, #tpu.memory_space<vmem>>[vector<16xi32>], vector<16xf32>,
    %add3A_389 = arith.addf %add3A_384, %gather3A_388 : vector<16xf32>
    %add3A_390 = arith.constant 16 : i32
    %add3A_391 = vector.broadcast %add3A_390 : i32 to vector<16xi32>
    %add3A_392 = arith.addi %add3A_309, %add3A_391 : vector<16xi32>
    %gather3A_393 = tpu.vector_load_idx %arg21[%add3A_392] : memref<10240xf32, #tpu.memory_space<vmem>>[vector<16xi32>], vector<16xf32>,
    %add3A_394 = arith.addf %add3A_389, %gather3A_393 : vector<16xf32>
    %add3A_395 = arith.constant 17 : i32
    %add3A_396 = vector.broadcast %add3A_395 : i32 to vector<16xi32>
    %add3A_397 = arith.addi %add3A_309, %add3A_396 : vector<16xi32>
    %gather3A_398 = tpu.vector_load_idx %arg21[%add3A_397] : memref<10240xf32, #tpu.memory_space<vmem>>[vector<16xi32>], vector<16xf32>,
    %add3A_399 = arith.addf %add3A_394, %gather3A_398 : vector<16xf32>
    %add3A_400 = arith.constant 18 : i32
    %add3A_401 = vector.broadcast %add3A_400 : i32 to vector<16xi32>
    %add3A_402 = arith.addi %add3A_309, %add3A_401 : vector<16xi32>
    %gather3A_403 = tpu.vector_load_idx %arg21[%add3A_402] : memref<10240xf32, #tpu.memory_space<vmem>>[vector<16xi32>], vector<16xf32>,
    %add3A_404 = arith.addf %add3A_399, %gather3A_403 : vector<16xf32>
    %add3A_405 = arith.constant 19 : i32
    %add3A_406 = vector.broadcast %add3A_405 : i32 to vector<16xi32>
    %add3A_407 = arith.addi %add3A_309, %add3A_406 : vector<16xi32>
    %gather3A_408 = tpu.vector_load_idx %arg21[%add3A_407] : memref<10240xf32, #tpu.memory_space<vmem>>[vector<16xi32>], vector<16xf32>,
    %add3A_409 = arith.addf %add3A_404, %gather3A_408 : vector<16xf32>
    %swap3A_410 = arith.constant 32 : index
    %swap3A_411 = tpu.vector_load %arg27[%swap3A_410] {strides = array<i32>} : memref<512xf32, #tpu.memory_space<vmem>>, vector<16xf32>,
    tpu.vector_store %arg27[%swap3A_410], %add3A_409 {strides = array<i32>} : memref<512xf32, #tpu.memory_space<vmem>>, vector<16xf32>,
    %get3A_412 = arith.constant 48 : index
    %get3A_413 = tpu.vector_load %arg19[%get3A_412] {strides = array<i32>} : memref<512xf32, #tpu.memory_space<vmem>>, vector<16xf32>,
    %mul3A_414 = arith.mulf %get3A_413, %get3A_33 : vector<16xf32>
    %add3A_415 = arith.addf %mul3A_414, %get3A_35 : vector<16xf32>
    %get3A_416 = arith.constant 48 : index
    %get3A_417 = tpu.vector_load %arg22[%get3A_416] {strides = array<i32>} : memref<512xf32, #tpu.memory_space<vmem>>, vector<16xf32>,
    %add3A_418 = arith.addf %add3A_415, %get3A_417 : vector<16xf32>
    %get3A_419 = arith.constant 48 : index
    %get3A_420 = tpu.vector_load %arg23[%get3A_419] {strides = array<i32>} : memref<512xf32, #tpu.memory_space<vmem>>, vector<16xf32>,
    %add3A_421 = arith.addf %add3A_418, %get3A_420 : vector<16xf32>
    %get3A_422 = arith.constant 48 : index
    %get3A_423 = tpu.vector_load %arg17[%get3A_422] {strides = array<i32>} : memref<512xi32, #tpu.memory_space<vmem>>, vector<16xi32>,
    %gather3A_424 = tpu.vector_load_idx %arg24[%get3A_423] : memref<128xf32, #tpu.memory_space<vmem>>[vector<16xi32>], vector<16xf32>,
    %add3A_425 = arith.addf %add3A_421, %gather3A_424 : vector<16xf32>
    %get3A_426 = arith.constant 48 : index
    %get3A_427 = tpu.vector_load %arg18[%get3A_426] {strides = array<i32>} : memref<512xi32, #tpu.memory_space<vmem>>, vector<16xi32>,
    %gather3A_428 = tpu.vector_load_idx %arg25[%get3A_427] : memref<16xf32, #tpu.memory_space<vmem>>[vector<16xi32>], vector<16xf32>,
    %add3A_429 = arith.addf %add3A_425, %gather3A_428 : vector<16xf32>
    %mul3A_430 = arith.constant 20 : i32
    %mul3A_431 = vector.broadcast %mul3A_430 : i32 to vector<16xi32>
    %mul3A_432 = arith.muli %iota3A, %mul3A_431 : vector<16xi32>
    %add3A_433 = arith.constant 960 : i32
    %add3A_434 = vector.broadcast %add3A_433 : i32 to vector<16xi32>
    %add3A_435 = arith.addi %mul3A_432, %add3A_434 : vector<16xi32>
    %add3A_436 = arith.constant 0 : i32
    %add3A_437 = vector.broadcast %add3A_436 : i32 to vector<16xi32>
    %add3A_438 = arith.addi %add3A_435, %add3A_437 : vector<16xi32>
    %gather3A_439 = tpu.vector_load_idx %arg21[%add3A_438] : memref<10240xf32, #tpu.memory_space<vmem>>[vector<16xi32>], vector<16xf32>,
    %add3A_440 = arith.addf %add3A_429, %gather3A_439 : vector<16xf32>
    %add3A_441 = arith.constant 1 : i32
    %add3A_442 = vector.broadcast %add3A_441 : i32 to vector<16xi32>
    %add3A_443 = arith.addi %add3A_435, %add3A_442 : vector<16xi32>
    %gather3A_444 = tpu.vector_load_idx %arg21[%add3A_443] : memref<10240xf32, #tpu.memory_space<vmem>>[vector<16xi32>], vector<16xf32>,
    %add3A_445 = arith.addf %add3A_440, %gather3A_444 : vector<16xf32>
    %add3A_446 = arith.constant 2 : i32
    %add3A_447 = vector.broadcast %add3A_446 : i32 to vector<16xi32>
    %add3A_448 = arith.addi %add3A_435, %add3A_447 : vector<16xi32>
    %gather3A_449 = tpu.vector_load_idx %arg21[%add3A_448] : memref<10240xf32, #tpu.memory_space<vmem>>[vector<16xi32>], vector<16xf32>,
    %add3A_450 = arith.addf %add3A_445, %gather3A_449 : vector<16xf32>
    %add3A_451 = arith.constant 3 : i32
    %add3A_452 = vector.broadcast %add3A_451 : i32 to vector<16xi32>
    %add3A_453 = arith.addi %add3A_435, %add3A_452 : vector<16xi32>
    %gather3A_454 = tpu.vector_load_idx %arg21[%add3A_453] : memref<10240xf32, #tpu.memory_space<vmem>>[vector<16xi32>], vector<16xf32>,
    %add3A_455 = arith.addf %add3A_450, %gather3A_454 : vector<16xf32>
    %add3A_456 = arith.constant 4 : i32
    %add3A_457 = vector.broadcast %add3A_456 : i32 to vector<16xi32>
    %add3A_458 = arith.addi %add3A_435, %add3A_457 : vector<16xi32>
    %gather3A_459 = tpu.vector_load_idx %arg21[%add3A_458] : memref<10240xf32, #tpu.memory_space<vmem>>[vector<16xi32>], vector<16xf32>,
    %add3A_460 = arith.addf %add3A_455, %gather3A_459 : vector<16xf32>
    %add3A_461 = arith.constant 5 : i32
    %add3A_462 = vector.broadcast %add3A_461 : i32 to vector<16xi32>
    %add3A_463 = arith.addi %add3A_435, %add3A_462 : vector<16xi32>
    %gather3A_464 = tpu.vector_load_idx %arg21[%add3A_463] : memref<10240xf32, #tpu.memory_space<vmem>>[vector<16xi32>], vector<16xf32>,
    %add3A_465 = arith.addf %add3A_460, %gather3A_464 : vector<16xf32>
    %add3A_466 = arith.constant 6 : i32
    %add3A_467 = vector.broadcast %add3A_466 : i32 to vector<16xi32>
    %add3A_468 = arith.addi %add3A_435, %add3A_467 : vector<16xi32>
    %gather3A_469 = tpu.vector_load_idx %arg21[%add3A_468] : memref<10240xf32, #tpu.memory_space<vmem>>[vector<16xi32>], vector<16xf32>,
    %add3A_470 = arith.addf %add3A_465, %gather3A_469 : vector<16xf32>
    %add3A_471 = arith.constant 7 : i32
    %add3A_472 = vector.broadcast %add3A_471 : i32 to vector<16xi32>
    %add3A_473 = arith.addi %add3A_435, %add3A_472 : vector<16xi32>
    %gather3A_474 = tpu.vector_load_idx %arg21[%add3A_473] : memref<10240xf32, #tpu.memory_space<vmem>>[vector<16xi32>], vector<16xf32>,
    %add3A_475 = arith.addf %add3A_470, %gather3A_474 : vector<16xf32>
    %add3A_476 = arith.constant 8 : i32
    %add3A_477 = vector.broadcast %add3A_476 : i32 to vector<16xi32>
    %add3A_478 = arith.addi %add3A_435, %add3A_477 : vector<16xi32>
    %gather3A_479 = tpu.vector_load_idx %arg21[%add3A_478] : memref<10240xf32, #tpu.memory_space<vmem>>[vector<16xi32>], vector<16xf32>,
    %add3A_480 = arith.addf %add3A_475, %gather3A_479 : vector<16xf32>
    %add3A_481 = arith.constant 9 : i32
    %add3A_482 = vector.broadcast %add3A_481 : i32 to vector<16xi32>
    %add3A_483 = arith.addi %add3A_435, %add3A_482 : vector<16xi32>
    %gather3A_484 = tpu.vector_load_idx %arg21[%add3A_483] : memref<10240xf32, #tpu.memory_space<vmem>>[vector<16xi32>], vector<16xf32>,
    %add3A_485 = arith.addf %add3A_480, %gather3A_484 : vector<16xf32>
    %add3A_486 = arith.constant 10 : i32
    %add3A_487 = vector.broadcast %add3A_486 : i32 to vector<16xi32>
    %add3A_488 = arith.addi %add3A_435, %add3A_487 : vector<16xi32>
    %gather3A_489 = tpu.vector_load_idx %arg21[%add3A_488] : memref<10240xf32, #tpu.memory_space<vmem>>[vector<16xi32>], vector<16xf32>,
    %add3A_490 = arith.addf %add3A_485, %gather3A_489 : vector<16xf32>
    %add3A_491 = arith.constant 11 : i32
    %add3A_492 = vector.broadcast %add3A_491 : i32 to vector<16xi32>
    %add3A_493 = arith.addi %add3A_435, %add3A_492 : vector<16xi32>
    %gather3A_494 = tpu.vector_load_idx %arg21[%add3A_493] : memref<10240xf32, #tpu.memory_space<vmem>>[vector<16xi32>], vector<16xf32>,
    %add3A_495 = arith.addf %add3A_490, %gather3A_494 : vector<16xf32>
    %add3A_496 = arith.constant 12 : i32
    %add3A_497 = vector.broadcast %add3A_496 : i32 to vector<16xi32>
    %add3A_498 = arith.addi %add3A_435, %add3A_497 : vector<16xi32>
    %gather3A_499 = tpu.vector_load_idx %arg21[%add3A_498] : memref<10240xf32, #tpu.memory_space<vmem>>[vector<16xi32>], vector<16xf32>,
    %add3A_500 = arith.addf %add3A_495, %gather3A_499 : vector<16xf32>
    %add3A_501 = arith.constant 13 : i32
    %add3A_502 = vector.broadcast %add3A_501 : i32 to vector<16xi32>
    %add3A_503 = arith.addi %add3A_435, %add3A_502 : vector<16xi32>
    %gather3A_504 = tpu.vector_load_idx %arg21[%add3A_503] : memref<10240xf32, #tpu.memory_space<vmem>>[vector<16xi32>], vector<16xf32>,
    %add3A_505 = arith.addf %add3A_500, %gather3A_504 : vector<16xf32>
    %add3A_506 = arith.constant 14 : i32
    %add3A_507 = vector.broadcast %add3A_506 : i32 to vector<16xi32>
    %add3A_508 = arith.addi %add3A_435, %add3A_507 : vector<16xi32>
    %gather3A_509 = tpu.vector_load_idx %arg21[%add3A_508] : memref<10240xf32, #tpu.memory_space<vmem>>[vector<16xi32>], vector<16xf32>,
    %add3A_510 = arith.addf %add3A_505, %gather3A_509 : vector<16xf32>
    %add3A_511 = arith.constant 15 : i32
    %add3A_512 = vector.broadcast %add3A_511 : i32 to vector<16xi32>
    %add3A_513 = arith.addi %add3A_435, %add3A_512 : vector<16xi32>
    %gather3A_514 = tpu.vector_load_idx %arg21[%add3A_513] : memref<10240xf32, #tpu.memory_space<vmem>>[vector<16xi32>], vector<16xf32>,
    %add3A_515 = arith.addf %add3A_510, %gather3A_514 : vector<16xf32>
    %add3A_516 = arith.constant 16 : i32
    %add3A_517 = vector.broadcast %add3A_516 : i32 to vector<16xi32>
    %add3A_518 = arith.addi %add3A_435, %add3A_517 : vector<16xi32>
    %gather3A_519 = tpu.vector_load_idx %arg21[%add3A_518] : memref<10240xf32, #tpu.memory_space<vmem>>[vector<16xi32>], vector<16xf32>,
    %add3A_520 = arith.addf %add3A_515, %gather3A_519 : vector<16xf32>
    %add3A_521 = arith.constant 17 : i32
    %add3A_522 = vector.broadcast %add3A_521 : i32 to vector<16xi32>
    %add3A_523 = arith.addi %add3A_435, %add3A_522 : vector<16xi32>
    %gather3A_524 = tpu.vector_load_idx %arg21[%add3A_523] : memref<10240xf32, #tpu.memory_space<vmem>>[vector<16xi32>], vector<16xf32>,
    %add3A_525 = arith.addf %add3A_520, %gather3A_524 : vector<16xf32>
    %add3A_526 = arith.constant 18 : i32
    %add3A_527 = vector.broadcast %add3A_526 : i32 to vector<16xi32>
    %add3A_528 = arith.addi %add3A_435, %add3A_527 : vector<16xi32>
    %gather3A_529 = tpu.vector_load_idx %arg21[%add3A_528] : memref<10240xf32, #tpu.memory_space<vmem>>[vector<16xi32>], vector<16xf32>,
    %add3A_530 = arith.addf %add3A_525, %gather3A_529 : vector<16xf32>
    %add3A_531 = arith.constant 19 : i32
    %add3A_532 = vector.broadcast %add3A_531 : i32 to vector<16xi32>
    %add3A_533 = arith.addi %add3A_435, %add3A_532 : vector<16xi32>
    %gather3A_534 = tpu.vector_load_idx %arg21[%add3A_533] : memref<10240xf32, #tpu.memory_space<vmem>>[vector<16xi32>], vector<16xf32>,
    %add3A_535 = arith.addf %add3A_530, %gather3A_534 : vector<16xf32>
    %swap3A_536 = arith.constant 48 : index
    %swap3A_537 = tpu.vector_load %arg27[%swap3A_536] {strides = array<i32>} : memref<512xf32, #tpu.memory_space<vmem>>, vector<16xf32>,
    tpu.vector_store %arg27[%swap3A_536], %add3A_535 {strides = array<i32>} : memref<512xf32, #tpu.memory_space<vmem>>, vector<16xf32>,
    %get3A_538 = arith.constant 64 : index
    %get3A_539 = tpu.vector_load %arg19[%get3A_538] {strides = array<i32>} : memref<512xf32, #tpu.memory_space<vmem>>, vector<16xf32>,
    %mul3A_540 = arith.mulf %get3A_539, %get3A_33 : vector<16xf32>
    %add3A_541 = arith.addf %mul3A_540, %get3A_35 : vector<16xf32>
    %get3A_542 = arith.constant 64 : index
    %get3A_543 = tpu.vector_load %arg22[%get3A_542] {strides = array<i32>} : memref<512xf32, #tpu.memory_space<vmem>>, vector<16xf32>,
    %add3A_544 = arith.addf %add3A_541, %get3A_543 : vector<16xf32>
    %get3A_545 = arith.constant 64 : index
    %get3A_546 = tpu.vector_load %arg23[%get3A_545] {strides = array<i32>} : memref<512xf32, #tpu.memory_space<vmem>>, vector<16xf32>,
    %add3A_547 = arith.addf %add3A_544, %get3A_546 : vector<16xf32>
    %get3A_548 = arith.constant 64 : index
    %get3A_549 = tpu.vector_load %arg17[%get3A_548] {strides = array<i32>} : memref<512xi32, #tpu.memory_space<vmem>>, vector<16xi32>,
    %gather3A_550 = tpu.vector_load_idx %arg24[%get3A_549] : memref<128xf32, #tpu.memory_space<vmem>>[vector<16xi32>], vector<16xf32>,
    %add3A_551 = arith.addf %add3A_547, %gather3A_550 : vector<16xf32>
    %get3A_552 = arith.constant 64 : index
    %get3A_553 = tpu.vector_load %arg18[%get3A_552] {strides = array<i32>} : memref<512xi32, #tpu.memory_space<vmem>>, vector<16xi32>,
    %gather3A_554 = tpu.vector_load_idx %arg25[%get3A_553] : memref<16xf32, #tpu.memory_space<vmem>>[vector<16xi32>], vector<16xf32>,
    %add3A_555 = arith.addf %add3A_551, %gather3A_554 : vector<16xf32>
    %mul3A_556 = arith.constant 20 : i32
    %mul3A_557 = vector.broadcast %mul3A_556 : i32 to vector<16xi32>
    %mul3A_558 = arith.muli %iota3A, %mul3A_557 : vector<16xi32>
    %add3A_559 = arith.constant 1280 : i32
    %add3A_560 = vector.broadcast %add3A_559 : i32 to vector<16xi32>
    %add3A_561 = arith.addi %mul3A_558, %add3A_560 : vector<16xi32>
    %add3A_562 = arith.constant 0 : i32
    %add3A_563 = vector.broadcast %add3A_562 : i32 to vector<16xi32>
    %add3A_564 = arith.addi %add3A_561, %add3A_563 : vector<16xi32>
    %gather3A_565 = tpu.vector_load_idx %arg21[%add3A_564] : memref<10240xf32, #tpu.memory_space<vmem>>[vector<16xi32>], vector<16xf32>,
    %add3A_566 = arith.addf %add3A_555, %gather3A_565 : vector<16xf32>
    %add3A_567 = arith.constant 1 : i32
    %add3A_568 = vector.broadcast %add3A_567 : i32 to vector<16xi32>
    %add3A_569 = arith.addi %add3A_561, %add3A_568 : vector<16xi32>
    %gather3A_570 = tpu.vector_load_idx %arg21[%add3A_569] : memref<10240xf32, #tpu.memory_space<vmem>>[vector<16xi32>], vector<16xf32>,
    %add3A_571 = arith.addf %add3A_566, %gather3A_570 : vector<16xf32>
    %add3A_572 = arith.constant 2 : i32
    %add3A_573 = vector.broadcast %add3A_572 : i32 to vector<16xi32>
    %add3A_574 = arith.addi %add3A_561, %add3A_573 : vector<16xi32>
    %gather3A_575 = tpu.vector_load_idx %arg21[%add3A_574] : memref<10240xf32, #tpu.memory_space<vmem>>[vector<16xi32>], vector<16xf32>,
    %add3A_576 = arith.addf %add3A_571, %gather3A_575 : vector<16xf32>
    %add3A_577 = arith.constant 3 : i32
    %add3A_578 = vector.broadcast %add3A_577 : i32 to vector<16xi32>
    %add3A_579 = arith.addi %add3A_561, %add3A_578 : vector<16xi32>
    %gather3A_580 = tpu.vector_load_idx %arg21[%add3A_579] : memref<10240xf32, #tpu.memory_space<vmem>>[vector<16xi32>], vector<16xf32>,
    %add3A_581 = arith.addf %add3A_576, %gather3A_580 : vector<16xf32>
    %add3A_582 = arith.constant 4 : i32
    %add3A_583 = vector.broadcast %add3A_582 : i32 to vector<16xi32>
    %add3A_584 = arith.addi %add3A_561, %add3A_583 : vector<16xi32>
    %gather3A_585 = tpu.vector_load_idx %arg21[%add3A_584] : memref<10240xf32, #tpu.memory_space<vmem>>[vector<16xi32>], vector<16xf32>,
    %add3A_586 = arith.addf %add3A_581, %gather3A_585 : vector<16xf32>
    %add3A_587 = arith.constant 5 : i32
    %add3A_588 = vector.broadcast %add3A_587 : i32 to vector<16xi32>
    %add3A_589 = arith.addi %add3A_561, %add3A_588 : vector<16xi32>
    %gather3A_590 = tpu.vector_load_idx %arg21[%add3A_589] : memref<10240xf32, #tpu.memory_space<vmem>>[vector<16xi32>], vector<16xf32>,
    %add3A_591 = arith.addf %add3A_586, %gather3A_590 : vector<16xf32>
    %add3A_592 = arith.constant 6 : i32
    %add3A_593 = vector.broadcast %add3A_592 : i32 to vector<16xi32>
    %add3A_594 = arith.addi %add3A_561, %add3A_593 : vector<16xi32>
    %gather3A_595 = tpu.vector_load_idx %arg21[%add3A_594] : memref<10240xf32, #tpu.memory_space<vmem>>[vector<16xi32>], vector<16xf32>,
    %add3A_596 = arith.addf %add3A_591, %gather3A_595 : vector<16xf32>
    %add3A_597 = arith.constant 7 : i32
    %add3A_598 = vector.broadcast %add3A_597 : i32 to vector<16xi32>
    %add3A_599 = arith.addi %add3A_561, %add3A_598 : vector<16xi32>
    %gather3A_600 = tpu.vector_load_idx %arg21[%add3A_599] : memref<10240xf32, #tpu.memory_space<vmem>>[vector<16xi32>], vector<16xf32>,
    %add3A_601 = arith.addf %add3A_596, %gather3A_600 : vector<16xf32>
    %add3A_602 = arith.constant 8 : i32
    %add3A_603 = vector.broadcast %add3A_602 : i32 to vector<16xi32>
    %add3A_604 = arith.addi %add3A_561, %add3A_603 : vector<16xi32>
    %gather3A_605 = tpu.vector_load_idx %arg21[%add3A_604] : memref<10240xf32, #tpu.memory_space<vmem>>[vector<16xi32>], vector<16xf32>,
    %add3A_606 = arith.addf %add3A_601, %gather3A_605 : vector<16xf32>
    %add3A_607 = arith.constant 9 : i32
    %add3A_608 = vector.broadcast %add3A_607 : i32 to vector<16xi32>
    %add3A_609 = arith.addi %add3A_561, %add3A_608 : vector<16xi32>
    %gather3A_610 = tpu.vector_load_idx %arg21[%add3A_609] : memref<10240xf32, #tpu.memory_space<vmem>>[vector<16xi32>], vector<16xf32>,
    %add3A_611 = arith.addf %add3A_606, %gather3A_610 : vector<16xf32>
    %add3A_612 = arith.constant 10 : i32
    %add3A_613 = vector.broadcast %add3A_612 : i32 to vector<16xi32>
    %add3A_614 = arith.addi %add3A_561, %add3A_613 : vector<16xi32>
    %gather3A_615 = tpu.vector_load_idx %arg21[%add3A_614] : memref<10240xf32, #tpu.memory_space<vmem>>[vector<16xi32>], vector<16xf32>,
    %add3A_616 = arith.addf %add3A_611, %gather3A_615 : vector<16xf32>
    %add3A_617 = arith.constant 11 : i32
    %add3A_618 = vector.broadcast %add3A_617 : i32 to vector<16xi32>
    %add3A_619 = arith.addi %add3A_561, %add3A_618 : vector<16xi32>
    %gather3A_620 = tpu.vector_load_idx %arg21[%add3A_619] : memref<10240xf32, #tpu.memory_space<vmem>>[vector<16xi32>], vector<16xf32>,
    %add3A_621 = arith.addf %add3A_616, %gather3A_620 : vector<16xf32>
    %add3A_622 = arith.constant 12 : i32
    %add3A_623 = vector.broadcast %add3A_622 : i32 to vector<16xi32>
    %add3A_624 = arith.addi %add3A_561, %add3A_623 : vector<16xi32>
    %gather3A_625 = tpu.vector_load_idx %arg21[%add3A_624] : memref<10240xf32, #tpu.memory_space<vmem>>[vector<16xi32>], vector<16xf32>,
    %add3A_626 = arith.addf %add3A_621, %gather3A_625 : vector<16xf32>
    %add3A_627 = arith.constant 13 : i32
    %add3A_628 = vector.broadcast %add3A_627 : i32 to vector<16xi32>
    %add3A_629 = arith.addi %add3A_561, %add3A_628 : vector<16xi32>
    %gather3A_630 = tpu.vector_load_idx %arg21[%add3A_629] : memref<10240xf32, #tpu.memory_space<vmem>>[vector<16xi32>], vector<16xf32>,
    %add3A_631 = arith.addf %add3A_626, %gather3A_630 : vector<16xf32>
    %add3A_632 = arith.constant 14 : i32
    %add3A_633 = vector.broadcast %add3A_632 : i32 to vector<16xi32>
    %add3A_634 = arith.addi %add3A_561, %add3A_633 : vector<16xi32>
    %gather3A_635 = tpu.vector_load_idx %arg21[%add3A_634] : memref<10240xf32, #tpu.memory_space<vmem>>[vector<16xi32>], vector<16xf32>,
    %add3A_636 = arith.addf %add3A_631, %gather3A_635 : vector<16xf32>
    %add3A_637 = arith.constant 15 : i32
    %add3A_638 = vector.broadcast %add3A_637 : i32 to vector<16xi32>
    %add3A_639 = arith.addi %add3A_561, %add3A_638 : vector<16xi32>
    %gather3A_640 = tpu.vector_load_idx %arg21[%add3A_639] : memref<10240xf32, #tpu.memory_space<vmem>>[vector<16xi32>], vector<16xf32>,
    %add3A_641 = arith.addf %add3A_636, %gather3A_640 : vector<16xf32>
    %add3A_642 = arith.constant 16 : i32
    %add3A_643 = vector.broadcast %add3A_642 : i32 to vector<16xi32>
    %add3A_644 = arith.addi %add3A_561, %add3A_643 : vector<16xi32>
    %gather3A_645 = tpu.vector_load_idx %arg21[%add3A_644] : memref<10240xf32, #tpu.memory_space<vmem>>[vector<16xi32>], vector<16xf32>,
    %add3A_646 = arith.addf %add3A_641, %gather3A_645 : vector<16xf32>
    %add3A_647 = arith.constant 17 : i32
    %add3A_648 = vector.broadcast %add3A_647 : i32 to vector<16xi32>
    %add3A_649 = arith.addi %add3A_561, %add3A_648 : vector<16xi32>
    %gather3A_650 = tpu.vector_load_idx %arg21[%add3A_649] : memref<10240xf32, #tpu.memory_space<vmem>>[vector<16xi32>], vector<16xf32>,
    %add3A_651 = arith.addf %add3A_646, %gather3A_650 : vector<16xf32>
    %add3A_652 = arith.constant 18 : i32
    %add3A_653 = vector.broadcast %add3A_652 : i32 to vector<16xi32>
    %add3A_654 = arith.addi %add3A_561, %add3A_653 : vector<16xi32>
    %gather3A_655 = tpu.vector_load_idx %arg21[%add3A_654] : memref<10240xf32, #tpu.memory_space<vmem>>[vector<16xi32>], vector<16xf32>,
    %add3A_656 = arith.addf %add3A_651, %gather3A_655 : vector<16xf32>
    %add3A_657 = arith.constant 19 : i32
    %add3A_658 = vector.broadcast %add3A_657 : i32 to vector<16xi32>
    %add3A_659 = arith.addi %add3A_561, %add3A_658 : vector<16xi32>
    %gather3A_660 = tpu.vector_load_idx %arg21[%add3A_659] : memref<10240xf32, #tpu.memory_space<vmem>>[vector<16xi32>], vector<16xf32>,
    %add3A_661 = arith.addf %add3A_656, %gather3A_660 : vector<16xf32>
    %swap3A_662 = arith.constant 64 : index
    %swap3A_663 = tpu.vector_load %arg27[%swap3A_662] {strides = array<i32>} : memref<512xf32, #tpu.memory_space<vmem>>, vector<16xf32>,
    tpu.vector_store %arg27[%swap3A_662], %add3A_661 {strides = array<i32>} : memref<512xf32, #tpu.memory_space<vmem>>, vector<16xf32>,
    %get3A_664 = arith.constant 80 : index
    %get3A_665 = tpu.vector_load %arg19[%get3A_664] {strides = array<i32>} : memref<512xf32, #tpu.memory_space<vmem>>, vector<16xf32>,
    %mul3A_666 = arith.mulf %get3A_665, %get3A_33 : vector<16xf32>
    %add3A_667 = arith.addf %mul3A_666, %get3A_35 : vector<16xf32>
    %get3A_668 = arith.constant 80 : index
    %get3A_669 = tpu.vector_load %arg22[%get3A_668] {strides = array<i32>} : memref<512xf32, #tpu.memory_space<vmem>>, vector<16xf32>,
    %add3A_670 = arith.addf %add3A_667, %get3A_669 : vector<16xf32>
    %get3A_671 = arith.constant 80 : index
    %get3A_672 = tpu.vector_load %arg23[%get3A_671] {strides = array<i32>} : memref<512xf32, #tpu.memory_space<vmem>>, vector<16xf32>,
    %add3A_673 = arith.addf %add3A_670, %get3A_672 : vector<16xf32>
    %get3A_674 = arith.constant 80 : index
    %get3A_675 = tpu.vector_load %arg17[%get3A_674] {strides = array<i32>} : memref<512xi32, #tpu.memory_space<vmem>>, vector<16xi32>,
    %gather3A_676 = tpu.vector_load_idx %arg24[%get3A_675] : memref<128xf32, #tpu.memory_space<vmem>>[vector<16xi32>], vector<16xf32>,
    %add3A_677 = arith.addf %add3A_673, %gather3A_676 : vector<16xf32>
    %get3A_678 = arith.constant 80 : index
    %get3A_679 = tpu.vector_load %arg18[%get3A_678] {strides = array<i32>} : memref<512xi32, #tpu.memory_space<vmem>>, vector<16xi32>,
    %gather3A_680 = tpu.vector_load_idx %arg25[%get3A_679] : memref<16xf32, #tpu.memory_space<vmem>>[vector<16xi32>], vector<16xf32>,
    %add3A_681 = arith.addf %add3A_677, %gather3A_680 : vector<16xf32>
    %mul3A_682 = arith.constant 20 : i32
    %mul3A_683 = vector.broadcast %mul3A_682 : i32 to vector<16xi32>
    %mul3A_684 = arith.muli %iota3A, %mul3A_683 : vector<16xi32>
    %add3A_685 = arith.constant 1600 : i32
    %add3A_686 = vector.broadcast %add3A_685 : i32 to vector<16xi32>
    %add3A_687 = arith.addi %mul3A_684, %add3A_686 : vector<16xi32>
    %add3A_688 = arith.constant 0 : i32
    %add3A_689 = vector.broadcast %add3A_688 : i32 to vector<16xi32>
    %add3A_690 = arith.addi %add3A_687, %add3A_689 : vector<16xi32>
    %gather3A_691 = tpu.vector_load_idx %arg21[%add3A_690] : memref<10240xf32, #tpu.memory_space<vmem>>[vector<16xi32>], vector<16xf32>,
    %add3A_692 = arith.addf %add3A_681, %gather3A_691 : vector<16xf32>
    %add3A_693 = arith.constant 1 : i32
    %add3A_694 = vector.broadcast %add3A_693 : i32 to vector<16xi32>
    %add3A_695 = arith.addi %add3A_687, %add3A_694 : vector<16xi32>
    %gather3A_696 = tpu.vector_load_idx %arg21[%add3A_695] : memref<10240xf32, #tpu.memory_space<vmem>>[vector<16xi32>], vector<16xf32>,
    %add3A_697 = arith.addf %add3A_692, %gather3A_696 : vector<16xf32>
    %add3A_698 = arith.constant 2 : i32
    %add3A_699 = vector.broadcast %add3A_698 : i32 to vector<16xi32>
    %add3A_700 = arith.addi %add3A_687, %add3A_699 : vector<16xi32>
    %gather3A_701 = tpu.vector_load_idx %arg21[%add3A_700] : memref<10240xf32, #tpu.memory_space<vmem>>[vector<16xi32>], vector<16xf32>,
    %add3A_702 = arith.addf %add3A_697, %gather3A_701 : vector<16xf32>
    %add3A_703 = arith.constant 3 : i32
    %add3A_704 = vector.broadcast %add3A_703 : i32 to vector<16xi32>
    %add3A_705 = arith.addi %add3A_687, %add3A_704 : vector<16xi32>
    %gather3A_706 = tpu.vector_load_idx %arg21[%add3A_705] : memref<10240xf32, #tpu.memory_space<vmem>>[vector<16xi32>], vector<16xf32>,
    %add3A_707 = arith.addf %add3A_702, %gather3A_706 : vector<16xf32>
    %add3A_708 = arith.constant 4 : i32
    %add3A_709 = vector.broadcast %add3A_708 : i32 to vector<16xi32>
    %add3A_710 = arith.addi %add3A_687, %add3A_709 : vector<16xi32>
    %gather3A_711 = tpu.vector_load_idx %arg21[%add3A_710] : memref<10240xf32, #tpu.memory_space<vmem>>[vector<16xi32>], vector<16xf32>,
    %add3A_712 = arith.addf %add3A_707, %gather3A_711 : vector<16xf32>
    %add3A_713 = arith.constant 5 : i32
    %add3A_714 = vector.broadcast %add3A_713 : i32 to vector<16xi32>
    %add3A_715 = arith.addi %add3A_687, %add3A_714 : vector<16xi32>
    %gather3A_716 = tpu.vector_load_idx %arg21[%add3A_715] : memref<10240xf32, #tpu.memory_space<vmem>>[vector<16xi32>], vector<16xf32>,
    %add3A_717 = arith.addf %add3A_712, %gather3A_716 : vector<16xf32>
    %add3A_718 = arith.constant 6 : i32
    %add3A_719 = vector.broadcast %add3A_718 : i32 to vector<16xi32>
    %add3A_720 = arith.addi %add3A_687, %add3A_719 : vector<16xi32>
    %gather3A_721 = tpu.vector_load_idx %arg21[%add3A_720] : memref<10240xf32, #tpu.memory_space<vmem>>[vector<16xi32>], vector<16xf32>,
    %add3A_722 = arith.addf %add3A_717, %gather3A_721 : vector<16xf32>
    %add3A_723 = arith.constant 7 : i32
    %add3A_724 = vector.broadcast %add3A_723 : i32 to vector<16xi32>
    %add3A_725 = arith.addi %add3A_687, %add3A_724 : vector<16xi32>
    %gather3A_726 = tpu.vector_load_idx %arg21[%add3A_725] : memref<10240xf32, #tpu.memory_space<vmem>>[vector<16xi32>], vector<16xf32>,
    %add3A_727 = arith.addf %add3A_722, %gather3A_726 : vector<16xf32>
    %add3A_728 = arith.constant 8 : i32
    %add3A_729 = vector.broadcast %add3A_728 : i32 to vector<16xi32>
    %add3A_730 = arith.addi %add3A_687, %add3A_729 : vector<16xi32>
    %gather3A_731 = tpu.vector_load_idx %arg21[%add3A_730] : memref<10240xf32, #tpu.memory_space<vmem>>[vector<16xi32>], vector<16xf32>,
    %add3A_732 = arith.addf %add3A_727, %gather3A_731 : vector<16xf32>
    %add3A_733 = arith.constant 9 : i32
    %add3A_734 = vector.broadcast %add3A_733 : i32 to vector<16xi32>
    %add3A_735 = arith.addi %add3A_687, %add3A_734 : vector<16xi32>
    %gather3A_736 = tpu.vector_load_idx %arg21[%add3A_735] : memref<10240xf32, #tpu.memory_space<vmem>>[vector<16xi32>], vector<16xf32>,
    %add3A_737 = arith.addf %add3A_732, %gather3A_736 : vector<16xf32>
    %add3A_738 = arith.constant 10 : i32
    %add3A_739 = vector.broadcast %add3A_738 : i32 to vector<16xi32>
    %add3A_740 = arith.addi %add3A_687, %add3A_739 : vector<16xi32>
    %gather3A_741 = tpu.vector_load_idx %arg21[%add3A_740] : memref<10240xf32, #tpu.memory_space<vmem>>[vector<16xi32>], vector<16xf32>,
    %add3A_742 = arith.addf %add3A_737, %gather3A_741 : vector<16xf32>
    %add3A_743 = arith.constant 11 : i32
    %add3A_744 = vector.broadcast %add3A_743 : i32 to vector<16xi32>
    %add3A_745 = arith.addi %add3A_687, %add3A_744 : vector<16xi32>
    %gather3A_746 = tpu.vector_load_idx %arg21[%add3A_745] : memref<10240xf32, #tpu.memory_space<vmem>>[vector<16xi32>], vector<16xf32>,
    %add3A_747 = arith.addf %add3A_742, %gather3A_746 : vector<16xf32>
    %add3A_748 = arith.constant 12 : i32
    %add3A_749 = vector.broadcast %add3A_748 : i32 to vector<16xi32>
    %add3A_750 = arith.addi %add3A_687, %add3A_749 : vector<16xi32>
    %gather3A_751 = tpu.vector_load_idx %arg21[%add3A_750] : memref<10240xf32, #tpu.memory_space<vmem>>[vector<16xi32>], vector<16xf32>,
    %add3A_752 = arith.addf %add3A_747, %gather3A_751 : vector<16xf32>
    %add3A_753 = arith.constant 13 : i32
    %add3A_754 = vector.broadcast %add3A_753 : i32 to vector<16xi32>
    %add3A_755 = arith.addi %add3A_687, %add3A_754 : vector<16xi32>
    %gather3A_756 = tpu.vector_load_idx %arg21[%add3A_755] : memref<10240xf32, #tpu.memory_space<vmem>>[vector<16xi32>], vector<16xf32>,
    %add3A_757 = arith.addf %add3A_752, %gather3A_756 : vector<16xf32>
    %add3A_758 = arith.constant 14 : i32
    %add3A_759 = vector.broadcast %add3A_758 : i32 to vector<16xi32>
    %add3A_760 = arith.addi %add3A_687, %add3A_759 : vector<16xi32>
    %gather3A_761 = tpu.vector_load_idx %arg21[%add3A_760] : memref<10240xf32, #tpu.memory_space<vmem>>[vector<16xi32>], vector<16xf32>,
    %add3A_762 = arith.addf %add3A_757, %gather3A_761 : vector<16xf32>
    %add3A_763 = arith.constant 15 : i32
    %add3A_764 = vector.broadcast %add3A_763 : i32 to vector<16xi32>
    %add3A_765 = arith.addi %add3A_687, %add3A_764 : vector<16xi32>
    %gather3A_766 = tpu.vector_load_idx %arg21[%add3A_765] : memref<10240xf32, #tpu.memory_space<vmem>>[vector<16xi32>], vector<16xf32>,
    %add3A_767 = arith.addf %add3A_762, %gather3A_766 : vector<16xf32>
    %add3A_768 = arith.constant 16 : i32
    %add3A_769 = vector.broadcast %add3A_768 : i32 to vector<16xi32>
    %add3A_770 = arith.addi %add3A_687, %add3A_769 : vector<16xi32>
    %gather3A_771 = tpu.vector_load_idx %arg21[%add3A_770] : memref<10240xf32, #tpu.memory_space<vmem>>[vector<16xi32>], vector<16xf32>,
    %add3A_772 = arith.addf %add3A_767, %gather3A_771 : vector<16xf32>
    %add3A_773 = arith.constant 17 : i32
    %add3A_774 = vector.broadcast %add3A_773 : i32 to vector<16xi32>
    %add3A_775 = arith.addi %add3A_687, %add3A_774 : vector<16xi32>
    %gather3A_776 = tpu.vector_load_idx %arg21[%add3A_775] : memref<10240xf32, #tpu.memory_space<vmem>>[vector<16xi32>], vector<16xf32>,
    %add3A_777 = arith.addf %add3A_772, %gather3A_776 : vector<16xf32>
    %add3A_778 = arith.constant 18 : i32
    %add3A_779 = vector.broadcast %add3A_778 : i32 to vector<16xi32>
    %add3A_780 = arith.addi %add3A_687, %add3A_779 : vector<16xi32>
    %gather3A_781 = tpu.vector_load_idx %arg21[%add3A_780] : memref<10240xf32, #tpu.memory_space<vmem>>[vector<16xi32>], vector<16xf32>,
    %add3A_782 = arith.addf %add3A_777, %gather3A_781 : vector<16xf32>
    %add3A_783 = arith.constant 19 : i32
    %add3A_784 = vector.broadcast %add3A_783 : i32 to vector<16xi32>
    %add3A_785 = arith.addi %add3A_687, %add3A_784 : vector<16xi32>
    %gather3A_786 = tpu.vector_load_idx %arg21[%add3A_785] : memref<10240xf32, #tpu.memory_space<vmem>>[vector<16xi32>], vector<16xf32>,
    %add3A_787 = arith.addf %add3A_782, %gather3A_786 : vector<16xf32>
    %swap3A_788 = arith.constant 80 : index
    %swap3A_789 = tpu.vector_load %arg27[%swap3A_788] {strides = array<i32>} : memref<512xf32, #tpu.memory_space<vmem>>, vector<16xf32>,
    tpu.vector_store %arg27[%swap3A_788], %add3A_787 {strides = array<i32>} : memref<512xf32, #tpu.memory_space<vmem>>, vector<16xf32>,
    %get3A_790 = arith.constant 96 : index
    %get3A_791 = tpu.vector_load %arg19[%get3A_790] {strides = array<i32>} : memref<512xf32, #tpu.memory_space<vmem>>, vector<16xf32>,
    %mul3A_792 = arith.mulf %get3A_791, %get3A_33 : vector<16xf32>
    %add3A_793 = arith.addf %mul3A_792, %get3A_35 : vector<16xf32>
    %get3A_794 = arith.constant 96 : index
    %get3A_795 = tpu.vector_load %arg22[%get3A_794] {strides = array<i32>} : memref<512xf32, #tpu.memory_space<vmem>>, vector<16xf32>,
    %add3A_796 = arith.addf %add3A_793, %get3A_795 : vector<16xf32>
    %get3A_797 = arith.constant 96 : index
    %get3A_798 = tpu.vector_load %arg23[%get3A_797] {strides = array<i32>} : memref<512xf32, #tpu.memory_space<vmem>>, vector<16xf32>,
    %add3A_799 = arith.addf %add3A_796, %get3A_798 : vector<16xf32>
    %get3A_800 = arith.constant 96 : index
    %get3A_801 = tpu.vector_load %arg17[%get3A_800] {strides = array<i32>} : memref<512xi32, #tpu.memory_space<vmem>>, vector<16xi32>,
    %gather3A_802 = tpu.vector_load_idx %arg24[%get3A_801] : memref<128xf32, #tpu.memory_space<vmem>>[vector<16xi32>], vector<16xf32>,
    %add3A_803 = arith.addf %add3A_799, %gather3A_802 : vector<16xf32>
    %get3A_804 = arith.constant 96 : index
    %get3A_805 = tpu.vector_load %arg18[%get3A_804] {strides = array<i32>} : memref<512xi32, #tpu.memory_space<vmem>>, vector<16xi32>,
    %gather3A_806 = tpu.vector_load_idx %arg25[%get3A_805] : memref<16xf32, #tpu.memory_space<vmem>>[vector<16xi32>], vector<16xf32>,
    %add3A_807 = arith.addf %add3A_803, %gather3A_806 : vector<16xf32>
    %mul3A_808 = arith.constant 20 : i32
    %mul3A_809 = vector.broadcast %mul3A_808 : i32 to vector<16xi32>
    %mul3A_810 = arith.muli %iota3A, %mul3A_809 : vector<16xi32>
    %add3A_811 = arith.constant 1920 : i32
    %add3A_812 = vector.broadcast %add3A_811 : i32 to vector<16xi32>
    %add3A_813 = arith.addi %mul3A_810, %add3A_812 : vector<16xi32>
    %add3A_814 = arith.constant 0 : i32
    %add3A_815 = vector.broadcast %add3A_814 : i32 to vector<16xi32>
    %add3A_816 = arith.addi %add3A_813, %add3A_815 : vector<16xi32>
    %gather3A_817 = tpu.vector_load_idx %arg21[%add3A_816] : memref<10240xf32, #tpu.memory_space<vmem>>[vector<16xi32>], vector<16xf32>,
    %add3A_818 = arith.addf %add3A_807, %gather3A_817 : vector<16xf32>
    %add3A_819 = arith.constant 1 : i32
    %add3A_820 = vector.broadcast %add3A_819 : i32 to vector<16xi32>
    %add3A_821 = arith.addi %add3A_813, %add3A_820 : vector<16xi32>
    %gather3A_822 = tpu.vector_load_idx %arg21[%add3A_821] : memref<10240xf32, #tpu.memory_space<vmem>>[vector<16xi32>], vector<16xf32>,
    %add3A_823 = arith.addf %add3A_818, %gather3A_822 : vector<16xf32>
    %add3A_824 = arith.constant 2 : i32
    %add3A_825 = vector.broadcast %add3A_824 : i32 to vector<16xi32>
    %add3A_826 = arith.addi %add3A_813, %add3A_825 : vector<16xi32>
    %gather3A_827 = tpu.vector_load_idx %arg21[%add3A_826] : memref<10240xf32, #tpu.memory_space<vmem>>[vector<16xi32>], vector<16xf32>,
    %add3A_828 = arith.addf %add3A_823, %gather3A_827 : vector<16xf32>
    %add3A_829 = arith.constant 3 : i32
    %add3A_830 = vector.broadcast %add3A_829 : i32 to vector<16xi32>
    %add3A_831 = arith.addi %add3A_813, %add3A_830 : vector<16xi32>
    %gather3A_832 = tpu.vector_load_idx %arg21[%add3A_831] : memref<10240xf32, #tpu.memory_space<vmem>>[vector<16xi32>], vector<16xf32>,
    %add3A_833 = arith.addf %add3A_828, %gather3A_832 : vector<16xf32>
    %add3A_834 = arith.constant 4 : i32
    %add3A_835 = vector.broadcast %add3A_834 : i32 to vector<16xi32>
    %add3A_836 = arith.addi %add3A_813, %add3A_835 : vector<16xi32>
    %gather3A_837 = tpu.vector_load_idx %arg21[%add3A_836] : memref<10240xf32, #tpu.memory_space<vmem>>[vector<16xi32>], vector<16xf32>,
    %add3A_838 = arith.addf %add3A_833, %gather3A_837 : vector<16xf32>
    %add3A_839 = arith.constant 5 : i32
    %add3A_840 = vector.broadcast %add3A_839 : i32 to vector<16xi32>
    %add3A_841 = arith.addi %add3A_813, %add3A_840 : vector<16xi32>
    %gather3A_842 = tpu.vector_load_idx %arg21[%add3A_841] : memref<10240xf32, #tpu.memory_space<vmem>>[vector<16xi32>], vector<16xf32>,
    %add3A_843 = arith.addf %add3A_838, %gather3A_842 : vector<16xf32>
    %add3A_844 = arith.constant 6 : i32
    %add3A_845 = vector.broadcast %add3A_844 : i32 to vector<16xi32>
    %add3A_846 = arith.addi %add3A_813, %add3A_845 : vector<16xi32>
    %gather3A_847 = tpu.vector_load_idx %arg21[%add3A_846] : memref<10240xf32, #tpu.memory_space<vmem>>[vector<16xi32>], vector<16xf32>,
    %add3A_848 = arith.addf %add3A_843, %gather3A_847 : vector<16xf32>
    %add3A_849 = arith.constant 7 : i32
    %add3A_850 = vector.broadcast %add3A_849 : i32 to vector<16xi32>
    %add3A_851 = arith.addi %add3A_813, %add3A_850 : vector<16xi32>
    %gather3A_852 = tpu.vector_load_idx %arg21[%add3A_851] : memref<10240xf32, #tpu.memory_space<vmem>>[vector<16xi32>], vector<16xf32>,
    %add3A_853 = arith.addf %add3A_848, %gather3A_852 : vector<16xf32>
    %add3A_854 = arith.constant 8 : i32
    %add3A_855 = vector.broadcast %add3A_854 : i32 to vector<16xi32>
    %add3A_856 = arith.addi %add3A_813, %add3A_855 : vector<16xi32>
    %gather3A_857 = tpu.vector_load_idx %arg21[%add3A_856] : memref<10240xf32, #tpu.memory_space<vmem>>[vector<16xi32>], vector<16xf32>,
    %add3A_858 = arith.addf %add3A_853, %gather3A_857 : vector<16xf32>
    %add3A_859 = arith.constant 9 : i32
    %add3A_860 = vector.broadcast %add3A_859 : i32 to vector<16xi32>
    %add3A_861 = arith.addi %add3A_813, %add3A_860 : vector<16xi32>
    %gather3A_862 = tpu.vector_load_idx %arg21[%add3A_861] : memref<10240xf32, #tpu.memory_space<vmem>>[vector<16xi32>], vector<16xf32>,
    %add3A_863 = arith.addf %add3A_858, %gather3A_862 : vector<16xf32>
    %add3A_864 = arith.constant 10 : i32
    %add3A_865 = vector.broadcast %add3A_864 : i32 to vector<16xi32>
    %add3A_866 = arith.addi %add3A_813, %add3A_865 : vector<16xi32>
    %gather3A_867 = tpu.vector_load_idx %arg21[%add3A_866] : memref<10240xf32, #tpu.memory_space<vmem>>[vector<16xi32>], vector<16xf32>,
    %add3A_868 = arith.addf %add3A_863, %gather3A_867 : vector<16xf32>
    %add3A_869 = arith.constant 11 : i32
    %add3A_870 = vector.broadcast %add3A_869 : i32 to vector<16xi32>
    %add3A_871 = arith.addi %add3A_813, %add3A_870 : vector<16xi32>
    %gather3A_872 = tpu.vector_load_idx %arg21[%add3A_871] : memref<10240xf32, #tpu.memory_space<vmem>>[vector<16xi32>], vector<16xf32>,
    %add3A_873 = arith.addf %add3A_868, %gather3A_872 : vector<16xf32>
    %add3A_874 = arith.constant 12 : i32
    %add3A_875 = vector.broadcast %add3A_874 : i32 to vector<16xi32>
    %add3A_876 = arith.addi %add3A_813, %add3A_875 : vector<16xi32>
    %gather3A_877 = tpu.vector_load_idx %arg21[%add3A_876] : memref<10240xf32, #tpu.memory_space<vmem>>[vector<16xi32>], vector<16xf32>,
    %add3A_878 = arith.addf %add3A_873, %gather3A_877 : vector<16xf32>
    %add3A_879 = arith.constant 13 : i32
    %add3A_880 = vector.broadcast %add3A_879 : i32 to vector<16xi32>
    %add3A_881 = arith.addi %add3A_813, %add3A_880 : vector<16xi32>
    %gather3A_882 = tpu.vector_load_idx %arg21[%add3A_881] : memref<10240xf32, #tpu.memory_space<vmem>>[vector<16xi32>], vector<16xf32>,
    %add3A_883 = arith.addf %add3A_878, %gather3A_882 : vector<16xf32>
    %add3A_884 = arith.constant 14 : i32
    %add3A_885 = vector.broadcast %add3A_884 : i32 to vector<16xi32>
    %add3A_886 = arith.addi %add3A_813, %add3A_885 : vector<16xi32>
    %gather3A_887 = tpu.vector_load_idx %arg21[%add3A_886] : memref<10240xf32, #tpu.memory_space<vmem>>[vector<16xi32>], vector<16xf32>,
    %add3A_888 = arith.addf %add3A_883, %gather3A_887 : vector<16xf32>
    %add3A_889 = arith.constant 15 : i32
    %add3A_890 = vector.broadcast %add3A_889 : i32 to vector<16xi32>
    %add3A_891 = arith.addi %add3A_813, %add3A_890 : vector<16xi32>
    %gather3A_892 = tpu.vector_load_idx %arg21[%add3A_891] : memref<10240xf32, #tpu.memory_space<vmem>>[vector<16xi32>], vector<16xf32>,
    %add3A_893 = arith.addf %add3A_888, %gather3A_892 : vector<16xf32>
    %add3A_894 = arith.constant 16 : i32
    %add3A_895 = vector.broadcast %add3A_894 : i32 to vector<16xi32>
    %add3A_896 = arith.addi %add3A_813, %add3A_895 : vector<16xi32>
    %gather3A_897 = tpu.vector_load_idx %arg21[%add3A_896] : memref<10240xf32, #tpu.memory_space<vmem>>[vector<16xi32>], vector<16xf32>,
    %add3A_898 = arith.addf %add3A_893, %gather3A_897 : vector<16xf32>
    %add3A_899 = arith.constant 17 : i32
    %add3A_900 = vector.broadcast %add3A_899 : i32 to vector<16xi32>
    %add3A_901 = arith.addi %add3A_813, %add3A_900 : vector<16xi32>
    %gather3A_902 = tpu.vector_load_idx %arg21[%add3A_901] : memref<10240xf32, #tpu.memory_space<vmem>>[vector<16xi32>], vector<16xf32>,
    %add3A_903 = arith.addf %add3A_898, %gather3A_902 : vector<16xf32>
    %add3A_904 = arith.constant 18 : i32
    %add3A_905 = vector.broadcast %add3A_904 : i32 to vector<16xi32>
    %add3A_906 = arith.addi %add3A_813, %add3A_905 : vector<16xi32>
    %gather3A_907 = tpu.vector_load_idx %arg21[%add3A_906] : memref<10240xf32, #tpu.memory_space<vmem>>[vector<16xi32>], vector<16xf32>,
    %add3A_908 = arith.addf %add3A_903, %gather3A_907 : vector<16xf32>
    %add3A_909 = arith.constant 19 : i32
    %add3A_910 = vector.broadcast %add3A_909 : i32 to vector<16xi32>
    %add3A_911 = arith.addi %add3A_813, %add3A_910 : vector<16xi32>
    %gather3A_912 = tpu.vector_load_idx %arg21[%add3A_911] : memref<10240xf32, #tpu.memory_space<vmem>>[vector<16xi32>], vector<16xf32>,
    %add3A_913 = arith.addf %add3A_908, %gather3A_912 : vector<16xf32>
    %swap3A_914 = arith.constant 96 : index
    %swap3A_915 = tpu.vector_load %arg27[%swap3A_914] {strides = array<i32>} : memref<512xf32, #tpu.memory_space<vmem>>, vector<16xf32>,
    tpu.vector_store %arg27[%swap3A_914], %add3A_913 {strides = array<i32>} : memref<512xf32, #tpu.memory_space<vmem>>, vector<16xf32>,
    %get3A_916 = arith.constant 112 : index
    %get3A_917 = tpu.vector_load %arg19[%get3A_916] {strides = array<i32>} : memref<512xf32, #tpu.memory_space<vmem>>, vector<16xf32>,
    %mul3A_918 = arith.mulf %get3A_917, %get3A_33 : vector<16xf32>
    %add3A_919 = arith.addf %mul3A_918, %get3A_35 : vector<16xf32>
    %get3A_920 = arith.constant 112 : index
    %get3A_921 = tpu.vector_load %arg22[%get3A_920] {strides = array<i32>} : memref<512xf32, #tpu.memory_space<vmem>>, vector<16xf32>,
    %add3A_922 = arith.addf %add3A_919, %get3A_921 : vector<16xf32>
    %get3A_923 = arith.constant 112 : index
    %get3A_924 = tpu.vector_load %arg23[%get3A_923] {strides = array<i32>} : memref<512xf32, #tpu.memory_space<vmem>>, vector<16xf32>,
    %add3A_925 = arith.addf %add3A_922, %get3A_924 : vector<16xf32>
    %get3A_926 = arith.constant 112 : index
    %get3A_927 = tpu.vector_load %arg17[%get3A_926] {strides = array<i32>} : memref<512xi32, #tpu.memory_space<vmem>>, vector<16xi32>,
    %gather3A_928 = tpu.vector_load_idx %arg24[%get3A_927] : memref<128xf32, #tpu.memory_space<vmem>>[vector<16xi32>], vector<16xf32>,
    %add3A_929 = arith.addf %add3A_925, %gather3A_928 : vector<16xf32>
    %get3A_930 = arith.constant 112 : index
    %get3A_931 = tpu.vector_load %arg18[%get3A_930] {strides = array<i32>} : memref<512xi32, #tpu.memory_space<vmem>>, vector<16xi32>,
    %gather3A_932 = tpu.vector_load_idx %arg25[%get3A_931] : memref<16xf32, #tpu.memory_space<vmem>>[vector<16xi32>], vector<16xf32>,
    %add3A_933 = arith.addf %add3A_929, %gather3A_932 : vector<16xf32>
    %mul3A_934 = arith.constant 20 : i32
    %mul3A_935 = vector.broadcast %mul3A_934 : i32 to vector<16xi32>
    %mul3A_936 = arith.muli %iota3A, %mul3A_935 : vector<16xi32>
    %add3A_937 = arith.constant 2240 : i32
    %add3A_938 = vector.broadcast %add3A_937 : i32 to vector<16xi32>
    %add3A_939 = arith.addi %mul3A_936, %add3A_938 : vector<16xi32>
    %add3A_940 = arith.constant 0 : i32
    %add3A_941 = vector.broadcast %add3A_940 : i32 to vector<16xi32>
    %add3A_942 = arith.addi %add3A_939, %add3A_941 : vector<16xi32>
    %gather3A_943 = tpu.vector_load_idx %arg21[%add3A_942] : memref<10240xf32, #tpu.memory_space<vmem>>[vector<16xi32>], vector<16xf32>,
    %add3A_944 = arith.addf %add3A_933, %gather3A_943 : vector<16xf32>
    %add3A_945 = arith.constant 1 : i32
    %add3A_946 = vector.broadcast %add3A_945 : i32 to vector<16xi32>
    %add3A_947 = arith.addi %add3A_939, %add3A_946 : vector<16xi32>
    %gather3A_948 = tpu.vector_load_idx %arg21[%add3A_947] : memref<10240xf32, #tpu.memory_space<vmem>>[vector<16xi32>], vector<16xf32>,
    %add3A_949 = arith.addf %add3A_944, %gather3A_948 : vector<16xf32>
    %add3A_950 = arith.constant 2 : i32
    %add3A_951 = vector.broadcast %add3A_950 : i32 to vector<16xi32>
    %add3A_952 = arith.addi %add3A_939, %add3A_951 : vector<16xi32>
    %gather3A_953 = tpu.vector_load_idx %arg21[%add3A_952] : memref<10240xf32, #tpu.memory_space<vmem>>[vector<16xi32>], vector<16xf32>,
    %add3A_954 = arith.addf %add3A_949, %gather3A_953 : vector<16xf32>
    %add3A_955 = arith.constant 3 : i32
    %add3A_956 = vector.broadcast %add3A_955 : i32 to vector<16xi32>
    %add3A_957 = arith.addi %add3A_939, %add3A_956 : vector<16xi32>
    %gather3A_958 = tpu.vector_load_idx %arg21[%add3A_957] : memref<10240xf32, #tpu.memory_space<vmem>>[vector<16xi32>], vector<16xf32>,
    %add3A_959 = arith.addf %add3A_954, %gather3A_958 : vector<16xf32>
    %add3A_960 = arith.constant 4 : i32
    %add3A_961 = vector.broadcast %add3A_960 : i32 to vector<16xi32>
    %add3A_962 = arith.addi %add3A_939, %add3A_961 : vector<16xi32>
    %gather3A_963 = tpu.vector_load_idx %arg21[%add3A_962] : memref<10240xf32, #tpu.memory_space<vmem>>[vector<16xi32>], vector<16xf32>,
    %add3A_964 = arith.addf %add3A_959, %gather3A_963 : vector<16xf32>
    %add3A_965 = arith.constant 5 : i32
    %add3A_966 = vector.broadcast %add3A_965 : i32 to vector<16xi32>
    %add3A_967 = arith.addi %add3A_939, %add3A_966 : vector<16xi32>
    %gather3A_968 = tpu.vector_load_idx %arg21[%add3A_967] : memref<10240xf32, #tpu.memory_space<vmem>>[vector<16xi32>], vector<16xf32>,
    %add3A_969 = arith.addf %add3A_964, %gather3A_968 : vector<16xf32>
    %add3A_970 = arith.constant 6 : i32
    %add3A_971 = vector.broadcast %add3A_970 : i32 to vector<16xi32>
    %add3A_972 = arith.addi %add3A_939, %add3A_971 : vector<16xi32>
    %gather3A_973 = tpu.vector_load_idx %arg21[%add3A_972] : memref<10240xf32, #tpu.memory_space<vmem>>[vector<16xi32>], vector<16xf32>,
    %add3A_974 = arith.addf %add3A_969, %gather3A_973 : vector<16xf32>
    %add3A_975 = arith.constant 7 : i32
    %add3A_976 = vector.broadcast %add3A_975 : i32 to vector<16xi32>
    %add3A_977 = arith.addi %add3A_939, %add3A_976 : vector<16xi32>
    %gather3A_978 = tpu.vector_load_idx %arg21[%add3A_977] : memref<10240xf32, #tpu.memory_space<vmem>>[vector<16xi32>], vector<16xf32>,
    %add3A_979 = arith.addf %add3A_974, %gather3A_978 : vector<16xf32>
    %add3A_980 = arith.constant 8 : i32
    %add3A_981 = vector.broadcast %add3A_980 : i32 to vector<16xi32>
    %add3A_982 = arith.addi %add3A_939, %add3A_981 : vector<16xi32>
    %gather3A_983 = tpu.vector_load_idx %arg21[%add3A_982] : memref<10240xf32, #tpu.memory_space<vmem>>[vector<16xi32>], vector<16xf32>,
    %add3A_984 = arith.addf %add3A_979, %gather3A_983 : vector<16xf32>
    %add3A_985 = arith.constant 9 : i32
    %add3A_986 = vector.broadcast %add3A_985 : i32 to vector<16xi32>
    %add3A_987 = arith.addi %add3A_939, %add3A_986 : vector<16xi32>
    %gather3A_988 = tpu.vector_load_idx %arg21[%add3A_987] : memref<10240xf32, #tpu.memory_space<vmem>>[vector<16xi32>], vector<16xf32>,
    %add3A_989 = arith.addf %add3A_984, %gather3A_988 : vector<16xf32>
    %add3A_990 = arith.constant 10 : i32
    %add3A_991 = vector.broadcast %add3A_990 : i32 to vector<16xi32>
    %add3A_992 = arith.addi %add3A_939, %add3A_991 : vector<16xi32>
    %gather3A_993 = tpu.vector_load_idx %arg21[%add3A_992] : memref<10240xf32, #tpu.memory_space<vmem>>[vector<16xi32>], vector<16xf32>,
    %add3A_994 = arith.addf %add3A_989, %gather3A_993 : vector<16xf32>
    %add3A_995 = arith.constant 11 : i32
    %add3A_996 = vector.broadcast %add3A_995 : i32 to vector<16xi32>
    %add3A_997 = arith.addi %add3A_939, %add3A_996 : vector<16xi32>
    %gather3A_998 = tpu.vector_load_idx %arg21[%add3A_997] : memref<10240xf32, #tpu.memory_space<vmem>>[vector<16xi32>], vector<16xf32>,
    %add3A_999 = arith.addf %add3A_994, %gather3A_998 : vector<16xf32>
    %add3A_1000 = arith.constant 12 : i32
    %add3A_1001 = vector.broadcast %add3A_1000 : i32 to vector<16xi32>
    %add3A_1002 = arith.addi %add3A_939, %add3A_1001 : vector<16xi32>
    %gather3A_1003 = tpu.vector_load_idx %arg21[%add3A_1002] : memref<10240xf32, #tpu.memory_space<vmem>>[vector<16xi32>], vector<16xf32>,
    %add3A_1004 = arith.addf %add3A_999, %gather3A_1003 : vector<16xf32>
    %add3A_1005 = arith.constant 13 : i32
    %add3A_1006 = vector.broadcast %add3A_1005 : i32 to vector<16xi32>
    %add3A_1007 = arith.addi %add3A_939, %add3A_1006 : vector<16xi32>
    %gather3A_1008 = tpu.vector_load_idx %arg21[%add3A_1007] : memref<10240xf32, #tpu.memory_space<vmem>>[vector<16xi32>], vector<16xf32>,
    %add3A_1009 = arith.addf %add3A_1004, %gather3A_1008 : vector<16xf32>
    %add3A_1010 = arith.constant 14 : i32
    %add3A_1011 = vector.broadcast %add3A_1010 : i32 to vector<16xi32>
    %add3A_1012 = arith.addi %add3A_939, %add3A_1011 : vector<16xi32>
    %gather3A_1013 = tpu.vector_load_idx %arg21[%add3A_1012] : memref<10240xf32, #tpu.memory_space<vmem>>[vector<16xi32>], vector<16xf32>,
    %add3A_1014 = arith.addf %add3A_1009, %gather3A_1013 : vector<16xf32>
    %add3A_1015 = arith.constant 15 : i32
    %add3A_1016 = vector.broadcast %add3A_1015 : i32 to vector<16xi32>
    %add3A_1017 = arith.addi %add3A_939, %add3A_1016 : vector<16xi32>
    %gather3A_1018 = tpu.vector_load_idx %arg21[%add3A_1017] : memref<10240xf32, #tpu.memory_space<vmem>>[vector<16xi32>], vector<16xf32>,
    %add3A_1019 = arith.addf %add3A_1014, %gather3A_1018 : vector<16xf32>
    %add3A_1020 = arith.constant 16 : i32
    %add3A_1021 = vector.broadcast %add3A_1020 : i32 to vector<16xi32>
    %add3A_1022 = arith.addi %add3A_939, %add3A_1021 : vector<16xi32>
    %gather3A_1023 = tpu.vector_load_idx %arg21[%add3A_1022] : memref<10240xf32, #tpu.memory_space<vmem>>[vector<16xi32>], vector<16xf32>,
    %add3A_1024 = arith.addf %add3A_1019, %gather3A_1023 : vector<16xf32>
    %add3A_1025 = arith.constant 17 : i32
    %add3A_1026 = vector.broadcast %add3A_1025 : i32 to vector<16xi32>
    %add3A_1027 = arith.addi %add3A_939, %add3A_1026 : vector<16xi32>
    %gather3A_1028 = tpu.vector_load_idx %arg21[%add3A_1027] : memref<10240xf32, #tpu.memory_space<vmem>>[vector<16xi32>], vector<16xf32>,
    %add3A_1029 = arith.addf %add3A_1024, %gather3A_1028 : vector<16xf32>
    %add3A_1030 = arith.constant 18 : i32
    %add3A_1031 = vector.broadcast %add3A_1030 : i32 to vector<16xi32>
    %add3A_1032 = arith.addi %add3A_939, %add3A_1031 : vector<16xi32>
    %gather3A_1033 = tpu.vector_load_idx %arg21[%add3A_1032] : memref<10240xf32, #tpu.memory_space<vmem>>[vector<16xi32>], vector<16xf32>,
    %add3A_1034 = arith.addf %add3A_1029, %gather3A_1033 : vector<16xf32>
    %add3A_1035 = arith.constant 19 : i32
    %add3A_1036 = vector.broadcast %add3A_1035 : i32 to vector<16xi32>
    %add3A_1037 = arith.addi %add3A_939, %add3A_1036 : vector<16xi32>
    %gather3A_1038 = tpu.vector_load_idx %arg21[%add3A_1037] : memref<10240xf32, #tpu.memory_space<vmem>>[vector<16xi32>], vector<16xf32>,
    %add3A_1039 = arith.addf %add3A_1034, %gather3A_1038 : vector<16xf32>
    %swap3A_1040 = arith.constant 112 : index
    %swap3A_1041 = tpu.vector_load %arg27[%swap3A_1040] {strides = array<i32>} : memref<512xf32, #tpu.memory_space<vmem>>, vector<16xf32>,
    tpu.vector_store %arg27[%swap3A_1040], %add3A_1039 {strides = array<i32>} : memref<512xf32, #tpu.memory_space<vmem>>, vector<16xf32>,
    %get3A_1042 = arith.constant 128 : index
    %get3A_1043 = tpu.vector_load %arg19[%get3A_1042] {strides = array<i32>} : memref<512xf32, #tpu.memory_space<vmem>>, vector<16xf32>,
    %mul3A_1044 = arith.mulf %get3A_1043, %get3A_33 : vector<16xf32>
    %add3A_1045 = arith.addf %mul3A_1044, %get3A_35 : vector<16xf32>
    %get3A_1046 = arith.constant 128 : index
    %get3A_1047 = tpu.vector_load %arg22[%get3A_1046] {strides = array<i32>} : memref<512xf32, #tpu.memory_space<vmem>>, vector<16xf32>,
    %add3A_1048 = arith.addf %add3A_1045, %get3A_1047 : vector<16xf32>
    %get3A_1049 = arith.constant 128 : index
    %get3A_1050 = tpu.vector_load %arg23[%get3A_1049] {strides = array<i32>} : memref<512xf32, #tpu.memory_space<vmem>>, vector<16xf32>,
    %add3A_1051 = arith.addf %add3A_1048, %get3A_1050 : vector<16xf32>
    %get3A_1052 = arith.constant 128 : index
    %get3A_1053 = tpu.vector_load %arg17[%get3A_1052] {strides = array<i32>} : memref<512xi32, #tpu.memory_space<vmem>>, vector<16xi32>,
    %gather3A_1054 = tpu.vector_load_idx %arg24[%get3A_1053] : memref<128xf32, #tpu.memory_space<vmem>>[vector<16xi32>], vector<16xf32>,
    %add3A_1055 = arith.addf %add3A_1051, %gather3A_1054 : vector<16xf32>
    %get3A_1056 = arith.constant 128 : index
    %get3A_1057 = tpu.vector_load %arg18[%get3A_1056] {strides = array<i32>} : memref<512xi32, #tpu.memory_space<vmem>>, vector<16xi32>,
    %gather3A_1058 = tpu.vector_load_idx %arg25[%get3A_1057] : memref<16xf32, #tpu.memory_space<vmem>>[vector<16xi32>], vector<16xf32>,
    %add3A_1059 = arith.addf %add3A_1055, %gather3A_1058 : vector<16xf32>
    %mul3A_1060 = arith.constant 20 : i32
    %mul3A_1061 = vector.broadcast %mul3A_1060 : i32 to vector<16xi32>
    %mul3A_1062 = arith.muli %iota3A, %mul3A_1061 : vector<16xi32>
    %add3A_1063 = arith.constant 2560 : i32
    %add3A_1064 = vector.broadcast %add3A_1063 : i32 to vector<16xi32>
    %add3A_1065 = arith.addi %mul3A_1062, %add3A_1064 : vector<16xi32>
    %add3A_1066 = arith.constant 0 : i32
    %add3A_1067 = vector.broadcast %add3A_1066 : i32 to vector<16xi32>
    %add3A_1068 = arith.addi %add3A_1065, %add3A_1067 : vector<16xi32>
    %gather3A_1069 = tpu.vector_load_idx %arg21[%add3A_1068] : memref<10240xf32, #tpu.memory_space<vmem>>[vector<16xi32>], vector<16xf32>,
    %add3A_1070 = arith.addf %add3A_1059, %gather3A_1069 : vector<16xf32>
    %add3A_1071 = arith.constant 1 : i32
    %add3A_1072 = vector.broadcast %add3A_1071 : i32 to vector<16xi32>
    %add3A_1073 = arith.addi %add3A_1065, %add3A_1072 : vector<16xi32>
    %gather3A_1074 = tpu.vector_load_idx %arg21[%add3A_1073] : memref<10240xf32, #tpu.memory_space<vmem>>[vector<16xi32>], vector<16xf32>,
    %add3A_1075 = arith.addf %add3A_1070, %gather3A_1074 : vector<16xf32>
    %add3A_1076 = arith.constant 2 : i32
    %add3A_1077 = vector.broadcast %add3A_1076 : i32 to vector<16xi32>
    %add3A_1078 = arith.addi %add3A_1065, %add3A_1077 : vector<16xi32>
    %gather3A_1079 = tpu.vector_load_idx %arg21[%add3A_1078] : memref<10240xf32, #tpu.memory_space<vmem>>[vector<16xi32>], vector<16xf32>,
    %add3A_1080 = arith.addf %add3A_1075, %gather3A_1079 : vector<16xf32>
    %add3A_1081 = arith.constant 3 : i32
    %add3A_1082 = vector.broadcast %add3A_1081 : i32 to vector<16xi32>
    %add3A_1083 = arith.addi %add3A_1065, %add3A_1082 : vector<16xi32>
    %gather3A_1084 = tpu.vector_load_idx %arg21[%add3A_1083] : memref<10240xf32, #tpu.memory_space<vmem>>[vector<16xi32>], vector<16xf32>,
    %add3A_1085 = arith.addf %add3A_1080, %gather3A_1084 : vector<16xf32>
    %add3A_1086 = arith.constant 4 : i32
    %add3A_1087 = vector.broadcast %add3A_1086 : i32 to vector<16xi32>
    %add3A_1088 = arith.addi %add3A_1065, %add3A_1087 : vector<16xi32>
    %gather3A_1089 = tpu.vector_load_idx %arg21[%add3A_1088] : memref<10240xf32, #tpu.memory_space<vmem>>[vector<16xi32>], vector<16xf32>,
    %add3A_1090 = arith.addf %add3A_1085, %gather3A_1089 : vector<16xf32>
    %add3A_1091 = arith.constant 5 : i32
    %add3A_1092 = vector.broadcast %add3A_1091 : i32 to vector<16xi32>
    %add3A_1093 = arith.addi %add3A_1065, %add3A_1092 : vector<16xi32>
    %gather3A_1094 = tpu.vector_load_idx %arg21[%add3A_1093] : memref<10240xf32, #tpu.memory_space<vmem>>[vector<16xi32>], vector<16xf32>,
    %add3A_1095 = arith.addf %add3A_1090, %gather3A_1094 : vector<16xf32>
    %add3A_1096 = arith.constant 6 : i32
    %add3A_1097 = vector.broadcast %add3A_1096 : i32 to vector<16xi32>
    %add3A_1098 = arith.addi %add3A_1065, %add3A_1097 : vector<16xi32>
    %gather3A_1099 = tpu.vector_load_idx %arg21[%add3A_1098] : memref<10240xf32, #tpu.memory_space<vmem>>[vector<16xi32>], vector<16xf32>,
    %add3A_1100 = arith.addf %add3A_1095, %gather3A_1099 : vector<16xf32>
    %add3A_1101 = arith.constant 7 : i32
    %add3A_1102 = vector.broadcast %add3A_1101 : i32 to vector<16xi32>
    %add3A_1103 = arith.addi %add3A_1065, %add3A_1102 : vector<16xi32>
    %gather3A_1104 = tpu.vector_load_idx %arg21[%add3A_1103] : memref<10240xf32, #tpu.memory_space<vmem>>[vector<16xi32>], vector<16xf32>,
    %add3A_1105 = arith.addf %add3A_1100, %gather3A_1104 : vector<16xf32>
    %add3A_1106 = arith.constant 8 : i32
    %add3A_1107 = vector.broadcast %add3A_1106 : i32 to vector<16xi32>
    %add3A_1108 = arith.addi %add3A_1065, %add3A_1107 : vector<16xi32>
    %gather3A_1109 = tpu.vector_load_idx %arg21[%add3A_1108] : memref<10240xf32, #tpu.memory_space<vmem>>[vector<16xi32>], vector<16xf32>,
    %add3A_1110 = arith.addf %add3A_1105, %gather3A_1109 : vector<16xf32>
    %add3A_1111 = arith.constant 9 : i32
    %add3A_1112 = vector.broadcast %add3A_1111 : i32 to vector<16xi32>
    %add3A_1113 = arith.addi %add3A_1065, %add3A_1112 : vector<16xi32>
    %gather3A_1114 = tpu.vector_load_idx %arg21[%add3A_1113] : memref<10240xf32, #tpu.memory_space<vmem>>[vector<16xi32>], vector<16xf32>,
    %add3A_1115 = arith.addf %add3A_1110, %gather3A_1114 : vector<16xf32>
    %add3A_1116 = arith.constant 10 : i32
    %add3A_1117 = vector.broadcast %add3A_1116 : i32 to vector<16xi32>
    %add3A_1118 = arith.addi %add3A_1065, %add3A_1117 : vector<16xi32>
    %gather3A_1119 = tpu.vector_load_idx %arg21[%add3A_1118] : memref<10240xf32, #tpu.memory_space<vmem>>[vector<16xi32>], vector<16xf32>,
    %add3A_1120 = arith.addf %add3A_1115, %gather3A_1119 : vector<16xf32>
    %add3A_1121 = arith.constant 11 : i32
    %add3A_1122 = vector.broadcast %add3A_1121 : i32 to vector<16xi32>
    %add3A_1123 = arith.addi %add3A_1065, %add3A_1122 : vector<16xi32>
    %gather3A_1124 = tpu.vector_load_idx %arg21[%add3A_1123] : memref<10240xf32, #tpu.memory_space<vmem>>[vector<16xi32>], vector<16xf32>,
    %add3A_1125 = arith.addf %add3A_1120, %gather3A_1124 : vector<16xf32>
    %add3A_1126 = arith.constant 12 : i32
    %add3A_1127 = vector.broadcast %add3A_1126 : i32 to vector<16xi32>
    %add3A_1128 = arith.addi %add3A_1065, %add3A_1127 : vector<16xi32>
    %gather3A_1129 = tpu.vector_load_idx %arg21[%add3A_1128] : memref<10240xf32, #tpu.memory_space<vmem>>[vector<16xi32>], vector<16xf32>,
    %add3A_1130 = arith.addf %add3A_1125, %gather3A_1129 : vector<16xf32>
    %add3A_1131 = arith.constant 13 : i32
    %add3A_1132 = vector.broadcast %add3A_1131 : i32 to vector<16xi32>
    %add3A_1133 = arith.addi %add3A_1065, %add3A_1132 : vector<16xi32>
    %gather3A_1134 = tpu.vector_load_idx %arg21[%add3A_1133] : memref<10240xf32, #tpu.memory_space<vmem>>[vector<16xi32>], vector<16xf32>,
    %add3A_1135 = arith.addf %add3A_1130, %gather3A_1134 : vector<16xf32>
    %add3A_1136 = arith.constant 14 : i32
    %add3A_1137 = vector.broadcast %add3A_1136 : i32 to vector<16xi32>
    %add3A_1138 = arith.addi %add3A_1065, %add3A_1137 : vector<16xi32>
    %gather3A_1139 = tpu.vector_load_idx %arg21[%add3A_1138] : memref<10240xf32, #tpu.memory_space<vmem>>[vector<16xi32>], vector<16xf32>,
    %add3A_1140 = arith.addf %add3A_1135, %gather3A_1139 : vector<16xf32>
    %add3A_1141 = arith.constant 15 : i32
    %add3A_1142 = vector.broadcast %add3A_1141 : i32 to vector<16xi32>
    %add3A_1143 = arith.addi %add3A_1065, %add3A_1142 : vector<16xi32>
    %gather3A_1144 = tpu.vector_load_idx %arg21[%add3A_1143] : memref<10240xf32, #tpu.memory_space<vmem>>[vector<16xi32>], vector<16xf32>,
    %add3A_1145 = arith.addf %add3A_1140, %gather3A_1144 : vector<16xf32>
    %add3A_1146 = arith.constant 16 : i32
    %add3A_1147 = vector.broadcast %add3A_1146 : i32 to vector<16xi32>
    %add3A_1148 = arith.addi %add3A_1065, %add3A_1147 : vector<16xi32>
    %gather3A_1149 = tpu.vector_load_idx %arg21[%add3A_1148] : memref<10240xf32, #tpu.memory_space<vmem>>[vector<16xi32>], vector<16xf32>,
    %add3A_1150 = arith.addf %add3A_1145, %gather3A_1149 : vector<16xf32>
    %add3A_1151 = arith.constant 17 : i32
    %add3A_1152 = vector.broadcast %add3A_1151 : i32 to vector<16xi32>
    %add3A_1153 = arith.addi %add3A_1065, %add3A_1152 : vector<16xi32>
    %gather3A_1154 = tpu.vector_load_idx %arg21[%add3A_1153] : memref<10240xf32, #tpu.memory_space<vmem>>[vector<16xi32>], vector<16xf32>,
    %add3A_1155 = arith.addf %add3A_1150, %gather3A_1154 : vector<16xf32>
    %add3A_1156 = arith.constant 18 : i32
    %add3A_1157 = vector.broadcast %add3A_1156 : i32 to vector<16xi32>
    %add3A_1158 = arith.addi %add3A_1065, %add3A_1157 : vector<16xi32>
    %gather3A_1159 = tpu.vector_load_idx %arg21[%add3A_1158] : memref<10240xf32, #tpu.memory_space<vmem>>[vector<16xi32>], vector<16xf32>,
    %add3A_1160 = arith.addf %add3A_1155, %gather3A_1159 : vector<16xf32>
    %add3A_1161 = arith.constant 19 : i32
    %add3A_1162 = vector.broadcast %add3A_1161 : i32 to vector<16xi32>
    %add3A_1163 = arith.addi %add3A_1065, %add3A_1162 : vector<16xi32>
    %gather3A_1164 = tpu.vector_load_idx %arg21[%add3A_1163] : memref<10240xf32, #tpu.memory_space<vmem>>[vector<16xi32>], vector<16xf32>,
    %add3A_1165 = arith.addf %add3A_1160, %gather3A_1164 : vector<16xf32>
    %swap3A_1166 = arith.constant 128 : index
    %swap3A_1167 = tpu.vector_load %arg27[%swap3A_1166] {strides = array<i32>} : memref<512xf32, #tpu.memory_space<vmem>>, vector<16xf32>,
    tpu.vector_store %arg27[%swap3A_1166], %add3A_1165 {strides = array<i32>} : memref<512xf32, #tpu.memory_space<vmem>>, vector<16xf32>,
    %get3A_1168 = arith.constant 144 : index
    %get3A_1169 = tpu.vector_load %arg19[%get3A_1168] {strides = array<i32>} : memref<512xf32, #tpu.memory_space<vmem>>, vector<16xf32>,
    %mul3A_1170 = arith.mulf %get3A_1169, %get3A_33 : vector<16xf32>
    %add3A_1171 = arith.addf %mul3A_1170, %get3A_35 : vector<16xf32>
    %get3A_1172 = arith.constant 144 : index
    %get3A_1173 = tpu.vector_load %arg22[%get3A_1172] {strides = array<i32>} : memref<512xf32, #tpu.memory_space<vmem>>, vector<16xf32>,
    %add3A_1174 = arith.addf %add3A_1171, %get3A_1173 : vector<16xf32>
    %get3A_1175 = arith.constant 144 : index
    %get3A_1176 = tpu.vector_load %arg23[%get3A_1175] {strides = array<i32>} : memref<512xf32, #tpu.memory_space<vmem>>, vector<16xf32>,
    %add3A_1177 = arith.addf %add3A_1174, %get3A_1176 : vector<16xf32>
    %get3A_1178 = arith.constant 144 : index
    %get3A_1179 = tpu.vector_load %arg17[%get3A_1178] {strides = array<i32>} : memref<512xi32, #tpu.memory_space<vmem>>, vector<16xi32>,
    %gather3A_1180 = tpu.vector_load_idx %arg24[%get3A_1179] : memref<128xf32, #tpu.memory_space<vmem>>[vector<16xi32>], vector<16xf32>,
    %add3A_1181 = arith.addf %add3A_1177, %gather3A_1180 : vector<16xf32>
    %get3A_1182 = arith.constant 144 : index
    %get3A_1183 = tpu.vector_load %arg18[%get3A_1182] {strides = array<i32>} : memref<512xi32, #tpu.memory_space<vmem>>, vector<16xi32>,
    %gather3A_1184 = tpu.vector_load_idx %arg25[%get3A_1183] : memref<16xf32, #tpu.memory_space<vmem>>[vector<16xi32>], vector<16xf32>,
    %add3A_1185 = arith.addf %add3A_1181, %gather3A_1184 : vector<16xf32>
    %mul3A_1186 = arith.constant 20 : i32
    %mul3A_1187 = vector.broadcast %mul3A_1186 : i32 to vector<16xi32>
    %mul3A_1188 = arith.muli %iota3A, %mul3A_1187 : vector<16xi32>
    %add3A_1189 = arith.constant 2880 : i32
    %add3A_1190 = vector.broadcast %add3A_1189 : i32 to vector<16xi32>
    %add3A_1191 = arith.addi %mul3A_1188, %add3A_1190 : vector<16xi32>
    %add3A_1192 = arith.constant 0 : i32
    %add3A_1193 = vector.broadcast %add3A_1192 : i32 to vector<16xi32>
    %add3A_1194 = arith.addi %add3A_1191, %add3A_1193 : vector<16xi32>
    %gather3A_1195 = tpu.vector_load_idx %arg21[%add3A_1194] : memref<10240xf32, #tpu.memory_space<vmem>>[vector<16xi32>], vector<16xf32>,
    %add3A_1196 = arith.addf %add3A_1185, %gather3A_1195 : vector<16xf32>
    %add3A_1197 = arith.constant 1 : i32
    %add3A_1198 = vector.broadcast %add3A_1197 : i32 to vector<16xi32>
    %add3A_1199 = arith.addi %add3A_1191, %add3A_1198 : vector<16xi32>
    %gather3A_1200 = tpu.vector_load_idx %arg21[%add3A_1199] : memref<10240xf32, #tpu.memory_space<vmem>>[vector<16xi32>], vector<16xf32>,
    %add3A_1201 = arith.addf %add3A_1196, %gather3A_1200 : vector<16xf32>
    %add3A_1202 = arith.constant 2 : i32
    %add3A_1203 = vector.broadcast %add3A_1202 : i32 to vector<16xi32>
    %add3A_1204 = arith.addi %add3A_1191, %add3A_1203 : vector<16xi32>
    %gather3A_1205 = tpu.vector_load_idx %arg21[%add3A_1204] : memref<10240xf32, #tpu.memory_space<vmem>>[vector<16xi32>], vector<16xf32>,
    %add3A_1206 = arith.addf %add3A_1201, %gather3A_1205 : vector<16xf32>
    %add3A_1207 = arith.constant 3 : i32
    %add3A_1208 = vector.broadcast %add3A_1207 : i32 to vector<16xi32>
    %add3A_1209 = arith.addi %add3A_1191, %add3A_1208 : vector<16xi32>
    %gather3A_1210 = tpu.vector_load_idx %arg21[%add3A_1209] : memref<10240xf32, #tpu.memory_space<vmem>>[vector<16xi32>], vector<16xf32>,
    %add3A_1211 = arith.addf %add3A_1206, %gather3A_1210 : vector<16xf32>
    %add3A_1212 = arith.constant 4 : i32
    %add3A_1213 = vector.broadcast %add3A_1212 : i32 to vector<16xi32>
    %add3A_1214 = arith.addi %add3A_1191, %add3A_1213 : vector<16xi32>
    %gather3A_1215 = tpu.vector_load_idx %arg21[%add3A_1214] : memref<10240xf32, #tpu.memory_space<vmem>>[vector<16xi32>], vector<16xf32>,
    %add3A_1216 = arith.addf %add3A_1211, %gather3A_1215 : vector<16xf32>
    %add3A_1217 = arith.constant 5 : i32
    %add3A_1218 = vector.broadcast %add3A_1217 : i32 to vector<16xi32>
    %add3A_1219 = arith.addi %add3A_1191, %add3A_1218 : vector<16xi32>
    %gather3A_1220 = tpu.vector_load_idx %arg21[%add3A_1219] : memref<10240xf32, #tpu.memory_space<vmem>>[vector<16xi32>], vector<16xf32>,
    %add3A_1221 = arith.addf %add3A_1216, %gather3A_1220 : vector<16xf32>
    %add3A_1222 = arith.constant 6 : i32
    %add3A_1223 = vector.broadcast %add3A_1222 : i32 to vector<16xi32>
    %add3A_1224 = arith.addi %add3A_1191, %add3A_1223 : vector<16xi32>
    %gather3A_1225 = tpu.vector_load_idx %arg21[%add3A_1224] : memref<10240xf32, #tpu.memory_space<vmem>>[vector<16xi32>], vector<16xf32>,
    %add3A_1226 = arith.addf %add3A_1221, %gather3A_1225 : vector<16xf32>
    %add3A_1227 = arith.constant 7 : i32
    %add3A_1228 = vector.broadcast %add3A_1227 : i32 to vector<16xi32>
    %add3A_1229 = arith.addi %add3A_1191, %add3A_1228 : vector<16xi32>
    %gather3A_1230 = tpu.vector_load_idx %arg21[%add3A_1229] : memref<10240xf32, #tpu.memory_space<vmem>>[vector<16xi32>], vector<16xf32>,
    %add3A_1231 = arith.addf %add3A_1226, %gather3A_1230 : vector<16xf32>
    %add3A_1232 = arith.constant 8 : i32
    %add3A_1233 = vector.broadcast %add3A_1232 : i32 to vector<16xi32>
    %add3A_1234 = arith.addi %add3A_1191, %add3A_1233 : vector<16xi32>
    %gather3A_1235 = tpu.vector_load_idx %arg21[%add3A_1234] : memref<10240xf32, #tpu.memory_space<vmem>>[vector<16xi32>], vector<16xf32>,
    %add3A_1236 = arith.addf %add3A_1231, %gather3A_1235 : vector<16xf32>
    %add3A_1237 = arith.constant 9 : i32
    %add3A_1238 = vector.broadcast %add3A_1237 : i32 to vector<16xi32>
    %add3A_1239 = arith.addi %add3A_1191, %add3A_1238 : vector<16xi32>
    %gather3A_1240 = tpu.vector_load_idx %arg21[%add3A_1239] : memref<10240xf32, #tpu.memory_space<vmem>>[vector<16xi32>], vector<16xf32>,
    %add3A_1241 = arith.addf %add3A_1236, %gather3A_1240 : vector<16xf32>
    %add3A_1242 = arith.constant 10 : i32
    %add3A_1243 = vector.broadcast %add3A_1242 : i32 to vector<16xi32>
    %add3A_1244 = arith.addi %add3A_1191, %add3A_1243 : vector<16xi32>
    %gather3A_1245 = tpu.vector_load_idx %arg21[%add3A_1244] : memref<10240xf32, #tpu.memory_space<vmem>>[vector<16xi32>], vector<16xf32>,
    %add3A_1246 = arith.addf %add3A_1241, %gather3A_1245 : vector<16xf32>
    %add3A_1247 = arith.constant 11 : i32
    %add3A_1248 = vector.broadcast %add3A_1247 : i32 to vector<16xi32>
    %add3A_1249 = arith.addi %add3A_1191, %add3A_1248 : vector<16xi32>
    %gather3A_1250 = tpu.vector_load_idx %arg21[%add3A_1249] : memref<10240xf32, #tpu.memory_space<vmem>>[vector<16xi32>], vector<16xf32>,
    %add3A_1251 = arith.addf %add3A_1246, %gather3A_1250 : vector<16xf32>
    %add3A_1252 = arith.constant 12 : i32
    %add3A_1253 = vector.broadcast %add3A_1252 : i32 to vector<16xi32>
    %add3A_1254 = arith.addi %add3A_1191, %add3A_1253 : vector<16xi32>
    %gather3A_1255 = tpu.vector_load_idx %arg21[%add3A_1254] : memref<10240xf32, #tpu.memory_space<vmem>>[vector<16xi32>], vector<16xf32>,
    %add3A_1256 = arith.addf %add3A_1251, %gather3A_1255 : vector<16xf32>
    %add3A_1257 = arith.constant 13 : i32
    %add3A_1258 = vector.broadcast %add3A_1257 : i32 to vector<16xi32>
    %add3A_1259 = arith.addi %add3A_1191, %add3A_1258 : vector<16xi32>
    %gather3A_1260 = tpu.vector_load_idx %arg21[%add3A_1259] : memref<10240xf32, #tpu.memory_space<vmem>>[vector<16xi32>], vector<16xf32>,
    %add3A_1261 = arith.addf %add3A_1256, %gather3A_1260 : vector<16xf32>
    %add3A_1262 = arith.constant 14 : i32
    %add3A_1263 = vector.broadcast %add3A_1262 : i32 to vector<16xi32>
    %add3A_1264 = arith.addi %add3A_1191, %add3A_1263 : vector<16xi32>
    %gather3A_1265 = tpu.vector_load_idx %arg21[%add3A_1264] : memref<10240xf32, #tpu.memory_space<vmem>>[vector<16xi32>], vector<16xf32>,
    %add3A_1266 = arith.addf %add3A_1261, %gather3A_1265 : vector<16xf32>
    %add3A_1267 = arith.constant 15 : i32
    %add3A_1268 = vector.broadcast %add3A_1267 : i32 to vector<16xi32>
    %add3A_1269 = arith.addi %add3A_1191, %add3A_1268 : vector<16xi32>
    %gather3A_1270 = tpu.vector_load_idx %arg21[%add3A_1269] : memref<10240xf32, #tpu.memory_space<vmem>>[vector<16xi32>], vector<16xf32>,
    %add3A_1271 = arith.addf %add3A_1266, %gather3A_1270 : vector<16xf32>
    %add3A_1272 = arith.constant 16 : i32
    %add3A_1273 = vector.broadcast %add3A_1272 : i32 to vector<16xi32>
    %add3A_1274 = arith.addi %add3A_1191, %add3A_1273 : vector<16xi32>
    %gather3A_1275 = tpu.vector_load_idx %arg21[%add3A_1274] : memref<10240xf32, #tpu.memory_space<vmem>>[vector<16xi32>], vector<16xf32>,
    %add3A_1276 = arith.addf %add3A_1271, %gather3A_1275 : vector<16xf32>
    %add3A_1277 = arith.constant 17 : i32
    %add3A_1278 = vector.broadcast %add3A_1277 : i32 to vector<16xi32>
    %add3A_1279 = arith.addi %add3A_1191, %add3A_1278 : vector<16xi32>
    %gather3A_1280 = tpu.vector_load_idx %arg21[%add3A_1279] : memref<10240xf32, #tpu.memory_space<vmem>>[vector<16xi32>], vector<16xf32>,
    %add3A_1281 = arith.addf %add3A_1276, %gather3A_1280 : vector<16xf32>
    %add3A_1282 = arith.constant 18 : i32
    %add3A_1283 = vector.broadcast %add3A_1282 : i32 to vector<16xi32>
    %add3A_1284 = arith.addi %add3A_1191, %add3A_1283 : vector<16xi32>
    %gather3A_1285 = tpu.vector_load_idx %arg21[%add3A_1284] : memref<10240xf32, #tpu.memory_space<vmem>>[vector<16xi32>], vector<16xf32>,
    %add3A_1286 = arith.addf %add3A_1281, %gather3A_1285 : vector<16xf32>
    %add3A_1287 = arith.constant 19 : i32
    %add3A_1288 = vector.broadcast %add3A_1287 : i32 to vector<16xi32>
    %add3A_1289 = arith.addi %add3A_1191, %add3A_1288 : vector<16xi32>
    %gather3A_1290 = tpu.vector_load_idx %arg21[%add3A_1289] : memref<10240xf32, #tpu.memory_space<vmem>>[vector<16xi32>], vector<16xf32>,
    %add3A_1291 = arith.addf %add3A_1286, %gather3A_1290 : vector<16xf32>
    %swap3A_1292 = arith.constant 144 : index
    %swap3A_1293 = tpu.vector_load %arg27[%swap3A_1292] {strides = array<i32>} : memref<512xf32, #tpu.memory_space<vmem>>, vector<16xf32>,
    tpu.vector_store %arg27[%swap3A_1292], %add3A_1291 {strides = array<i32>} : memref<512xf32, #tpu.memory_space<vmem>>, vector<16xf32>,
    %get3A_1294 = arith.constant 160 : index
    %get3A_1295 = tpu.vector_load %arg19[%get3A_1294] {strides = array<i32>} : memref<512xf32, #tpu.memory_space<vmem>>, vector<16xf32>,
    %mul3A_1296 = arith.mulf %get3A_1295, %get3A_33 : vector<16xf32>
    %add3A_1297 = arith.addf %mul3A_1296, %get3A_35 : vector<16xf32>
    %get3A_1298 = arith.constant 160 : index
    %get3A_1299 = tpu.vector_load %arg22[%get3A_1298] {strides = array<i32>} : memref<512xf32, #tpu.memory_space<vmem>>, vector<16xf32>,
    %add3A_1300 = arith.addf %add3A_1297, %get3A_1299 : vector<16xf32>
    %get3A_1301 = arith.constant 160 : index
    %get3A_1302 = tpu.vector_load %arg23[%get3A_1301] {strides = array<i32>} : memref<512xf32, #tpu.memory_space<vmem>>, vector<16xf32>,
    %add3A_1303 = arith.addf %add3A_1300, %get3A_1302 : vector<16xf32>
    %get3A_1304 = arith.constant 160 : index
    %get3A_1305 = tpu.vector_load %arg17[%get3A_1304] {strides = array<i32>} : memref<512xi32, #tpu.memory_space<vmem>>, vector<16xi32>,
    %gather3A_1306 = tpu.vector_load_idx %arg24[%get3A_1305] : memref<128xf32, #tpu.memory_space<vmem>>[vector<16xi32>], vector<16xf32>,
    %add3A_1307 = arith.addf %add3A_1303, %gather3A_1306 : vector<16xf32>
    %get3A_1308 = arith.constant 160 : index
    %get3A_1309 = tpu.vector_load %arg18[%get3A_1308] {strides = array<i32>} : memref<512xi32, #tpu.memory_space<vmem>>, vector<16xi32>,
    %gather3A_1310 = tpu.vector_load_idx %arg25[%get3A_1309] : memref<16xf32, #tpu.memory_space<vmem>>[vector<16xi32>], vector<16xf32>,
    %add3A_1311 = arith.addf %add3A_1307, %gather3A_1310 : vector<16xf32>
    %mul3A_1312 = arith.constant 20 : i32
    %mul3A_1313 = vector.broadcast %mul3A_1312 : i32 to vector<16xi32>
    %mul3A_1314 = arith.muli %iota3A, %mul3A_1313 : vector<16xi32>
    %add3A_1315 = arith.constant 3200 : i32
    %add3A_1316 = vector.broadcast %add3A_1315 : i32 to vector<16xi32>
    %add3A_1317 = arith.addi %mul3A_1314, %add3A_1316 : vector<16xi32>
    %add3A_1318 = arith.constant 0 : i32
    %add3A_1319 = vector.broadcast %add3A_1318 : i32 to vector<16xi32>
    %add3A_1320 = arith.addi %add3A_1317, %add3A_1319 : vector<16xi32>
    %gather3A_1321 = tpu.vector_load_idx %arg21[%add3A_1320] : memref<10240xf32, #tpu.memory_space<vmem>>[vector<16xi32>], vector<16xf32>,
    %add3A_1322 = arith.addf %add3A_1311, %gather3A_1321 : vector<16xf32>
    %add3A_1323 = arith.constant 1 : i32
    %add3A_1324 = vector.broadcast %add3A_1323 : i32 to vector<16xi32>
    %add3A_1325 = arith.addi %add3A_1317, %add3A_1324 : vector<16xi32>
    %gather3A_1326 = tpu.vector_load_idx %arg21[%add3A_1325] : memref<10240xf32, #tpu.memory_space<vmem>>[vector<16xi32>], vector<16xf32>,
    %add3A_1327 = arith.addf %add3A_1322, %gather3A_1326 : vector<16xf32>
    %add3A_1328 = arith.constant 2 : i32
    %add3A_1329 = vector.broadcast %add3A_1328 : i32 to vector<16xi32>
    %add3A_1330 = arith.addi %add3A_1317, %add3A_1329 : vector<16xi32>
    %gather3A_1331 = tpu.vector_load_idx %arg21[%add3A_1330] : memref<10240xf32, #tpu.memory_space<vmem>>[vector<16xi32>], vector<16xf32>,
    %add3A_1332 = arith.addf %add3A_1327, %gather3A_1331 : vector<16xf32>
    %add3A_1333 = arith.constant 3 : i32
    %add3A_1334 = vector.broadcast %add3A_1333 : i32 to vector<16xi32>
    %add3A_1335 = arith.addi %add3A_1317, %add3A_1334 : vector<16xi32>
    %gather3A_1336 = tpu.vector_load_idx %arg21[%add3A_1335] : memref<10240xf32, #tpu.memory_space<vmem>>[vector<16xi32>], vector<16xf32>,
    %add3A_1337 = arith.addf %add3A_1332, %gather3A_1336 : vector<16xf32>
    %add3A_1338 = arith.constant 4 : i32
    %add3A_1339 = vector.broadcast %add3A_1338 : i32 to vector<16xi32>
    %add3A_1340 = arith.addi %add3A_1317, %add3A_1339 : vector<16xi32>
    %gather3A_1341 = tpu.vector_load_idx %arg21[%add3A_1340] : memref<10240xf32, #tpu.memory_space<vmem>>[vector<16xi32>], vector<16xf32>,
    %add3A_1342 = arith.addf %add3A_1337, %gather3A_1341 : vector<16xf32>
    %add3A_1343 = arith.constant 5 : i32
    %add3A_1344 = vector.broadcast %add3A_1343 : i32 to vector<16xi32>
    %add3A_1345 = arith.addi %add3A_1317, %add3A_1344 : vector<16xi32>
    %gather3A_1346 = tpu.vector_load_idx %arg21[%add3A_1345] : memref<10240xf32, #tpu.memory_space<vmem>>[vector<16xi32>], vector<16xf32>,
    %add3A_1347 = arith.addf %add3A_1342, %gather3A_1346 : vector<16xf32>
    %add3A_1348 = arith.constant 6 : i32
    %add3A_1349 = vector.broadcast %add3A_1348 : i32 to vector<16xi32>
    %add3A_1350 = arith.addi %add3A_1317, %add3A_1349 : vector<16xi32>
    %gather3A_1351 = tpu.vector_load_idx %arg21[%add3A_1350] : memref<10240xf32, #tpu.memory_space<vmem>>[vector<16xi32>], vector<16xf32>,
    %add3A_1352 = arith.addf %add3A_1347, %gather3A_1351 : vector<16xf32>
    %add3A_1353 = arith.constant 7 : i32
    %add3A_1354 = vector.broadcast %add3A_1353 : i32 to vector<16xi32>
    %add3A_1355 = arith.addi %add3A_1317, %add3A_1354 : vector<16xi32>
    %gather3A_1356 = tpu.vector_load_idx %arg21[%add3A_1355] : memref<10240xf32, #tpu.memory_space<vmem>>[vector<16xi32>], vector<16xf32>,
    %add3A_1357 = arith.addf %add3A_1352, %gather3A_1356 : vector<16xf32>
    %add3A_1358 = arith.constant 8 : i32
    %add3A_1359 = vector.broadcast %add3A_1358 : i32 to vector<16xi32>
    %add3A_1360 = arith.addi %add3A_1317, %add3A_1359 : vector<16xi32>
    %gather3A_1361 = tpu.vector_load_idx %arg21[%add3A_1360] : memref<10240xf32, #tpu.memory_space<vmem>>[vector<16xi32>], vector<16xf32>,
    %add3A_1362 = arith.addf %add3A_1357, %gather3A_1361 : vector<16xf32>
    %add3A_1363 = arith.constant 9 : i32
    %add3A_1364 = vector.broadcast %add3A_1363 : i32 to vector<16xi32>
    %add3A_1365 = arith.addi %add3A_1317, %add3A_1364 : vector<16xi32>
    %gather3A_1366 = tpu.vector_load_idx %arg21[%add3A_1365] : memref<10240xf32, #tpu.memory_space<vmem>>[vector<16xi32>], vector<16xf32>,
    %add3A_1367 = arith.addf %add3A_1362, %gather3A_1366 : vector<16xf32>
    %add3A_1368 = arith.constant 10 : i32
    %add3A_1369 = vector.broadcast %add3A_1368 : i32 to vector<16xi32>
    %add3A_1370 = arith.addi %add3A_1317, %add3A_1369 : vector<16xi32>
    %gather3A_1371 = tpu.vector_load_idx %arg21[%add3A_1370] : memref<10240xf32, #tpu.memory_space<vmem>>[vector<16xi32>], vector<16xf32>,
    %add3A_1372 = arith.addf %add3A_1367, %gather3A_1371 : vector<16xf32>
    %add3A_1373 = arith.constant 11 : i32
    %add3A_1374 = vector.broadcast %add3A_1373 : i32 to vector<16xi32>
    %add3A_1375 = arith.addi %add3A_1317, %add3A_1374 : vector<16xi32>
    %gather3A_1376 = tpu.vector_load_idx %arg21[%add3A_1375] : memref<10240xf32, #tpu.memory_space<vmem>>[vector<16xi32>], vector<16xf32>,
    %add3A_1377 = arith.addf %add3A_1372, %gather3A_1376 : vector<16xf32>
    %add3A_1378 = arith.constant 12 : i32
    %add3A_1379 = vector.broadcast %add3A_1378 : i32 to vector<16xi32>
    %add3A_1380 = arith.addi %add3A_1317, %add3A_1379 : vector<16xi32>
    %gather3A_1381 = tpu.vector_load_idx %arg21[%add3A_1380] : memref<10240xf32, #tpu.memory_space<vmem>>[vector<16xi32>], vector<16xf32>,
    %add3A_1382 = arith.addf %add3A_1377, %gather3A_1381 : vector<16xf32>
    %add3A_1383 = arith.constant 13 : i32
    %add3A_1384 = vector.broadcast %add3A_1383 : i32 to vector<16xi32>
    %add3A_1385 = arith.addi %add3A_1317, %add3A_1384 : vector<16xi32>
    %gather3A_1386 = tpu.vector_load_idx %arg21[%add3A_1385] : memref<10240xf32, #tpu.memory_space<vmem>>[vector<16xi32>], vector<16xf32>,
    %add3A_1387 = arith.addf %add3A_1382, %gather3A_1386 : vector<16xf32>
    %add3A_1388 = arith.constant 14 : i32
    %add3A_1389 = vector.broadcast %add3A_1388 : i32 to vector<16xi32>
    %add3A_1390 = arith.addi %add3A_1317, %add3A_1389 : vector<16xi32>
    %gather3A_1391 = tpu.vector_load_idx %arg21[%add3A_1390] : memref<10240xf32, #tpu.memory_space<vmem>>[vector<16xi32>], vector<16xf32>,
    %add3A_1392 = arith.addf %add3A_1387, %gather3A_1391 : vector<16xf32>
    %add3A_1393 = arith.constant 15 : i32
    %add3A_1394 = vector.broadcast %add3A_1393 : i32 to vector<16xi32>
    %add3A_1395 = arith.addi %add3A_1317, %add3A_1394 : vector<16xi32>
    %gather3A_1396 = tpu.vector_load_idx %arg21[%add3A_1395] : memref<10240xf32, #tpu.memory_space<vmem>>[vector<16xi32>], vector<16xf32>,
    %add3A_1397 = arith.addf %add3A_1392, %gather3A_1396 : vector<16xf32>
    %add3A_1398 = arith.constant 16 : i32
    %add3A_1399 = vector.broadcast %add3A_1398 : i32 to vector<16xi32>
    %add3A_1400 = arith.addi %add3A_1317, %add3A_1399 : vector<16xi32>
    %gather3A_1401 = tpu.vector_load_idx %arg21[%add3A_1400] : memref<10240xf32, #tpu.memory_space<vmem>>[vector<16xi32>], vector<16xf32>,
    %add3A_1402 = arith.addf %add3A_1397, %gather3A_1401 : vector<16xf32>
    %add3A_1403 = arith.constant 17 : i32
    %add3A_1404 = vector.broadcast %add3A_1403 : i32 to vector<16xi32>
    %add3A_1405 = arith.addi %add3A_1317, %add3A_1404 : vector<16xi32>
    %gather3A_1406 = tpu.vector_load_idx %arg21[%add3A_1405] : memref<10240xf32, #tpu.memory_space<vmem>>[vector<16xi32>], vector<16xf32>,
    %add3A_1407 = arith.addf %add3A_1402, %gather3A_1406 : vector<16xf32>
    %add3A_1408 = arith.constant 18 : i32
    %add3A_1409 = vector.broadcast %add3A_1408 : i32 to vector<16xi32>
    %add3A_1410 = arith.addi %add3A_1317, %add3A_1409 : vector<16xi32>
    %gather3A_1411 = tpu.vector_load_idx %arg21[%add3A_1410] : memref<10240xf32, #tpu.memory_space<vmem>>[vector<16xi32>], vector<16xf32>,
    %add3A_1412 = arith.addf %add3A_1407, %gather3A_1411 : vector<16xf32>
    %add3A_1413 = arith.constant 19 : i32
    %add3A_1414 = vector.broadcast %add3A_1413 : i32 to vector<16xi32>
    %add3A_1415 = arith.addi %add3A_1317, %add3A_1414 : vector<16xi32>
    %gather3A_1416 = tpu.vector_load_idx %arg21[%add3A_1415] : memref<10240xf32, #tpu.memory_space<vmem>>[vector<16xi32>], vector<16xf32>,
    %add3A_1417 = arith.addf %add3A_1412, %gather3A_1416 : vector<16xf32>
    %swap3A_1418 = arith.constant 160 : index
    %swap3A_1419 = tpu.vector_load %arg27[%swap3A_1418] {strides = array<i32>} : memref<512xf32, #tpu.memory_space<vmem>>, vector<16xf32>,
    tpu.vector_store %arg27[%swap3A_1418], %add3A_1417 {strides = array<i32>} : memref<512xf32, #tpu.memory_space<vmem>>, vector<16xf32>,
    %get3A_1420 = arith.constant 176 : index
    %get3A_1421 = tpu.vector_load %arg19[%get3A_1420] {strides = array<i32>} : memref<512xf32, #tpu.memory_space<vmem>>, vector<16xf32>,
    %mul3A_1422 = arith.mulf %get3A_1421, %get3A_33 : vector<16xf32>
    %add3A_1423 = arith.addf %mul3A_1422, %get3A_35 : vector<16xf32>
    %get3A_1424 = arith.constant 176 : index
    %get3A_1425 = tpu.vector_load %arg22[%get3A_1424] {strides = array<i32>} : memref<512xf32, #tpu.memory_space<vmem>>, vector<16xf32>,
    %add3A_1426 = arith.addf %add3A_1423, %get3A_1425 : vector<16xf32>
    %get3A_1427 = arith.constant 176 : index
    %get3A_1428 = tpu.vector_load %arg23[%get3A_1427] {strides = array<i32>} : memref<512xf32, #tpu.memory_space<vmem>>, vector<16xf32>,
    %add3A_1429 = arith.addf %add3A_1426, %get3A_1428 : vector<16xf32>
    %get3A_1430 = arith.constant 176 : index
    %get3A_1431 = tpu.vector_load %arg17[%get3A_1430] {strides = array<i32>} : memref<512xi32, #tpu.memory_space<vmem>>, vector<16xi32>,
    %gather3A_1432 = tpu.vector_load_idx %arg24[%get3A_1431] : memref<128xf32, #tpu.memory_space<vmem>>[vector<16xi32>], vector<16xf32>,
    %add3A_1433 = arith.addf %add3A_1429, %gather3A_1432 : vector<16xf32>
    %get3A_1434 = arith.constant 176 : index
    %get3A_1435 = tpu.vector_load %arg18[%get3A_1434] {strides = array<i32>} : memref<512xi32, #tpu.memory_space<vmem>>, vector<16xi32>,
    %gather3A_1436 = tpu.vector_load_idx %arg25[%get3A_1435] : memref<16xf32, #tpu.memory_space<vmem>>[vector<16xi32>], vector<16xf32>,
    %add3A_1437 = arith.addf %add3A_1433, %gather3A_1436 : vector<16xf32>
    %mul3A_1438 = arith.constant 20 : i32
    %mul3A_1439 = vector.broadcast %mul3A_1438 : i32 to vector<16xi32>
    %mul3A_1440 = arith.muli %iota3A, %mul3A_1439 : vector<16xi32>
    %add3A_1441 = arith.constant 3520 : i32
    %add3A_1442 = vector.broadcast %add3A_1441 : i32 to vector<16xi32>
    %add3A_1443 = arith.addi %mul3A_1440, %add3A_1442 : vector<16xi32>
    %add3A_1444 = arith.constant 0 : i32
    %add3A_1445 = vector.broadcast %add3A_1444 : i32 to vector<16xi32>
    %add3A_1446 = arith.addi %add3A_1443, %add3A_1445 : vector<16xi32>
    %gather3A_1447 = tpu.vector_load_idx %arg21[%add3A_1446] : memref<10240xf32, #tpu.memory_space<vmem>>[vector<16xi32>], vector<16xf32>,
    %add3A_1448 = arith.addf %add3A_1437, %gather3A_1447 : vector<16xf32>
    %add3A_1449 = arith.constant 1 : i32
    %add3A_1450 = vector.broadcast %add3A_1449 : i32 to vector<16xi32>
    %add3A_1451 = arith.addi %add3A_1443, %add3A_1450 : vector<16xi32>
    %gather3A_1452 = tpu.vector_load_idx %arg21[%add3A_1451] : memref<10240xf32, #tpu.memory_space<vmem>>[vector<16xi32>], vector<16xf32>,
    %add3A_1453 = arith.addf %add3A_1448, %gather3A_1452 : vector<16xf32>
    %add3A_1454 = arith.constant 2 : i32
    %add3A_1455 = vector.broadcast %add3A_1454 : i32 to vector<16xi32>
    %add3A_1456 = arith.addi %add3A_1443, %add3A_1455 : vector<16xi32>
    %gather3A_1457 = tpu.vector_load_idx %arg21[%add3A_1456] : memref<10240xf32, #tpu.memory_space<vmem>>[vector<16xi32>], vector<16xf32>,
    %add3A_1458 = arith.addf %add3A_1453, %gather3A_1457 : vector<16xf32>
    %add3A_1459 = arith.constant 3 : i32
    %add3A_1460 = vector.broadcast %add3A_1459 : i32 to vector<16xi32>
    %add3A_1461 = arith.addi %add3A_1443, %add3A_1460 : vector<16xi32>
    %gather3A_1462 = tpu.vector_load_idx %arg21[%add3A_1461] : memref<10240xf32, #tpu.memory_space<vmem>>[vector<16xi32>], vector<16xf32>,
    %add3A_1463 = arith.addf %add3A_1458, %gather3A_1462 : vector<16xf32>
    %add3A_1464 = arith.constant 4 : i32
    %add3A_1465 = vector.broadcast %add3A_1464 : i32 to vector<16xi32>
    %add3A_1466 = arith.addi %add3A_1443, %add3A_1465 : vector<16xi32>
    %gather3A_1467 = tpu.vector_load_idx %arg21[%add3A_1466] : memref<10240xf32, #tpu.memory_space<vmem>>[vector<16xi32>], vector<16xf32>,
    %add3A_1468 = arith.addf %add3A_1463, %gather3A_1467 : vector<16xf32>
    %add3A_1469 = arith.constant 5 : i32
    %add3A_1470 = vector.broadcast %add3A_1469 : i32 to vector<16xi32>
    %add3A_1471 = arith.addi %add3A_1443, %add3A_1470 : vector<16xi32>
    %gather3A_1472 = tpu.vector_load_idx %arg21[%add3A_1471] : memref<10240xf32, #tpu.memory_space<vmem>>[vector<16xi32>], vector<16xf32>,
    %add3A_1473 = arith.addf %add3A_1468, %gather3A_1472 : vector<16xf32>
    %add3A_1474 = arith.constant 6 : i32
    %add3A_1475 = vector.broadcast %add3A_1474 : i32 to vector<16xi32>
    %add3A_1476 = arith.addi %add3A_1443, %add3A_1475 : vector<16xi32>
    %gather3A_1477 = tpu.vector_load_idx %arg21[%add3A_1476] : memref<10240xf32, #tpu.memory_space<vmem>>[vector<16xi32>], vector<16xf32>,
    %add3A_1478 = arith.addf %add3A_1473, %gather3A_1477 : vector<16xf32>
    %add3A_1479 = arith.constant 7 : i32
    %add3A_1480 = vector.broadcast %add3A_1479 : i32 to vector<16xi32>
    %add3A_1481 = arith.addi %add3A_1443, %add3A_1480 : vector<16xi32>
    %gather3A_1482 = tpu.vector_load_idx %arg21[%add3A_1481] : memref<10240xf32, #tpu.memory_space<vmem>>[vector<16xi32>], vector<16xf32>,
    %add3A_1483 = arith.addf %add3A_1478, %gather3A_1482 : vector<16xf32>
    %add3A_1484 = arith.constant 8 : i32
    %add3A_1485 = vector.broadcast %add3A_1484 : i32 to vector<16xi32>
    %add3A_1486 = arith.addi %add3A_1443, %add3A_1485 : vector<16xi32>
    %gather3A_1487 = tpu.vector_load_idx %arg21[%add3A_1486] : memref<10240xf32, #tpu.memory_space<vmem>>[vector<16xi32>], vector<16xf32>,
    %add3A_1488 = arith.addf %add3A_1483, %gather3A_1487 : vector<16xf32>
    %add3A_1489 = arith.constant 9 : i32
    %add3A_1490 = vector.broadcast %add3A_1489 : i32 to vector<16xi32>
    %add3A_1491 = arith.addi %add3A_1443, %add3A_1490 : vector<16xi32>
    %gather3A_1492 = tpu.vector_load_idx %arg21[%add3A_1491] : memref<10240xf32, #tpu.memory_space<vmem>>[vector<16xi32>], vector<16xf32>,
    %add3A_1493 = arith.addf %add3A_1488, %gather3A_1492 : vector<16xf32>
    %add3A_1494 = arith.constant 10 : i32
    %add3A_1495 = vector.broadcast %add3A_1494 : i32 to vector<16xi32>
    %add3A_1496 = arith.addi %add3A_1443, %add3A_1495 : vector<16xi32>
    %gather3A_1497 = tpu.vector_load_idx %arg21[%add3A_1496] : memref<10240xf32, #tpu.memory_space<vmem>>[vector<16xi32>], vector<16xf32>,
    %add3A_1498 = arith.addf %add3A_1493, %gather3A_1497 : vector<16xf32>
    %add3A_1499 = arith.constant 11 : i32
    %add3A_1500 = vector.broadcast %add3A_1499 : i32 to vector<16xi32>
    %add3A_1501 = arith.addi %add3A_1443, %add3A_1500 : vector<16xi32>
    %gather3A_1502 = tpu.vector_load_idx %arg21[%add3A_1501] : memref<10240xf32, #tpu.memory_space<vmem>>[vector<16xi32>], vector<16xf32>,
    %add3A_1503 = arith.addf %add3A_1498, %gather3A_1502 : vector<16xf32>
    %add3A_1504 = arith.constant 12 : i32
    %add3A_1505 = vector.broadcast %add3A_1504 : i32 to vector<16xi32>
    %add3A_1506 = arith.addi %add3A_1443, %add3A_1505 : vector<16xi32>
    %gather3A_1507 = tpu.vector_load_idx %arg21[%add3A_1506] : memref<10240xf32, #tpu.memory_space<vmem>>[vector<16xi32>], vector<16xf32>,
    %add3A_1508 = arith.addf %add3A_1503, %gather3A_1507 : vector<16xf32>
    %add3A_1509 = arith.constant 13 : i32
    %add3A_1510 = vector.broadcast %add3A_1509 : i32 to vector<16xi32>
    %add3A_1511 = arith.addi %add3A_1443, %add3A_1510 : vector<16xi32>
    %gather3A_1512 = tpu.vector_load_idx %arg21[%add3A_1511] : memref<10240xf32, #tpu.memory_space<vmem>>[vector<16xi32>], vector<16xf32>,
    %add3A_1513 = arith.addf %add3A_1508, %gather3A_1512 : vector<16xf32>
    %add3A_1514 = arith.constant 14 : i32
    %add3A_1515 = vector.broadcast %add3A_1514 : i32 to vector<16xi32>
    %add3A_1516 = arith.addi %add3A_1443, %add3A_1515 : vector<16xi32>
    %gather3A_1517 = tpu.vector_load_idx %arg21[%add3A_1516] : memref<10240xf32, #tpu.memory_space<vmem>>[vector<16xi32>], vector<16xf32>,
    %add3A_1518 = arith.addf %add3A_1513, %gather3A_1517 : vector<16xf32>
    %add3A_1519 = arith.constant 15 : i32
    %add3A_1520 = vector.broadcast %add3A_1519 : i32 to vector<16xi32>
    %add3A_1521 = arith.addi %add3A_1443, %add3A_1520 : vector<16xi32>
    %gather3A_1522 = tpu.vector_load_idx %arg21[%add3A_1521] : memref<10240xf32, #tpu.memory_space<vmem>>[vector<16xi32>], vector<16xf32>,
    %add3A_1523 = arith.addf %add3A_1518, %gather3A_1522 : vector<16xf32>
    %add3A_1524 = arith.constant 16 : i32
    %add3A_1525 = vector.broadcast %add3A_1524 : i32 to vector<16xi32>
    %add3A_1526 = arith.addi %add3A_1443, %add3A_1525 : vector<16xi32>
    %gather3A_1527 = tpu.vector_load_idx %arg21[%add3A_1526] : memref<10240xf32, #tpu.memory_space<vmem>>[vector<16xi32>], vector<16xf32>,
    %add3A_1528 = arith.addf %add3A_1523, %gather3A_1527 : vector<16xf32>
    %add3A_1529 = arith.constant 17 : i32
    %add3A_1530 = vector.broadcast %add3A_1529 : i32 to vector<16xi32>
    %add3A_1531 = arith.addi %add3A_1443, %add3A_1530 : vector<16xi32>
    %gather3A_1532 = tpu.vector_load_idx %arg21[%add3A_1531] : memref<10240xf32, #tpu.memory_space<vmem>>[vector<16xi32>], vector<16xf32>,
    %add3A_1533 = arith.addf %add3A_1528, %gather3A_1532 : vector<16xf32>
    %add3A_1534 = arith.constant 18 : i32
    %add3A_1535 = vector.broadcast %add3A_1534 : i32 to vector<16xi32>
    %add3A_1536 = arith.addi %add3A_1443, %add3A_1535 : vector<16xi32>
    %gather3A_1537 = tpu.vector_load_idx %arg21[%add3A_1536] : memref<10240xf32, #tpu.memory_space<vmem>>[vector<16xi32>], vector<16xf32>,
    %add3A_1538 = arith.addf %add3A_1533, %gather3A_1537 : vector<16xf32>
    %add3A_1539 = arith.constant 19 : i32
    %add3A_1540 = vector.broadcast %add3A_1539 : i32 to vector<16xi32>
    %add3A_1541 = arith.addi %add3A_1443, %add3A_1540 : vector<16xi32>
    %gather3A_1542 = tpu.vector_load_idx %arg21[%add3A_1541] : memref<10240xf32, #tpu.memory_space<vmem>>[vector<16xi32>], vector<16xf32>,
    %add3A_1543 = arith.addf %add3A_1538, %gather3A_1542 : vector<16xf32>
    %swap3A_1544 = arith.constant 176 : index
    %swap3A_1545 = tpu.vector_load %arg27[%swap3A_1544] {strides = array<i32>} : memref<512xf32, #tpu.memory_space<vmem>>, vector<16xf32>,
    tpu.vector_store %arg27[%swap3A_1544], %add3A_1543 {strides = array<i32>} : memref<512xf32, #tpu.memory_space<vmem>>, vector<16xf32>,
    %get3A_1546 = arith.constant 192 : index
    %get3A_1547 = tpu.vector_load %arg19[%get3A_1546] {strides = array<i32>} : memref<512xf32, #tpu.memory_space<vmem>>, vector<16xf32>,
    %mul3A_1548 = arith.mulf %get3A_1547, %get3A_33 : vector<16xf32>
    %add3A_1549 = arith.addf %mul3A_1548, %get3A_35 : vector<16xf32>
    %get3A_1550 = arith.constant 192 : index
    %get3A_1551 = tpu.vector_load %arg22[%get3A_1550] {strides = array<i32>} : memref<512xf32, #tpu.memory_space<vmem>>, vector<16xf32>,
    %add3A_1552 = arith.addf %add3A_1549, %get3A_1551 : vector<16xf32>
    %get3A_1553 = arith.constant 192 : index
    %get3A_1554 = tpu.vector_load %arg23[%get3A_1553] {strides = array<i32>} : memref<512xf32, #tpu.memory_space<vmem>>, vector<16xf32>,
    %add3A_1555 = arith.addf %add3A_1552, %get3A_1554 : vector<16xf32>
    %get3A_1556 = arith.constant 192 : index
    %get3A_1557 = tpu.vector_load %arg17[%get3A_1556] {strides = array<i32>} : memref<512xi32, #tpu.memory_space<vmem>>, vector<16xi32>,
    %gather3A_1558 = tpu.vector_load_idx %arg24[%get3A_1557] : memref<128xf32, #tpu.memory_space<vmem>>[vector<16xi32>], vector<16xf32>,
    %add3A_1559 = arith.addf %add3A_1555, %gather3A_1558 : vector<16xf32>
    %get3A_1560 = arith.constant 192 : index
    %get3A_1561 = tpu.vector_load %arg18[%get3A_1560] {strides = array<i32>} : memref<512xi32, #tpu.memory_space<vmem>>, vector<16xi32>,
    %gather3A_1562 = tpu.vector_load_idx %arg25[%get3A_1561] : memref<16xf32, #tpu.memory_space<vmem>>[vector<16xi32>], vector<16xf32>,
    %add3A_1563 = arith.addf %add3A_1559, %gather3A_1562 : vector<16xf32>
    %mul3A_1564 = arith.constant 20 : i32
    %mul3A_1565 = vector.broadcast %mul3A_1564 : i32 to vector<16xi32>
    %mul3A_1566 = arith.muli %iota3A, %mul3A_1565 : vector<16xi32>
    %add3A_1567 = arith.constant 3840 : i32
    %add3A_1568 = vector.broadcast %add3A_1567 : i32 to vector<16xi32>
    %add3A_1569 = arith.addi %mul3A_1566, %add3A_1568 : vector<16xi32>
    %add3A_1570 = arith.constant 0 : i32
    %add3A_1571 = vector.broadcast %add3A_1570 : i32 to vector<16xi32>
    %add3A_1572 = arith.addi %add3A_1569, %add3A_1571 : vector<16xi32>
    %gather3A_1573 = tpu.vector_load_idx %arg21[%add3A_1572] : memref<10240xf32, #tpu.memory_space<vmem>>[vector<16xi32>], vector<16xf32>,
    %add3A_1574 = arith.addf %add3A_1563, %gather3A_1573 : vector<16xf32>
    %add3A_1575 = arith.constant 1 : i32
    %add3A_1576 = vector.broadcast %add3A_1575 : i32 to vector<16xi32>
    %add3A_1577 = arith.addi %add3A_1569, %add3A_1576 : vector<16xi32>
    %gather3A_1578 = tpu.vector_load_idx %arg21[%add3A_1577] : memref<10240xf32, #tpu.memory_space<vmem>>[vector<16xi32>], vector<16xf32>,
    %add3A_1579 = arith.addf %add3A_1574, %gather3A_1578 : vector<16xf32>
    %add3A_1580 = arith.constant 2 : i32
    %add3A_1581 = vector.broadcast %add3A_1580 : i32 to vector<16xi32>
    %add3A_1582 = arith.addi %add3A_1569, %add3A_1581 : vector<16xi32>
    %gather3A_1583 = tpu.vector_load_idx %arg21[%add3A_1582] : memref<10240xf32, #tpu.memory_space<vmem>>[vector<16xi32>], vector<16xf32>,
    %add3A_1584 = arith.addf %add3A_1579, %gather3A_1583 : vector<16xf32>
    %add3A_1585 = arith.constant 3 : i32
    %add3A_1586 = vector.broadcast %add3A_1585 : i32 to vector<16xi32>
    %add3A_1587 = arith.addi %add3A_1569, %add3A_1586 : vector<16xi32>
    %gather3A_1588 = tpu.vector_load_idx %arg21[%add3A_1587] : memref<10240xf32, #tpu.memory_space<vmem>>[vector<16xi32>], vector<16xf32>,
    %add3A_1589 = arith.addf %add3A_1584, %gather3A_1588 : vector<16xf32>
    %add3A_1590 = arith.constant 4 : i32
    %add3A_1591 = vector.broadcast %add3A_1590 : i32 to vector<16xi32>
    %add3A_1592 = arith.addi %add3A_1569, %add3A_1591 : vector<16xi32>
    %gather3A_1593 = tpu.vector_load_idx %arg21[%add3A_1592] : memref<10240xf32, #tpu.memory_space<vmem>>[vector<16xi32>], vector<16xf32>,
    %add3A_1594 = arith.addf %add3A_1589, %gather3A_1593 : vector<16xf32>
    %add3A_1595 = arith.constant 5 : i32
    %add3A_1596 = vector.broadcast %add3A_1595 : i32 to vector<16xi32>
    %add3A_1597 = arith.addi %add3A_1569, %add3A_1596 : vector<16xi32>
    %gather3A_1598 = tpu.vector_load_idx %arg21[%add3A_1597] : memref<10240xf32, #tpu.memory_space<vmem>>[vector<16xi32>], vector<16xf32>,
    %add3A_1599 = arith.addf %add3A_1594, %gather3A_1598 : vector<16xf32>
    %add3A_1600 = arith.constant 6 : i32
    %add3A_1601 = vector.broadcast %add3A_1600 : i32 to vector<16xi32>
    %add3A_1602 = arith.addi %add3A_1569, %add3A_1601 : vector<16xi32>
    %gather3A_1603 = tpu.vector_load_idx %arg21[%add3A_1602] : memref<10240xf32, #tpu.memory_space<vmem>>[vector<16xi32>], vector<16xf32>,
    %add3A_1604 = arith.addf %add3A_1599, %gather3A_1603 : vector<16xf32>
    %add3A_1605 = arith.constant 7 : i32
    %add3A_1606 = vector.broadcast %add3A_1605 : i32 to vector<16xi32>
    %add3A_1607 = arith.addi %add3A_1569, %add3A_1606 : vector<16xi32>
    %gather3A_1608 = tpu.vector_load_idx %arg21[%add3A_1607] : memref<10240xf32, #tpu.memory_space<vmem>>[vector<16xi32>], vector<16xf32>,
    %add3A_1609 = arith.addf %add3A_1604, %gather3A_1608 : vector<16xf32>
    %add3A_1610 = arith.constant 8 : i32
    %add3A_1611 = vector.broadcast %add3A_1610 : i32 to vector<16xi32>
    %add3A_1612 = arith.addi %add3A_1569, %add3A_1611 : vector<16xi32>
    %gather3A_1613 = tpu.vector_load_idx %arg21[%add3A_1612] : memref<10240xf32, #tpu.memory_space<vmem>>[vector<16xi32>], vector<16xf32>,
    %add3A_1614 = arith.addf %add3A_1609, %gather3A_1613 : vector<16xf32>
    %add3A_1615 = arith.constant 9 : i32
    %add3A_1616 = vector.broadcast %add3A_1615 : i32 to vector<16xi32>
    %add3A_1617 = arith.addi %add3A_1569, %add3A_1616 : vector<16xi32>
    %gather3A_1618 = tpu.vector_load_idx %arg21[%add3A_1617] : memref<10240xf32, #tpu.memory_space<vmem>>[vector<16xi32>], vector<16xf32>,
    %add3A_1619 = arith.addf %add3A_1614, %gather3A_1618 : vector<16xf32>
    %add3A_1620 = arith.constant 10 : i32
    %add3A_1621 = vector.broadcast %add3A_1620 : i32 to vector<16xi32>
    %add3A_1622 = arith.addi %add3A_1569, %add3A_1621 : vector<16xi32>
    %gather3A_1623 = tpu.vector_load_idx %arg21[%add3A_1622] : memref<10240xf32, #tpu.memory_space<vmem>>[vector<16xi32>], vector<16xf32>,
    %add3A_1624 = arith.addf %add3A_1619, %gather3A_1623 : vector<16xf32>
    %add3A_1625 = arith.constant 11 : i32
    %add3A_1626 = vector.broadcast %add3A_1625 : i32 to vector<16xi32>
    %add3A_1627 = arith.addi %add3A_1569, %add3A_1626 : vector<16xi32>
    %gather3A_1628 = tpu.vector_load_idx %arg21[%add3A_1627] : memref<10240xf32, #tpu.memory_space<vmem>>[vector<16xi32>], vector<16xf32>,
    %add3A_1629 = arith.addf %add3A_1624, %gather3A_1628 : vector<16xf32>
    %add3A_1630 = arith.constant 12 : i32
    %add3A_1631 = vector.broadcast %add3A_1630 : i32 to vector<16xi32>
    %add3A_1632 = arith.addi %add3A_1569, %add3A_1631 : vector<16xi32>
    %gather3A_1633 = tpu.vector_load_idx %arg21[%add3A_1632] : memref<10240xf32, #tpu.memory_space<vmem>>[vector<16xi32>], vector<16xf32>,
    %add3A_1634 = arith.addf %add3A_1629, %gather3A_1633 : vector<16xf32>
    %add3A_1635 = arith.constant 13 : i32
    %add3A_1636 = vector.broadcast %add3A_1635 : i32 to vector<16xi32>
    %add3A_1637 = arith.addi %add3A_1569, %add3A_1636 : vector<16xi32>
    %gather3A_1638 = tpu.vector_load_idx %arg21[%add3A_1637] : memref<10240xf32, #tpu.memory_space<vmem>>[vector<16xi32>], vector<16xf32>,
    %add3A_1639 = arith.addf %add3A_1634, %gather3A_1638 : vector<16xf32>
    %add3A_1640 = arith.constant 14 : i32
    %add3A_1641 = vector.broadcast %add3A_1640 : i32 to vector<16xi32>
    %add3A_1642 = arith.addi %add3A_1569, %add3A_1641 : vector<16xi32>
    %gather3A_1643 = tpu.vector_load_idx %arg21[%add3A_1642] : memref<10240xf32, #tpu.memory_space<vmem>>[vector<16xi32>], vector<16xf32>,
    %add3A_1644 = arith.addf %add3A_1639, %gather3A_1643 : vector<16xf32>
    %add3A_1645 = arith.constant 15 : i32
    %add3A_1646 = vector.broadcast %add3A_1645 : i32 to vector<16xi32>
    %add3A_1647 = arith.addi %add3A_1569, %add3A_1646 : vector<16xi32>
    %gather3A_1648 = tpu.vector_load_idx %arg21[%add3A_1647] : memref<10240xf32, #tpu.memory_space<vmem>>[vector<16xi32>], vector<16xf32>,
    %add3A_1649 = arith.addf %add3A_1644, %gather3A_1648 : vector<16xf32>
    %add3A_1650 = arith.constant 16 : i32
    %add3A_1651 = vector.broadcast %add3A_1650 : i32 to vector<16xi32>
    %add3A_1652 = arith.addi %add3A_1569, %add3A_1651 : vector<16xi32>
    %gather3A_1653 = tpu.vector_load_idx %arg21[%add3A_1652] : memref<10240xf32, #tpu.memory_space<vmem>>[vector<16xi32>], vector<16xf32>,
    %add3A_1654 = arith.addf %add3A_1649, %gather3A_1653 : vector<16xf32>
    %add3A_1655 = arith.constant 17 : i32
    %add3A_1656 = vector.broadcast %add3A_1655 : i32 to vector<16xi32>
    %add3A_1657 = arith.addi %add3A_1569, %add3A_1656 : vector<16xi32>
    %gather3A_1658 = tpu.vector_load_idx %arg21[%add3A_1657] : memref<10240xf32, #tpu.memory_space<vmem>>[vector<16xi32>], vector<16xf32>,
    %add3A_1659 = arith.addf %add3A_1654, %gather3A_1658 : vector<16xf32>
    %add3A_1660 = arith.constant 18 : i32
    %add3A_1661 = vector.broadcast %add3A_1660 : i32 to vector<16xi32>
    %add3A_1662 = arith.addi %add3A_1569, %add3A_1661 : vector<16xi32>
    %gather3A_1663 = tpu.vector_load_idx %arg21[%add3A_1662] : memref<10240xf32, #tpu.memory_space<vmem>>[vector<16xi32>], vector<16xf32>,
    %add3A_1664 = arith.addf %add3A_1659, %gather3A_1663 : vector<16xf32>
    %add3A_1665 = arith.constant 19 : i32
    %add3A_1666 = vector.broadcast %add3A_1665 : i32 to vector<16xi32>
    %add3A_1667 = arith.addi %add3A_1569, %add3A_1666 : vector<16xi32>
    %gather3A_1668 = tpu.vector_load_idx %arg21[%add3A_1667] : memref<10240xf32, #tpu.memory_space<vmem>>[vector<16xi32>], vector<16xf32>,
    %add3A_1669 = arith.addf %add3A_1664, %gather3A_1668 : vector<16xf32>
    %swap3A_1670 = arith.constant 192 : index
    %swap3A_1671 = tpu.vector_load %arg27[%swap3A_1670] {strides = array<i32>} : memref<512xf32, #tpu.memory_space<vmem>>, vector<16xf32>,
    tpu.vector_store %arg27[%swap3A_1670], %add3A_1669 {strides = array<i32>} : memref<512xf32, #tpu.memory_space<vmem>>, vector<16xf32>,
    %get3A_1672 = arith.constant 208 : index
    %get3A_1673 = tpu.vector_load %arg19[%get3A_1672] {strides = array<i32>} : memref<512xf32, #tpu.memory_space<vmem>>, vector<16xf32>,
    %mul3A_1674 = arith.mulf %get3A_1673, %get3A_33 : vector<16xf32>
    %add3A_1675 = arith.addf %mul3A_1674, %get3A_35 : vector<16xf32>
    %get3A_1676 = arith.constant 208 : index
    %get3A_1677 = tpu.vector_load %arg22[%get3A_1676] {strides = array<i32>} : memref<512xf32, #tpu.memory_space<vmem>>, vector<16xf32>,
    %add3A_1678 = arith.addf %add3A_1675, %get3A_1677 : vector<16xf32>
    %get3A_1679 = arith.constant 208 : index
    %get3A_1680 = tpu.vector_load %arg23[%get3A_1679] {strides = array<i32>} : memref<512xf32, #tpu.memory_space<vmem>>, vector<16xf32>,
    %add3A_1681 = arith.addf %add3A_1678, %get3A_1680 : vector<16xf32>
    %get3A_1682 = arith.constant 208 : index
    %get3A_1683 = tpu.vector_load %arg17[%get3A_1682] {strides = array<i32>} : memref<512xi32, #tpu.memory_space<vmem>>, vector<16xi32>,
    %gather3A_1684 = tpu.vector_load_idx %arg24[%get3A_1683] : memref<128xf32, #tpu.memory_space<vmem>>[vector<16xi32>], vector<16xf32>,
    %add3A_1685 = arith.addf %add3A_1681, %gather3A_1684 : vector<16xf32>
    %get3A_1686 = arith.constant 208 : index
    %get3A_1687 = tpu.vector_load %arg18[%get3A_1686] {strides = array<i32>} : memref<512xi32, #tpu.memory_space<vmem>>, vector<16xi32>,
    %gather3A_1688 = tpu.vector_load_idx %arg25[%get3A_1687] : memref<16xf32, #tpu.memory_space<vmem>>[vector<16xi32>], vector<16xf32>,
    %add3A_1689 = arith.addf %add3A_1685, %gather3A_1688 : vector<16xf32>
    %mul3A_1690 = arith.constant 20 : i32
    %mul3A_1691 = vector.broadcast %mul3A_1690 : i32 to vector<16xi32>
    %mul3A_1692 = arith.muli %iota3A, %mul3A_1691 : vector<16xi32>
    %add3A_1693 = arith.constant 4160 : i32
    %add3A_1694 = vector.broadcast %add3A_1693 : i32 to vector<16xi32>
    %add3A_1695 = arith.addi %mul3A_1692, %add3A_1694 : vector<16xi32>
    %add3A_1696 = arith.constant 0 : i32
    %add3A_1697 = vector.broadcast %add3A_1696 : i32 to vector<16xi32>
    %add3A_1698 = arith.addi %add3A_1695, %add3A_1697 : vector<16xi32>
    %gather3A_1699 = tpu.vector_load_idx %arg21[%add3A_1698] : memref<10240xf32, #tpu.memory_space<vmem>>[vector<16xi32>], vector<16xf32>,
    %add3A_1700 = arith.addf %add3A_1689, %gather3A_1699 : vector<16xf32>
    %add3A_1701 = arith.constant 1 : i32
    %add3A_1702 = vector.broadcast %add3A_1701 : i32 to vector<16xi32>
    %add3A_1703 = arith.addi %add3A_1695, %add3A_1702 : vector<16xi32>
    %gather3A_1704 = tpu.vector_load_idx %arg21[%add3A_1703] : memref<10240xf32, #tpu.memory_space<vmem>>[vector<16xi32>], vector<16xf32>,
    %add3A_1705 = arith.addf %add3A_1700, %gather3A_1704 : vector<16xf32>
    %add3A_1706 = arith.constant 2 : i32
    %add3A_1707 = vector.broadcast %add3A_1706 : i32 to vector<16xi32>
    %add3A_1708 = arith.addi %add3A_1695, %add3A_1707 : vector<16xi32>
    %gather3A_1709 = tpu.vector_load_idx %arg21[%add3A_1708] : memref<10240xf32, #tpu.memory_space<vmem>>[vector<16xi32>], vector<16xf32>,
    %add3A_1710 = arith.addf %add3A_1705, %gather3A_1709 : vector<16xf32>
    %add3A_1711 = arith.constant 3 : i32
    %add3A_1712 = vector.broadcast %add3A_1711 : i32 to vector<16xi32>
    %add3A_1713 = arith.addi %add3A_1695, %add3A_1712 : vector<16xi32>
    %gather3A_1714 = tpu.vector_load_idx %arg21[%add3A_1713] : memref<10240xf32, #tpu.memory_space<vmem>>[vector<16xi32>], vector<16xf32>,
    %add3A_1715 = arith.addf %add3A_1710, %gather3A_1714 : vector<16xf32>
    %add3A_1716 = arith.constant 4 : i32
    %add3A_1717 = vector.broadcast %add3A_1716 : i32 to vector<16xi32>
    %add3A_1718 = arith.addi %add3A_1695, %add3A_1717 : vector<16xi32>
    %gather3A_1719 = tpu.vector_load_idx %arg21[%add3A_1718] : memref<10240xf32, #tpu.memory_space<vmem>>[vector<16xi32>], vector<16xf32>,
    %add3A_1720 = arith.addf %add3A_1715, %gather3A_1719 : vector<16xf32>
    %add3A_1721 = arith.constant 5 : i32
    %add3A_1722 = vector.broadcast %add3A_1721 : i32 to vector<16xi32>
    %add3A_1723 = arith.addi %add3A_1695, %add3A_1722 : vector<16xi32>
    %gather3A_1724 = tpu.vector_load_idx %arg21[%add3A_1723] : memref<10240xf32, #tpu.memory_space<vmem>>[vector<16xi32>], vector<16xf32>,
    %add3A_1725 = arith.addf %add3A_1720, %gather3A_1724 : vector<16xf32>
    %add3A_1726 = arith.constant 6 : i32
    %add3A_1727 = vector.broadcast %add3A_1726 : i32 to vector<16xi32>
    %add3A_1728 = arith.addi %add3A_1695, %add3A_1727 : vector<16xi32>
    %gather3A_1729 = tpu.vector_load_idx %arg21[%add3A_1728] : memref<10240xf32, #tpu.memory_space<vmem>>[vector<16xi32>], vector<16xf32>,
    %add3A_1730 = arith.addf %add3A_1725, %gather3A_1729 : vector<16xf32>
    %add3A_1731 = arith.constant 7 : i32
    %add3A_1732 = vector.broadcast %add3A_1731 : i32 to vector<16xi32>
    %add3A_1733 = arith.addi %add3A_1695, %add3A_1732 : vector<16xi32>
    %gather3A_1734 = tpu.vector_load_idx %arg21[%add3A_1733] : memref<10240xf32, #tpu.memory_space<vmem>>[vector<16xi32>], vector<16xf32>,
    %add3A_1735 = arith.addf %add3A_1730, %gather3A_1734 : vector<16xf32>
    %add3A_1736 = arith.constant 8 : i32
    %add3A_1737 = vector.broadcast %add3A_1736 : i32 to vector<16xi32>
    %add3A_1738 = arith.addi %add3A_1695, %add3A_1737 : vector<16xi32>
    %gather3A_1739 = tpu.vector_load_idx %arg21[%add3A_1738] : memref<10240xf32, #tpu.memory_space<vmem>>[vector<16xi32>], vector<16xf32>,
    %add3A_1740 = arith.addf %add3A_1735, %gather3A_1739 : vector<16xf32>
    %add3A_1741 = arith.constant 9 : i32
    %add3A_1742 = vector.broadcast %add3A_1741 : i32 to vector<16xi32>
    %add3A_1743 = arith.addi %add3A_1695, %add3A_1742 : vector<16xi32>
    %gather3A_1744 = tpu.vector_load_idx %arg21[%add3A_1743] : memref<10240xf32, #tpu.memory_space<vmem>>[vector<16xi32>], vector<16xf32>,
    %add3A_1745 = arith.addf %add3A_1740, %gather3A_1744 : vector<16xf32>
    %add3A_1746 = arith.constant 10 : i32
    %add3A_1747 = vector.broadcast %add3A_1746 : i32 to vector<16xi32>
    %add3A_1748 = arith.addi %add3A_1695, %add3A_1747 : vector<16xi32>
    %gather3A_1749 = tpu.vector_load_idx %arg21[%add3A_1748] : memref<10240xf32, #tpu.memory_space<vmem>>[vector<16xi32>], vector<16xf32>,
    %add3A_1750 = arith.addf %add3A_1745, %gather3A_1749 : vector<16xf32>
    %add3A_1751 = arith.constant 11 : i32
    %add3A_1752 = vector.broadcast %add3A_1751 : i32 to vector<16xi32>
    %add3A_1753 = arith.addi %add3A_1695, %add3A_1752 : vector<16xi32>
    %gather3A_1754 = tpu.vector_load_idx %arg21[%add3A_1753] : memref<10240xf32, #tpu.memory_space<vmem>>[vector<16xi32>], vector<16xf32>,
    %add3A_1755 = arith.addf %add3A_1750, %gather3A_1754 : vector<16xf32>
    %add3A_1756 = arith.constant 12 : i32
    %add3A_1757 = vector.broadcast %add3A_1756 : i32 to vector<16xi32>
    %add3A_1758 = arith.addi %add3A_1695, %add3A_1757 : vector<16xi32>
    %gather3A_1759 = tpu.vector_load_idx %arg21[%add3A_1758] : memref<10240xf32, #tpu.memory_space<vmem>>[vector<16xi32>], vector<16xf32>,
    %add3A_1760 = arith.addf %add3A_1755, %gather3A_1759 : vector<16xf32>
    %add3A_1761 = arith.constant 13 : i32
    %add3A_1762 = vector.broadcast %add3A_1761 : i32 to vector<16xi32>
    %add3A_1763 = arith.addi %add3A_1695, %add3A_1762 : vector<16xi32>
    %gather3A_1764 = tpu.vector_load_idx %arg21[%add3A_1763] : memref<10240xf32, #tpu.memory_space<vmem>>[vector<16xi32>], vector<16xf32>,
    %add3A_1765 = arith.addf %add3A_1760, %gather3A_1764 : vector<16xf32>
    %add3A_1766 = arith.constant 14 : i32
    %add3A_1767 = vector.broadcast %add3A_1766 : i32 to vector<16xi32>
    %add3A_1768 = arith.addi %add3A_1695, %add3A_1767 : vector<16xi32>
    %gather3A_1769 = tpu.vector_load_idx %arg21[%add3A_1768] : memref<10240xf32, #tpu.memory_space<vmem>>[vector<16xi32>], vector<16xf32>,
    %add3A_1770 = arith.addf %add3A_1765, %gather3A_1769 : vector<16xf32>
    %add3A_1771 = arith.constant 15 : i32
    %add3A_1772 = vector.broadcast %add3A_1771 : i32 to vector<16xi32>
    %add3A_1773 = arith.addi %add3A_1695, %add3A_1772 : vector<16xi32>
    %gather3A_1774 = tpu.vector_load_idx %arg21[%add3A_1773] : memref<10240xf32, #tpu.memory_space<vmem>>[vector<16xi32>], vector<16xf32>,
    %add3A_1775 = arith.addf %add3A_1770, %gather3A_1774 : vector<16xf32>
    %add3A_1776 = arith.constant 16 : i32
    %add3A_1777 = vector.broadcast %add3A_1776 : i32 to vector<16xi32>
    %add3A_1778 = arith.addi %add3A_1695, %add3A_1777 : vector<16xi32>
    %gather3A_1779 = tpu.vector_load_idx %arg21[%add3A_1778] : memref<10240xf32, #tpu.memory_space<vmem>>[vector<16xi32>], vector<16xf32>,
    %add3A_1780 = arith.addf %add3A_1775, %gather3A_1779 : vector<16xf32>
    %add3A_1781 = arith.constant 17 : i32
    %add3A_1782 = vector.broadcast %add3A_1781 : i32 to vector<16xi32>
    %add3A_1783 = arith.addi %add3A_1695, %add3A_1782 : vector<16xi32>
    %gather3A_1784 = tpu.vector_load_idx %arg21[%add3A_1783] : memref<10240xf32, #tpu.memory_space<vmem>>[vector<16xi32>], vector<16xf32>,
    %add3A_1785 = arith.addf %add3A_1780, %gather3A_1784 : vector<16xf32>
    %add3A_1786 = arith.constant 18 : i32
    %add3A_1787 = vector.broadcast %add3A_1786 : i32 to vector<16xi32>
    %add3A_1788 = arith.addi %add3A_1695, %add3A_1787 : vector<16xi32>
    %gather3A_1789 = tpu.vector_load_idx %arg21[%add3A_1788] : memref<10240xf32, #tpu.memory_space<vmem>>[vector<16xi32>], vector<16xf32>,
    %add3A_1790 = arith.addf %add3A_1785, %gather3A_1789 : vector<16xf32>
    %add3A_1791 = arith.constant 19 : i32
    %add3A_1792 = vector.broadcast %add3A_1791 : i32 to vector<16xi32>
    %add3A_1793 = arith.addi %add3A_1695, %add3A_1792 : vector<16xi32>
    %gather3A_1794 = tpu.vector_load_idx %arg21[%add3A_1793] : memref<10240xf32, #tpu.memory_space<vmem>>[vector<16xi32>], vector<16xf32>,
    %add3A_1795 = arith.addf %add3A_1790, %gather3A_1794 : vector<16xf32>
    %swap3A_1796 = arith.constant 208 : index
    %swap3A_1797 = tpu.vector_load %arg27[%swap3A_1796] {strides = array<i32>} : memref<512xf32, #tpu.memory_space<vmem>>, vector<16xf32>,
    tpu.vector_store %arg27[%swap3A_1796], %add3A_1795 {strides = array<i32>} : memref<512xf32, #tpu.memory_space<vmem>>, vector<16xf32>,
    %get3A_1798 = arith.constant 224 : index
    %get3A_1799 = tpu.vector_load %arg19[%get3A_1798] {strides = array<i32>} : memref<512xf32, #tpu.memory_space<vmem>>, vector<16xf32>,
    %mul3A_1800 = arith.mulf %get3A_1799, %get3A_33 : vector<16xf32>
    %add3A_1801 = arith.addf %mul3A_1800, %get3A_35 : vector<16xf32>
    %get3A_1802 = arith.constant 224 : index
    %get3A_1803 = tpu.vector_load %arg22[%get3A_1802] {strides = array<i32>} : memref<512xf32, #tpu.memory_space<vmem>>, vector<16xf32>,
    %add3A_1804 = arith.addf %add3A_1801, %get3A_1803 : vector<16xf32>
    %get3A_1805 = arith.constant 224 : index
    %get3A_1806 = tpu.vector_load %arg23[%get3A_1805] {strides = array<i32>} : memref<512xf32, #tpu.memory_space<vmem>>, vector<16xf32>,
    %add3A_1807 = arith.addf %add3A_1804, %get3A_1806 : vector<16xf32>
    %get3A_1808 = arith.constant 224 : index
    %get3A_1809 = tpu.vector_load %arg17[%get3A_1808] {strides = array<i32>} : memref<512xi32, #tpu.memory_space<vmem>>, vector<16xi32>,
    %gather3A_1810 = tpu.vector_load_idx %arg24[%get3A_1809] : memref<128xf32, #tpu.memory_space<vmem>>[vector<16xi32>], vector<16xf32>,
    %add3A_1811 = arith.addf %add3A_1807, %gather3A_1810 : vector<16xf32>
    %get3A_1812 = arith.constant 224 : index
    %get3A_1813 = tpu.vector_load %arg18[%get3A_1812] {strides = array<i32>} : memref<512xi32, #tpu.memory_space<vmem>>, vector<16xi32>,
    %gather3A_1814 = tpu.vector_load_idx %arg25[%get3A_1813] : memref<16xf32, #tpu.memory_space<vmem>>[vector<16xi32>], vector<16xf32>,
    %add3A_1815 = arith.addf %add3A_1811, %gather3A_1814 : vector<16xf32>
    %mul3A_1816 = arith.constant 20 : i32
    %mul3A_1817 = vector.broadcast %mul3A_1816 : i32 to vector<16xi32>
    %mul3A_1818 = arith.muli %iota3A, %mul3A_1817 : vector<16xi32>
    %add3A_1819 = arith.constant 4480 : i32
    %add3A_1820 = vector.broadcast %add3A_1819 : i32 to vector<16xi32>
    %add3A_1821 = arith.addi %mul3A_1818, %add3A_1820 : vector<16xi32>
    %add3A_1822 = arith.constant 0 : i32
    %add3A_1823 = vector.broadcast %add3A_1822 : i32 to vector<16xi32>
    %add3A_1824 = arith.addi %add3A_1821, %add3A_1823 : vector<16xi32>
    %gather3A_1825 = tpu.vector_load_idx %arg21[%add3A_1824] : memref<10240xf32, #tpu.memory_space<vmem>>[vector<16xi32>], vector<16xf32>,
    %add3A_1826 = arith.addf %add3A_1815, %gather3A_1825 : vector<16xf32>
    %add3A_1827 = arith.constant 1 : i32
    %add3A_1828 = vector.broadcast %add3A_1827 : i32 to vector<16xi32>
    %add3A_1829 = arith.addi %add3A_1821, %add3A_1828 : vector<16xi32>
    %gather3A_1830 = tpu.vector_load_idx %arg21[%add3A_1829] : memref<10240xf32, #tpu.memory_space<vmem>>[vector<16xi32>], vector<16xf32>,
    %add3A_1831 = arith.addf %add3A_1826, %gather3A_1830 : vector<16xf32>
    %add3A_1832 = arith.constant 2 : i32
    %add3A_1833 = vector.broadcast %add3A_1832 : i32 to vector<16xi32>
    %add3A_1834 = arith.addi %add3A_1821, %add3A_1833 : vector<16xi32>
    %gather3A_1835 = tpu.vector_load_idx %arg21[%add3A_1834] : memref<10240xf32, #tpu.memory_space<vmem>>[vector<16xi32>], vector<16xf32>,
    %add3A_1836 = arith.addf %add3A_1831, %gather3A_1835 : vector<16xf32>
    %add3A_1837 = arith.constant 3 : i32
    %add3A_1838 = vector.broadcast %add3A_1837 : i32 to vector<16xi32>
    %add3A_1839 = arith.addi %add3A_1821, %add3A_1838 : vector<16xi32>
    %gather3A_1840 = tpu.vector_load_idx %arg21[%add3A_1839] : memref<10240xf32, #tpu.memory_space<vmem>>[vector<16xi32>], vector<16xf32>,
    %add3A_1841 = arith.addf %add3A_1836, %gather3A_1840 : vector<16xf32>
    %add3A_1842 = arith.constant 4 : i32
    %add3A_1843 = vector.broadcast %add3A_1842 : i32 to vector<16xi32>
    %add3A_1844 = arith.addi %add3A_1821, %add3A_1843 : vector<16xi32>
    %gather3A_1845 = tpu.vector_load_idx %arg21[%add3A_1844] : memref<10240xf32, #tpu.memory_space<vmem>>[vector<16xi32>], vector<16xf32>,
    %add3A_1846 = arith.addf %add3A_1841, %gather3A_1845 : vector<16xf32>
    %add3A_1847 = arith.constant 5 : i32
    %add3A_1848 = vector.broadcast %add3A_1847 : i32 to vector<16xi32>
    %add3A_1849 = arith.addi %add3A_1821, %add3A_1848 : vector<16xi32>
    %gather3A_1850 = tpu.vector_load_idx %arg21[%add3A_1849] : memref<10240xf32, #tpu.memory_space<vmem>>[vector<16xi32>], vector<16xf32>,
    %add3A_1851 = arith.addf %add3A_1846, %gather3A_1850 : vector<16xf32>
    %add3A_1852 = arith.constant 6 : i32
    %add3A_1853 = vector.broadcast %add3A_1852 : i32 to vector<16xi32>
    %add3A_1854 = arith.addi %add3A_1821, %add3A_1853 : vector<16xi32>
    %gather3A_1855 = tpu.vector_load_idx %arg21[%add3A_1854] : memref<10240xf32, #tpu.memory_space<vmem>>[vector<16xi32>], vector<16xf32>,
    %add3A_1856 = arith.addf %add3A_1851, %gather3A_1855 : vector<16xf32>
    %add3A_1857 = arith.constant 7 : i32
    %add3A_1858 = vector.broadcast %add3A_1857 : i32 to vector<16xi32>
    %add3A_1859 = arith.addi %add3A_1821, %add3A_1858 : vector<16xi32>
    %gather3A_1860 = tpu.vector_load_idx %arg21[%add3A_1859] : memref<10240xf32, #tpu.memory_space<vmem>>[vector<16xi32>], vector<16xf32>,
    %add3A_1861 = arith.addf %add3A_1856, %gather3A_1860 : vector<16xf32>
    %add3A_1862 = arith.constant 8 : i32
    %add3A_1863 = vector.broadcast %add3A_1862 : i32 to vector<16xi32>
    %add3A_1864 = arith.addi %add3A_1821, %add3A_1863 : vector<16xi32>
    %gather3A_1865 = tpu.vector_load_idx %arg21[%add3A_1864] : memref<10240xf32, #tpu.memory_space<vmem>>[vector<16xi32>], vector<16xf32>,
    %add3A_1866 = arith.addf %add3A_1861, %gather3A_1865 : vector<16xf32>
    %add3A_1867 = arith.constant 9 : i32
    %add3A_1868 = vector.broadcast %add3A_1867 : i32 to vector<16xi32>
    %add3A_1869 = arith.addi %add3A_1821, %add3A_1868 : vector<16xi32>
    %gather3A_1870 = tpu.vector_load_idx %arg21[%add3A_1869] : memref<10240xf32, #tpu.memory_space<vmem>>[vector<16xi32>], vector<16xf32>,
    %add3A_1871 = arith.addf %add3A_1866, %gather3A_1870 : vector<16xf32>
    %add3A_1872 = arith.constant 10 : i32
    %add3A_1873 = vector.broadcast %add3A_1872 : i32 to vector<16xi32>
    %add3A_1874 = arith.addi %add3A_1821, %add3A_1873 : vector<16xi32>
    %gather3A_1875 = tpu.vector_load_idx %arg21[%add3A_1874] : memref<10240xf32, #tpu.memory_space<vmem>>[vector<16xi32>], vector<16xf32>,
    %add3A_1876 = arith.addf %add3A_1871, %gather3A_1875 : vector<16xf32>
    %add3A_1877 = arith.constant 11 : i32
    %add3A_1878 = vector.broadcast %add3A_1877 : i32 to vector<16xi32>
    %add3A_1879 = arith.addi %add3A_1821, %add3A_1878 : vector<16xi32>
    %gather3A_1880 = tpu.vector_load_idx %arg21[%add3A_1879] : memref<10240xf32, #tpu.memory_space<vmem>>[vector<16xi32>], vector<16xf32>,
    %add3A_1881 = arith.addf %add3A_1876, %gather3A_1880 : vector<16xf32>
    %add3A_1882 = arith.constant 12 : i32
    %add3A_1883 = vector.broadcast %add3A_1882 : i32 to vector<16xi32>
    %add3A_1884 = arith.addi %add3A_1821, %add3A_1883 : vector<16xi32>
    %gather3A_1885 = tpu.vector_load_idx %arg21[%add3A_1884] : memref<10240xf32, #tpu.memory_space<vmem>>[vector<16xi32>], vector<16xf32>,
    %add3A_1886 = arith.addf %add3A_1881, %gather3A_1885 : vector<16xf32>
    %add3A_1887 = arith.constant 13 : i32
    %add3A_1888 = vector.broadcast %add3A_1887 : i32 to vector<16xi32>
    %add3A_1889 = arith.addi %add3A_1821, %add3A_1888 : vector<16xi32>
    %gather3A_1890 = tpu.vector_load_idx %arg21[%add3A_1889] : memref<10240xf32, #tpu.memory_space<vmem>>[vector<16xi32>], vector<16xf32>,
    %add3A_1891 = arith.addf %add3A_1886, %gather3A_1890 : vector<16xf32>
    %add3A_1892 = arith.constant 14 : i32
    %add3A_1893 = vector.broadcast %add3A_1892 : i32 to vector<16xi32>
    %add3A_1894 = arith.addi %add3A_1821, %add3A_1893 : vector<16xi32>
    %gather3A_1895 = tpu.vector_load_idx %arg21[%add3A_1894] : memref<10240xf32, #tpu.memory_space<vmem>>[vector<16xi32>], vector<16xf32>,
    %add3A_1896 = arith.addf %add3A_1891, %gather3A_1895 : vector<16xf32>
    %add3A_1897 = arith.constant 15 : i32
    %add3A_1898 = vector.broadcast %add3A_1897 : i32 to vector<16xi32>
    %add3A_1899 = arith.addi %add3A_1821, %add3A_1898 : vector<16xi32>
    %gather3A_1900 = tpu.vector_load_idx %arg21[%add3A_1899] : memref<10240xf32, #tpu.memory_space<vmem>>[vector<16xi32>], vector<16xf32>,
    %add3A_1901 = arith.addf %add3A_1896, %gather3A_1900 : vector<16xf32>
    %add3A_1902 = arith.constant 16 : i32
    %add3A_1903 = vector.broadcast %add3A_1902 : i32 to vector<16xi32>
    %add3A_1904 = arith.addi %add3A_1821, %add3A_1903 : vector<16xi32>
    %gather3A_1905 = tpu.vector_load_idx %arg21[%add3A_1904] : memref<10240xf32, #tpu.memory_space<vmem>>[vector<16xi32>], vector<16xf32>,
    %add3A_1906 = arith.addf %add3A_1901, %gather3A_1905 : vector<16xf32>
    %add3A_1907 = arith.constant 17 : i32
    %add3A_1908 = vector.broadcast %add3A_1907 : i32 to vector<16xi32>
    %add3A_1909 = arith.addi %add3A_1821, %add3A_1908 : vector<16xi32>
    %gather3A_1910 = tpu.vector_load_idx %arg21[%add3A_1909] : memref<10240xf32, #tpu.memory_space<vmem>>[vector<16xi32>], vector<16xf32>,
    %add3A_1911 = arith.addf %add3A_1906, %gather3A_1910 : vector<16xf32>
    %add3A_1912 = arith.constant 18 : i32
    %add3A_1913 = vector.broadcast %add3A_1912 : i32 to vector<16xi32>
    %add3A_1914 = arith.addi %add3A_1821, %add3A_1913 : vector<16xi32>
    %gather3A_1915 = tpu.vector_load_idx %arg21[%add3A_1914] : memref<10240xf32, #tpu.memory_space<vmem>>[vector<16xi32>], vector<16xf32>,
    %add3A_1916 = arith.addf %add3A_1911, %gather3A_1915 : vector<16xf32>
    %add3A_1917 = arith.constant 19 : i32
    %add3A_1918 = vector.broadcast %add3A_1917 : i32 to vector<16xi32>
    %add3A_1919 = arith.addi %add3A_1821, %add3A_1918 : vector<16xi32>
    %gather3A_1920 = tpu.vector_load_idx %arg21[%add3A_1919] : memref<10240xf32, #tpu.memory_space<vmem>>[vector<16xi32>], vector<16xf32>,
    %add3A_1921 = arith.addf %add3A_1916, %gather3A_1920 : vector<16xf32>
    %swap3A_1922 = arith.constant 224 : index
    %swap3A_1923 = tpu.vector_load %arg27[%swap3A_1922] {strides = array<i32>} : memref<512xf32, #tpu.memory_space<vmem>>, vector<16xf32>,
    tpu.vector_store %arg27[%swap3A_1922], %add3A_1921 {strides = array<i32>} : memref<512xf32, #tpu.memory_space<vmem>>, vector<16xf32>,
    %get3A_1924 = arith.constant 240 : index
    %get3A_1925 = tpu.vector_load %arg19[%get3A_1924] {strides = array<i32>} : memref<512xf32, #tpu.memory_space<vmem>>, vector<16xf32>,
    %mul3A_1926 = arith.mulf %get3A_1925, %get3A_33 : vector<16xf32>
    %add3A_1927 = arith.addf %mul3A_1926, %get3A_35 : vector<16xf32>
    %get3A_1928 = arith.constant 240 : index
    %get3A_1929 = tpu.vector_load %arg22[%get3A_1928] {strides = array<i32>} : memref<512xf32, #tpu.memory_space<vmem>>, vector<16xf32>,
    %add3A_1930 = arith.addf %add3A_1927, %get3A_1929 : vector<16xf32>
    %get3A_1931 = arith.constant 240 : index
    %get3A_1932 = tpu.vector_load %arg23[%get3A_1931] {strides = array<i32>} : memref<512xf32, #tpu.memory_space<vmem>>, vector<16xf32>,
    %add3A_1933 = arith.addf %add3A_1930, %get3A_1932 : vector<16xf32>
    %get3A_1934 = arith.constant 240 : index
    %get3A_1935 = tpu.vector_load %arg17[%get3A_1934] {strides = array<i32>} : memref<512xi32, #tpu.memory_space<vmem>>, vector<16xi32>,
    %gather3A_1936 = tpu.vector_load_idx %arg24[%get3A_1935] : memref<128xf32, #tpu.memory_space<vmem>>[vector<16xi32>], vector<16xf32>,
    %add3A_1937 = arith.addf %add3A_1933, %gather3A_1936 : vector<16xf32>
    %get3A_1938 = arith.constant 240 : index
    %get3A_1939 = tpu.vector_load %arg18[%get3A_1938] {strides = array<i32>} : memref<512xi32, #tpu.memory_space<vmem>>, vector<16xi32>,
    %gather3A_1940 = tpu.vector_load_idx %arg25[%get3A_1939] : memref<16xf32, #tpu.memory_space<vmem>>[vector<16xi32>], vector<16xf32>,
    %add3A_1941 = arith.addf %add3A_1937, %gather3A_1940 : vector<16xf32>
    %mul3A_1942 = arith.constant 20 : i32
    %mul3A_1943 = vector.broadcast %mul3A_1942 : i32 to vector<16xi32>
    %mul3A_1944 = arith.muli %iota3A, %mul3A_1943 : vector<16xi32>
    %add3A_1945 = arith.constant 4800 : i32
    %add3A_1946 = vector.broadcast %add3A_1945 : i32 to vector<16xi32>
    %add3A_1947 = arith.addi %mul3A_1944, %add3A_1946 : vector<16xi32>
    %add3A_1948 = arith.constant 0 : i32
    %add3A_1949 = vector.broadcast %add3A_1948 : i32 to vector<16xi32>
    %add3A_1950 = arith.addi %add3A_1947, %add3A_1949 : vector<16xi32>
    %gather3A_1951 = tpu.vector_load_idx %arg21[%add3A_1950] : memref<10240xf32, #tpu.memory_space<vmem>>[vector<16xi32>], vector<16xf32>,
    %add3A_1952 = arith.addf %add3A_1941, %gather3A_1951 : vector<16xf32>
    %add3A_1953 = arith.constant 1 : i32
    %add3A_1954 = vector.broadcast %add3A_1953 : i32 to vector<16xi32>
    %add3A_1955 = arith.addi %add3A_1947, %add3A_1954 : vector<16xi32>
    %gather3A_1956 = tpu.vector_load_idx %arg21[%add3A_1955] : memref<10240xf32, #tpu.memory_space<vmem>>[vector<16xi32>], vector<16xf32>,
    %add3A_1957 = arith.addf %add3A_1952, %gather3A_1956 : vector<16xf32>
    %add3A_1958 = arith.constant 2 : i32
    %add3A_1959 = vector.broadcast %add3A_1958 : i32 to vector<16xi32>
    %add3A_1960 = arith.addi %add3A_1947, %add3A_1959 : vector<16xi32>
    %gather3A_1961 = tpu.vector_load_idx %arg21[%add3A_1960] : memref<10240xf32, #tpu.memory_space<vmem>>[vector<16xi32>], vector<16xf32>,
    %add3A_1962 = arith.addf %add3A_1957, %gather3A_1961 : vector<16xf32>
    %add3A_1963 = arith.constant 3 : i32
    %add3A_1964 = vector.broadcast %add3A_1963 : i32 to vector<16xi32>
    %add3A_1965 = arith.addi %add3A_1947, %add3A_1964 : vector<16xi32>
    %gather3A_1966 = tpu.vector_load_idx %arg21[%add3A_1965] : memref<10240xf32, #tpu.memory_space<vmem>>[vector<16xi32>], vector<16xf32>,
    %add3A_1967 = arith.addf %add3A_1962, %gather3A_1966 : vector<16xf32>
    %add3A_1968 = arith.constant 4 : i32
    %add3A_1969 = vector.broadcast %add3A_1968 : i32 to vector<16xi32>
    %add3A_1970 = arith.addi %add3A_1947, %add3A_1969 : vector<16xi32>
    %gather3A_1971 = tpu.vector_load_idx %arg21[%add3A_1970] : memref<10240xf32, #tpu.memory_space<vmem>>[vector<16xi32>], vector<16xf32>,
    %add3A_1972 = arith.addf %add3A_1967, %gather3A_1971 : vector<16xf32>
    %add3A_1973 = arith.constant 5 : i32
    %add3A_1974 = vector.broadcast %add3A_1973 : i32 to vector<16xi32>
    %add3A_1975 = arith.addi %add3A_1947, %add3A_1974 : vector<16xi32>
    %gather3A_1976 = tpu.vector_load_idx %arg21[%add3A_1975] : memref<10240xf32, #tpu.memory_space<vmem>>[vector<16xi32>], vector<16xf32>,
    %add3A_1977 = arith.addf %add3A_1972, %gather3A_1976 : vector<16xf32>
    %add3A_1978 = arith.constant 6 : i32
    %add3A_1979 = vector.broadcast %add3A_1978 : i32 to vector<16xi32>
    %add3A_1980 = arith.addi %add3A_1947, %add3A_1979 : vector<16xi32>
    %gather3A_1981 = tpu.vector_load_idx %arg21[%add3A_1980] : memref<10240xf32, #tpu.memory_space<vmem>>[vector<16xi32>], vector<16xf32>,
    %add3A_1982 = arith.addf %add3A_1977, %gather3A_1981 : vector<16xf32>
    %add3A_1983 = arith.constant 7 : i32
    %add3A_1984 = vector.broadcast %add3A_1983 : i32 to vector<16xi32>
    %add3A_1985 = arith.addi %add3A_1947, %add3A_1984 : vector<16xi32>
    %gather3A_1986 = tpu.vector_load_idx %arg21[%add3A_1985] : memref<10240xf32, #tpu.memory_space<vmem>>[vector<16xi32>], vector<16xf32>,
    %add3A_1987 = arith.addf %add3A_1982, %gather3A_1986 : vector<16xf32>
    %add3A_1988 = arith.constant 8 : i32
    %add3A_1989 = vector.broadcast %add3A_1988 : i32 to vector<16xi32>
    %add3A_1990 = arith.addi %add3A_1947, %add3A_1989 : vector<16xi32>
    %gather3A_1991 = tpu.vector_load_idx %arg21[%add3A_1990] : memref<10240xf32, #tpu.memory_space<vmem>>[vector<16xi32>], vector<16xf32>,
    %add3A_1992 = arith.addf %add3A_1987, %gather3A_1991 : vector<16xf32>
    %add3A_1993 = arith.constant 9 : i32
    %add3A_1994 = vector.broadcast %add3A_1993 : i32 to vector<16xi32>
    %add3A_1995 = arith.addi %add3A_1947, %add3A_1994 : vector<16xi32>
    %gather3A_1996 = tpu.vector_load_idx %arg21[%add3A_1995] : memref<10240xf32, #tpu.memory_space<vmem>>[vector<16xi32>], vector<16xf32>,
    %add3A_1997 = arith.addf %add3A_1992, %gather3A_1996 : vector<16xf32>
    %add3A_1998 = arith.constant 10 : i32
    %add3A_1999 = vector.broadcast %add3A_1998 : i32 to vector<16xi32>
    %add3A_2000 = arith.addi %add3A_1947, %add3A_1999 : vector<16xi32>
    %gather3A_2001 = tpu.vector_load_idx %arg21[%add3A_2000] : memref<10240xf32, #tpu.memory_space<vmem>>[vector<16xi32>], vector<16xf32>,
    %add3A_2002 = arith.addf %add3A_1997, %gather3A_2001 : vector<16xf32>
    %add3A_2003 = arith.constant 11 : i32
    %add3A_2004 = vector.broadcast %add3A_2003 : i32 to vector<16xi32>
    %add3A_2005 = arith.addi %add3A_1947, %add3A_2004 : vector<16xi32>
    %gather3A_2006 = tpu.vector_load_idx %arg21[%add3A_2005] : memref<10240xf32, #tpu.memory_space<vmem>>[vector<16xi32>], vector<16xf32>,
    %add3A_2007 = arith.addf %add3A_2002, %gather3A_2006 : vector<16xf32>
    %add3A_2008 = arith.constant 12 : i32
    %add3A_2009 = vector.broadcast %add3A_2008 : i32 to vector<16xi32>
    %add3A_2010 = arith.addi %add3A_1947, %add3A_2009 : vector<16xi32>
    %gather3A_2011 = tpu.vector_load_idx %arg21[%add3A_2010] : memref<10240xf32, #tpu.memory_space<vmem>>[vector<16xi32>], vector<16xf32>,
    %add3A_2012 = arith.addf %add3A_2007, %gather3A_2011 : vector<16xf32>
    %add3A_2013 = arith.constant 13 : i32
    %add3A_2014 = vector.broadcast %add3A_2013 : i32 to vector<16xi32>
    %add3A_2015 = arith.addi %add3A_1947, %add3A_2014 : vector<16xi32>
    %gather3A_2016 = tpu.vector_load_idx %arg21[%add3A_2015] : memref<10240xf32, #tpu.memory_space<vmem>>[vector<16xi32>], vector<16xf32>,
    %add3A_2017 = arith.addf %add3A_2012, %gather3A_2016 : vector<16xf32>
    %add3A_2018 = arith.constant 14 : i32
    %add3A_2019 = vector.broadcast %add3A_2018 : i32 to vector<16xi32>
    %add3A_2020 = arith.addi %add3A_1947, %add3A_2019 : vector<16xi32>
    %gather3A_2021 = tpu.vector_load_idx %arg21[%add3A_2020] : memref<10240xf32, #tpu.memory_space<vmem>>[vector<16xi32>], vector<16xf32>,
    %add3A_2022 = arith.addf %add3A_2017, %gather3A_2021 : vector<16xf32>
    %add3A_2023 = arith.constant 15 : i32
    %add3A_2024 = vector.broadcast %add3A_2023 : i32 to vector<16xi32>
    %add3A_2025 = arith.addi %add3A_1947, %add3A_2024 : vector<16xi32>
    %gather3A_2026 = tpu.vector_load_idx %arg21[%add3A_2025] : memref<10240xf32, #tpu.memory_space<vmem>>[vector<16xi32>], vector<16xf32>,
    %add3A_2027 = arith.addf %add3A_2022, %gather3A_2026 : vector<16xf32>
    %add3A_2028 = arith.constant 16 : i32
    %add3A_2029 = vector.broadcast %add3A_2028 : i32 to vector<16xi32>
    %add3A_2030 = arith.addi %add3A_1947, %add3A_2029 : vector<16xi32>
    %gather3A_2031 = tpu.vector_load_idx %arg21[%add3A_2030] : memref<10240xf32, #tpu.memory_space<vmem>>[vector<16xi32>], vector<16xf32>,
    %add3A_2032 = arith.addf %add3A_2027, %gather3A_2031 : vector<16xf32>
    %add3A_2033 = arith.constant 17 : i32
    %add3A_2034 = vector.broadcast %add3A_2033 : i32 to vector<16xi32>
    %add3A_2035 = arith.addi %add3A_1947, %add3A_2034 : vector<16xi32>
    %gather3A_2036 = tpu.vector_load_idx %arg21[%add3A_2035] : memref<10240xf32, #tpu.memory_space<vmem>>[vector<16xi32>], vector<16xf32>,
    %add3A_2037 = arith.addf %add3A_2032, %gather3A_2036 : vector<16xf32>
    %add3A_2038 = arith.constant 18 : i32
    %add3A_2039 = vector.broadcast %add3A_2038 : i32 to vector<16xi32>
    %add3A_2040 = arith.addi %add3A_1947, %add3A_2039 : vector<16xi32>
    %gather3A_2041 = tpu.vector_load_idx %arg21[%add3A_2040] : memref<10240xf32, #tpu.memory_space<vmem>>[vector<16xi32>], vector<16xf32>,
    %add3A_2042 = arith.addf %add3A_2037, %gather3A_2041 : vector<16xf32>
    %add3A_2043 = arith.constant 19 : i32
    %add3A_2044 = vector.broadcast %add3A_2043 : i32 to vector<16xi32>
    %add3A_2045 = arith.addi %add3A_1947, %add3A_2044 : vector<16xi32>
    %gather3A_2046 = tpu.vector_load_idx %arg21[%add3A_2045] : memref<10240xf32, #tpu.memory_space<vmem>>[vector<16xi32>], vector<16xf32>,
    %add3A_2047 = arith.addf %add3A_2042, %gather3A_2046 : vector<16xf32>
    %swap3A_2048 = arith.constant 240 : index
    %swap3A_2049 = tpu.vector_load %arg27[%swap3A_2048] {strides = array<i32>} : memref<512xf32, #tpu.memory_space<vmem>>, vector<16xf32>,
    tpu.vector_store %arg27[%swap3A_2048], %add3A_2047 {strides = array<i32>} : memref<512xf32, #tpu.memory_space<vmem>>, vector<16xf32>,
    %get3A_2050 = arith.constant 256 : index
    %get3A_2051 = tpu.vector_load %arg19[%get3A_2050] {strides = array<i32>} : memref<512xf32, #tpu.memory_space<vmem>>, vector<16xf32>,
    %mul3A_2052 = arith.mulf %get3A_2051, %get3A_33 : vector<16xf32>
    %add3A_2053 = arith.addf %mul3A_2052, %get3A_35 : vector<16xf32>
    %get3A_2054 = arith.constant 256 : index
    %get3A_2055 = tpu.vector_load %arg22[%get3A_2054] {strides = array<i32>} : memref<512xf32, #tpu.memory_space<vmem>>, vector<16xf32>,
    %add3A_2056 = arith.addf %add3A_2053, %get3A_2055 : vector<16xf32>
    %get3A_2057 = arith.constant 256 : index
    %get3A_2058 = tpu.vector_load %arg23[%get3A_2057] {strides = array<i32>} : memref<512xf32, #tpu.memory_space<vmem>>, vector<16xf32>,
    %add3A_2059 = arith.addf %add3A_2056, %get3A_2058 : vector<16xf32>
    %get3A_2060 = arith.constant 256 : index
    %get3A_2061 = tpu.vector_load %arg17[%get3A_2060] {strides = array<i32>} : memref<512xi32, #tpu.memory_space<vmem>>, vector<16xi32>,
    %gather3A_2062 = tpu.vector_load_idx %arg24[%get3A_2061] : memref<128xf32, #tpu.memory_space<vmem>>[vector<16xi32>], vector<16xf32>,
    %add3A_2063 = arith.addf %add3A_2059, %gather3A_2062 : vector<16xf32>
    %get3A_2064 = arith.constant 256 : index
    %get3A_2065 = tpu.vector_load %arg18[%get3A_2064] {strides = array<i32>} : memref<512xi32, #tpu.memory_space<vmem>>, vector<16xi32>,
    %gather3A_2066 = tpu.vector_load_idx %arg25[%get3A_2065] : memref<16xf32, #tpu.memory_space<vmem>>[vector<16xi32>], vector<16xf32>,
    %add3A_2067 = arith.addf %add3A_2063, %gather3A_2066 : vector<16xf32>
    %mul3A_2068 = arith.constant 20 : i32
    %mul3A_2069 = vector.broadcast %mul3A_2068 : i32 to vector<16xi32>
    %mul3A_2070 = arith.muli %iota3A, %mul3A_2069 : vector<16xi32>
    %add3A_2071 = arith.constant 5120 : i32
    %add3A_2072 = vector.broadcast %add3A_2071 : i32 to vector<16xi32>
    %add3A_2073 = arith.addi %mul3A_2070, %add3A_2072 : vector<16xi32>
    %add3A_2074 = arith.constant 0 : i32
    %add3A_2075 = vector.broadcast %add3A_2074 : i32 to vector<16xi32>
    %add3A_2076 = arith.addi %add3A_2073, %add3A_2075 : vector<16xi32>
    %gather3A_2077 = tpu.vector_load_idx %arg21[%add3A_2076] : memref<10240xf32, #tpu.memory_space<vmem>>[vector<16xi32>], vector<16xf32>,
    %add3A_2078 = arith.addf %add3A_2067, %gather3A_2077 : vector<16xf32>
    %add3A_2079 = arith.constant 1 : i32
    %add3A_2080 = vector.broadcast %add3A_2079 : i32 to vector<16xi32>
    %add3A_2081 = arith.addi %add3A_2073, %add3A_2080 : vector<16xi32>
    %gather3A_2082 = tpu.vector_load_idx %arg21[%add3A_2081] : memref<10240xf32, #tpu.memory_space<vmem>>[vector<16xi32>], vector<16xf32>,
    %add3A_2083 = arith.addf %add3A_2078, %gather3A_2082 : vector<16xf32>
    %add3A_2084 = arith.constant 2 : i32
    %add3A_2085 = vector.broadcast %add3A_2084 : i32 to vector<16xi32>
    %add3A_2086 = arith.addi %add3A_2073, %add3A_2085 : vector<16xi32>
    %gather3A_2087 = tpu.vector_load_idx %arg21[%add3A_2086] : memref<10240xf32, #tpu.memory_space<vmem>>[vector<16xi32>], vector<16xf32>,
    %add3A_2088 = arith.addf %add3A_2083, %gather3A_2087 : vector<16xf32>
    %add3A_2089 = arith.constant 3 : i32
    %add3A_2090 = vector.broadcast %add3A_2089 : i32 to vector<16xi32>
    %add3A_2091 = arith.addi %add3A_2073, %add3A_2090 : vector<16xi32>
    %gather3A_2092 = tpu.vector_load_idx %arg21[%add3A_2091] : memref<10240xf32, #tpu.memory_space<vmem>>[vector<16xi32>], vector<16xf32>,
    %add3A_2093 = arith.addf %add3A_2088, %gather3A_2092 : vector<16xf32>
    %add3A_2094 = arith.constant 4 : i32
    %add3A_2095 = vector.broadcast %add3A_2094 : i32 to vector<16xi32>
    %add3A_2096 = arith.addi %add3A_2073, %add3A_2095 : vector<16xi32>
    %gather3A_2097 = tpu.vector_load_idx %arg21[%add3A_2096] : memref<10240xf32, #tpu.memory_space<vmem>>[vector<16xi32>], vector<16xf32>,
    %add3A_2098 = arith.addf %add3A_2093, %gather3A_2097 : vector<16xf32>
    %add3A_2099 = arith.constant 5 : i32
    %add3A_2100 = vector.broadcast %add3A_2099 : i32 to vector<16xi32>
    %add3A_2101 = arith.addi %add3A_2073, %add3A_2100 : vector<16xi32>
    %gather3A_2102 = tpu.vector_load_idx %arg21[%add3A_2101] : memref<10240xf32, #tpu.memory_space<vmem>>[vector<16xi32>], vector<16xf32>,
    %add3A_2103 = arith.addf %add3A_2098, %gather3A_2102 : vector<16xf32>
    %add3A_2104 = arith.constant 6 : i32
    %add3A_2105 = vector.broadcast %add3A_2104 : i32 to vector<16xi32>
    %add3A_2106 = arith.addi %add3A_2073, %add3A_2105 : vector<16xi32>
    %gather3A_2107 = tpu.vector_load_idx %arg21[%add3A_2106] : memref<10240xf32, #tpu.memory_space<vmem>>[vector<16xi32>], vector<16xf32>,
    %add3A_2108 = arith.addf %add3A_2103, %gather3A_2107 : vector<16xf32>
    %add3A_2109 = arith.constant 7 : i32
    %add3A_2110 = vector.broadcast %add3A_2109 : i32 to vector<16xi32>
    %add3A_2111 = arith.addi %add3A_2073, %add3A_2110 : vector<16xi32>
    %gather3A_2112 = tpu.vector_load_idx %arg21[%add3A_2111] : memref<10240xf32, #tpu.memory_space<vmem>>[vector<16xi32>], vector<16xf32>,
    %add3A_2113 = arith.addf %add3A_2108, %gather3A_2112 : vector<16xf32>
    %add3A_2114 = arith.constant 8 : i32
    %add3A_2115 = vector.broadcast %add3A_2114 : i32 to vector<16xi32>
    %add3A_2116 = arith.addi %add3A_2073, %add3A_2115 : vector<16xi32>
    %gather3A_2117 = tpu.vector_load_idx %arg21[%add3A_2116] : memref<10240xf32, #tpu.memory_space<vmem>>[vector<16xi32>], vector<16xf32>,
    %add3A_2118 = arith.addf %add3A_2113, %gather3A_2117 : vector<16xf32>
    %add3A_2119 = arith.constant 9 : i32
    %add3A_2120 = vector.broadcast %add3A_2119 : i32 to vector<16xi32>
    %add3A_2121 = arith.addi %add3A_2073, %add3A_2120 : vector<16xi32>
    %gather3A_2122 = tpu.vector_load_idx %arg21[%add3A_2121] : memref<10240xf32, #tpu.memory_space<vmem>>[vector<16xi32>], vector<16xf32>,
    %add3A_2123 = arith.addf %add3A_2118, %gather3A_2122 : vector<16xf32>
    %add3A_2124 = arith.constant 10 : i32
    %add3A_2125 = vector.broadcast %add3A_2124 : i32 to vector<16xi32>
    %add3A_2126 = arith.addi %add3A_2073, %add3A_2125 : vector<16xi32>
    %gather3A_2127 = tpu.vector_load_idx %arg21[%add3A_2126] : memref<10240xf32, #tpu.memory_space<vmem>>[vector<16xi32>], vector<16xf32>,
    %add3A_2128 = arith.addf %add3A_2123, %gather3A_2127 : vector<16xf32>
    %add3A_2129 = arith.constant 11 : i32
    %add3A_2130 = vector.broadcast %add3A_2129 : i32 to vector<16xi32>
    %add3A_2131 = arith.addi %add3A_2073, %add3A_2130 : vector<16xi32>
    %gather3A_2132 = tpu.vector_load_idx %arg21[%add3A_2131] : memref<10240xf32, #tpu.memory_space<vmem>>[vector<16xi32>], vector<16xf32>,
    %add3A_2133 = arith.addf %add3A_2128, %gather3A_2132 : vector<16xf32>
    %add3A_2134 = arith.constant 12 : i32
    %add3A_2135 = vector.broadcast %add3A_2134 : i32 to vector<16xi32>
    %add3A_2136 = arith.addi %add3A_2073, %add3A_2135 : vector<16xi32>
    %gather3A_2137 = tpu.vector_load_idx %arg21[%add3A_2136] : memref<10240xf32, #tpu.memory_space<vmem>>[vector<16xi32>], vector<16xf32>,
    %add3A_2138 = arith.addf %add3A_2133, %gather3A_2137 : vector<16xf32>
    %add3A_2139 = arith.constant 13 : i32
    %add3A_2140 = vector.broadcast %add3A_2139 : i32 to vector<16xi32>
    %add3A_2141 = arith.addi %add3A_2073, %add3A_2140 : vector<16xi32>
    %gather3A_2142 = tpu.vector_load_idx %arg21[%add3A_2141] : memref<10240xf32, #tpu.memory_space<vmem>>[vector<16xi32>], vector<16xf32>,
    %add3A_2143 = arith.addf %add3A_2138, %gather3A_2142 : vector<16xf32>
    %add3A_2144 = arith.constant 14 : i32
    %add3A_2145 = vector.broadcast %add3A_2144 : i32 to vector<16xi32>
    %add3A_2146 = arith.addi %add3A_2073, %add3A_2145 : vector<16xi32>
    %gather3A_2147 = tpu.vector_load_idx %arg21[%add3A_2146] : memref<10240xf32, #tpu.memory_space<vmem>>[vector<16xi32>], vector<16xf32>,
    %add3A_2148 = arith.addf %add3A_2143, %gather3A_2147 : vector<16xf32>
    %add3A_2149 = arith.constant 15 : i32
    %add3A_2150 = vector.broadcast %add3A_2149 : i32 to vector<16xi32>
    %add3A_2151 = arith.addi %add3A_2073, %add3A_2150 : vector<16xi32>
    %gather3A_2152 = tpu.vector_load_idx %arg21[%add3A_2151] : memref<10240xf32, #tpu.memory_space<vmem>>[vector<16xi32>], vector<16xf32>,
    %add3A_2153 = arith.addf %add3A_2148, %gather3A_2152 : vector<16xf32>
    %add3A_2154 = arith.constant 16 : i32
    %add3A_2155 = vector.broadcast %add3A_2154 : i32 to vector<16xi32>
    %add3A_2156 = arith.addi %add3A_2073, %add3A_2155 : vector<16xi32>
    %gather3A_2157 = tpu.vector_load_idx %arg21[%add3A_2156] : memref<10240xf32, #tpu.memory_space<vmem>>[vector<16xi32>], vector<16xf32>,
    %add3A_2158 = arith.addf %add3A_2153, %gather3A_2157 : vector<16xf32>
    %add3A_2159 = arith.constant 17 : i32
    %add3A_2160 = vector.broadcast %add3A_2159 : i32 to vector<16xi32>
    %add3A_2161 = arith.addi %add3A_2073, %add3A_2160 : vector<16xi32>
    %gather3A_2162 = tpu.vector_load_idx %arg21[%add3A_2161] : memref<10240xf32, #tpu.memory_space<vmem>>[vector<16xi32>], vector<16xf32>,
    %add3A_2163 = arith.addf %add3A_2158, %gather3A_2162 : vector<16xf32>
    %add3A_2164 = arith.constant 18 : i32
    %add3A_2165 = vector.broadcast %add3A_2164 : i32 to vector<16xi32>
    %add3A_2166 = arith.addi %add3A_2073, %add3A_2165 : vector<16xi32>
    %gather3A_2167 = tpu.vector_load_idx %arg21[%add3A_2166] : memref<10240xf32, #tpu.memory_space<vmem>>[vector<16xi32>], vector<16xf32>,
    %add3A_2168 = arith.addf %add3A_2163, %gather3A_2167 : vector<16xf32>
    %add3A_2169 = arith.constant 19 : i32
    %add3A_2170 = vector.broadcast %add3A_2169 : i32 to vector<16xi32>
    %add3A_2171 = arith.addi %add3A_2073, %add3A_2170 : vector<16xi32>
    %gather3A_2172 = tpu.vector_load_idx %arg21[%add3A_2171] : memref<10240xf32, #tpu.memory_space<vmem>>[vector<16xi32>], vector<16xf32>,
    %add3A_2173 = arith.addf %add3A_2168, %gather3A_2172 : vector<16xf32>
    %swap3A_2174 = arith.constant 256 : index
    %swap3A_2175 = tpu.vector_load %arg27[%swap3A_2174] {strides = array<i32>} : memref<512xf32, #tpu.memory_space<vmem>>, vector<16xf32>,
    tpu.vector_store %arg27[%swap3A_2174], %add3A_2173 {strides = array<i32>} : memref<512xf32, #tpu.memory_space<vmem>>, vector<16xf32>,
    %get3A_2176 = arith.constant 272 : index
    %get3A_2177 = tpu.vector_load %arg19[%get3A_2176] {strides = array<i32>} : memref<512xf32, #tpu.memory_space<vmem>>, vector<16xf32>,
    %mul3A_2178 = arith.mulf %get3A_2177, %get3A_33 : vector<16xf32>
    %add3A_2179 = arith.addf %mul3A_2178, %get3A_35 : vector<16xf32>
    %get3A_2180 = arith.constant 272 : index
    %get3A_2181 = tpu.vector_load %arg22[%get3A_2180] {strides = array<i32>} : memref<512xf32, #tpu.memory_space<vmem>>, vector<16xf32>,
    %add3A_2182 = arith.addf %add3A_2179, %get3A_2181 : vector<16xf32>
    %get3A_2183 = arith.constant 272 : index
    %get3A_2184 = tpu.vector_load %arg23[%get3A_2183] {strides = array<i32>} : memref<512xf32, #tpu.memory_space<vmem>>, vector<16xf32>,
    %add3A_2185 = arith.addf %add3A_2182, %get3A_2184 : vector<16xf32>
    %get3A_2186 = arith.constant 272 : index
    %get3A_2187 = tpu.vector_load %arg17[%get3A_2186] {strides = array<i32>} : memref<512xi32, #tpu.memory_space<vmem>>, vector<16xi32>,
    %gather3A_2188 = tpu.vector_load_idx %arg24[%get3A_2187] : memref<128xf32, #tpu.memory_space<vmem>>[vector<16xi32>], vector<16xf32>,
    %add3A_2189 = arith.addf %add3A_2185, %gather3A_2188 : vector<16xf32>
    %get3A_2190 = arith.constant 272 : index
    %get3A_2191 = tpu.vector_load %arg18[%get3A_2190] {strides = array<i32>} : memref<512xi32, #tpu.memory_space<vmem>>, vector<16xi32>,
    %gather3A_2192 = tpu.vector_load_idx %arg25[%get3A_2191] : memref<16xf32, #tpu.memory_space<vmem>>[vector<16xi32>], vector<16xf32>,
    %add3A_2193 = arith.addf %add3A_2189, %gather3A_2192 : vector<16xf32>
    %mul3A_2194 = arith.constant 20 : i32
    %mul3A_2195 = vector.broadcast %mul3A_2194 : i32 to vector<16xi32>
    %mul3A_2196 = arith.muli %iota3A, %mul3A_2195 : vector<16xi32>
    %add3A_2197 = arith.constant 5440 : i32
    %add3A_2198 = vector.broadcast %add3A_2197 : i32 to vector<16xi32>
    %add3A_2199 = arith.addi %mul3A_2196, %add3A_2198 : vector<16xi32>
    %add3A_2200 = arith.constant 0 : i32
    %add3A_2201 = vector.broadcast %add3A_2200 : i32 to vector<16xi32>
    %add3A_2202 = arith.addi %add3A_2199, %add3A_2201 : vector<16xi32>
    %gather3A_2203 = tpu.vector_load_idx %arg21[%add3A_2202] : memref<10240xf32, #tpu.memory_space<vmem>>[vector<16xi32>], vector<16xf32>,
    %add3A_2204 = arith.addf %add3A_2193, %gather3A_2203 : vector<16xf32>
    %add3A_2205 = arith.constant 1 : i32
    %add3A_2206 = vector.broadcast %add3A_2205 : i32 to vector<16xi32>
    %add3A_2207 = arith.addi %add3A_2199, %add3A_2206 : vector<16xi32>
    %gather3A_2208 = tpu.vector_load_idx %arg21[%add3A_2207] : memref<10240xf32, #tpu.memory_space<vmem>>[vector<16xi32>], vector<16xf32>,
    %add3A_2209 = arith.addf %add3A_2204, %gather3A_2208 : vector<16xf32>
    %add3A_2210 = arith.constant 2 : i32
    %add3A_2211 = vector.broadcast %add3A_2210 : i32 to vector<16xi32>
    %add3A_2212 = arith.addi %add3A_2199, %add3A_2211 : vector<16xi32>
    %gather3A_2213 = tpu.vector_load_idx %arg21[%add3A_2212] : memref<10240xf32, #tpu.memory_space<vmem>>[vector<16xi32>], vector<16xf32>,
    %add3A_2214 = arith.addf %add3A_2209, %gather3A_2213 : vector<16xf32>
    %add3A_2215 = arith.constant 3 : i32
    %add3A_2216 = vector.broadcast %add3A_2215 : i32 to vector<16xi32>
    %add3A_2217 = arith.addi %add3A_2199, %add3A_2216 : vector<16xi32>
    %gather3A_2218 = tpu.vector_load_idx %arg21[%add3A_2217] : memref<10240xf32, #tpu.memory_space<vmem>>[vector<16xi32>], vector<16xf32>,
    %add3A_2219 = arith.addf %add3A_2214, %gather3A_2218 : vector<16xf32>
    %add3A_2220 = arith.constant 4 : i32
    %add3A_2221 = vector.broadcast %add3A_2220 : i32 to vector<16xi32>
    %add3A_2222 = arith.addi %add3A_2199, %add3A_2221 : vector<16xi32>
    %gather3A_2223 = tpu.vector_load_idx %arg21[%add3A_2222] : memref<10240xf32, #tpu.memory_space<vmem>>[vector<16xi32>], vector<16xf32>,
    %add3A_2224 = arith.addf %add3A_2219, %gather3A_2223 : vector<16xf32>
    %add3A_2225 = arith.constant 5 : i32
    %add3A_2226 = vector.broadcast %add3A_2225 : i32 to vector<16xi32>
    %add3A_2227 = arith.addi %add3A_2199, %add3A_2226 : vector<16xi32>
    %gather3A_2228 = tpu.vector_load_idx %arg21[%add3A_2227] : memref<10240xf32, #tpu.memory_space<vmem>>[vector<16xi32>], vector<16xf32>,
    %add3A_2229 = arith.addf %add3A_2224, %gather3A_2228 : vector<16xf32>
    %add3A_2230 = arith.constant 6 : i32
    %add3A_2231 = vector.broadcast %add3A_2230 : i32 to vector<16xi32>
    %add3A_2232 = arith.addi %add3A_2199, %add3A_2231 : vector<16xi32>
    %gather3A_2233 = tpu.vector_load_idx %arg21[%add3A_2232] : memref<10240xf32, #tpu.memory_space<vmem>>[vector<16xi32>], vector<16xf32>,
    %add3A_2234 = arith.addf %add3A_2229, %gather3A_2233 : vector<16xf32>
    %add3A_2235 = arith.constant 7 : i32
    %add3A_2236 = vector.broadcast %add3A_2235 : i32 to vector<16xi32>
    %add3A_2237 = arith.addi %add3A_2199, %add3A_2236 : vector<16xi32>
    %gather3A_2238 = tpu.vector_load_idx %arg21[%add3A_2237] : memref<10240xf32, #tpu.memory_space<vmem>>[vector<16xi32>], vector<16xf32>,
    %add3A_2239 = arith.addf %add3A_2234, %gather3A_2238 : vector<16xf32>
    %add3A_2240 = arith.constant 8 : i32
    %add3A_2241 = vector.broadcast %add3A_2240 : i32 to vector<16xi32>
    %add3A_2242 = arith.addi %add3A_2199, %add3A_2241 : vector<16xi32>
    %gather3A_2243 = tpu.vector_load_idx %arg21[%add3A_2242] : memref<10240xf32, #tpu.memory_space<vmem>>[vector<16xi32>], vector<16xf32>,
    %add3A_2244 = arith.addf %add3A_2239, %gather3A_2243 : vector<16xf32>
    %add3A_2245 = arith.constant 9 : i32
    %add3A_2246 = vector.broadcast %add3A_2245 : i32 to vector<16xi32>
    %add3A_2247 = arith.addi %add3A_2199, %add3A_2246 : vector<16xi32>
    %gather3A_2248 = tpu.vector_load_idx %arg21[%add3A_2247] : memref<10240xf32, #tpu.memory_space<vmem>>[vector<16xi32>], vector<16xf32>,
    %add3A_2249 = arith.addf %add3A_2244, %gather3A_2248 : vector<16xf32>
    %add3A_2250 = arith.constant 10 : i32
    %add3A_2251 = vector.broadcast %add3A_2250 : i32 to vector<16xi32>
    %add3A_2252 = arith.addi %add3A_2199, %add3A_2251 : vector<16xi32>
    %gather3A_2253 = tpu.vector_load_idx %arg21[%add3A_2252] : memref<10240xf32, #tpu.memory_space<vmem>>[vector<16xi32>], vector<16xf32>,
    %add3A_2254 = arith.addf %add3A_2249, %gather3A_2253 : vector<16xf32>
    %add3A_2255 = arith.constant 11 : i32
    %add3A_2256 = vector.broadcast %add3A_2255 : i32 to vector<16xi32>
    %add3A_2257 = arith.addi %add3A_2199, %add3A_2256 : vector<16xi32>
    %gather3A_2258 = tpu.vector_load_idx %arg21[%add3A_2257] : memref<10240xf32, #tpu.memory_space<vmem>>[vector<16xi32>], vector<16xf32>,
    %add3A_2259 = arith.addf %add3A_2254, %gather3A_2258 : vector<16xf32>
    %add3A_2260 = arith.constant 12 : i32
    %add3A_2261 = vector.broadcast %add3A_2260 : i32 to vector<16xi32>
    %add3A_2262 = arith.addi %add3A_2199, %add3A_2261 : vector<16xi32>
    %gather3A_2263 = tpu.vector_load_idx %arg21[%add3A_2262] : memref<10240xf32, #tpu.memory_space<vmem>>[vector<16xi32>], vector<16xf32>,
    %add3A_2264 = arith.addf %add3A_2259, %gather3A_2263 : vector<16xf32>
    %add3A_2265 = arith.constant 13 : i32
    %add3A_2266 = vector.broadcast %add3A_2265 : i32 to vector<16xi32>
    %add3A_2267 = arith.addi %add3A_2199, %add3A_2266 : vector<16xi32>
    %gather3A_2268 = tpu.vector_load_idx %arg21[%add3A_2267] : memref<10240xf32, #tpu.memory_space<vmem>>[vector<16xi32>], vector<16xf32>,
    %add3A_2269 = arith.addf %add3A_2264, %gather3A_2268 : vector<16xf32>
    %add3A_2270 = arith.constant 14 : i32
    %add3A_2271 = vector.broadcast %add3A_2270 : i32 to vector<16xi32>
    %add3A_2272 = arith.addi %add3A_2199, %add3A_2271 : vector<16xi32>
    %gather3A_2273 = tpu.vector_load_idx %arg21[%add3A_2272] : memref<10240xf32, #tpu.memory_space<vmem>>[vector<16xi32>], vector<16xf32>,
    %add3A_2274 = arith.addf %add3A_2269, %gather3A_2273 : vector<16xf32>
    %add3A_2275 = arith.constant 15 : i32
    %add3A_2276 = vector.broadcast %add3A_2275 : i32 to vector<16xi32>
    %add3A_2277 = arith.addi %add3A_2199, %add3A_2276 : vector<16xi32>
    %gather3A_2278 = tpu.vector_load_idx %arg21[%add3A_2277] : memref<10240xf32, #tpu.memory_space<vmem>>[vector<16xi32>], vector<16xf32>,
    %add3A_2279 = arith.addf %add3A_2274, %gather3A_2278 : vector<16xf32>
    %add3A_2280 = arith.constant 16 : i32
    %add3A_2281 = vector.broadcast %add3A_2280 : i32 to vector<16xi32>
    %add3A_2282 = arith.addi %add3A_2199, %add3A_2281 : vector<16xi32>
    %gather3A_2283 = tpu.vector_load_idx %arg21[%add3A_2282] : memref<10240xf32, #tpu.memory_space<vmem>>[vector<16xi32>], vector<16xf32>,
    %add3A_2284 = arith.addf %add3A_2279, %gather3A_2283 : vector<16xf32>
    %add3A_2285 = arith.constant 17 : i32
    %add3A_2286 = vector.broadcast %add3A_2285 : i32 to vector<16xi32>
    %add3A_2287 = arith.addi %add3A_2199, %add3A_2286 : vector<16xi32>
    %gather3A_2288 = tpu.vector_load_idx %arg21[%add3A_2287] : memref<10240xf32, #tpu.memory_space<vmem>>[vector<16xi32>], vector<16xf32>,
    %add3A_2289 = arith.addf %add3A_2284, %gather3A_2288 : vector<16xf32>
    %add3A_2290 = arith.constant 18 : i32
    %add3A_2291 = vector.broadcast %add3A_2290 : i32 to vector<16xi32>
    %add3A_2292 = arith.addi %add3A_2199, %add3A_2291 : vector<16xi32>
    %gather3A_2293 = tpu.vector_load_idx %arg21[%add3A_2292] : memref<10240xf32, #tpu.memory_space<vmem>>[vector<16xi32>], vector<16xf32>,
    %add3A_2294 = arith.addf %add3A_2289, %gather3A_2293 : vector<16xf32>
    %add3A_2295 = arith.constant 19 : i32
    %add3A_2296 = vector.broadcast %add3A_2295 : i32 to vector<16xi32>
    %add3A_2297 = arith.addi %add3A_2199, %add3A_2296 : vector<16xi32>
    %gather3A_2298 = tpu.vector_load_idx %arg21[%add3A_2297] : memref<10240xf32, #tpu.memory_space<vmem>>[vector<16xi32>], vector<16xf32>,
    %add3A_2299 = arith.addf %add3A_2294, %gather3A_2298 : vector<16xf32>
    %swap3A_2300 = arith.constant 272 : index
    %swap3A_2301 = tpu.vector_load %arg27[%swap3A_2300] {strides = array<i32>} : memref<512xf32, #tpu.memory_space<vmem>>, vector<16xf32>,
    tpu.vector_store %arg27[%swap3A_2300], %add3A_2299 {strides = array<i32>} : memref<512xf32, #tpu.memory_space<vmem>>, vector<16xf32>,
    %get3A_2302 = arith.constant 288 : index
    %get3A_2303 = tpu.vector_load %arg19[%get3A_2302] {strides = array<i32>} : memref<512xf32, #tpu.memory_space<vmem>>, vector<16xf32>,
    %mul3A_2304 = arith.mulf %get3A_2303, %get3A_33 : vector<16xf32>
    %add3A_2305 = arith.addf %mul3A_2304, %get3A_35 : vector<16xf32>
    %get3A_2306 = arith.constant 288 : index
    %get3A_2307 = tpu.vector_load %arg22[%get3A_2306] {strides = array<i32>} : memref<512xf32, #tpu.memory_space<vmem>>, vector<16xf32>,
    %add3A_2308 = arith.addf %add3A_2305, %get3A_2307 : vector<16xf32>
    %get3A_2309 = arith.constant 288 : index
    %get3A_2310 = tpu.vector_load %arg23[%get3A_2309] {strides = array<i32>} : memref<512xf32, #tpu.memory_space<vmem>>, vector<16xf32>,
    %add3A_2311 = arith.addf %add3A_2308, %get3A_2310 : vector<16xf32>
    %get3A_2312 = arith.constant 288 : index
    %get3A_2313 = tpu.vector_load %arg17[%get3A_2312] {strides = array<i32>} : memref<512xi32, #tpu.memory_space<vmem>>, vector<16xi32>,
    %gather3A_2314 = tpu.vector_load_idx %arg24[%get3A_2313] : memref<128xf32, #tpu.memory_space<vmem>>[vector<16xi32>], vector<16xf32>,
    %add3A_2315 = arith.addf %add3A_2311, %gather3A_2314 : vector<16xf32>
    %get3A_2316 = arith.constant 288 : index
    %get3A_2317 = tpu.vector_load %arg18[%get3A_2316] {strides = array<i32>} : memref<512xi32, #tpu.memory_space<vmem>>, vector<16xi32>,
    %gather3A_2318 = tpu.vector_load_idx %arg25[%get3A_2317] : memref<16xf32, #tpu.memory_space<vmem>>[vector<16xi32>], vector<16xf32>,
    %add3A_2319 = arith.addf %add3A_2315, %gather3A_2318 : vector<16xf32>
    %mul3A_2320 = arith.constant 20 : i32
    %mul3A_2321 = vector.broadcast %mul3A_2320 : i32 to vector<16xi32>
    %mul3A_2322 = arith.muli %iota3A, %mul3A_2321 : vector<16xi32>
    %add3A_2323 = arith.constant 5760 : i32
    %add3A_2324 = vector.broadcast %add3A_2323 : i32 to vector<16xi32>
    %add3A_2325 = arith.addi %mul3A_2322, %add3A_2324 : vector<16xi32>
    %add3A_2326 = arith.constant 0 : i32
    %add3A_2327 = vector.broadcast %add3A_2326 : i32 to vector<16xi32>
    %add3A_2328 = arith.addi %add3A_2325, %add3A_2327 : vector<16xi32>
    %gather3A_2329 = tpu.vector_load_idx %arg21[%add3A_2328] : memref<10240xf32, #tpu.memory_space<vmem>>[vector<16xi32>], vector<16xf32>,
    %add3A_2330 = arith.addf %add3A_2319, %gather3A_2329 : vector<16xf32>
    %add3A_2331 = arith.constant 1 : i32
    %add3A_2332 = vector.broadcast %add3A_2331 : i32 to vector<16xi32>
    %add3A_2333 = arith.addi %add3A_2325, %add3A_2332 : vector<16xi32>
    %gather3A_2334 = tpu.vector_load_idx %arg21[%add3A_2333] : memref<10240xf32, #tpu.memory_space<vmem>>[vector<16xi32>], vector<16xf32>,
    %add3A_2335 = arith.addf %add3A_2330, %gather3A_2334 : vector<16xf32>
    %add3A_2336 = arith.constant 2 : i32
    %add3A_2337 = vector.broadcast %add3A_2336 : i32 to vector<16xi32>
    %add3A_2338 = arith.addi %add3A_2325, %add3A_2337 : vector<16xi32>
    %gather3A_2339 = tpu.vector_load_idx %arg21[%add3A_2338] : memref<10240xf32, #tpu.memory_space<vmem>>[vector<16xi32>], vector<16xf32>,
    %add3A_2340 = arith.addf %add3A_2335, %gather3A_2339 : vector<16xf32>
    %add3A_2341 = arith.constant 3 : i32
    %add3A_2342 = vector.broadcast %add3A_2341 : i32 to vector<16xi32>
    %add3A_2343 = arith.addi %add3A_2325, %add3A_2342 : vector<16xi32>
    %gather3A_2344 = tpu.vector_load_idx %arg21[%add3A_2343] : memref<10240xf32, #tpu.memory_space<vmem>>[vector<16xi32>], vector<16xf32>,
    %add3A_2345 = arith.addf %add3A_2340, %gather3A_2344 : vector<16xf32>
    %add3A_2346 = arith.constant 4 : i32
    %add3A_2347 = vector.broadcast %add3A_2346 : i32 to vector<16xi32>
    %add3A_2348 = arith.addi %add3A_2325, %add3A_2347 : vector<16xi32>
    %gather3A_2349 = tpu.vector_load_idx %arg21[%add3A_2348] : memref<10240xf32, #tpu.memory_space<vmem>>[vector<16xi32>], vector<16xf32>,
    %add3A_2350 = arith.addf %add3A_2345, %gather3A_2349 : vector<16xf32>
    %add3A_2351 = arith.constant 5 : i32
    %add3A_2352 = vector.broadcast %add3A_2351 : i32 to vector<16xi32>
    %add3A_2353 = arith.addi %add3A_2325, %add3A_2352 : vector<16xi32>
    %gather3A_2354 = tpu.vector_load_idx %arg21[%add3A_2353] : memref<10240xf32, #tpu.memory_space<vmem>>[vector<16xi32>], vector<16xf32>,
    %add3A_2355 = arith.addf %add3A_2350, %gather3A_2354 : vector<16xf32>
    %add3A_2356 = arith.constant 6 : i32
    %add3A_2357 = vector.broadcast %add3A_2356 : i32 to vector<16xi32>
    %add3A_2358 = arith.addi %add3A_2325, %add3A_2357 : vector<16xi32>
    %gather3A_2359 = tpu.vector_load_idx %arg21[%add3A_2358] : memref<10240xf32, #tpu.memory_space<vmem>>[vector<16xi32>], vector<16xf32>,
    %add3A_2360 = arith.addf %add3A_2355, %gather3A_2359 : vector<16xf32>
    %add3A_2361 = arith.constant 7 : i32
    %add3A_2362 = vector.broadcast %add3A_2361 : i32 to vector<16xi32>
    %add3A_2363 = arith.addi %add3A_2325, %add3A_2362 : vector<16xi32>
    %gather3A_2364 = tpu.vector_load_idx %arg21[%add3A_2363] : memref<10240xf32, #tpu.memory_space<vmem>>[vector<16xi32>], vector<16xf32>,
    %add3A_2365 = arith.addf %add3A_2360, %gather3A_2364 : vector<16xf32>
    %add3A_2366 = arith.constant 8 : i32
    %add3A_2367 = vector.broadcast %add3A_2366 : i32 to vector<16xi32>
    %add3A_2368 = arith.addi %add3A_2325, %add3A_2367 : vector<16xi32>
    %gather3A_2369 = tpu.vector_load_idx %arg21[%add3A_2368] : memref<10240xf32, #tpu.memory_space<vmem>>[vector<16xi32>], vector<16xf32>,
    %add3A_2370 = arith.addf %add3A_2365, %gather3A_2369 : vector<16xf32>
    %add3A_2371 = arith.constant 9 : i32
    %add3A_2372 = vector.broadcast %add3A_2371 : i32 to vector<16xi32>
    %add3A_2373 = arith.addi %add3A_2325, %add3A_2372 : vector<16xi32>
    %gather3A_2374 = tpu.vector_load_idx %arg21[%add3A_2373] : memref<10240xf32, #tpu.memory_space<vmem>>[vector<16xi32>], vector<16xf32>,
    %add3A_2375 = arith.addf %add3A_2370, %gather3A_2374 : vector<16xf32>
    %add3A_2376 = arith.constant 10 : i32
    %add3A_2377 = vector.broadcast %add3A_2376 : i32 to vector<16xi32>
    %add3A_2378 = arith.addi %add3A_2325, %add3A_2377 : vector<16xi32>
    %gather3A_2379 = tpu.vector_load_idx %arg21[%add3A_2378] : memref<10240xf32, #tpu.memory_space<vmem>>[vector<16xi32>], vector<16xf32>,
    %add3A_2380 = arith.addf %add3A_2375, %gather3A_2379 : vector<16xf32>
    %add3A_2381 = arith.constant 11 : i32
    %add3A_2382 = vector.broadcast %add3A_2381 : i32 to vector<16xi32>
    %add3A_2383 = arith.addi %add3A_2325, %add3A_2382 : vector<16xi32>
    %gather3A_2384 = tpu.vector_load_idx %arg21[%add3A_2383] : memref<10240xf32, #tpu.memory_space<vmem>>[vector<16xi32>], vector<16xf32>,
    %add3A_2385 = arith.addf %add3A_2380, %gather3A_2384 : vector<16xf32>
    %add3A_2386 = arith.constant 12 : i32
    %add3A_2387 = vector.broadcast %add3A_2386 : i32 to vector<16xi32>
    %add3A_2388 = arith.addi %add3A_2325, %add3A_2387 : vector<16xi32>
    %gather3A_2389 = tpu.vector_load_idx %arg21[%add3A_2388] : memref<10240xf32, #tpu.memory_space<vmem>>[vector<16xi32>], vector<16xf32>,
    %add3A_2390 = arith.addf %add3A_2385, %gather3A_2389 : vector<16xf32>
    %add3A_2391 = arith.constant 13 : i32
    %add3A_2392 = vector.broadcast %add3A_2391 : i32 to vector<16xi32>
    %add3A_2393 = arith.addi %add3A_2325, %add3A_2392 : vector<16xi32>
    %gather3A_2394 = tpu.vector_load_idx %arg21[%add3A_2393] : memref<10240xf32, #tpu.memory_space<vmem>>[vector<16xi32>], vector<16xf32>,
    %add3A_2395 = arith.addf %add3A_2390, %gather3A_2394 : vector<16xf32>
    %add3A_2396 = arith.constant 14 : i32
    %add3A_2397 = vector.broadcast %add3A_2396 : i32 to vector<16xi32>
    %add3A_2398 = arith.addi %add3A_2325, %add3A_2397 : vector<16xi32>
    %gather3A_2399 = tpu.vector_load_idx %arg21[%add3A_2398] : memref<10240xf32, #tpu.memory_space<vmem>>[vector<16xi32>], vector<16xf32>,
    %add3A_2400 = arith.addf %add3A_2395, %gather3A_2399 : vector<16xf32>
    %add3A_2401 = arith.constant 15 : i32
    %add3A_2402 = vector.broadcast %add3A_2401 : i32 to vector<16xi32>
    %add3A_2403 = arith.addi %add3A_2325, %add3A_2402 : vector<16xi32>
    %gather3A_2404 = tpu.vector_load_idx %arg21[%add3A_2403] : memref<10240xf32, #tpu.memory_space<vmem>>[vector<16xi32>], vector<16xf32>,
    %add3A_2405 = arith.addf %add3A_2400, %gather3A_2404 : vector<16xf32>
    %add3A_2406 = arith.constant 16 : i32
    %add3A_2407 = vector.broadcast %add3A_2406 : i32 to vector<16xi32>
    %add3A_2408 = arith.addi %add3A_2325, %add3A_2407 : vector<16xi32>
    %gather3A_2409 = tpu.vector_load_idx %arg21[%add3A_2408] : memref<10240xf32, #tpu.memory_space<vmem>>[vector<16xi32>], vector<16xf32>,
    %add3A_2410 = arith.addf %add3A_2405, %gather3A_2409 : vector<16xf32>
    %add3A_2411 = arith.constant 17 : i32
    %add3A_2412 = vector.broadcast %add3A_2411 : i32 to vector<16xi32>
    %add3A_2413 = arith.addi %add3A_2325, %add3A_2412 : vector<16xi32>
    %gather3A_2414 = tpu.vector_load_idx %arg21[%add3A_2413] : memref<10240xf32, #tpu.memory_space<vmem>>[vector<16xi32>], vector<16xf32>,
    %add3A_2415 = arith.addf %add3A_2410, %gather3A_2414 : vector<16xf32>
    %add3A_2416 = arith.constant 18 : i32
    %add3A_2417 = vector.broadcast %add3A_2416 : i32 to vector<16xi32>
    %add3A_2418 = arith.addi %add3A_2325, %add3A_2417 : vector<16xi32>
    %gather3A_2419 = tpu.vector_load_idx %arg21[%add3A_2418] : memref<10240xf32, #tpu.memory_space<vmem>>[vector<16xi32>], vector<16xf32>,
    %add3A_2420 = arith.addf %add3A_2415, %gather3A_2419 : vector<16xf32>
    %add3A_2421 = arith.constant 19 : i32
    %add3A_2422 = vector.broadcast %add3A_2421 : i32 to vector<16xi32>
    %add3A_2423 = arith.addi %add3A_2325, %add3A_2422 : vector<16xi32>
    %gather3A_2424 = tpu.vector_load_idx %arg21[%add3A_2423] : memref<10240xf32, #tpu.memory_space<vmem>>[vector<16xi32>], vector<16xf32>,
    %add3A_2425 = arith.addf %add3A_2420, %gather3A_2424 : vector<16xf32>
    %swap3A_2426 = arith.constant 288 : index
    %swap3A_2427 = tpu.vector_load %arg27[%swap3A_2426] {strides = array<i32>} : memref<512xf32, #tpu.memory_space<vmem>>, vector<16xf32>,
    tpu.vector_store %arg27[%swap3A_2426], %add3A_2425 {strides = array<i32>} : memref<512xf32, #tpu.memory_space<vmem>>, vector<16xf32>,
    %get3A_2428 = arith.constant 304 : index
    %get3A_2429 = tpu.vector_load %arg19[%get3A_2428] {strides = array<i32>} : memref<512xf32, #tpu.memory_space<vmem>>, vector<16xf32>,
    %mul3A_2430 = arith.mulf %get3A_2429, %get3A_33 : vector<16xf32>
    %add3A_2431 = arith.addf %mul3A_2430, %get3A_35 : vector<16xf32>
    %get3A_2432 = arith.constant 304 : index
    %get3A_2433 = tpu.vector_load %arg22[%get3A_2432] {strides = array<i32>} : memref<512xf32, #tpu.memory_space<vmem>>, vector<16xf32>,
    %add3A_2434 = arith.addf %add3A_2431, %get3A_2433 : vector<16xf32>
    %get3A_2435 = arith.constant 304 : index
    %get3A_2436 = tpu.vector_load %arg23[%get3A_2435] {strides = array<i32>} : memref<512xf32, #tpu.memory_space<vmem>>, vector<16xf32>,
    %add3A_2437 = arith.addf %add3A_2434, %get3A_2436 : vector<16xf32>
    %get3A_2438 = arith.constant 304 : index
    %get3A_2439 = tpu.vector_load %arg17[%get3A_2438] {strides = array<i32>} : memref<512xi32, #tpu.memory_space<vmem>>, vector<16xi32>,
    %gather3A_2440 = tpu.vector_load_idx %arg24[%get3A_2439] : memref<128xf32, #tpu.memory_space<vmem>>[vector<16xi32>], vector<16xf32>,
    %add3A_2441 = arith.addf %add3A_2437, %gather3A_2440 : vector<16xf32>
    %get3A_2442 = arith.constant 304 : index
    %get3A_2443 = tpu.vector_load %arg18[%get3A_2442] {strides = array<i32>} : memref<512xi32, #tpu.memory_space<vmem>>, vector<16xi32>,
    %gather3A_2444 = tpu.vector_load_idx %arg25[%get3A_2443] : memref<16xf32, #tpu.memory_space<vmem>>[vector<16xi32>], vector<16xf32>,
    %add3A_2445 = arith.addf %add3A_2441, %gather3A_2444 : vector<16xf32>
    %mul3A_2446 = arith.constant 20 : i32
    %mul3A_2447 = vector.broadcast %mul3A_2446 : i32 to vector<16xi32>
    %mul3A_2448 = arith.muli %iota3A, %mul3A_2447 : vector<16xi32>
    %add3A_2449 = arith.constant 6080 : i32
    %add3A_2450 = vector.broadcast %add3A_2449 : i32 to vector<16xi32>
    %add3A_2451 = arith.addi %mul3A_2448, %add3A_2450 : vector<16xi32>
    %add3A_2452 = arith.constant 0 : i32
    %add3A_2453 = vector.broadcast %add3A_2452 : i32 to vector<16xi32>
    %add3A_2454 = arith.addi %add3A_2451, %add3A_2453 : vector<16xi32>
    %gather3A_2455 = tpu.vector_load_idx %arg21[%add3A_2454] : memref<10240xf32, #tpu.memory_space<vmem>>[vector<16xi32>], vector<16xf32>,
    %add3A_2456 = arith.addf %add3A_2445, %gather3A_2455 : vector<16xf32>
    %add3A_2457 = arith.constant 1 : i32
    %add3A_2458 = vector.broadcast %add3A_2457 : i32 to vector<16xi32>
    %add3A_2459 = arith.addi %add3A_2451, %add3A_2458 : vector<16xi32>
    %gather3A_2460 = tpu.vector_load_idx %arg21[%add3A_2459] : memref<10240xf32, #tpu.memory_space<vmem>>[vector<16xi32>], vector<16xf32>,
    %add3A_2461 = arith.addf %add3A_2456, %gather3A_2460 : vector<16xf32>
    %add3A_2462 = arith.constant 2 : i32
    %add3A_2463 = vector.broadcast %add3A_2462 : i32 to vector<16xi32>
    %add3A_2464 = arith.addi %add3A_2451, %add3A_2463 : vector<16xi32>
    %gather3A_2465 = tpu.vector_load_idx %arg21[%add3A_2464] : memref<10240xf32, #tpu.memory_space<vmem>>[vector<16xi32>], vector<16xf32>,
    %add3A_2466 = arith.addf %add3A_2461, %gather3A_2465 : vector<16xf32>
    %add3A_2467 = arith.constant 3 : i32
    %add3A_2468 = vector.broadcast %add3A_2467 : i32 to vector<16xi32>
    %add3A_2469 = arith.addi %add3A_2451, %add3A_2468 : vector<16xi32>
    %gather3A_2470 = tpu.vector_load_idx %arg21[%add3A_2469] : memref<10240xf32, #tpu.memory_space<vmem>>[vector<16xi32>], vector<16xf32>,
    %add3A_2471 = arith.addf %add3A_2466, %gather3A_2470 : vector<16xf32>
    %add3A_2472 = arith.constant 4 : i32
    %add3A_2473 = vector.broadcast %add3A_2472 : i32 to vector<16xi32>
    %add3A_2474 = arith.addi %add3A_2451, %add3A_2473 : vector<16xi32>
    %gather3A_2475 = tpu.vector_load_idx %arg21[%add3A_2474] : memref<10240xf32, #tpu.memory_space<vmem>>[vector<16xi32>], vector<16xf32>,
    %add3A_2476 = arith.addf %add3A_2471, %gather3A_2475 : vector<16xf32>
    %add3A_2477 = arith.constant 5 : i32
    %add3A_2478 = vector.broadcast %add3A_2477 : i32 to vector<16xi32>
    %add3A_2479 = arith.addi %add3A_2451, %add3A_2478 : vector<16xi32>
    %gather3A_2480 = tpu.vector_load_idx %arg21[%add3A_2479] : memref<10240xf32, #tpu.memory_space<vmem>>[vector<16xi32>], vector<16xf32>,
    %add3A_2481 = arith.addf %add3A_2476, %gather3A_2480 : vector<16xf32>
    %add3A_2482 = arith.constant 6 : i32
    %add3A_2483 = vector.broadcast %add3A_2482 : i32 to vector<16xi32>
    %add3A_2484 = arith.addi %add3A_2451, %add3A_2483 : vector<16xi32>
    %gather3A_2485 = tpu.vector_load_idx %arg21[%add3A_2484] : memref<10240xf32, #tpu.memory_space<vmem>>[vector<16xi32>], vector<16xf32>,
    %add3A_2486 = arith.addf %add3A_2481, %gather3A_2485 : vector<16xf32>
    %add3A_2487 = arith.constant 7 : i32
    %add3A_2488 = vector.broadcast %add3A_2487 : i32 to vector<16xi32>
    %add3A_2489 = arith.addi %add3A_2451, %add3A_2488 : vector<16xi32>
    %gather3A_2490 = tpu.vector_load_idx %arg21[%add3A_2489] : memref<10240xf32, #tpu.memory_space<vmem>>[vector<16xi32>], vector<16xf32>,
    %add3A_2491 = arith.addf %add3A_2486, %gather3A_2490 : vector<16xf32>
    %add3A_2492 = arith.constant 8 : i32
    %add3A_2493 = vector.broadcast %add3A_2492 : i32 to vector<16xi32>
    %add3A_2494 = arith.addi %add3A_2451, %add3A_2493 : vector<16xi32>
    %gather3A_2495 = tpu.vector_load_idx %arg21[%add3A_2494] : memref<10240xf32, #tpu.memory_space<vmem>>[vector<16xi32>], vector<16xf32>,
    %add3A_2496 = arith.addf %add3A_2491, %gather3A_2495 : vector<16xf32>
    %add3A_2497 = arith.constant 9 : i32
    %add3A_2498 = vector.broadcast %add3A_2497 : i32 to vector<16xi32>
    %add3A_2499 = arith.addi %add3A_2451, %add3A_2498 : vector<16xi32>
    %gather3A_2500 = tpu.vector_load_idx %arg21[%add3A_2499] : memref<10240xf32, #tpu.memory_space<vmem>>[vector<16xi32>], vector<16xf32>,
    %add3A_2501 = arith.addf %add3A_2496, %gather3A_2500 : vector<16xf32>
    %add3A_2502 = arith.constant 10 : i32
    %add3A_2503 = vector.broadcast %add3A_2502 : i32 to vector<16xi32>
    %add3A_2504 = arith.addi %add3A_2451, %add3A_2503 : vector<16xi32>
    %gather3A_2505 = tpu.vector_load_idx %arg21[%add3A_2504] : memref<10240xf32, #tpu.memory_space<vmem>>[vector<16xi32>], vector<16xf32>,
    %add3A_2506 = arith.addf %add3A_2501, %gather3A_2505 : vector<16xf32>
    %add3A_2507 = arith.constant 11 : i32
    %add3A_2508 = vector.broadcast %add3A_2507 : i32 to vector<16xi32>
    %add3A_2509 = arith.addi %add3A_2451, %add3A_2508 : vector<16xi32>
    %gather3A_2510 = tpu.vector_load_idx %arg21[%add3A_2509] : memref<10240xf32, #tpu.memory_space<vmem>>[vector<16xi32>], vector<16xf32>,
    %add3A_2511 = arith.addf %add3A_2506, %gather3A_2510 : vector<16xf32>
    %add3A_2512 = arith.constant 12 : i32
    %add3A_2513 = vector.broadcast %add3A_2512 : i32 to vector<16xi32>
    %add3A_2514 = arith.addi %add3A_2451, %add3A_2513 : vector<16xi32>
    %gather3A_2515 = tpu.vector_load_idx %arg21[%add3A_2514] : memref<10240xf32, #tpu.memory_space<vmem>>[vector<16xi32>], vector<16xf32>,
    %add3A_2516 = arith.addf %add3A_2511, %gather3A_2515 : vector<16xf32>
    %add3A_2517 = arith.constant 13 : i32
    %add3A_2518 = vector.broadcast %add3A_2517 : i32 to vector<16xi32>
    %add3A_2519 = arith.addi %add3A_2451, %add3A_2518 : vector<16xi32>
    %gather3A_2520 = tpu.vector_load_idx %arg21[%add3A_2519] : memref<10240xf32, #tpu.memory_space<vmem>>[vector<16xi32>], vector<16xf32>,
    %add3A_2521 = arith.addf %add3A_2516, %gather3A_2520 : vector<16xf32>
    %add3A_2522 = arith.constant 14 : i32
    %add3A_2523 = vector.broadcast %add3A_2522 : i32 to vector<16xi32>
    %add3A_2524 = arith.addi %add3A_2451, %add3A_2523 : vector<16xi32>
    %gather3A_2525 = tpu.vector_load_idx %arg21[%add3A_2524] : memref<10240xf32, #tpu.memory_space<vmem>>[vector<16xi32>], vector<16xf32>,
    %add3A_2526 = arith.addf %add3A_2521, %gather3A_2525 : vector<16xf32>
    %add3A_2527 = arith.constant 15 : i32
    %add3A_2528 = vector.broadcast %add3A_2527 : i32 to vector<16xi32>
    %add3A_2529 = arith.addi %add3A_2451, %add3A_2528 : vector<16xi32>
    %gather3A_2530 = tpu.vector_load_idx %arg21[%add3A_2529] : memref<10240xf32, #tpu.memory_space<vmem>>[vector<16xi32>], vector<16xf32>,
    %add3A_2531 = arith.addf %add3A_2526, %gather3A_2530 : vector<16xf32>
    %add3A_2532 = arith.constant 16 : i32
    %add3A_2533 = vector.broadcast %add3A_2532 : i32 to vector<16xi32>
    %add3A_2534 = arith.addi %add3A_2451, %add3A_2533 : vector<16xi32>
    %gather3A_2535 = tpu.vector_load_idx %arg21[%add3A_2534] : memref<10240xf32, #tpu.memory_space<vmem>>[vector<16xi32>], vector<16xf32>,
    %add3A_2536 = arith.addf %add3A_2531, %gather3A_2535 : vector<16xf32>
    %add3A_2537 = arith.constant 17 : i32
    %add3A_2538 = vector.broadcast %add3A_2537 : i32 to vector<16xi32>
    %add3A_2539 = arith.addi %add3A_2451, %add3A_2538 : vector<16xi32>
    %gather3A_2540 = tpu.vector_load_idx %arg21[%add3A_2539] : memref<10240xf32, #tpu.memory_space<vmem>>[vector<16xi32>], vector<16xf32>,
    %add3A_2541 = arith.addf %add3A_2536, %gather3A_2540 : vector<16xf32>
    %add3A_2542 = arith.constant 18 : i32
    %add3A_2543 = vector.broadcast %add3A_2542 : i32 to vector<16xi32>
    %add3A_2544 = arith.addi %add3A_2451, %add3A_2543 : vector<16xi32>
    %gather3A_2545 = tpu.vector_load_idx %arg21[%add3A_2544] : memref<10240xf32, #tpu.memory_space<vmem>>[vector<16xi32>], vector<16xf32>,
    %add3A_2546 = arith.addf %add3A_2541, %gather3A_2545 : vector<16xf32>
    %add3A_2547 = arith.constant 19 : i32
    %add3A_2548 = vector.broadcast %add3A_2547 : i32 to vector<16xi32>
    %add3A_2549 = arith.addi %add3A_2451, %add3A_2548 : vector<16xi32>
    %gather3A_2550 = tpu.vector_load_idx %arg21[%add3A_2549] : memref<10240xf32, #tpu.memory_space<vmem>>[vector<16xi32>], vector<16xf32>,
    %add3A_2551 = arith.addf %add3A_2546, %gather3A_2550 : vector<16xf32>
    %swap3A_2552 = arith.constant 304 : index
    %swap3A_2553 = tpu.vector_load %arg27[%swap3A_2552] {strides = array<i32>} : memref<512xf32, #tpu.memory_space<vmem>>, vector<16xf32>,
    tpu.vector_store %arg27[%swap3A_2552], %add3A_2551 {strides = array<i32>} : memref<512xf32, #tpu.memory_space<vmem>>, vector<16xf32>,
    %get3A_2554 = arith.constant 320 : index
    %get3A_2555 = tpu.vector_load %arg19[%get3A_2554] {strides = array<i32>} : memref<512xf32, #tpu.memory_space<vmem>>, vector<16xf32>,
    %mul3A_2556 = arith.mulf %get3A_2555, %get3A_33 : vector<16xf32>
    %add3A_2557 = arith.addf %mul3A_2556, %get3A_35 : vector<16xf32>
    %get3A_2558 = arith.constant 320 : index
    %get3A_2559 = tpu.vector_load %arg22[%get3A_2558] {strides = array<i32>} : memref<512xf32, #tpu.memory_space<vmem>>, vector<16xf32>,
    %add3A_2560 = arith.addf %add3A_2557, %get3A_2559 : vector<16xf32>
    %get3A_2561 = arith.constant 320 : index
    %get3A_2562 = tpu.vector_load %arg23[%get3A_2561] {strides = array<i32>} : memref<512xf32, #tpu.memory_space<vmem>>, vector<16xf32>,
    %add3A_2563 = arith.addf %add3A_2560, %get3A_2562 : vector<16xf32>
    %get3A_2564 = arith.constant 320 : index
    %get3A_2565 = tpu.vector_load %arg17[%get3A_2564] {strides = array<i32>} : memref<512xi32, #tpu.memory_space<vmem>>, vector<16xi32>,
    %gather3A_2566 = tpu.vector_load_idx %arg24[%get3A_2565] : memref<128xf32, #tpu.memory_space<vmem>>[vector<16xi32>], vector<16xf32>,
    %add3A_2567 = arith.addf %add3A_2563, %gather3A_2566 : vector<16xf32>
    %get3A_2568 = arith.constant 320 : index
    %get3A_2569 = tpu.vector_load %arg18[%get3A_2568] {strides = array<i32>} : memref<512xi32, #tpu.memory_space<vmem>>, vector<16xi32>,
    %gather3A_2570 = tpu.vector_load_idx %arg25[%get3A_2569] : memref<16xf32, #tpu.memory_space<vmem>>[vector<16xi32>], vector<16xf32>,
    %add3A_2571 = arith.addf %add3A_2567, %gather3A_2570 : vector<16xf32>
    %mul3A_2572 = arith.constant 20 : i32
    %mul3A_2573 = vector.broadcast %mul3A_2572 : i32 to vector<16xi32>
    %mul3A_2574 = arith.muli %iota3A, %mul3A_2573 : vector<16xi32>
    %add3A_2575 = arith.constant 6400 : i32
    %add3A_2576 = vector.broadcast %add3A_2575 : i32 to vector<16xi32>
    %add3A_2577 = arith.addi %mul3A_2574, %add3A_2576 : vector<16xi32>
    %add3A_2578 = arith.constant 0 : i32
    %add3A_2579 = vector.broadcast %add3A_2578 : i32 to vector<16xi32>
    %add3A_2580 = arith.addi %add3A_2577, %add3A_2579 : vector<16xi32>
    %gather3A_2581 = tpu.vector_load_idx %arg21[%add3A_2580] : memref<10240xf32, #tpu.memory_space<vmem>>[vector<16xi32>], vector<16xf32>,
    %add3A_2582 = arith.addf %add3A_2571, %gather3A_2581 : vector<16xf32>
    %add3A_2583 = arith.constant 1 : i32
    %add3A_2584 = vector.broadcast %add3A_2583 : i32 to vector<16xi32>
    %add3A_2585 = arith.addi %add3A_2577, %add3A_2584 : vector<16xi32>
    %gather3A_2586 = tpu.vector_load_idx %arg21[%add3A_2585] : memref<10240xf32, #tpu.memory_space<vmem>>[vector<16xi32>], vector<16xf32>,
    %add3A_2587 = arith.addf %add3A_2582, %gather3A_2586 : vector<16xf32>
    %add3A_2588 = arith.constant 2 : i32
    %add3A_2589 = vector.broadcast %add3A_2588 : i32 to vector<16xi32>
    %add3A_2590 = arith.addi %add3A_2577, %add3A_2589 : vector<16xi32>
    %gather3A_2591 = tpu.vector_load_idx %arg21[%add3A_2590] : memref<10240xf32, #tpu.memory_space<vmem>>[vector<16xi32>], vector<16xf32>,
    %add3A_2592 = arith.addf %add3A_2587, %gather3A_2591 : vector<16xf32>
    %add3A_2593 = arith.constant 3 : i32
    %add3A_2594 = vector.broadcast %add3A_2593 : i32 to vector<16xi32>
    %add3A_2595 = arith.addi %add3A_2577, %add3A_2594 : vector<16xi32>
    %gather3A_2596 = tpu.vector_load_idx %arg21[%add3A_2595] : memref<10240xf32, #tpu.memory_space<vmem>>[vector<16xi32>], vector<16xf32>,
    %add3A_2597 = arith.addf %add3A_2592, %gather3A_2596 : vector<16xf32>
    %add3A_2598 = arith.constant 4 : i32
    %add3A_2599 = vector.broadcast %add3A_2598 : i32 to vector<16xi32>
    %add3A_2600 = arith.addi %add3A_2577, %add3A_2599 : vector<16xi32>
    %gather3A_2601 = tpu.vector_load_idx %arg21[%add3A_2600] : memref<10240xf32, #tpu.memory_space<vmem>>[vector<16xi32>], vector<16xf32>,
    %add3A_2602 = arith.addf %add3A_2597, %gather3A_2601 : vector<16xf32>
    %add3A_2603 = arith.constant 5 : i32
    %add3A_2604 = vector.broadcast %add3A_2603 : i32 to vector<16xi32>
    %add3A_2605 = arith.addi %add3A_2577, %add3A_2604 : vector<16xi32>
    %gather3A_2606 = tpu.vector_load_idx %arg21[%add3A_2605] : memref<10240xf32, #tpu.memory_space<vmem>>[vector<16xi32>], vector<16xf32>,
    %add3A_2607 = arith.addf %add3A_2602, %gather3A_2606 : vector<16xf32>
    %add3A_2608 = arith.constant 6 : i32
    %add3A_2609 = vector.broadcast %add3A_2608 : i32 to vector<16xi32>
    %add3A_2610 = arith.addi %add3A_2577, %add3A_2609 : vector<16xi32>
    %gather3A_2611 = tpu.vector_load_idx %arg21[%add3A_2610] : memref<10240xf32, #tpu.memory_space<vmem>>[vector<16xi32>], vector<16xf32>,
    %add3A_2612 = arith.addf %add3A_2607, %gather3A_2611 : vector<16xf32>
    %add3A_2613 = arith.constant 7 : i32
    %add3A_2614 = vector.broadcast %add3A_2613 : i32 to vector<16xi32>
    %add3A_2615 = arith.addi %add3A_2577, %add3A_2614 : vector<16xi32>
    %gather3A_2616 = tpu.vector_load_idx %arg21[%add3A_2615] : memref<10240xf32, #tpu.memory_space<vmem>>[vector<16xi32>], vector<16xf32>,
    %add3A_2617 = arith.addf %add3A_2612, %gather3A_2616 : vector<16xf32>
    %add3A_2618 = arith.constant 8 : i32
    %add3A_2619 = vector.broadcast %add3A_2618 : i32 to vector<16xi32>
    %add3A_2620 = arith.addi %add3A_2577, %add3A_2619 : vector<16xi32>
    %gather3A_2621 = tpu.vector_load_idx %arg21[%add3A_2620] : memref<10240xf32, #tpu.memory_space<vmem>>[vector<16xi32>], vector<16xf32>,
    %add3A_2622 = arith.addf %add3A_2617, %gather3A_2621 : vector<16xf32>
    %add3A_2623 = arith.constant 9 : i32
    %add3A_2624 = vector.broadcast %add3A_2623 : i32 to vector<16xi32>
    %add3A_2625 = arith.addi %add3A_2577, %add3A_2624 : vector<16xi32>
    %gather3A_2626 = tpu.vector_load_idx %arg21[%add3A_2625] : memref<10240xf32, #tpu.memory_space<vmem>>[vector<16xi32>], vector<16xf32>,
    %add3A_2627 = arith.addf %add3A_2622, %gather3A_2626 : vector<16xf32>
    %add3A_2628 = arith.constant 10 : i32
    %add3A_2629 = vector.broadcast %add3A_2628 : i32 to vector<16xi32>
    %add3A_2630 = arith.addi %add3A_2577, %add3A_2629 : vector<16xi32>
    %gather3A_2631 = tpu.vector_load_idx %arg21[%add3A_2630] : memref<10240xf32, #tpu.memory_space<vmem>>[vector<16xi32>], vector<16xf32>,
    %add3A_2632 = arith.addf %add3A_2627, %gather3A_2631 : vector<16xf32>
    %add3A_2633 = arith.constant 11 : i32
    %add3A_2634 = vector.broadcast %add3A_2633 : i32 to vector<16xi32>
    %add3A_2635 = arith.addi %add3A_2577, %add3A_2634 : vector<16xi32>
    %gather3A_2636 = tpu.vector_load_idx %arg21[%add3A_2635] : memref<10240xf32, #tpu.memory_space<vmem>>[vector<16xi32>], vector<16xf32>,
    %add3A_2637 = arith.addf %add3A_2632, %gather3A_2636 : vector<16xf32>
    %add3A_2638 = arith.constant 12 : i32
    %add3A_2639 = vector.broadcast %add3A_2638 : i32 to vector<16xi32>
    %add3A_2640 = arith.addi %add3A_2577, %add3A_2639 : vector<16xi32>
    %gather3A_2641 = tpu.vector_load_idx %arg21[%add3A_2640] : memref<10240xf32, #tpu.memory_space<vmem>>[vector<16xi32>], vector<16xf32>,
    %add3A_2642 = arith.addf %add3A_2637, %gather3A_2641 : vector<16xf32>
    %add3A_2643 = arith.constant 13 : i32
    %add3A_2644 = vector.broadcast %add3A_2643 : i32 to vector<16xi32>
    %add3A_2645 = arith.addi %add3A_2577, %add3A_2644 : vector<16xi32>
    %gather3A_2646 = tpu.vector_load_idx %arg21[%add3A_2645] : memref<10240xf32, #tpu.memory_space<vmem>>[vector<16xi32>], vector<16xf32>,
    %add3A_2647 = arith.addf %add3A_2642, %gather3A_2646 : vector<16xf32>
    %add3A_2648 = arith.constant 14 : i32
    %add3A_2649 = vector.broadcast %add3A_2648 : i32 to vector<16xi32>
    %add3A_2650 = arith.addi %add3A_2577, %add3A_2649 : vector<16xi32>
    %gather3A_2651 = tpu.vector_load_idx %arg21[%add3A_2650] : memref<10240xf32, #tpu.memory_space<vmem>>[vector<16xi32>], vector<16xf32>,
    %add3A_2652 = arith.addf %add3A_2647, %gather3A_2651 : vector<16xf32>
    %add3A_2653 = arith.constant 15 : i32
    %add3A_2654 = vector.broadcast %add3A_2653 : i32 to vector<16xi32>
    %add3A_2655 = arith.addi %add3A_2577, %add3A_2654 : vector<16xi32>
    %gather3A_2656 = tpu.vector_load_idx %arg21[%add3A_2655] : memref<10240xf32, #tpu.memory_space<vmem>>[vector<16xi32>], vector<16xf32>,
    %add3A_2657 = arith.addf %add3A_2652, %gather3A_2656 : vector<16xf32>
    %add3A_2658 = arith.constant 16 : i32
    %add3A_2659 = vector.broadcast %add3A_2658 : i32 to vector<16xi32>
    %add3A_2660 = arith.addi %add3A_2577, %add3A_2659 : vector<16xi32>
    %gather3A_2661 = tpu.vector_load_idx %arg21[%add3A_2660] : memref<10240xf32, #tpu.memory_space<vmem>>[vector<16xi32>], vector<16xf32>,
    %add3A_2662 = arith.addf %add3A_2657, %gather3A_2661 : vector<16xf32>
    %add3A_2663 = arith.constant 17 : i32
    %add3A_2664 = vector.broadcast %add3A_2663 : i32 to vector<16xi32>
    %add3A_2665 = arith.addi %add3A_2577, %add3A_2664 : vector<16xi32>
    %gather3A_2666 = tpu.vector_load_idx %arg21[%add3A_2665] : memref<10240xf32, #tpu.memory_space<vmem>>[vector<16xi32>], vector<16xf32>,
    %add3A_2667 = arith.addf %add3A_2662, %gather3A_2666 : vector<16xf32>
    %add3A_2668 = arith.constant 18 : i32
    %add3A_2669 = vector.broadcast %add3A_2668 : i32 to vector<16xi32>
    %add3A_2670 = arith.addi %add3A_2577, %add3A_2669 : vector<16xi32>
    %gather3A_2671 = tpu.vector_load_idx %arg21[%add3A_2670] : memref<10240xf32, #tpu.memory_space<vmem>>[vector<16xi32>], vector<16xf32>,
    %add3A_2672 = arith.addf %add3A_2667, %gather3A_2671 : vector<16xf32>
    %add3A_2673 = arith.constant 19 : i32
    %add3A_2674 = vector.broadcast %add3A_2673 : i32 to vector<16xi32>
    %add3A_2675 = arith.addi %add3A_2577, %add3A_2674 : vector<16xi32>
    %gather3A_2676 = tpu.vector_load_idx %arg21[%add3A_2675] : memref<10240xf32, #tpu.memory_space<vmem>>[vector<16xi32>], vector<16xf32>,
    %add3A_2677 = arith.addf %add3A_2672, %gather3A_2676 : vector<16xf32>
    %swap3A_2678 = arith.constant 320 : index
    %swap3A_2679 = tpu.vector_load %arg27[%swap3A_2678] {strides = array<i32>} : memref<512xf32, #tpu.memory_space<vmem>>, vector<16xf32>,
    tpu.vector_store %arg27[%swap3A_2678], %add3A_2677 {strides = array<i32>} : memref<512xf32, #tpu.memory_space<vmem>>, vector<16xf32>,
    %get3A_2680 = arith.constant 336 : index
    %get3A_2681 = tpu.vector_load %arg19[%get3A_2680] {strides = array<i32>} : memref<512xf32, #tpu.memory_space<vmem>>, vector<16xf32>,
    %mul3A_2682 = arith.mulf %get3A_2681, %get3A_33 : vector<16xf32>
    %add3A_2683 = arith.addf %mul3A_2682, %get3A_35 : vector<16xf32>
    %get3A_2684 = arith.constant 336 : index
    %get3A_2685 = tpu.vector_load %arg22[%get3A_2684] {strides = array<i32>} : memref<512xf32, #tpu.memory_space<vmem>>, vector<16xf32>,
    %add3A_2686 = arith.addf %add3A_2683, %get3A_2685 : vector<16xf32>
    %get3A_2687 = arith.constant 336 : index
    %get3A_2688 = tpu.vector_load %arg23[%get3A_2687] {strides = array<i32>} : memref<512xf32, #tpu.memory_space<vmem>>, vector<16xf32>,
    %add3A_2689 = arith.addf %add3A_2686, %get3A_2688 : vector<16xf32>
    %get3A_2690 = arith.constant 336 : index
    %get3A_2691 = tpu.vector_load %arg17[%get3A_2690] {strides = array<i32>} : memref<512xi32, #tpu.memory_space<vmem>>, vector<16xi32>,
    %gather3A_2692 = tpu.vector_load_idx %arg24[%get3A_2691] : memref<128xf32, #tpu.memory_space<vmem>>[vector<16xi32>], vector<16xf32>,
    %add3A_2693 = arith.addf %add3A_2689, %gather3A_2692 : vector<16xf32>
    %get3A_2694 = arith.constant 336 : index
    %get3A_2695 = tpu.vector_load %arg18[%get3A_2694] {strides = array<i32>} : memref<512xi32, #tpu.memory_space<vmem>>, vector<16xi32>,
    %gather3A_2696 = tpu.vector_load_idx %arg25[%get3A_2695] : memref<16xf32, #tpu.memory_space<vmem>>[vector<16xi32>], vector<16xf32>,
    %add3A_2697 = arith.addf %add3A_2693, %gather3A_2696 : vector<16xf32>
    %mul3A_2698 = arith.constant 20 : i32
    %mul3A_2699 = vector.broadcast %mul3A_2698 : i32 to vector<16xi32>
    %mul3A_2700 = arith.muli %iota3A, %mul3A_2699 : vector<16xi32>
    %add3A_2701 = arith.constant 6720 : i32
    %add3A_2702 = vector.broadcast %add3A_2701 : i32 to vector<16xi32>
    %add3A_2703 = arith.addi %mul3A_2700, %add3A_2702 : vector<16xi32>
    %add3A_2704 = arith.constant 0 : i32
    %add3A_2705 = vector.broadcast %add3A_2704 : i32 to vector<16xi32>
    %add3A_2706 = arith.addi %add3A_2703, %add3A_2705 : vector<16xi32>
    %gather3A_2707 = tpu.vector_load_idx %arg21[%add3A_2706] : memref<10240xf32, #tpu.memory_space<vmem>>[vector<16xi32>], vector<16xf32>,
    %add3A_2708 = arith.addf %add3A_2697, %gather3A_2707 : vector<16xf32>
    %add3A_2709 = arith.constant 1 : i32
    %add3A_2710 = vector.broadcast %add3A_2709 : i32 to vector<16xi32>
    %add3A_2711 = arith.addi %add3A_2703, %add3A_2710 : vector<16xi32>
    %gather3A_2712 = tpu.vector_load_idx %arg21[%add3A_2711] : memref<10240xf32, #tpu.memory_space<vmem>>[vector<16xi32>], vector<16xf32>,
    %add3A_2713 = arith.addf %add3A_2708, %gather3A_2712 : vector<16xf32>
    %add3A_2714 = arith.constant 2 : i32
    %add3A_2715 = vector.broadcast %add3A_2714 : i32 to vector<16xi32>
    %add3A_2716 = arith.addi %add3A_2703, %add3A_2715 : vector<16xi32>
    %gather3A_2717 = tpu.vector_load_idx %arg21[%add3A_2716] : memref<10240xf32, #tpu.memory_space<vmem>>[vector<16xi32>], vector<16xf32>,
    %add3A_2718 = arith.addf %add3A_2713, %gather3A_2717 : vector<16xf32>
    %add3A_2719 = arith.constant 3 : i32
    %add3A_2720 = vector.broadcast %add3A_2719 : i32 to vector<16xi32>
    %add3A_2721 = arith.addi %add3A_2703, %add3A_2720 : vector<16xi32>
    %gather3A_2722 = tpu.vector_load_idx %arg21[%add3A_2721] : memref<10240xf32, #tpu.memory_space<vmem>>[vector<16xi32>], vector<16xf32>,
    %add3A_2723 = arith.addf %add3A_2718, %gather3A_2722 : vector<16xf32>
    %add3A_2724 = arith.constant 4 : i32
    %add3A_2725 = vector.broadcast %add3A_2724 : i32 to vector<16xi32>
    %add3A_2726 = arith.addi %add3A_2703, %add3A_2725 : vector<16xi32>
    %gather3A_2727 = tpu.vector_load_idx %arg21[%add3A_2726] : memref<10240xf32, #tpu.memory_space<vmem>>[vector<16xi32>], vector<16xf32>,
    %add3A_2728 = arith.addf %add3A_2723, %gather3A_2727 : vector<16xf32>
    %add3A_2729 = arith.constant 5 : i32
    %add3A_2730 = vector.broadcast %add3A_2729 : i32 to vector<16xi32>
    %add3A_2731 = arith.addi %add3A_2703, %add3A_2730 : vector<16xi32>
    %gather3A_2732 = tpu.vector_load_idx %arg21[%add3A_2731] : memref<10240xf32, #tpu.memory_space<vmem>>[vector<16xi32>], vector<16xf32>,
    %add3A_2733 = arith.addf %add3A_2728, %gather3A_2732 : vector<16xf32>
    %add3A_2734 = arith.constant 6 : i32
    %add3A_2735 = vector.broadcast %add3A_2734 : i32 to vector<16xi32>
    %add3A_2736 = arith.addi %add3A_2703, %add3A_2735 : vector<16xi32>
    %gather3A_2737 = tpu.vector_load_idx %arg21[%add3A_2736] : memref<10240xf32, #tpu.memory_space<vmem>>[vector<16xi32>], vector<16xf32>,
    %add3A_2738 = arith.addf %add3A_2733, %gather3A_2737 : vector<16xf32>
    %add3A_2739 = arith.constant 7 : i32
    %add3A_2740 = vector.broadcast %add3A_2739 : i32 to vector<16xi32>
    %add3A_2741 = arith.addi %add3A_2703, %add3A_2740 : vector<16xi32>
    %gather3A_2742 = tpu.vector_load_idx %arg21[%add3A_2741] : memref<10240xf32, #tpu.memory_space<vmem>>[vector<16xi32>], vector<16xf32>,
    %add3A_2743 = arith.addf %add3A_2738, %gather3A_2742 : vector<16xf32>
    %add3A_2744 = arith.constant 8 : i32
    %add3A_2745 = vector.broadcast %add3A_2744 : i32 to vector<16xi32>
    %add3A_2746 = arith.addi %add3A_2703, %add3A_2745 : vector<16xi32>
    %gather3A_2747 = tpu.vector_load_idx %arg21[%add3A_2746] : memref<10240xf32, #tpu.memory_space<vmem>>[vector<16xi32>], vector<16xf32>,
    %add3A_2748 = arith.addf %add3A_2743, %gather3A_2747 : vector<16xf32>
    %add3A_2749 = arith.constant 9 : i32
    %add3A_2750 = vector.broadcast %add3A_2749 : i32 to vector<16xi32>
    %add3A_2751 = arith.addi %add3A_2703, %add3A_2750 : vector<16xi32>
    %gather3A_2752 = tpu.vector_load_idx %arg21[%add3A_2751] : memref<10240xf32, #tpu.memory_space<vmem>>[vector<16xi32>], vector<16xf32>,
    %add3A_2753 = arith.addf %add3A_2748, %gather3A_2752 : vector<16xf32>
    %add3A_2754 = arith.constant 10 : i32
    %add3A_2755 = vector.broadcast %add3A_2754 : i32 to vector<16xi32>
    %add3A_2756 = arith.addi %add3A_2703, %add3A_2755 : vector<16xi32>
    %gather3A_2757 = tpu.vector_load_idx %arg21[%add3A_2756] : memref<10240xf32, #tpu.memory_space<vmem>>[vector<16xi32>], vector<16xf32>,
    %add3A_2758 = arith.addf %add3A_2753, %gather3A_2757 : vector<16xf32>
    %add3A_2759 = arith.constant 11 : i32
    %add3A_2760 = vector.broadcast %add3A_2759 : i32 to vector<16xi32>
    %add3A_2761 = arith.addi %add3A_2703, %add3A_2760 : vector<16xi32>
    %gather3A_2762 = tpu.vector_load_idx %arg21[%add3A_2761] : memref<10240xf32, #tpu.memory_space<vmem>>[vector<16xi32>], vector<16xf32>,
    %add3A_2763 = arith.addf %add3A_2758, %gather3A_2762 : vector<16xf32>
    %add3A_2764 = arith.constant 12 : i32
    %add3A_2765 = vector.broadcast %add3A_2764 : i32 to vector<16xi32>
    %add3A_2766 = arith.addi %add3A_2703, %add3A_2765 : vector<16xi32>
    %gather3A_2767 = tpu.vector_load_idx %arg21[%add3A_2766] : memref<10240xf32, #tpu.memory_space<vmem>>[vector<16xi32>], vector<16xf32>,
    %add3A_2768 = arith.addf %add3A_2763, %gather3A_2767 : vector<16xf32>
    %add3A_2769 = arith.constant 13 : i32
    %add3A_2770 = vector.broadcast %add3A_2769 : i32 to vector<16xi32>
    %add3A_2771 = arith.addi %add3A_2703, %add3A_2770 : vector<16xi32>
    %gather3A_2772 = tpu.vector_load_idx %arg21[%add3A_2771] : memref<10240xf32, #tpu.memory_space<vmem>>[vector<16xi32>], vector<16xf32>,
    %add3A_2773 = arith.addf %add3A_2768, %gather3A_2772 : vector<16xf32>
    %add3A_2774 = arith.constant 14 : i32
    %add3A_2775 = vector.broadcast %add3A_2774 : i32 to vector<16xi32>
    %add3A_2776 = arith.addi %add3A_2703, %add3A_2775 : vector<16xi32>
    %gather3A_2777 = tpu.vector_load_idx %arg21[%add3A_2776] : memref<10240xf32, #tpu.memory_space<vmem>>[vector<16xi32>], vector<16xf32>,
    %add3A_2778 = arith.addf %add3A_2773, %gather3A_2777 : vector<16xf32>
    %add3A_2779 = arith.constant 15 : i32
    %add3A_2780 = vector.broadcast %add3A_2779 : i32 to vector<16xi32>
    %add3A_2781 = arith.addi %add3A_2703, %add3A_2780 : vector<16xi32>
    %gather3A_2782 = tpu.vector_load_idx %arg21[%add3A_2781] : memref<10240xf32, #tpu.memory_space<vmem>>[vector<16xi32>], vector<16xf32>,
    %add3A_2783 = arith.addf %add3A_2778, %gather3A_2782 : vector<16xf32>
    %add3A_2784 = arith.constant 16 : i32
    %add3A_2785 = vector.broadcast %add3A_2784 : i32 to vector<16xi32>
    %add3A_2786 = arith.addi %add3A_2703, %add3A_2785 : vector<16xi32>
    %gather3A_2787 = tpu.vector_load_idx %arg21[%add3A_2786] : memref<10240xf32, #tpu.memory_space<vmem>>[vector<16xi32>], vector<16xf32>,
    %add3A_2788 = arith.addf %add3A_2783, %gather3A_2787 : vector<16xf32>
    %add3A_2789 = arith.constant 17 : i32
    %add3A_2790 = vector.broadcast %add3A_2789 : i32 to vector<16xi32>
    %add3A_2791 = arith.addi %add3A_2703, %add3A_2790 : vector<16xi32>
    %gather3A_2792 = tpu.vector_load_idx %arg21[%add3A_2791] : memref<10240xf32, #tpu.memory_space<vmem>>[vector<16xi32>], vector<16xf32>,
    %add3A_2793 = arith.addf %add3A_2788, %gather3A_2792 : vector<16xf32>
    %add3A_2794 = arith.constant 18 : i32
    %add3A_2795 = vector.broadcast %add3A_2794 : i32 to vector<16xi32>
    %add3A_2796 = arith.addi %add3A_2703, %add3A_2795 : vector<16xi32>
    %gather3A_2797 = tpu.vector_load_idx %arg21[%add3A_2796] : memref<10240xf32, #tpu.memory_space<vmem>>[vector<16xi32>], vector<16xf32>,
    %add3A_2798 = arith.addf %add3A_2793, %gather3A_2797 : vector<16xf32>
    %add3A_2799 = arith.constant 19 : i32
    %add3A_2800 = vector.broadcast %add3A_2799 : i32 to vector<16xi32>
    %add3A_2801 = arith.addi %add3A_2703, %add3A_2800 : vector<16xi32>
    %gather3A_2802 = tpu.vector_load_idx %arg21[%add3A_2801] : memref<10240xf32, #tpu.memory_space<vmem>>[vector<16xi32>], vector<16xf32>,
    %add3A_2803 = arith.addf %add3A_2798, %gather3A_2802 : vector<16xf32>
    %swap3A_2804 = arith.constant 336 : index
    %swap3A_2805 = tpu.vector_load %arg27[%swap3A_2804] {strides = array<i32>} : memref<512xf32, #tpu.memory_space<vmem>>, vector<16xf32>,
    tpu.vector_store %arg27[%swap3A_2804], %add3A_2803 {strides = array<i32>} : memref<512xf32, #tpu.memory_space<vmem>>, vector<16xf32>,
    %get3A_2806 = arith.constant 352 : index
    %get3A_2807 = tpu.vector_load %arg19[%get3A_2806] {strides = array<i32>} : memref<512xf32, #tpu.memory_space<vmem>>, vector<16xf32>,
    %mul3A_2808 = arith.mulf %get3A_2807, %get3A_33 : vector<16xf32>
    %add3A_2809 = arith.addf %mul3A_2808, %get3A_35 : vector<16xf32>
    %get3A_2810 = arith.constant 352 : index
    %get3A_2811 = tpu.vector_load %arg22[%get3A_2810] {strides = array<i32>} : memref<512xf32, #tpu.memory_space<vmem>>, vector<16xf32>,
    %add3A_2812 = arith.addf %add3A_2809, %get3A_2811 : vector<16xf32>
    %get3A_2813 = arith.constant 352 : index
    %get3A_2814 = tpu.vector_load %arg23[%get3A_2813] {strides = array<i32>} : memref<512xf32, #tpu.memory_space<vmem>>, vector<16xf32>,
    %add3A_2815 = arith.addf %add3A_2812, %get3A_2814 : vector<16xf32>
    %get3A_2816 = arith.constant 352 : index
    %get3A_2817 = tpu.vector_load %arg17[%get3A_2816] {strides = array<i32>} : memref<512xi32, #tpu.memory_space<vmem>>, vector<16xi32>,
    %gather3A_2818 = tpu.vector_load_idx %arg24[%get3A_2817] : memref<128xf32, #tpu.memory_space<vmem>>[vector<16xi32>], vector<16xf32>,
    %add3A_2819 = arith.addf %add3A_2815, %gather3A_2818 : vector<16xf32>
    %get3A_2820 = arith.constant 352 : index
    %get3A_2821 = tpu.vector_load %arg18[%get3A_2820] {strides = array<i32>} : memref<512xi32, #tpu.memory_space<vmem>>, vector<16xi32>,
    %gather3A_2822 = tpu.vector_load_idx %arg25[%get3A_2821] : memref<16xf32, #tpu.memory_space<vmem>>[vector<16xi32>], vector<16xf32>,
    %add3A_2823 = arith.addf %add3A_2819, %gather3A_2822 : vector<16xf32>
    %mul3A_2824 = arith.constant 20 : i32
    %mul3A_2825 = vector.broadcast %mul3A_2824 : i32 to vector<16xi32>
    %mul3A_2826 = arith.muli %iota3A, %mul3A_2825 : vector<16xi32>
    %add3A_2827 = arith.constant 7040 : i32
    %add3A_2828 = vector.broadcast %add3A_2827 : i32 to vector<16xi32>
    %add3A_2829 = arith.addi %mul3A_2826, %add3A_2828 : vector<16xi32>
    %add3A_2830 = arith.constant 0 : i32
    %add3A_2831 = vector.broadcast %add3A_2830 : i32 to vector<16xi32>
    %add3A_2832 = arith.addi %add3A_2829, %add3A_2831 : vector<16xi32>
    %gather3A_2833 = tpu.vector_load_idx %arg21[%add3A_2832] : memref<10240xf32, #tpu.memory_space<vmem>>[vector<16xi32>], vector<16xf32>,
    %add3A_2834 = arith.addf %add3A_2823, %gather3A_2833 : vector<16xf32>
    %add3A_2835 = arith.constant 1 : i32
    %add3A_2836 = vector.broadcast %add3A_2835 : i32 to vector<16xi32>
    %add3A_2837 = arith.addi %add3A_2829, %add3A_2836 : vector<16xi32>
    %gather3A_2838 = tpu.vector_load_idx %arg21[%add3A_2837] : memref<10240xf32, #tpu.memory_space<vmem>>[vector<16xi32>], vector<16xf32>,
    %add3A_2839 = arith.addf %add3A_2834, %gather3A_2838 : vector<16xf32>
    %add3A_2840 = arith.constant 2 : i32
    %add3A_2841 = vector.broadcast %add3A_2840 : i32 to vector<16xi32>
    %add3A_2842 = arith.addi %add3A_2829, %add3A_2841 : vector<16xi32>
    %gather3A_2843 = tpu.vector_load_idx %arg21[%add3A_2842] : memref<10240xf32, #tpu.memory_space<vmem>>[vector<16xi32>], vector<16xf32>,
    %add3A_2844 = arith.addf %add3A_2839, %gather3A_2843 : vector<16xf32>
    %add3A_2845 = arith.constant 3 : i32
    %add3A_2846 = vector.broadcast %add3A_2845 : i32 to vector<16xi32>
    %add3A_2847 = arith.addi %add3A_2829, %add3A_2846 : vector<16xi32>
    %gather3A_2848 = tpu.vector_load_idx %arg21[%add3A_2847] : memref<10240xf32, #tpu.memory_space<vmem>>[vector<16xi32>], vector<16xf32>,
    %add3A_2849 = arith.addf %add3A_2844, %gather3A_2848 : vector<16xf32>
    %add3A_2850 = arith.constant 4 : i32
    %add3A_2851 = vector.broadcast %add3A_2850 : i32 to vector<16xi32>
    %add3A_2852 = arith.addi %add3A_2829, %add3A_2851 : vector<16xi32>
    %gather3A_2853 = tpu.vector_load_idx %arg21[%add3A_2852] : memref<10240xf32, #tpu.memory_space<vmem>>[vector<16xi32>], vector<16xf32>,
    %add3A_2854 = arith.addf %add3A_2849, %gather3A_2853 : vector<16xf32>
    %add3A_2855 = arith.constant 5 : i32
    %add3A_2856 = vector.broadcast %add3A_2855 : i32 to vector<16xi32>
    %add3A_2857 = arith.addi %add3A_2829, %add3A_2856 : vector<16xi32>
    %gather3A_2858 = tpu.vector_load_idx %arg21[%add3A_2857] : memref<10240xf32, #tpu.memory_space<vmem>>[vector<16xi32>], vector<16xf32>,
    %add3A_2859 = arith.addf %add3A_2854, %gather3A_2858 : vector<16xf32>
    %add3A_2860 = arith.constant 6 : i32
    %add3A_2861 = vector.broadcast %add3A_2860 : i32 to vector<16xi32>
    %add3A_2862 = arith.addi %add3A_2829, %add3A_2861 : vector<16xi32>
    %gather3A_2863 = tpu.vector_load_idx %arg21[%add3A_2862] : memref<10240xf32, #tpu.memory_space<vmem>>[vector<16xi32>], vector<16xf32>,
    %add3A_2864 = arith.addf %add3A_2859, %gather3A_2863 : vector<16xf32>
    %add3A_2865 = arith.constant 7 : i32
    %add3A_2866 = vector.broadcast %add3A_2865 : i32 to vector<16xi32>
    %add3A_2867 = arith.addi %add3A_2829, %add3A_2866 : vector<16xi32>
    %gather3A_2868 = tpu.vector_load_idx %arg21[%add3A_2867] : memref<10240xf32, #tpu.memory_space<vmem>>[vector<16xi32>], vector<16xf32>,
    %add3A_2869 = arith.addf %add3A_2864, %gather3A_2868 : vector<16xf32>
    %add3A_2870 = arith.constant 8 : i32
    %add3A_2871 = vector.broadcast %add3A_2870 : i32 to vector<16xi32>
    %add3A_2872 = arith.addi %add3A_2829, %add3A_2871 : vector<16xi32>
    %gather3A_2873 = tpu.vector_load_idx %arg21[%add3A_2872] : memref<10240xf32, #tpu.memory_space<vmem>>[vector<16xi32>], vector<16xf32>,
    %add3A_2874 = arith.addf %add3A_2869, %gather3A_2873 : vector<16xf32>
    %add3A_2875 = arith.constant 9 : i32
    %add3A_2876 = vector.broadcast %add3A_2875 : i32 to vector<16xi32>
    %add3A_2877 = arith.addi %add3A_2829, %add3A_2876 : vector<16xi32>
    %gather3A_2878 = tpu.vector_load_idx %arg21[%add3A_2877] : memref<10240xf32, #tpu.memory_space<vmem>>[vector<16xi32>], vector<16xf32>,
    %add3A_2879 = arith.addf %add3A_2874, %gather3A_2878 : vector<16xf32>
    %add3A_2880 = arith.constant 10 : i32
    %add3A_2881 = vector.broadcast %add3A_2880 : i32 to vector<16xi32>
    %add3A_2882 = arith.addi %add3A_2829, %add3A_2881 : vector<16xi32>
    %gather3A_2883 = tpu.vector_load_idx %arg21[%add3A_2882] : memref<10240xf32, #tpu.memory_space<vmem>>[vector<16xi32>], vector<16xf32>,
    %add3A_2884 = arith.addf %add3A_2879, %gather3A_2883 : vector<16xf32>
    %add3A_2885 = arith.constant 11 : i32
    %add3A_2886 = vector.broadcast %add3A_2885 : i32 to vector<16xi32>
    %add3A_2887 = arith.addi %add3A_2829, %add3A_2886 : vector<16xi32>
    %gather3A_2888 = tpu.vector_load_idx %arg21[%add3A_2887] : memref<10240xf32, #tpu.memory_space<vmem>>[vector<16xi32>], vector<16xf32>,
    %add3A_2889 = arith.addf %add3A_2884, %gather3A_2888 : vector<16xf32>
    %add3A_2890 = arith.constant 12 : i32
    %add3A_2891 = vector.broadcast %add3A_2890 : i32 to vector<16xi32>
    %add3A_2892 = arith.addi %add3A_2829, %add3A_2891 : vector<16xi32>
    %gather3A_2893 = tpu.vector_load_idx %arg21[%add3A_2892] : memref<10240xf32, #tpu.memory_space<vmem>>[vector<16xi32>], vector<16xf32>,
    %add3A_2894 = arith.addf %add3A_2889, %gather3A_2893 : vector<16xf32>
    %add3A_2895 = arith.constant 13 : i32
    %add3A_2896 = vector.broadcast %add3A_2895 : i32 to vector<16xi32>
    %add3A_2897 = arith.addi %add3A_2829, %add3A_2896 : vector<16xi32>
    %gather3A_2898 = tpu.vector_load_idx %arg21[%add3A_2897] : memref<10240xf32, #tpu.memory_space<vmem>>[vector<16xi32>], vector<16xf32>,
    %add3A_2899 = arith.addf %add3A_2894, %gather3A_2898 : vector<16xf32>
    %add3A_2900 = arith.constant 14 : i32
    %add3A_2901 = vector.broadcast %add3A_2900 : i32 to vector<16xi32>
    %add3A_2902 = arith.addi %add3A_2829, %add3A_2901 : vector<16xi32>
    %gather3A_2903 = tpu.vector_load_idx %arg21[%add3A_2902] : memref<10240xf32, #tpu.memory_space<vmem>>[vector<16xi32>], vector<16xf32>,
    %add3A_2904 = arith.addf %add3A_2899, %gather3A_2903 : vector<16xf32>
    %add3A_2905 = arith.constant 15 : i32
    %add3A_2906 = vector.broadcast %add3A_2905 : i32 to vector<16xi32>
    %add3A_2907 = arith.addi %add3A_2829, %add3A_2906 : vector<16xi32>
    %gather3A_2908 = tpu.vector_load_idx %arg21[%add3A_2907] : memref<10240xf32, #tpu.memory_space<vmem>>[vector<16xi32>], vector<16xf32>,
    %add3A_2909 = arith.addf %add3A_2904, %gather3A_2908 : vector<16xf32>
    %add3A_2910 = arith.constant 16 : i32
    %add3A_2911 = vector.broadcast %add3A_2910 : i32 to vector<16xi32>
    %add3A_2912 = arith.addi %add3A_2829, %add3A_2911 : vector<16xi32>
    %gather3A_2913 = tpu.vector_load_idx %arg21[%add3A_2912] : memref<10240xf32, #tpu.memory_space<vmem>>[vector<16xi32>], vector<16xf32>,
    %add3A_2914 = arith.addf %add3A_2909, %gather3A_2913 : vector<16xf32>
    %add3A_2915 = arith.constant 17 : i32
    %add3A_2916 = vector.broadcast %add3A_2915 : i32 to vector<16xi32>
    %add3A_2917 = arith.addi %add3A_2829, %add3A_2916 : vector<16xi32>
    %gather3A_2918 = tpu.vector_load_idx %arg21[%add3A_2917] : memref<10240xf32, #tpu.memory_space<vmem>>[vector<16xi32>], vector<16xf32>,
    %add3A_2919 = arith.addf %add3A_2914, %gather3A_2918 : vector<16xf32>
    %add3A_2920 = arith.constant 18 : i32
    %add3A_2921 = vector.broadcast %add3A_2920 : i32 to vector<16xi32>
    %add3A_2922 = arith.addi %add3A_2829, %add3A_2921 : vector<16xi32>
    %gather3A_2923 = tpu.vector_load_idx %arg21[%add3A_2922] : memref<10240xf32, #tpu.memory_space<vmem>>[vector<16xi32>], vector<16xf32>,
    %add3A_2924 = arith.addf %add3A_2919, %gather3A_2923 : vector<16xf32>
    %add3A_2925 = arith.constant 19 : i32
    %add3A_2926 = vector.broadcast %add3A_2925 : i32 to vector<16xi32>
    %add3A_2927 = arith.addi %add3A_2829, %add3A_2926 : vector<16xi32>
    %gather3A_2928 = tpu.vector_load_idx %arg21[%add3A_2927] : memref<10240xf32, #tpu.memory_space<vmem>>[vector<16xi32>], vector<16xf32>,
    %add3A_2929 = arith.addf %add3A_2924, %gather3A_2928 : vector<16xf32>
    %swap3A_2930 = arith.constant 352 : index
    %swap3A_2931 = tpu.vector_load %arg27[%swap3A_2930] {strides = array<i32>} : memref<512xf32, #tpu.memory_space<vmem>>, vector<16xf32>,
    tpu.vector_store %arg27[%swap3A_2930], %add3A_2929 {strides = array<i32>} : memref<512xf32, #tpu.memory_space<vmem>>, vector<16xf32>,
    %get3A_2932 = arith.constant 368 : index
    %get3A_2933 = tpu.vector_load %arg19[%get3A_2932] {strides = array<i32>} : memref<512xf32, #tpu.memory_space<vmem>>, vector<16xf32>,
    %mul3A_2934 = arith.mulf %get3A_2933, %get3A_33 : vector<16xf32>
    %add3A_2935 = arith.addf %mul3A_2934, %get3A_35 : vector<16xf32>
    %get3A_2936 = arith.constant 368 : index
    %get3A_2937 = tpu.vector_load %arg22[%get3A_2936] {strides = array<i32>} : memref<512xf32, #tpu.memory_space<vmem>>, vector<16xf32>,
    %add3A_2938 = arith.addf %add3A_2935, %get3A_2937 : vector<16xf32>
    %get3A_2939 = arith.constant 368 : index
    %get3A_2940 = tpu.vector_load %arg23[%get3A_2939] {strides = array<i32>} : memref<512xf32, #tpu.memory_space<vmem>>, vector<16xf32>,
    %add3A_2941 = arith.addf %add3A_2938, %get3A_2940 : vector<16xf32>
    %get3A_2942 = arith.constant 368 : index
    %get3A_2943 = tpu.vector_load %arg17[%get3A_2942] {strides = array<i32>} : memref<512xi32, #tpu.memory_space<vmem>>, vector<16xi32>,
    %gather3A_2944 = tpu.vector_load_idx %arg24[%get3A_2943] : memref<128xf32, #tpu.memory_space<vmem>>[vector<16xi32>], vector<16xf32>,
    %add3A_2945 = arith.addf %add3A_2941, %gather3A_2944 : vector<16xf32>
    %get3A_2946 = arith.constant 368 : index
    %get3A_2947 = tpu.vector_load %arg18[%get3A_2946] {strides = array<i32>} : memref<512xi32, #tpu.memory_space<vmem>>, vector<16xi32>,
    %gather3A_2948 = tpu.vector_load_idx %arg25[%get3A_2947] : memref<16xf32, #tpu.memory_space<vmem>>[vector<16xi32>], vector<16xf32>,
    %add3A_2949 = arith.addf %add3A_2945, %gather3A_2948 : vector<16xf32>
    %mul3A_2950 = arith.constant 20 : i32
    %mul3A_2951 = vector.broadcast %mul3A_2950 : i32 to vector<16xi32>
    %mul3A_2952 = arith.muli %iota3A, %mul3A_2951 : vector<16xi32>
    %add3A_2953 = arith.constant 7360 : i32
    %add3A_2954 = vector.broadcast %add3A_2953 : i32 to vector<16xi32>
    %add3A_2955 = arith.addi %mul3A_2952, %add3A_2954 : vector<16xi32>
    %add3A_2956 = arith.constant 0 : i32
    %add3A_2957 = vector.broadcast %add3A_2956 : i32 to vector<16xi32>
    %add3A_2958 = arith.addi %add3A_2955, %add3A_2957 : vector<16xi32>
    %gather3A_2959 = tpu.vector_load_idx %arg21[%add3A_2958] : memref<10240xf32, #tpu.memory_space<vmem>>[vector<16xi32>], vector<16xf32>,
    %add3A_2960 = arith.addf %add3A_2949, %gather3A_2959 : vector<16xf32>
    %add3A_2961 = arith.constant 1 : i32
    %add3A_2962 = vector.broadcast %add3A_2961 : i32 to vector<16xi32>
    %add3A_2963 = arith.addi %add3A_2955, %add3A_2962 : vector<16xi32>
    %gather3A_2964 = tpu.vector_load_idx %arg21[%add3A_2963] : memref<10240xf32, #tpu.memory_space<vmem>>[vector<16xi32>], vector<16xf32>,
    %add3A_2965 = arith.addf %add3A_2960, %gather3A_2964 : vector<16xf32>
    %add3A_2966 = arith.constant 2 : i32
    %add3A_2967 = vector.broadcast %add3A_2966 : i32 to vector<16xi32>
    %add3A_2968 = arith.addi %add3A_2955, %add3A_2967 : vector<16xi32>
    %gather3A_2969 = tpu.vector_load_idx %arg21[%add3A_2968] : memref<10240xf32, #tpu.memory_space<vmem>>[vector<16xi32>], vector<16xf32>,
    %add3A_2970 = arith.addf %add3A_2965, %gather3A_2969 : vector<16xf32>
    %add3A_2971 = arith.constant 3 : i32
    %add3A_2972 = vector.broadcast %add3A_2971 : i32 to vector<16xi32>
    %add3A_2973 = arith.addi %add3A_2955, %add3A_2972 : vector<16xi32>
    %gather3A_2974 = tpu.vector_load_idx %arg21[%add3A_2973] : memref<10240xf32, #tpu.memory_space<vmem>>[vector<16xi32>], vector<16xf32>,
    %add3A_2975 = arith.addf %add3A_2970, %gather3A_2974 : vector<16xf32>
    %add3A_2976 = arith.constant 4 : i32
    %add3A_2977 = vector.broadcast %add3A_2976 : i32 to vector<16xi32>
    %add3A_2978 = arith.addi %add3A_2955, %add3A_2977 : vector<16xi32>
    %gather3A_2979 = tpu.vector_load_idx %arg21[%add3A_2978] : memref<10240xf32, #tpu.memory_space<vmem>>[vector<16xi32>], vector<16xf32>,
    %add3A_2980 = arith.addf %add3A_2975, %gather3A_2979 : vector<16xf32>
    %add3A_2981 = arith.constant 5 : i32
    %add3A_2982 = vector.broadcast %add3A_2981 : i32 to vector<16xi32>
    %add3A_2983 = arith.addi %add3A_2955, %add3A_2982 : vector<16xi32>
    %gather3A_2984 = tpu.vector_load_idx %arg21[%add3A_2983] : memref<10240xf32, #tpu.memory_space<vmem>>[vector<16xi32>], vector<16xf32>,
    %add3A_2985 = arith.addf %add3A_2980, %gather3A_2984 : vector<16xf32>
    %add3A_2986 = arith.constant 6 : i32
    %add3A_2987 = vector.broadcast %add3A_2986 : i32 to vector<16xi32>
    %add3A_2988 = arith.addi %add3A_2955, %add3A_2987 : vector<16xi32>
    %gather3A_2989 = tpu.vector_load_idx %arg21[%add3A_2988] : memref<10240xf32, #tpu.memory_space<vmem>>[vector<16xi32>], vector<16xf32>,
    %add3A_2990 = arith.addf %add3A_2985, %gather3A_2989 : vector<16xf32>
    %add3A_2991 = arith.constant 7 : i32
    %add3A_2992 = vector.broadcast %add3A_2991 : i32 to vector<16xi32>
    %add3A_2993 = arith.addi %add3A_2955, %add3A_2992 : vector<16xi32>
    %gather3A_2994 = tpu.vector_load_idx %arg21[%add3A_2993] : memref<10240xf32, #tpu.memory_space<vmem>>[vector<16xi32>], vector<16xf32>,
    %add3A_2995 = arith.addf %add3A_2990, %gather3A_2994 : vector<16xf32>
    %add3A_2996 = arith.constant 8 : i32
    %add3A_2997 = vector.broadcast %add3A_2996 : i32 to vector<16xi32>
    %add3A_2998 = arith.addi %add3A_2955, %add3A_2997 : vector<16xi32>
    %gather3A_2999 = tpu.vector_load_idx %arg21[%add3A_2998] : memref<10240xf32, #tpu.memory_space<vmem>>[vector<16xi32>], vector<16xf32>,
    %add3A_3000 = arith.addf %add3A_2995, %gather3A_2999 : vector<16xf32>
    %add3A_3001 = arith.constant 9 : i32
    %add3A_3002 = vector.broadcast %add3A_3001 : i32 to vector<16xi32>
    %add3A_3003 = arith.addi %add3A_2955, %add3A_3002 : vector<16xi32>
    %gather3A_3004 = tpu.vector_load_idx %arg21[%add3A_3003] : memref<10240xf32, #tpu.memory_space<vmem>>[vector<16xi32>], vector<16xf32>,
    %add3A_3005 = arith.addf %add3A_3000, %gather3A_3004 : vector<16xf32>
    %add3A_3006 = arith.constant 10 : i32
    %add3A_3007 = vector.broadcast %add3A_3006 : i32 to vector<16xi32>
    %add3A_3008 = arith.addi %add3A_2955, %add3A_3007 : vector<16xi32>
    %gather3A_3009 = tpu.vector_load_idx %arg21[%add3A_3008] : memref<10240xf32, #tpu.memory_space<vmem>>[vector<16xi32>], vector<16xf32>,
    %add3A_3010 = arith.addf %add3A_3005, %gather3A_3009 : vector<16xf32>
    %add3A_3011 = arith.constant 11 : i32
    %add3A_3012 = vector.broadcast %add3A_3011 : i32 to vector<16xi32>
    %add3A_3013 = arith.addi %add3A_2955, %add3A_3012 : vector<16xi32>
    %gather3A_3014 = tpu.vector_load_idx %arg21[%add3A_3013] : memref<10240xf32, #tpu.memory_space<vmem>>[vector<16xi32>], vector<16xf32>,
    %add3A_3015 = arith.addf %add3A_3010, %gather3A_3014 : vector<16xf32>
    %add3A_3016 = arith.constant 12 : i32
    %add3A_3017 = vector.broadcast %add3A_3016 : i32 to vector<16xi32>
    %add3A_3018 = arith.addi %add3A_2955, %add3A_3017 : vector<16xi32>
    %gather3A_3019 = tpu.vector_load_idx %arg21[%add3A_3018] : memref<10240xf32, #tpu.memory_space<vmem>>[vector<16xi32>], vector<16xf32>,
    %add3A_3020 = arith.addf %add3A_3015, %gather3A_3019 : vector<16xf32>
    %add3A_3021 = arith.constant 13 : i32
    %add3A_3022 = vector.broadcast %add3A_3021 : i32 to vector<16xi32>
    %add3A_3023 = arith.addi %add3A_2955, %add3A_3022 : vector<16xi32>
    %gather3A_3024 = tpu.vector_load_idx %arg21[%add3A_3023] : memref<10240xf32, #tpu.memory_space<vmem>>[vector<16xi32>], vector<16xf32>,
    %add3A_3025 = arith.addf %add3A_3020, %gather3A_3024 : vector<16xf32>
    %add3A_3026 = arith.constant 14 : i32
    %add3A_3027 = vector.broadcast %add3A_3026 : i32 to vector<16xi32>
    %add3A_3028 = arith.addi %add3A_2955, %add3A_3027 : vector<16xi32>
    %gather3A_3029 = tpu.vector_load_idx %arg21[%add3A_3028] : memref<10240xf32, #tpu.memory_space<vmem>>[vector<16xi32>], vector<16xf32>,
    %add3A_3030 = arith.addf %add3A_3025, %gather3A_3029 : vector<16xf32>
    %add3A_3031 = arith.constant 15 : i32
    %add3A_3032 = vector.broadcast %add3A_3031 : i32 to vector<16xi32>
    %add3A_3033 = arith.addi %add3A_2955, %add3A_3032 : vector<16xi32>
    %gather3A_3034 = tpu.vector_load_idx %arg21[%add3A_3033] : memref<10240xf32, #tpu.memory_space<vmem>>[vector<16xi32>], vector<16xf32>,
    %add3A_3035 = arith.addf %add3A_3030, %gather3A_3034 : vector<16xf32>
    %add3A_3036 = arith.constant 16 : i32
    %add3A_3037 = vector.broadcast %add3A_3036 : i32 to vector<16xi32>
    %add3A_3038 = arith.addi %add3A_2955, %add3A_3037 : vector<16xi32>
    %gather3A_3039 = tpu.vector_load_idx %arg21[%add3A_3038] : memref<10240xf32, #tpu.memory_space<vmem>>[vector<16xi32>], vector<16xf32>,
    %add3A_3040 = arith.addf %add3A_3035, %gather3A_3039 : vector<16xf32>
    %add3A_3041 = arith.constant 17 : i32
    %add3A_3042 = vector.broadcast %add3A_3041 : i32 to vector<16xi32>
    %add3A_3043 = arith.addi %add3A_2955, %add3A_3042 : vector<16xi32>
    %gather3A_3044 = tpu.vector_load_idx %arg21[%add3A_3043] : memref<10240xf32, #tpu.memory_space<vmem>>[vector<16xi32>], vector<16xf32>,
    %add3A_3045 = arith.addf %add3A_3040, %gather3A_3044 : vector<16xf32>
    %add3A_3046 = arith.constant 18 : i32
    %add3A_3047 = vector.broadcast %add3A_3046 : i32 to vector<16xi32>
    %add3A_3048 = arith.addi %add3A_2955, %add3A_3047 : vector<16xi32>
    %gather3A_3049 = tpu.vector_load_idx %arg21[%add3A_3048] : memref<10240xf32, #tpu.memory_space<vmem>>[vector<16xi32>], vector<16xf32>,
    %add3A_3050 = arith.addf %add3A_3045, %gather3A_3049 : vector<16xf32>
    %add3A_3051 = arith.constant 19 : i32
    %add3A_3052 = vector.broadcast %add3A_3051 : i32 to vector<16xi32>
    %add3A_3053 = arith.addi %add3A_2955, %add3A_3052 : vector<16xi32>
    %gather3A_3054 = tpu.vector_load_idx %arg21[%add3A_3053] : memref<10240xf32, #tpu.memory_space<vmem>>[vector<16xi32>], vector<16xf32>,
    %add3A_3055 = arith.addf %add3A_3050, %gather3A_3054 : vector<16xf32>
    %swap3A_3056 = arith.constant 368 : index
    %swap3A_3057 = tpu.vector_load %arg27[%swap3A_3056] {strides = array<i32>} : memref<512xf32, #tpu.memory_space<vmem>>, vector<16xf32>,
    tpu.vector_store %arg27[%swap3A_3056], %add3A_3055 {strides = array<i32>} : memref<512xf32, #tpu.memory_space<vmem>>, vector<16xf32>,
    %get3A_3058 = arith.constant 384 : index
    %get3A_3059 = tpu.vector_load %arg19[%get3A_3058] {strides = array<i32>} : memref<512xf32, #tpu.memory_space<vmem>>, vector<16xf32>,
    %mul3A_3060 = arith.mulf %get3A_3059, %get3A_33 : vector<16xf32>
    %add3A_3061 = arith.addf %mul3A_3060, %get3A_35 : vector<16xf32>
    %get3A_3062 = arith.constant 384 : index
    %get3A_3063 = tpu.vector_load %arg22[%get3A_3062] {strides = array<i32>} : memref<512xf32, #tpu.memory_space<vmem>>, vector<16xf32>,
    %add3A_3064 = arith.addf %add3A_3061, %get3A_3063 : vector<16xf32>
    %get3A_3065 = arith.constant 384 : index
    %get3A_3066 = tpu.vector_load %arg23[%get3A_3065] {strides = array<i32>} : memref<512xf32, #tpu.memory_space<vmem>>, vector<16xf32>,
    %add3A_3067 = arith.addf %add3A_3064, %get3A_3066 : vector<16xf32>
    %get3A_3068 = arith.constant 384 : index
    %get3A_3069 = tpu.vector_load %arg17[%get3A_3068] {strides = array<i32>} : memref<512xi32, #tpu.memory_space<vmem>>, vector<16xi32>,
    %gather3A_3070 = tpu.vector_load_idx %arg24[%get3A_3069] : memref<128xf32, #tpu.memory_space<vmem>>[vector<16xi32>], vector<16xf32>,
    %add3A_3071 = arith.addf %add3A_3067, %gather3A_3070 : vector<16xf32>
    %get3A_3072 = arith.constant 384 : index
    %get3A_3073 = tpu.vector_load %arg18[%get3A_3072] {strides = array<i32>} : memref<512xi32, #tpu.memory_space<vmem>>, vector<16xi32>,
    %gather3A_3074 = tpu.vector_load_idx %arg25[%get3A_3073] : memref<16xf32, #tpu.memory_space<vmem>>[vector<16xi32>], vector<16xf32>,
    %add3A_3075 = arith.addf %add3A_3071, %gather3A_3074 : vector<16xf32>
    %mul3A_3076 = arith.constant 20 : i32
    %mul3A_3077 = vector.broadcast %mul3A_3076 : i32 to vector<16xi32>
    %mul3A_3078 = arith.muli %iota3A, %mul3A_3077 : vector<16xi32>
    %add3A_3079 = arith.constant 7680 : i32
    %add3A_3080 = vector.broadcast %add3A_3079 : i32 to vector<16xi32>
    %add3A_3081 = arith.addi %mul3A_3078, %add3A_3080 : vector<16xi32>
    %add3A_3082 = arith.constant 0 : i32
    %add3A_3083 = vector.broadcast %add3A_3082 : i32 to vector<16xi32>
    %add3A_3084 = arith.addi %add3A_3081, %add3A_3083 : vector<16xi32>
    %gather3A_3085 = tpu.vector_load_idx %arg21[%add3A_3084] : memref<10240xf32, #tpu.memory_space<vmem>>[vector<16xi32>], vector<16xf32>,
    %add3A_3086 = arith.addf %add3A_3075, %gather3A_3085 : vector<16xf32>
    %add3A_3087 = arith.constant 1 : i32
    %add3A_3088 = vector.broadcast %add3A_3087 : i32 to vector<16xi32>
    %add3A_3089 = arith.addi %add3A_3081, %add3A_3088 : vector<16xi32>
    %gather3A_3090 = tpu.vector_load_idx %arg21[%add3A_3089] : memref<10240xf32, #tpu.memory_space<vmem>>[vector<16xi32>], vector<16xf32>,
    %add3A_3091 = arith.addf %add3A_3086, %gather3A_3090 : vector<16xf32>
    %add3A_3092 = arith.constant 2 : i32
    %add3A_3093 = vector.broadcast %add3A_3092 : i32 to vector<16xi32>
    %add3A_3094 = arith.addi %add3A_3081, %add3A_3093 : vector<16xi32>
    %gather3A_3095 = tpu.vector_load_idx %arg21[%add3A_3094] : memref<10240xf32, #tpu.memory_space<vmem>>[vector<16xi32>], vector<16xf32>,
    %add3A_3096 = arith.addf %add3A_3091, %gather3A_3095 : vector<16xf32>
    %add3A_3097 = arith.constant 3 : i32
    %add3A_3098 = vector.broadcast %add3A_3097 : i32 to vector<16xi32>
    %add3A_3099 = arith.addi %add3A_3081, %add3A_3098 : vector<16xi32>
    %gather3A_3100 = tpu.vector_load_idx %arg21[%add3A_3099] : memref<10240xf32, #tpu.memory_space<vmem>>[vector<16xi32>], vector<16xf32>,
    %add3A_3101 = arith.addf %add3A_3096, %gather3A_3100 : vector<16xf32>
    %add3A_3102 = arith.constant 4 : i32
    %add3A_3103 = vector.broadcast %add3A_3102 : i32 to vector<16xi32>
    %add3A_3104 = arith.addi %add3A_3081, %add3A_3103 : vector<16xi32>
    %gather3A_3105 = tpu.vector_load_idx %arg21[%add3A_3104] : memref<10240xf32, #tpu.memory_space<vmem>>[vector<16xi32>], vector<16xf32>,
    %add3A_3106 = arith.addf %add3A_3101, %gather3A_3105 : vector<16xf32>
    %add3A_3107 = arith.constant 5 : i32
    %add3A_3108 = vector.broadcast %add3A_3107 : i32 to vector<16xi32>
    %add3A_3109 = arith.addi %add3A_3081, %add3A_3108 : vector<16xi32>
    %gather3A_3110 = tpu.vector_load_idx %arg21[%add3A_3109] : memref<10240xf32, #tpu.memory_space<vmem>>[vector<16xi32>], vector<16xf32>,
    %add3A_3111 = arith.addf %add3A_3106, %gather3A_3110 : vector<16xf32>
    %add3A_3112 = arith.constant 6 : i32
    %add3A_3113 = vector.broadcast %add3A_3112 : i32 to vector<16xi32>
    %add3A_3114 = arith.addi %add3A_3081, %add3A_3113 : vector<16xi32>
    %gather3A_3115 = tpu.vector_load_idx %arg21[%add3A_3114] : memref<10240xf32, #tpu.memory_space<vmem>>[vector<16xi32>], vector<16xf32>,
    %add3A_3116 = arith.addf %add3A_3111, %gather3A_3115 : vector<16xf32>
    %add3A_3117 = arith.constant 7 : i32
    %add3A_3118 = vector.broadcast %add3A_3117 : i32 to vector<16xi32>
    %add3A_3119 = arith.addi %add3A_3081, %add3A_3118 : vector<16xi32>
    %gather3A_3120 = tpu.vector_load_idx %arg21[%add3A_3119] : memref<10240xf32, #tpu.memory_space<vmem>>[vector<16xi32>], vector<16xf32>,
    %add3A_3121 = arith.addf %add3A_3116, %gather3A_3120 : vector<16xf32>
    %add3A_3122 = arith.constant 8 : i32
    %add3A_3123 = vector.broadcast %add3A_3122 : i32 to vector<16xi32>
    %add3A_3124 = arith.addi %add3A_3081, %add3A_3123 : vector<16xi32>
    %gather3A_3125 = tpu.vector_load_idx %arg21[%add3A_3124] : memref<10240xf32, #tpu.memory_space<vmem>>[vector<16xi32>], vector<16xf32>,
    %add3A_3126 = arith.addf %add3A_3121, %gather3A_3125 : vector<16xf32>
    %add3A_3127 = arith.constant 9 : i32
    %add3A_3128 = vector.broadcast %add3A_3127 : i32 to vector<16xi32>
    %add3A_3129 = arith.addi %add3A_3081, %add3A_3128 : vector<16xi32>
    %gather3A_3130 = tpu.vector_load_idx %arg21[%add3A_3129] : memref<10240xf32, #tpu.memory_space<vmem>>[vector<16xi32>], vector<16xf32>,
    %add3A_3131 = arith.addf %add3A_3126, %gather3A_3130 : vector<16xf32>
    %add3A_3132 = arith.constant 10 : i32
    %add3A_3133 = vector.broadcast %add3A_3132 : i32 to vector<16xi32>
    %add3A_3134 = arith.addi %add3A_3081, %add3A_3133 : vector<16xi32>
    %gather3A_3135 = tpu.vector_load_idx %arg21[%add3A_3134] : memref<10240xf32, #tpu.memory_space<vmem>>[vector<16xi32>], vector<16xf32>,
    %add3A_3136 = arith.addf %add3A_3131, %gather3A_3135 : vector<16xf32>
    %add3A_3137 = arith.constant 11 : i32
    %add3A_3138 = vector.broadcast %add3A_3137 : i32 to vector<16xi32>
    %add3A_3139 = arith.addi %add3A_3081, %add3A_3138 : vector<16xi32>
    %gather3A_3140 = tpu.vector_load_idx %arg21[%add3A_3139] : memref<10240xf32, #tpu.memory_space<vmem>>[vector<16xi32>], vector<16xf32>,
    %add3A_3141 = arith.addf %add3A_3136, %gather3A_3140 : vector<16xf32>
    %add3A_3142 = arith.constant 12 : i32
    %add3A_3143 = vector.broadcast %add3A_3142 : i32 to vector<16xi32>
    %add3A_3144 = arith.addi %add3A_3081, %add3A_3143 : vector<16xi32>
    %gather3A_3145 = tpu.vector_load_idx %arg21[%add3A_3144] : memref<10240xf32, #tpu.memory_space<vmem>>[vector<16xi32>], vector<16xf32>,
    %add3A_3146 = arith.addf %add3A_3141, %gather3A_3145 : vector<16xf32>
    %add3A_3147 = arith.constant 13 : i32
    %add3A_3148 = vector.broadcast %add3A_3147 : i32 to vector<16xi32>
    %add3A_3149 = arith.addi %add3A_3081, %add3A_3148 : vector<16xi32>
    %gather3A_3150 = tpu.vector_load_idx %arg21[%add3A_3149] : memref<10240xf32, #tpu.memory_space<vmem>>[vector<16xi32>], vector<16xf32>,
    %add3A_3151 = arith.addf %add3A_3146, %gather3A_3150 : vector<16xf32>
    %add3A_3152 = arith.constant 14 : i32
    %add3A_3153 = vector.broadcast %add3A_3152 : i32 to vector<16xi32>
    %add3A_3154 = arith.addi %add3A_3081, %add3A_3153 : vector<16xi32>
    %gather3A_3155 = tpu.vector_load_idx %arg21[%add3A_3154] : memref<10240xf32, #tpu.memory_space<vmem>>[vector<16xi32>], vector<16xf32>,
    %add3A_3156 = arith.addf %add3A_3151, %gather3A_3155 : vector<16xf32>
    %add3A_3157 = arith.constant 15 : i32
    %add3A_3158 = vector.broadcast %add3A_3157 : i32 to vector<16xi32>
    %add3A_3159 = arith.addi %add3A_3081, %add3A_3158 : vector<16xi32>
    %gather3A_3160 = tpu.vector_load_idx %arg21[%add3A_3159] : memref<10240xf32, #tpu.memory_space<vmem>>[vector<16xi32>], vector<16xf32>,
    %add3A_3161 = arith.addf %add3A_3156, %gather3A_3160 : vector<16xf32>
    %add3A_3162 = arith.constant 16 : i32
    %add3A_3163 = vector.broadcast %add3A_3162 : i32 to vector<16xi32>
    %add3A_3164 = arith.addi %add3A_3081, %add3A_3163 : vector<16xi32>
    %gather3A_3165 = tpu.vector_load_idx %arg21[%add3A_3164] : memref<10240xf32, #tpu.memory_space<vmem>>[vector<16xi32>], vector<16xf32>,
    %add3A_3166 = arith.addf %add3A_3161, %gather3A_3165 : vector<16xf32>
    %add3A_3167 = arith.constant 17 : i32
    %add3A_3168 = vector.broadcast %add3A_3167 : i32 to vector<16xi32>
    %add3A_3169 = arith.addi %add3A_3081, %add3A_3168 : vector<16xi32>
    %gather3A_3170 = tpu.vector_load_idx %arg21[%add3A_3169] : memref<10240xf32, #tpu.memory_space<vmem>>[vector<16xi32>], vector<16xf32>,
    %add3A_3171 = arith.addf %add3A_3166, %gather3A_3170 : vector<16xf32>
    %add3A_3172 = arith.constant 18 : i32
    %add3A_3173 = vector.broadcast %add3A_3172 : i32 to vector<16xi32>
    %add3A_3174 = arith.addi %add3A_3081, %add3A_3173 : vector<16xi32>
    %gather3A_3175 = tpu.vector_load_idx %arg21[%add3A_3174] : memref<10240xf32, #tpu.memory_space<vmem>>[vector<16xi32>], vector<16xf32>,
    %add3A_3176 = arith.addf %add3A_3171, %gather3A_3175 : vector<16xf32>
    %add3A_3177 = arith.constant 19 : i32
    %add3A_3178 = vector.broadcast %add3A_3177 : i32 to vector<16xi32>
    %add3A_3179 = arith.addi %add3A_3081, %add3A_3178 : vector<16xi32>
    %gather3A_3180 = tpu.vector_load_idx %arg21[%add3A_3179] : memref<10240xf32, #tpu.memory_space<vmem>>[vector<16xi32>], vector<16xf32>,
    %add3A_3181 = arith.addf %add3A_3176, %gather3A_3180 : vector<16xf32>
    %swap3A_3182 = arith.constant 384 : index
    %swap3A_3183 = tpu.vector_load %arg27[%swap3A_3182] {strides = array<i32>} : memref<512xf32, #tpu.memory_space<vmem>>, vector<16xf32>,
    tpu.vector_store %arg27[%swap3A_3182], %add3A_3181 {strides = array<i32>} : memref<512xf32, #tpu.memory_space<vmem>>, vector<16xf32>,
    %get3A_3184 = arith.constant 400 : index
    %get3A_3185 = tpu.vector_load %arg19[%get3A_3184] {strides = array<i32>} : memref<512xf32, #tpu.memory_space<vmem>>, vector<16xf32>,
    %mul3A_3186 = arith.mulf %get3A_3185, %get3A_33 : vector<16xf32>
    %add3A_3187 = arith.addf %mul3A_3186, %get3A_35 : vector<16xf32>
    %get3A_3188 = arith.constant 400 : index
    %get3A_3189 = tpu.vector_load %arg22[%get3A_3188] {strides = array<i32>} : memref<512xf32, #tpu.memory_space<vmem>>, vector<16xf32>,
    %add3A_3190 = arith.addf %add3A_3187, %get3A_3189 : vector<16xf32>
    %get3A_3191 = arith.constant 400 : index
    %get3A_3192 = tpu.vector_load %arg23[%get3A_3191] {strides = array<i32>} : memref<512xf32, #tpu.memory_space<vmem>>, vector<16xf32>,
    %add3A_3193 = arith.addf %add3A_3190, %get3A_3192 : vector<16xf32>
    %get3A_3194 = arith.constant 400 : index
    %get3A_3195 = tpu.vector_load %arg17[%get3A_3194] {strides = array<i32>} : memref<512xi32, #tpu.memory_space<vmem>>, vector<16xi32>,
    %gather3A_3196 = tpu.vector_load_idx %arg24[%get3A_3195] : memref<128xf32, #tpu.memory_space<vmem>>[vector<16xi32>], vector<16xf32>,
    %add3A_3197 = arith.addf %add3A_3193, %gather3A_3196 : vector<16xf32>
    %get3A_3198 = arith.constant 400 : index
    %get3A_3199 = tpu.vector_load %arg18[%get3A_3198] {strides = array<i32>} : memref<512xi32, #tpu.memory_space<vmem>>, vector<16xi32>,
    %gather3A_3200 = tpu.vector_load_idx %arg25[%get3A_3199] : memref<16xf32, #tpu.memory_space<vmem>>[vector<16xi32>], vector<16xf32>,
    %add3A_3201 = arith.addf %add3A_3197, %gather3A_3200 : vector<16xf32>
    %mul3A_3202 = arith.constant 20 : i32
    %mul3A_3203 = vector.broadcast %mul3A_3202 : i32 to vector<16xi32>
    %mul3A_3204 = arith.muli %iota3A, %mul3A_3203 : vector<16xi32>
    %add3A_3205 = arith.constant 8000 : i32
    %add3A_3206 = vector.broadcast %add3A_3205 : i32 to vector<16xi32>
    %add3A_3207 = arith.addi %mul3A_3204, %add3A_3206 : vector<16xi32>
    %add3A_3208 = arith.constant 0 : i32
    %add3A_3209 = vector.broadcast %add3A_3208 : i32 to vector<16xi32>
    %add3A_3210 = arith.addi %add3A_3207, %add3A_3209 : vector<16xi32>
    %gather3A_3211 = tpu.vector_load_idx %arg21[%add3A_3210] : memref<10240xf32, #tpu.memory_space<vmem>>[vector<16xi32>], vector<16xf32>,
    %add3A_3212 = arith.addf %add3A_3201, %gather3A_3211 : vector<16xf32>
    %add3A_3213 = arith.constant 1 : i32
    %add3A_3214 = vector.broadcast %add3A_3213 : i32 to vector<16xi32>
    %add3A_3215 = arith.addi %add3A_3207, %add3A_3214 : vector<16xi32>
    %gather3A_3216 = tpu.vector_load_idx %arg21[%add3A_3215] : memref<10240xf32, #tpu.memory_space<vmem>>[vector<16xi32>], vector<16xf32>,
    %add3A_3217 = arith.addf %add3A_3212, %gather3A_3216 : vector<16xf32>
    %add3A_3218 = arith.constant 2 : i32
    %add3A_3219 = vector.broadcast %add3A_3218 : i32 to vector<16xi32>
    %add3A_3220 = arith.addi %add3A_3207, %add3A_3219 : vector<16xi32>
    %gather3A_3221 = tpu.vector_load_idx %arg21[%add3A_3220] : memref<10240xf32, #tpu.memory_space<vmem>>[vector<16xi32>], vector<16xf32>,
    %add3A_3222 = arith.addf %add3A_3217, %gather3A_3221 : vector<16xf32>
    %add3A_3223 = arith.constant 3 : i32
    %add3A_3224 = vector.broadcast %add3A_3223 : i32 to vector<16xi32>
    %add3A_3225 = arith.addi %add3A_3207, %add3A_3224 : vector<16xi32>
    %gather3A_3226 = tpu.vector_load_idx %arg21[%add3A_3225] : memref<10240xf32, #tpu.memory_space<vmem>>[vector<16xi32>], vector<16xf32>,
    %add3A_3227 = arith.addf %add3A_3222, %gather3A_3226 : vector<16xf32>
    %add3A_3228 = arith.constant 4 : i32
    %add3A_3229 = vector.broadcast %add3A_3228 : i32 to vector<16xi32>
    %add3A_3230 = arith.addi %add3A_3207, %add3A_3229 : vector<16xi32>
    %gather3A_3231 = tpu.vector_load_idx %arg21[%add3A_3230] : memref<10240xf32, #tpu.memory_space<vmem>>[vector<16xi32>], vector<16xf32>,
    %add3A_3232 = arith.addf %add3A_3227, %gather3A_3231 : vector<16xf32>
    %add3A_3233 = arith.constant 5 : i32
    %add3A_3234 = vector.broadcast %add3A_3233 : i32 to vector<16xi32>
    %add3A_3235 = arith.addi %add3A_3207, %add3A_3234 : vector<16xi32>
    %gather3A_3236 = tpu.vector_load_idx %arg21[%add3A_3235] : memref<10240xf32, #tpu.memory_space<vmem>>[vector<16xi32>], vector<16xf32>,
    %add3A_3237 = arith.addf %add3A_3232, %gather3A_3236 : vector<16xf32>
    %add3A_3238 = arith.constant 6 : i32
    %add3A_3239 = vector.broadcast %add3A_3238 : i32 to vector<16xi32>
    %add3A_3240 = arith.addi %add3A_3207, %add3A_3239 : vector<16xi32>
    %gather3A_3241 = tpu.vector_load_idx %arg21[%add3A_3240] : memref<10240xf32, #tpu.memory_space<vmem>>[vector<16xi32>], vector<16xf32>,
    %add3A_3242 = arith.addf %add3A_3237, %gather3A_3241 : vector<16xf32>
    %add3A_3243 = arith.constant 7 : i32
    %add3A_3244 = vector.broadcast %add3A_3243 : i32 to vector<16xi32>
    %add3A_3245 = arith.addi %add3A_3207, %add3A_3244 : vector<16xi32>
    %gather3A_3246 = tpu.vector_load_idx %arg21[%add3A_3245] : memref<10240xf32, #tpu.memory_space<vmem>>[vector<16xi32>], vector<16xf32>,
    %add3A_3247 = arith.addf %add3A_3242, %gather3A_3246 : vector<16xf32>
    %add3A_3248 = arith.constant 8 : i32
    %add3A_3249 = vector.broadcast %add3A_3248 : i32 to vector<16xi32>
    %add3A_3250 = arith.addi %add3A_3207, %add3A_3249 : vector<16xi32>
    %gather3A_3251 = tpu.vector_load_idx %arg21[%add3A_3250] : memref<10240xf32, #tpu.memory_space<vmem>>[vector<16xi32>], vector<16xf32>,
    %add3A_3252 = arith.addf %add3A_3247, %gather3A_3251 : vector<16xf32>
    %add3A_3253 = arith.constant 9 : i32
    %add3A_3254 = vector.broadcast %add3A_3253 : i32 to vector<16xi32>
    %add3A_3255 = arith.addi %add3A_3207, %add3A_3254 : vector<16xi32>
    %gather3A_3256 = tpu.vector_load_idx %arg21[%add3A_3255] : memref<10240xf32, #tpu.memory_space<vmem>>[vector<16xi32>], vector<16xf32>,
    %add3A_3257 = arith.addf %add3A_3252, %gather3A_3256 : vector<16xf32>
    %add3A_3258 = arith.constant 10 : i32
    %add3A_3259 = vector.broadcast %add3A_3258 : i32 to vector<16xi32>
    %add3A_3260 = arith.addi %add3A_3207, %add3A_3259 : vector<16xi32>
    %gather3A_3261 = tpu.vector_load_idx %arg21[%add3A_3260] : memref<10240xf32, #tpu.memory_space<vmem>>[vector<16xi32>], vector<16xf32>,
    %add3A_3262 = arith.addf %add3A_3257, %gather3A_3261 : vector<16xf32>
    %add3A_3263 = arith.constant 11 : i32
    %add3A_3264 = vector.broadcast %add3A_3263 : i32 to vector<16xi32>
    %add3A_3265 = arith.addi %add3A_3207, %add3A_3264 : vector<16xi32>
    %gather3A_3266 = tpu.vector_load_idx %arg21[%add3A_3265] : memref<10240xf32, #tpu.memory_space<vmem>>[vector<16xi32>], vector<16xf32>,
    %add3A_3267 = arith.addf %add3A_3262, %gather3A_3266 : vector<16xf32>
    %add3A_3268 = arith.constant 12 : i32
    %add3A_3269 = vector.broadcast %add3A_3268 : i32 to vector<16xi32>
    %add3A_3270 = arith.addi %add3A_3207, %add3A_3269 : vector<16xi32>
    %gather3A_3271 = tpu.vector_load_idx %arg21[%add3A_3270] : memref<10240xf32, #tpu.memory_space<vmem>>[vector<16xi32>], vector<16xf32>,
    %add3A_3272 = arith.addf %add3A_3267, %gather3A_3271 : vector<16xf32>
    %add3A_3273 = arith.constant 13 : i32
    %add3A_3274 = vector.broadcast %add3A_3273 : i32 to vector<16xi32>
    %add3A_3275 = arith.addi %add3A_3207, %add3A_3274 : vector<16xi32>
    %gather3A_3276 = tpu.vector_load_idx %arg21[%add3A_3275] : memref<10240xf32, #tpu.memory_space<vmem>>[vector<16xi32>], vector<16xf32>,
    %add3A_3277 = arith.addf %add3A_3272, %gather3A_3276 : vector<16xf32>
    %add3A_3278 = arith.constant 14 : i32
    %add3A_3279 = vector.broadcast %add3A_3278 : i32 to vector<16xi32>
    %add3A_3280 = arith.addi %add3A_3207, %add3A_3279 : vector<16xi32>
    %gather3A_3281 = tpu.vector_load_idx %arg21[%add3A_3280] : memref<10240xf32, #tpu.memory_space<vmem>>[vector<16xi32>], vector<16xf32>,
    %add3A_3282 = arith.addf %add3A_3277, %gather3A_3281 : vector<16xf32>
    %add3A_3283 = arith.constant 15 : i32
    %add3A_3284 = vector.broadcast %add3A_3283 : i32 to vector<16xi32>
    %add3A_3285 = arith.addi %add3A_3207, %add3A_3284 : vector<16xi32>
    %gather3A_3286 = tpu.vector_load_idx %arg21[%add3A_3285] : memref<10240xf32, #tpu.memory_space<vmem>>[vector<16xi32>], vector<16xf32>,
    %add3A_3287 = arith.addf %add3A_3282, %gather3A_3286 : vector<16xf32>
    %add3A_3288 = arith.constant 16 : i32
    %add3A_3289 = vector.broadcast %add3A_3288 : i32 to vector<16xi32>
    %add3A_3290 = arith.addi %add3A_3207, %add3A_3289 : vector<16xi32>
    %gather3A_3291 = tpu.vector_load_idx %arg21[%add3A_3290] : memref<10240xf32, #tpu.memory_space<vmem>>[vector<16xi32>], vector<16xf32>,
    %add3A_3292 = arith.addf %add3A_3287, %gather3A_3291 : vector<16xf32>
    %add3A_3293 = arith.constant 17 : i32
    %add3A_3294 = vector.broadcast %add3A_3293 : i32 to vector<16xi32>
    %add3A_3295 = arith.addi %add3A_3207, %add3A_3294 : vector<16xi32>
    %gather3A_3296 = tpu.vector_load_idx %arg21[%add3A_3295] : memref<10240xf32, #tpu.memory_space<vmem>>[vector<16xi32>], vector<16xf32>,
    %add3A_3297 = arith.addf %add3A_3292, %gather3A_3296 : vector<16xf32>
    %add3A_3298 = arith.constant 18 : i32
    %add3A_3299 = vector.broadcast %add3A_3298 : i32 to vector<16xi32>
    %add3A_3300 = arith.addi %add3A_3207, %add3A_3299 : vector<16xi32>
    %gather3A_3301 = tpu.vector_load_idx %arg21[%add3A_3300] : memref<10240xf32, #tpu.memory_space<vmem>>[vector<16xi32>], vector<16xf32>,
    %add3A_3302 = arith.addf %add3A_3297, %gather3A_3301 : vector<16xf32>
    %add3A_3303 = arith.constant 19 : i32
    %add3A_3304 = vector.broadcast %add3A_3303 : i32 to vector<16xi32>
    %add3A_3305 = arith.addi %add3A_3207, %add3A_3304 : vector<16xi32>
    %gather3A_3306 = tpu.vector_load_idx %arg21[%add3A_3305] : memref<10240xf32, #tpu.memory_space<vmem>>[vector<16xi32>], vector<16xf32>,
    %add3A_3307 = arith.addf %add3A_3302, %gather3A_3306 : vector<16xf32>
    %swap3A_3308 = arith.constant 400 : index
    %swap3A_3309 = tpu.vector_load %arg27[%swap3A_3308] {strides = array<i32>} : memref<512xf32, #tpu.memory_space<vmem>>, vector<16xf32>,
    tpu.vector_store %arg27[%swap3A_3308], %add3A_3307 {strides = array<i32>} : memref<512xf32, #tpu.memory_space<vmem>>, vector<16xf32>,
    %get3A_3310 = arith.constant 416 : index
    %get3A_3311 = tpu.vector_load %arg19[%get3A_3310] {strides = array<i32>} : memref<512xf32, #tpu.memory_space<vmem>>, vector<16xf32>,
    %mul3A_3312 = arith.mulf %get3A_3311, %get3A_33 : vector<16xf32>
    %add3A_3313 = arith.addf %mul3A_3312, %get3A_35 : vector<16xf32>
    %get3A_3314 = arith.constant 416 : index
    %get3A_3315 = tpu.vector_load %arg22[%get3A_3314] {strides = array<i32>} : memref<512xf32, #tpu.memory_space<vmem>>, vector<16xf32>,
    %add3A_3316 = arith.addf %add3A_3313, %get3A_3315 : vector<16xf32>
    %get3A_3317 = arith.constant 416 : index
    %get3A_3318 = tpu.vector_load %arg23[%get3A_3317] {strides = array<i32>} : memref<512xf32, #tpu.memory_space<vmem>>, vector<16xf32>,
    %add3A_3319 = arith.addf %add3A_3316, %get3A_3318 : vector<16xf32>
    %get3A_3320 = arith.constant 416 : index
    %get3A_3321 = tpu.vector_load %arg17[%get3A_3320] {strides = array<i32>} : memref<512xi32, #tpu.memory_space<vmem>>, vector<16xi32>,
    %gather3A_3322 = tpu.vector_load_idx %arg24[%get3A_3321] : memref<128xf32, #tpu.memory_space<vmem>>[vector<16xi32>], vector<16xf32>,
    %add3A_3323 = arith.addf %add3A_3319, %gather3A_3322 : vector<16xf32>
    %get3A_3324 = arith.constant 416 : index
    %get3A_3325 = tpu.vector_load %arg18[%get3A_3324] {strides = array<i32>} : memref<512xi32, #tpu.memory_space<vmem>>, vector<16xi32>,
    %gather3A_3326 = tpu.vector_load_idx %arg25[%get3A_3325] : memref<16xf32, #tpu.memory_space<vmem>>[vector<16xi32>], vector<16xf32>,
    %add3A_3327 = arith.addf %add3A_3323, %gather3A_3326 : vector<16xf32>
    %mul3A_3328 = arith.constant 20 : i32
    %mul3A_3329 = vector.broadcast %mul3A_3328 : i32 to vector<16xi32>
    %mul3A_3330 = arith.muli %iota3A, %mul3A_3329 : vector<16xi32>
    %add3A_3331 = arith.constant 8320 : i32
    %add3A_3332 = vector.broadcast %add3A_3331 : i32 to vector<16xi32>
    %add3A_3333 = arith.addi %mul3A_3330, %add3A_3332 : vector<16xi32>
    %add3A_3334 = arith.constant 0 : i32
    %add3A_3335 = vector.broadcast %add3A_3334 : i32 to vector<16xi32>
    %add3A_3336 = arith.addi %add3A_3333, %add3A_3335 : vector<16xi32>
    %gather3A_3337 = tpu.vector_load_idx %arg21[%add3A_3336] : memref<10240xf32, #tpu.memory_space<vmem>>[vector<16xi32>], vector<16xf32>,
    %add3A_3338 = arith.addf %add3A_3327, %gather3A_3337 : vector<16xf32>
    %add3A_3339 = arith.constant 1 : i32
    %add3A_3340 = vector.broadcast %add3A_3339 : i32 to vector<16xi32>
    %add3A_3341 = arith.addi %add3A_3333, %add3A_3340 : vector<16xi32>
    %gather3A_3342 = tpu.vector_load_idx %arg21[%add3A_3341] : memref<10240xf32, #tpu.memory_space<vmem>>[vector<16xi32>], vector<16xf32>,
    %add3A_3343 = arith.addf %add3A_3338, %gather3A_3342 : vector<16xf32>
    %add3A_3344 = arith.constant 2 : i32
    %add3A_3345 = vector.broadcast %add3A_3344 : i32 to vector<16xi32>
    %add3A_3346 = arith.addi %add3A_3333, %add3A_3345 : vector<16xi32>
    %gather3A_3347 = tpu.vector_load_idx %arg21[%add3A_3346] : memref<10240xf32, #tpu.memory_space<vmem>>[vector<16xi32>], vector<16xf32>,
    %add3A_3348 = arith.addf %add3A_3343, %gather3A_3347 : vector<16xf32>
    %add3A_3349 = arith.constant 3 : i32
    %add3A_3350 = vector.broadcast %add3A_3349 : i32 to vector<16xi32>
    %add3A_3351 = arith.addi %add3A_3333, %add3A_3350 : vector<16xi32>
    %gather3A_3352 = tpu.vector_load_idx %arg21[%add3A_3351] : memref<10240xf32, #tpu.memory_space<vmem>>[vector<16xi32>], vector<16xf32>,
    %add3A_3353 = arith.addf %add3A_3348, %gather3A_3352 : vector<16xf32>
    %add3A_3354 = arith.constant 4 : i32
    %add3A_3355 = vector.broadcast %add3A_3354 : i32 to vector<16xi32>
    %add3A_3356 = arith.addi %add3A_3333, %add3A_3355 : vector<16xi32>
    %gather3A_3357 = tpu.vector_load_idx %arg21[%add3A_3356] : memref<10240xf32, #tpu.memory_space<vmem>>[vector<16xi32>], vector<16xf32>,
    %add3A_3358 = arith.addf %add3A_3353, %gather3A_3357 : vector<16xf32>
    %add3A_3359 = arith.constant 5 : i32
    %add3A_3360 = vector.broadcast %add3A_3359 : i32 to vector<16xi32>
    %add3A_3361 = arith.addi %add3A_3333, %add3A_3360 : vector<16xi32>
    %gather3A_3362 = tpu.vector_load_idx %arg21[%add3A_3361] : memref<10240xf32, #tpu.memory_space<vmem>>[vector<16xi32>], vector<16xf32>,
    %add3A_3363 = arith.addf %add3A_3358, %gather3A_3362 : vector<16xf32>
    %add3A_3364 = arith.constant 6 : i32
    %add3A_3365 = vector.broadcast %add3A_3364 : i32 to vector<16xi32>
    %add3A_3366 = arith.addi %add3A_3333, %add3A_3365 : vector<16xi32>
    %gather3A_3367 = tpu.vector_load_idx %arg21[%add3A_3366] : memref<10240xf32, #tpu.memory_space<vmem>>[vector<16xi32>], vector<16xf32>,
    %add3A_3368 = arith.addf %add3A_3363, %gather3A_3367 : vector<16xf32>
    %add3A_3369 = arith.constant 7 : i32
    %add3A_3370 = vector.broadcast %add3A_3369 : i32 to vector<16xi32>
    %add3A_3371 = arith.addi %add3A_3333, %add3A_3370 : vector<16xi32>
    %gather3A_3372 = tpu.vector_load_idx %arg21[%add3A_3371] : memref<10240xf32, #tpu.memory_space<vmem>>[vector<16xi32>], vector<16xf32>,
    %add3A_3373 = arith.addf %add3A_3368, %gather3A_3372 : vector<16xf32>
    %add3A_3374 = arith.constant 8 : i32
    %add3A_3375 = vector.broadcast %add3A_3374 : i32 to vector<16xi32>
    %add3A_3376 = arith.addi %add3A_3333, %add3A_3375 : vector<16xi32>
    %gather3A_3377 = tpu.vector_load_idx %arg21[%add3A_3376] : memref<10240xf32, #tpu.memory_space<vmem>>[vector<16xi32>], vector<16xf32>,
    %add3A_3378 = arith.addf %add3A_3373, %gather3A_3377 : vector<16xf32>
    %add3A_3379 = arith.constant 9 : i32
    %add3A_3380 = vector.broadcast %add3A_3379 : i32 to vector<16xi32>
    %add3A_3381 = arith.addi %add3A_3333, %add3A_3380 : vector<16xi32>
    %gather3A_3382 = tpu.vector_load_idx %arg21[%add3A_3381] : memref<10240xf32, #tpu.memory_space<vmem>>[vector<16xi32>], vector<16xf32>,
    %add3A_3383 = arith.addf %add3A_3378, %gather3A_3382 : vector<16xf32>
    %add3A_3384 = arith.constant 10 : i32
    %add3A_3385 = vector.broadcast %add3A_3384 : i32 to vector<16xi32>
    %add3A_3386 = arith.addi %add3A_3333, %add3A_3385 : vector<16xi32>
    %gather3A_3387 = tpu.vector_load_idx %arg21[%add3A_3386] : memref<10240xf32, #tpu.memory_space<vmem>>[vector<16xi32>], vector<16xf32>,
    %add3A_3388 = arith.addf %add3A_3383, %gather3A_3387 : vector<16xf32>
    %add3A_3389 = arith.constant 11 : i32
    %add3A_3390 = vector.broadcast %add3A_3389 : i32 to vector<16xi32>
    %add3A_3391 = arith.addi %add3A_3333, %add3A_3390 : vector<16xi32>
    %gather3A_3392 = tpu.vector_load_idx %arg21[%add3A_3391] : memref<10240xf32, #tpu.memory_space<vmem>>[vector<16xi32>], vector<16xf32>,
    %add3A_3393 = arith.addf %add3A_3388, %gather3A_3392 : vector<16xf32>
    %add3A_3394 = arith.constant 12 : i32
    %add3A_3395 = vector.broadcast %add3A_3394 : i32 to vector<16xi32>
    %add3A_3396 = arith.addi %add3A_3333, %add3A_3395 : vector<16xi32>
    %gather3A_3397 = tpu.vector_load_idx %arg21[%add3A_3396] : memref<10240xf32, #tpu.memory_space<vmem>>[vector<16xi32>], vector<16xf32>,
    %add3A_3398 = arith.addf %add3A_3393, %gather3A_3397 : vector<16xf32>
    %add3A_3399 = arith.constant 13 : i32
    %add3A_3400 = vector.broadcast %add3A_3399 : i32 to vector<16xi32>
    %add3A_3401 = arith.addi %add3A_3333, %add3A_3400 : vector<16xi32>
    %gather3A_3402 = tpu.vector_load_idx %arg21[%add3A_3401] : memref<10240xf32, #tpu.memory_space<vmem>>[vector<16xi32>], vector<16xf32>,
    %add3A_3403 = arith.addf %add3A_3398, %gather3A_3402 : vector<16xf32>
    %add3A_3404 = arith.constant 14 : i32
    %add3A_3405 = vector.broadcast %add3A_3404 : i32 to vector<16xi32>
    %add3A_3406 = arith.addi %add3A_3333, %add3A_3405 : vector<16xi32>
    %gather3A_3407 = tpu.vector_load_idx %arg21[%add3A_3406] : memref<10240xf32, #tpu.memory_space<vmem>>[vector<16xi32>], vector<16xf32>,
    %add3A_3408 = arith.addf %add3A_3403, %gather3A_3407 : vector<16xf32>
    %add3A_3409 = arith.constant 15 : i32
    %add3A_3410 = vector.broadcast %add3A_3409 : i32 to vector<16xi32>
    %add3A_3411 = arith.addi %add3A_3333, %add3A_3410 : vector<16xi32>
    %gather3A_3412 = tpu.vector_load_idx %arg21[%add3A_3411] : memref<10240xf32, #tpu.memory_space<vmem>>[vector<16xi32>], vector<16xf32>,
    %add3A_3413 = arith.addf %add3A_3408, %gather3A_3412 : vector<16xf32>
    %add3A_3414 = arith.constant 16 : i32
    %add3A_3415 = vector.broadcast %add3A_3414 : i32 to vector<16xi32>
    %add3A_3416 = arith.addi %add3A_3333, %add3A_3415 : vector<16xi32>
    %gather3A_3417 = tpu.vector_load_idx %arg21[%add3A_3416] : memref<10240xf32, #tpu.memory_space<vmem>>[vector<16xi32>], vector<16xf32>,
    %add3A_3418 = arith.addf %add3A_3413, %gather3A_3417 : vector<16xf32>
    %add3A_3419 = arith.constant 17 : i32
    %add3A_3420 = vector.broadcast %add3A_3419 : i32 to vector<16xi32>
    %add3A_3421 = arith.addi %add3A_3333, %add3A_3420 : vector<16xi32>
    %gather3A_3422 = tpu.vector_load_idx %arg21[%add3A_3421] : memref<10240xf32, #tpu.memory_space<vmem>>[vector<16xi32>], vector<16xf32>,
    %add3A_3423 = arith.addf %add3A_3418, %gather3A_3422 : vector<16xf32>
    %add3A_3424 = arith.constant 18 : i32
    %add3A_3425 = vector.broadcast %add3A_3424 : i32 to vector<16xi32>
    %add3A_3426 = arith.addi %add3A_3333, %add3A_3425 : vector<16xi32>
    %gather3A_3427 = tpu.vector_load_idx %arg21[%add3A_3426] : memref<10240xf32, #tpu.memory_space<vmem>>[vector<16xi32>], vector<16xf32>,
    %add3A_3428 = arith.addf %add3A_3423, %gather3A_3427 : vector<16xf32>
    %add3A_3429 = arith.constant 19 : i32
    %add3A_3430 = vector.broadcast %add3A_3429 : i32 to vector<16xi32>
    %add3A_3431 = arith.addi %add3A_3333, %add3A_3430 : vector<16xi32>
    %gather3A_3432 = tpu.vector_load_idx %arg21[%add3A_3431] : memref<10240xf32, #tpu.memory_space<vmem>>[vector<16xi32>], vector<16xf32>,
    %add3A_3433 = arith.addf %add3A_3428, %gather3A_3432 : vector<16xf32>
    %swap3A_3434 = arith.constant 416 : index
    %swap3A_3435 = tpu.vector_load %arg27[%swap3A_3434] {strides = array<i32>} : memref<512xf32, #tpu.memory_space<vmem>>, vector<16xf32>,
    tpu.vector_store %arg27[%swap3A_3434], %add3A_3433 {strides = array<i32>} : memref<512xf32, #tpu.memory_space<vmem>>, vector<16xf32>,
    %get3A_3436 = arith.constant 432 : index
    %get3A_3437 = tpu.vector_load %arg19[%get3A_3436] {strides = array<i32>} : memref<512xf32, #tpu.memory_space<vmem>>, vector<16xf32>,
    %mul3A_3438 = arith.mulf %get3A_3437, %get3A_33 : vector<16xf32>
    %add3A_3439 = arith.addf %mul3A_3438, %get3A_35 : vector<16xf32>
    %get3A_3440 = arith.constant 432 : index
    %get3A_3441 = tpu.vector_load %arg22[%get3A_3440] {strides = array<i32>} : memref<512xf32, #tpu.memory_space<vmem>>, vector<16xf32>,
    %add3A_3442 = arith.addf %add3A_3439, %get3A_3441 : vector<16xf32>
    %get3A_3443 = arith.constant 432 : index
    %get3A_3444 = tpu.vector_load %arg23[%get3A_3443] {strides = array<i32>} : memref<512xf32, #tpu.memory_space<vmem>>, vector<16xf32>,
    %add3A_3445 = arith.addf %add3A_3442, %get3A_3444 : vector<16xf32>
    %get3A_3446 = arith.constant 432 : index
    %get3A_3447 = tpu.vector_load %arg17[%get3A_3446] {strides = array<i32>} : memref<512xi32, #tpu.memory_space<vmem>>, vector<16xi32>,
    %gather3A_3448 = tpu.vector_load_idx %arg24[%get3A_3447] : memref<128xf32, #tpu.memory_space<vmem>>[vector<16xi32>], vector<16xf32>,
    %add3A_3449 = arith.addf %add3A_3445, %gather3A_3448 : vector<16xf32>
    %get3A_3450 = arith.constant 432 : index
    %get3A_3451 = tpu.vector_load %arg18[%get3A_3450] {strides = array<i32>} : memref<512xi32, #tpu.memory_space<vmem>>, vector<16xi32>,
    %gather3A_3452 = tpu.vector_load_idx %arg25[%get3A_3451] : memref<16xf32, #tpu.memory_space<vmem>>[vector<16xi32>], vector<16xf32>,
    %add3A_3453 = arith.addf %add3A_3449, %gather3A_3452 : vector<16xf32>
    %mul3A_3454 = arith.constant 20 : i32
    %mul3A_3455 = vector.broadcast %mul3A_3454 : i32 to vector<16xi32>
    %mul3A_3456 = arith.muli %iota3A, %mul3A_3455 : vector<16xi32>
    %add3A_3457 = arith.constant 8640 : i32
    %add3A_3458 = vector.broadcast %add3A_3457 : i32 to vector<16xi32>
    %add3A_3459 = arith.addi %mul3A_3456, %add3A_3458 : vector<16xi32>
    %add3A_3460 = arith.constant 0 : i32
    %add3A_3461 = vector.broadcast %add3A_3460 : i32 to vector<16xi32>
    %add3A_3462 = arith.addi %add3A_3459, %add3A_3461 : vector<16xi32>
    %gather3A_3463 = tpu.vector_load_idx %arg21[%add3A_3462] : memref<10240xf32, #tpu.memory_space<vmem>>[vector<16xi32>], vector<16xf32>,
    %add3A_3464 = arith.addf %add3A_3453, %gather3A_3463 : vector<16xf32>
    %add3A_3465 = arith.constant 1 : i32
    %add3A_3466 = vector.broadcast %add3A_3465 : i32 to vector<16xi32>
    %add3A_3467 = arith.addi %add3A_3459, %add3A_3466 : vector<16xi32>
    %gather3A_3468 = tpu.vector_load_idx %arg21[%add3A_3467] : memref<10240xf32, #tpu.memory_space<vmem>>[vector<16xi32>], vector<16xf32>,
    %add3A_3469 = arith.addf %add3A_3464, %gather3A_3468 : vector<16xf32>
    %add3A_3470 = arith.constant 2 : i32
    %add3A_3471 = vector.broadcast %add3A_3470 : i32 to vector<16xi32>
    %add3A_3472 = arith.addi %add3A_3459, %add3A_3471 : vector<16xi32>
    %gather3A_3473 = tpu.vector_load_idx %arg21[%add3A_3472] : memref<10240xf32, #tpu.memory_space<vmem>>[vector<16xi32>], vector<16xf32>,
    %add3A_3474 = arith.addf %add3A_3469, %gather3A_3473 : vector<16xf32>
    %add3A_3475 = arith.constant 3 : i32
    %add3A_3476 = vector.broadcast %add3A_3475 : i32 to vector<16xi32>
    %add3A_3477 = arith.addi %add3A_3459, %add3A_3476 : vector<16xi32>
    %gather3A_3478 = tpu.vector_load_idx %arg21[%add3A_3477] : memref<10240xf32, #tpu.memory_space<vmem>>[vector<16xi32>], vector<16xf32>,
    %add3A_3479 = arith.addf %add3A_3474, %gather3A_3478 : vector<16xf32>
    %add3A_3480 = arith.constant 4 : i32
    %add3A_3481 = vector.broadcast %add3A_3480 : i32 to vector<16xi32>
    %add3A_3482 = arith.addi %add3A_3459, %add3A_3481 : vector<16xi32>
    %gather3A_3483 = tpu.vector_load_idx %arg21[%add3A_3482] : memref<10240xf32, #tpu.memory_space<vmem>>[vector<16xi32>], vector<16xf32>,
    %add3A_3484 = arith.addf %add3A_3479, %gather3A_3483 : vector<16xf32>
    %add3A_3485 = arith.constant 5 : i32
    %add3A_3486 = vector.broadcast %add3A_3485 : i32 to vector<16xi32>
    %add3A_3487 = arith.addi %add3A_3459, %add3A_3486 : vector<16xi32>
    %gather3A_3488 = tpu.vector_load_idx %arg21[%add3A_3487] : memref<10240xf32, #tpu.memory_space<vmem>>[vector<16xi32>], vector<16xf32>,
    %add3A_3489 = arith.addf %add3A_3484, %gather3A_3488 : vector<16xf32>
    %add3A_3490 = arith.constant 6 : i32
    %add3A_3491 = vector.broadcast %add3A_3490 : i32 to vector<16xi32>
    %add3A_3492 = arith.addi %add3A_3459, %add3A_3491 : vector<16xi32>
    %gather3A_3493 = tpu.vector_load_idx %arg21[%add3A_3492] : memref<10240xf32, #tpu.memory_space<vmem>>[vector<16xi32>], vector<16xf32>,
    %add3A_3494 = arith.addf %add3A_3489, %gather3A_3493 : vector<16xf32>
    %add3A_3495 = arith.constant 7 : i32
    %add3A_3496 = vector.broadcast %add3A_3495 : i32 to vector<16xi32>
    %add3A_3497 = arith.addi %add3A_3459, %add3A_3496 : vector<16xi32>
    %gather3A_3498 = tpu.vector_load_idx %arg21[%add3A_3497] : memref<10240xf32, #tpu.memory_space<vmem>>[vector<16xi32>], vector<16xf32>,
    %add3A_3499 = arith.addf %add3A_3494, %gather3A_3498 : vector<16xf32>
    %add3A_3500 = arith.constant 8 : i32
    %add3A_3501 = vector.broadcast %add3A_3500 : i32 to vector<16xi32>
    %add3A_3502 = arith.addi %add3A_3459, %add3A_3501 : vector<16xi32>
    %gather3A_3503 = tpu.vector_load_idx %arg21[%add3A_3502] : memref<10240xf32, #tpu.memory_space<vmem>>[vector<16xi32>], vector<16xf32>,
    %add3A_3504 = arith.addf %add3A_3499, %gather3A_3503 : vector<16xf32>
    %add3A_3505 = arith.constant 9 : i32
    %add3A_3506 = vector.broadcast %add3A_3505 : i32 to vector<16xi32>
    %add3A_3507 = arith.addi %add3A_3459, %add3A_3506 : vector<16xi32>
    %gather3A_3508 = tpu.vector_load_idx %arg21[%add3A_3507] : memref<10240xf32, #tpu.memory_space<vmem>>[vector<16xi32>], vector<16xf32>,
    %add3A_3509 = arith.addf %add3A_3504, %gather3A_3508 : vector<16xf32>
    %add3A_3510 = arith.constant 10 : i32
    %add3A_3511 = vector.broadcast %add3A_3510 : i32 to vector<16xi32>
    %add3A_3512 = arith.addi %add3A_3459, %add3A_3511 : vector<16xi32>
    %gather3A_3513 = tpu.vector_load_idx %arg21[%add3A_3512] : memref<10240xf32, #tpu.memory_space<vmem>>[vector<16xi32>], vector<16xf32>,
    %add3A_3514 = arith.addf %add3A_3509, %gather3A_3513 : vector<16xf32>
    %add3A_3515 = arith.constant 11 : i32
    %add3A_3516 = vector.broadcast %add3A_3515 : i32 to vector<16xi32>
    %add3A_3517 = arith.addi %add3A_3459, %add3A_3516 : vector<16xi32>
    %gather3A_3518 = tpu.vector_load_idx %arg21[%add3A_3517] : memref<10240xf32, #tpu.memory_space<vmem>>[vector<16xi32>], vector<16xf32>,
    %add3A_3519 = arith.addf %add3A_3514, %gather3A_3518 : vector<16xf32>
    %add3A_3520 = arith.constant 12 : i32
    %add3A_3521 = vector.broadcast %add3A_3520 : i32 to vector<16xi32>
    %add3A_3522 = arith.addi %add3A_3459, %add3A_3521 : vector<16xi32>
    %gather3A_3523 = tpu.vector_load_idx %arg21[%add3A_3522] : memref<10240xf32, #tpu.memory_space<vmem>>[vector<16xi32>], vector<16xf32>,
    %add3A_3524 = arith.addf %add3A_3519, %gather3A_3523 : vector<16xf32>
    %add3A_3525 = arith.constant 13 : i32
    %add3A_3526 = vector.broadcast %add3A_3525 : i32 to vector<16xi32>
    %add3A_3527 = arith.addi %add3A_3459, %add3A_3526 : vector<16xi32>
    %gather3A_3528 = tpu.vector_load_idx %arg21[%add3A_3527] : memref<10240xf32, #tpu.memory_space<vmem>>[vector<16xi32>], vector<16xf32>,
    %add3A_3529 = arith.addf %add3A_3524, %gather3A_3528 : vector<16xf32>
    %add3A_3530 = arith.constant 14 : i32
    %add3A_3531 = vector.broadcast %add3A_3530 : i32 to vector<16xi32>
    %add3A_3532 = arith.addi %add3A_3459, %add3A_3531 : vector<16xi32>
    %gather3A_3533 = tpu.vector_load_idx %arg21[%add3A_3532] : memref<10240xf32, #tpu.memory_space<vmem>>[vector<16xi32>], vector<16xf32>,
    %add3A_3534 = arith.addf %add3A_3529, %gather3A_3533 : vector<16xf32>
    %add3A_3535 = arith.constant 15 : i32
    %add3A_3536 = vector.broadcast %add3A_3535 : i32 to vector<16xi32>
    %add3A_3537 = arith.addi %add3A_3459, %add3A_3536 : vector<16xi32>
    %gather3A_3538 = tpu.vector_load_idx %arg21[%add3A_3537] : memref<10240xf32, #tpu.memory_space<vmem>>[vector<16xi32>], vector<16xf32>,
    %add3A_3539 = arith.addf %add3A_3534, %gather3A_3538 : vector<16xf32>
    %add3A_3540 = arith.constant 16 : i32
    %add3A_3541 = vector.broadcast %add3A_3540 : i32 to vector<16xi32>
    %add3A_3542 = arith.addi %add3A_3459, %add3A_3541 : vector<16xi32>
    %gather3A_3543 = tpu.vector_load_idx %arg21[%add3A_3542] : memref<10240xf32, #tpu.memory_space<vmem>>[vector<16xi32>], vector<16xf32>,
    %add3A_3544 = arith.addf %add3A_3539, %gather3A_3543 : vector<16xf32>
    %add3A_3545 = arith.constant 17 : i32
    %add3A_3546 = vector.broadcast %add3A_3545 : i32 to vector<16xi32>
    %add3A_3547 = arith.addi %add3A_3459, %add3A_3546 : vector<16xi32>
    %gather3A_3548 = tpu.vector_load_idx %arg21[%add3A_3547] : memref<10240xf32, #tpu.memory_space<vmem>>[vector<16xi32>], vector<16xf32>,
    %add3A_3549 = arith.addf %add3A_3544, %gather3A_3548 : vector<16xf32>
    %add3A_3550 = arith.constant 18 : i32
    %add3A_3551 = vector.broadcast %add3A_3550 : i32 to vector<16xi32>
    %add3A_3552 = arith.addi %add3A_3459, %add3A_3551 : vector<16xi32>
    %gather3A_3553 = tpu.vector_load_idx %arg21[%add3A_3552] : memref<10240xf32, #tpu.memory_space<vmem>>[vector<16xi32>], vector<16xf32>,
    %add3A_3554 = arith.addf %add3A_3549, %gather3A_3553 : vector<16xf32>
    %add3A_3555 = arith.constant 19 : i32
    %add3A_3556 = vector.broadcast %add3A_3555 : i32 to vector<16xi32>
    %add3A_3557 = arith.addi %add3A_3459, %add3A_3556 : vector<16xi32>
    %gather3A_3558 = tpu.vector_load_idx %arg21[%add3A_3557] : memref<10240xf32, #tpu.memory_space<vmem>>[vector<16xi32>], vector<16xf32>,
    %add3A_3559 = arith.addf %add3A_3554, %gather3A_3558 : vector<16xf32>
    %swap3A_3560 = arith.constant 432 : index
    %swap3A_3561 = tpu.vector_load %arg27[%swap3A_3560] {strides = array<i32>} : memref<512xf32, #tpu.memory_space<vmem>>, vector<16xf32>,
    tpu.vector_store %arg27[%swap3A_3560], %add3A_3559 {strides = array<i32>} : memref<512xf32, #tpu.memory_space<vmem>>, vector<16xf32>,
    %get3A_3562 = arith.constant 448 : index
    %get3A_3563 = tpu.vector_load %arg19[%get3A_3562] {strides = array<i32>} : memref<512xf32, #tpu.memory_space<vmem>>, vector<16xf32>,
    %mul3A_3564 = arith.mulf %get3A_3563, %get3A_33 : vector<16xf32>
    %add3A_3565 = arith.addf %mul3A_3564, %get3A_35 : vector<16xf32>
    %get3A_3566 = arith.constant 448 : index
    %get3A_3567 = tpu.vector_load %arg22[%get3A_3566] {strides = array<i32>} : memref<512xf32, #tpu.memory_space<vmem>>, vector<16xf32>,
    %add3A_3568 = arith.addf %add3A_3565, %get3A_3567 : vector<16xf32>
    %get3A_3569 = arith.constant 448 : index
    %get3A_3570 = tpu.vector_load %arg23[%get3A_3569] {strides = array<i32>} : memref<512xf32, #tpu.memory_space<vmem>>, vector<16xf32>,
    %add3A_3571 = arith.addf %add3A_3568, %get3A_3570 : vector<16xf32>
    %get3A_3572 = arith.constant 448 : index
    %get3A_3573 = tpu.vector_load %arg17[%get3A_3572] {strides = array<i32>} : memref<512xi32, #tpu.memory_space<vmem>>, vector<16xi32>,
    %gather3A_3574 = tpu.vector_load_idx %arg24[%get3A_3573] : memref<128xf32, #tpu.memory_space<vmem>>[vector<16xi32>], vector<16xf32>,
    %add3A_3575 = arith.addf %add3A_3571, %gather3A_3574 : vector<16xf32>
    %get3A_3576 = arith.constant 448 : index
    %get3A_3577 = tpu.vector_load %arg18[%get3A_3576] {strides = array<i32>} : memref<512xi32, #tpu.memory_space<vmem>>, vector<16xi32>,
    %gather3A_3578 = tpu.vector_load_idx %arg25[%get3A_3577] : memref<16xf32, #tpu.memory_space<vmem>>[vector<16xi32>], vector<16xf32>,
    %add3A_3579 = arith.addf %add3A_3575, %gather3A_3578 : vector<16xf32>
    %mul3A_3580 = arith.constant 20 : i32
    %mul3A_3581 = vector.broadcast %mul3A_3580 : i32 to vector<16xi32>
    %mul3A_3582 = arith.muli %iota3A, %mul3A_3581 : vector<16xi32>
    %add3A_3583 = arith.constant 8960 : i32
    %add3A_3584 = vector.broadcast %add3A_3583 : i32 to vector<16xi32>
    %add3A_3585 = arith.addi %mul3A_3582, %add3A_3584 : vector<16xi32>
    %add3A_3586 = arith.constant 0 : i32
    %add3A_3587 = vector.broadcast %add3A_3586 : i32 to vector<16xi32>
    %add3A_3588 = arith.addi %add3A_3585, %add3A_3587 : vector<16xi32>
    %gather3A_3589 = tpu.vector_load_idx %arg21[%add3A_3588] : memref<10240xf32, #tpu.memory_space<vmem>>[vector<16xi32>], vector<16xf32>,
    %add3A_3590 = arith.addf %add3A_3579, %gather3A_3589 : vector<16xf32>
    %add3A_3591 = arith.constant 1 : i32
    %add3A_3592 = vector.broadcast %add3A_3591 : i32 to vector<16xi32>
    %add3A_3593 = arith.addi %add3A_3585, %add3A_3592 : vector<16xi32>
    %gather3A_3594 = tpu.vector_load_idx %arg21[%add3A_3593] : memref<10240xf32, #tpu.memory_space<vmem>>[vector<16xi32>], vector<16xf32>,
    %add3A_3595 = arith.addf %add3A_3590, %gather3A_3594 : vector<16xf32>
    %add3A_3596 = arith.constant 2 : i32
    %add3A_3597 = vector.broadcast %add3A_3596 : i32 to vector<16xi32>
    %add3A_3598 = arith.addi %add3A_3585, %add3A_3597 : vector<16xi32>
    %gather3A_3599 = tpu.vector_load_idx %arg21[%add3A_3598] : memref<10240xf32, #tpu.memory_space<vmem>>[vector<16xi32>], vector<16xf32>,
    %add3A_3600 = arith.addf %add3A_3595, %gather3A_3599 : vector<16xf32>
    %add3A_3601 = arith.constant 3 : i32
    %add3A_3602 = vector.broadcast %add3A_3601 : i32 to vector<16xi32>
    %add3A_3603 = arith.addi %add3A_3585, %add3A_3602 : vector<16xi32>
    %gather3A_3604 = tpu.vector_load_idx %arg21[%add3A_3603] : memref<10240xf32, #tpu.memory_space<vmem>>[vector<16xi32>], vector<16xf32>,
    %add3A_3605 = arith.addf %add3A_3600, %gather3A_3604 : vector<16xf32>
    %add3A_3606 = arith.constant 4 : i32
    %add3A_3607 = vector.broadcast %add3A_3606 : i32 to vector<16xi32>
    %add3A_3608 = arith.addi %add3A_3585, %add3A_3607 : vector<16xi32>
    %gather3A_3609 = tpu.vector_load_idx %arg21[%add3A_3608] : memref<10240xf32, #tpu.memory_space<vmem>>[vector<16xi32>], vector<16xf32>,
    %add3A_3610 = arith.addf %add3A_3605, %gather3A_3609 : vector<16xf32>
    %add3A_3611 = arith.constant 5 : i32
    %add3A_3612 = vector.broadcast %add3A_3611 : i32 to vector<16xi32>
    %add3A_3613 = arith.addi %add3A_3585, %add3A_3612 : vector<16xi32>
    %gather3A_3614 = tpu.vector_load_idx %arg21[%add3A_3613] : memref<10240xf32, #tpu.memory_space<vmem>>[vector<16xi32>], vector<16xf32>,
    %add3A_3615 = arith.addf %add3A_3610, %gather3A_3614 : vector<16xf32>
    %add3A_3616 = arith.constant 6 : i32
    %add3A_3617 = vector.broadcast %add3A_3616 : i32 to vector<16xi32>
    %add3A_3618 = arith.addi %add3A_3585, %add3A_3617 : vector<16xi32>
    %gather3A_3619 = tpu.vector_load_idx %arg21[%add3A_3618] : memref<10240xf32, #tpu.memory_space<vmem>>[vector<16xi32>], vector<16xf32>,
    %add3A_3620 = arith.addf %add3A_3615, %gather3A_3619 : vector<16xf32>
    %add3A_3621 = arith.constant 7 : i32
    %add3A_3622 = vector.broadcast %add3A_3621 : i32 to vector<16xi32>
    %add3A_3623 = arith.addi %add3A_3585, %add3A_3622 : vector<16xi32>
    %gather3A_3624 = tpu.vector_load_idx %arg21[%add3A_3623] : memref<10240xf32, #tpu.memory_space<vmem>>[vector<16xi32>], vector<16xf32>,
    %add3A_3625 = arith.addf %add3A_3620, %gather3A_3624 : vector<16xf32>
    %add3A_3626 = arith.constant 8 : i32
    %add3A_3627 = vector.broadcast %add3A_3626 : i32 to vector<16xi32>
    %add3A_3628 = arith.addi %add3A_3585, %add3A_3627 : vector<16xi32>
    %gather3A_3629 = tpu.vector_load_idx %arg21[%add3A_3628] : memref<10240xf32, #tpu.memory_space<vmem>>[vector<16xi32>], vector<16xf32>,
    %add3A_3630 = arith.addf %add3A_3625, %gather3A_3629 : vector<16xf32>
    %add3A_3631 = arith.constant 9 : i32
    %add3A_3632 = vector.broadcast %add3A_3631 : i32 to vector<16xi32>
    %add3A_3633 = arith.addi %add3A_3585, %add3A_3632 : vector<16xi32>
    %gather3A_3634 = tpu.vector_load_idx %arg21[%add3A_3633] : memref<10240xf32, #tpu.memory_space<vmem>>[vector<16xi32>], vector<16xf32>,
    %add3A_3635 = arith.addf %add3A_3630, %gather3A_3634 : vector<16xf32>
    %add3A_3636 = arith.constant 10 : i32
    %add3A_3637 = vector.broadcast %add3A_3636 : i32 to vector<16xi32>
    %add3A_3638 = arith.addi %add3A_3585, %add3A_3637 : vector<16xi32>
    %gather3A_3639 = tpu.vector_load_idx %arg21[%add3A_3638] : memref<10240xf32, #tpu.memory_space<vmem>>[vector<16xi32>], vector<16xf32>,
    %add3A_3640 = arith.addf %add3A_3635, %gather3A_3639 : vector<16xf32>
    %add3A_3641 = arith.constant 11 : i32
    %add3A_3642 = vector.broadcast %add3A_3641 : i32 to vector<16xi32>
    %add3A_3643 = arith.addi %add3A_3585, %add3A_3642 : vector<16xi32>
    %gather3A_3644 = tpu.vector_load_idx %arg21[%add3A_3643] : memref<10240xf32, #tpu.memory_space<vmem>>[vector<16xi32>], vector<16xf32>,
    %add3A_3645 = arith.addf %add3A_3640, %gather3A_3644 : vector<16xf32>
    %add3A_3646 = arith.constant 12 : i32
    %add3A_3647 = vector.broadcast %add3A_3646 : i32 to vector<16xi32>
    %add3A_3648 = arith.addi %add3A_3585, %add3A_3647 : vector<16xi32>
    %gather3A_3649 = tpu.vector_load_idx %arg21[%add3A_3648] : memref<10240xf32, #tpu.memory_space<vmem>>[vector<16xi32>], vector<16xf32>,
    %add3A_3650 = arith.addf %add3A_3645, %gather3A_3649 : vector<16xf32>
    %add3A_3651 = arith.constant 13 : i32
    %add3A_3652 = vector.broadcast %add3A_3651 : i32 to vector<16xi32>
    %add3A_3653 = arith.addi %add3A_3585, %add3A_3652 : vector<16xi32>
    %gather3A_3654 = tpu.vector_load_idx %arg21[%add3A_3653] : memref<10240xf32, #tpu.memory_space<vmem>>[vector<16xi32>], vector<16xf32>,
    %add3A_3655 = arith.addf %add3A_3650, %gather3A_3654 : vector<16xf32>
    %add3A_3656 = arith.constant 14 : i32
    %add3A_3657 = vector.broadcast %add3A_3656 : i32 to vector<16xi32>
    %add3A_3658 = arith.addi %add3A_3585, %add3A_3657 : vector<16xi32>
    %gather3A_3659 = tpu.vector_load_idx %arg21[%add3A_3658] : memref<10240xf32, #tpu.memory_space<vmem>>[vector<16xi32>], vector<16xf32>,
    %add3A_3660 = arith.addf %add3A_3655, %gather3A_3659 : vector<16xf32>
    %add3A_3661 = arith.constant 15 : i32
    %add3A_3662 = vector.broadcast %add3A_3661 : i32 to vector<16xi32>
    %add3A_3663 = arith.addi %add3A_3585, %add3A_3662 : vector<16xi32>
    %gather3A_3664 = tpu.vector_load_idx %arg21[%add3A_3663] : memref<10240xf32, #tpu.memory_space<vmem>>[vector<16xi32>], vector<16xf32>,
    %add3A_3665 = arith.addf %add3A_3660, %gather3A_3664 : vector<16xf32>
    %add3A_3666 = arith.constant 16 : i32
    %add3A_3667 = vector.broadcast %add3A_3666 : i32 to vector<16xi32>
    %add3A_3668 = arith.addi %add3A_3585, %add3A_3667 : vector<16xi32>
    %gather3A_3669 = tpu.vector_load_idx %arg21[%add3A_3668] : memref<10240xf32, #tpu.memory_space<vmem>>[vector<16xi32>], vector<16xf32>,
    %add3A_3670 = arith.addf %add3A_3665, %gather3A_3669 : vector<16xf32>
    %add3A_3671 = arith.constant 17 : i32
    %add3A_3672 = vector.broadcast %add3A_3671 : i32 to vector<16xi32>
    %add3A_3673 = arith.addi %add3A_3585, %add3A_3672 : vector<16xi32>
    %gather3A_3674 = tpu.vector_load_idx %arg21[%add3A_3673] : memref<10240xf32, #tpu.memory_space<vmem>>[vector<16xi32>], vector<16xf32>,
    %add3A_3675 = arith.addf %add3A_3670, %gather3A_3674 : vector<16xf32>
    %add3A_3676 = arith.constant 18 : i32
    %add3A_3677 = vector.broadcast %add3A_3676 : i32 to vector<16xi32>
    %add3A_3678 = arith.addi %add3A_3585, %add3A_3677 : vector<16xi32>
    %gather3A_3679 = tpu.vector_load_idx %arg21[%add3A_3678] : memref<10240xf32, #tpu.memory_space<vmem>>[vector<16xi32>], vector<16xf32>,
    %add3A_3680 = arith.addf %add3A_3675, %gather3A_3679 : vector<16xf32>
    %add3A_3681 = arith.constant 19 : i32
    %add3A_3682 = vector.broadcast %add3A_3681 : i32 to vector<16xi32>
    %add3A_3683 = arith.addi %add3A_3585, %add3A_3682 : vector<16xi32>
    %gather3A_3684 = tpu.vector_load_idx %arg21[%add3A_3683] : memref<10240xf32, #tpu.memory_space<vmem>>[vector<16xi32>], vector<16xf32>,
    %add3A_3685 = arith.addf %add3A_3680, %gather3A_3684 : vector<16xf32>
    %swap3A_3686 = arith.constant 448 : index
    %swap3A_3687 = tpu.vector_load %arg27[%swap3A_3686] {strides = array<i32>} : memref<512xf32, #tpu.memory_space<vmem>>, vector<16xf32>,
    tpu.vector_store %arg27[%swap3A_3686], %add3A_3685 {strides = array<i32>} : memref<512xf32, #tpu.memory_space<vmem>>, vector<16xf32>,
    %get3A_3688 = arith.constant 464 : index
    %get3A_3689 = tpu.vector_load %arg19[%get3A_3688] {strides = array<i32>} : memref<512xf32, #tpu.memory_space<vmem>>, vector<16xf32>,
    %mul3A_3690 = arith.mulf %get3A_3689, %get3A_33 : vector<16xf32>
    %add3A_3691 = arith.addf %mul3A_3690, %get3A_35 : vector<16xf32>
    %get3A_3692 = arith.constant 464 : index
    %get3A_3693 = tpu.vector_load %arg22[%get3A_3692] {strides = array<i32>} : memref<512xf32, #tpu.memory_space<vmem>>, vector<16xf32>,
    %add3A_3694 = arith.addf %add3A_3691, %get3A_3693 : vector<16xf32>
    %get3A_3695 = arith.constant 464 : index
    %get3A_3696 = tpu.vector_load %arg23[%get3A_3695] {strides = array<i32>} : memref<512xf32, #tpu.memory_space<vmem>>, vector<16xf32>,
    %add3A_3697 = arith.addf %add3A_3694, %get3A_3696 : vector<16xf32>
    %get3A_3698 = arith.constant 464 : index
    %get3A_3699 = tpu.vector_load %arg17[%get3A_3698] {strides = array<i32>} : memref<512xi32, #tpu.memory_space<vmem>>, vector<16xi32>,
    %gather3A_3700 = tpu.vector_load_idx %arg24[%get3A_3699] : memref<128xf32, #tpu.memory_space<vmem>>[vector<16xi32>], vector<16xf32>,
    %add3A_3701 = arith.addf %add3A_3697, %gather3A_3700 : vector<16xf32>
    %get3A_3702 = arith.constant 464 : index
    %get3A_3703 = tpu.vector_load %arg18[%get3A_3702] {strides = array<i32>} : memref<512xi32, #tpu.memory_space<vmem>>, vector<16xi32>,
    %gather3A_3704 = tpu.vector_load_idx %arg25[%get3A_3703] : memref<16xf32, #tpu.memory_space<vmem>>[vector<16xi32>], vector<16xf32>,
    %add3A_3705 = arith.addf %add3A_3701, %gather3A_3704 : vector<16xf32>
    %mul3A_3706 = arith.constant 20 : i32
    %mul3A_3707 = vector.broadcast %mul3A_3706 : i32 to vector<16xi32>
    %mul3A_3708 = arith.muli %iota3A, %mul3A_3707 : vector<16xi32>
    %add3A_3709 = arith.constant 9280 : i32
    %add3A_3710 = vector.broadcast %add3A_3709 : i32 to vector<16xi32>
    %add3A_3711 = arith.addi %mul3A_3708, %add3A_3710 : vector<16xi32>
    %add3A_3712 = arith.constant 0 : i32
    %add3A_3713 = vector.broadcast %add3A_3712 : i32 to vector<16xi32>
    %add3A_3714 = arith.addi %add3A_3711, %add3A_3713 : vector<16xi32>
    %gather3A_3715 = tpu.vector_load_idx %arg21[%add3A_3714] : memref<10240xf32, #tpu.memory_space<vmem>>[vector<16xi32>], vector<16xf32>,
    %add3A_3716 = arith.addf %add3A_3705, %gather3A_3715 : vector<16xf32>
    %add3A_3717 = arith.constant 1 : i32
    %add3A_3718 = vector.broadcast %add3A_3717 : i32 to vector<16xi32>
    %add3A_3719 = arith.addi %add3A_3711, %add3A_3718 : vector<16xi32>
    %gather3A_3720 = tpu.vector_load_idx %arg21[%add3A_3719] : memref<10240xf32, #tpu.memory_space<vmem>>[vector<16xi32>], vector<16xf32>,
    %add3A_3721 = arith.addf %add3A_3716, %gather3A_3720 : vector<16xf32>
    %add3A_3722 = arith.constant 2 : i32
    %add3A_3723 = vector.broadcast %add3A_3722 : i32 to vector<16xi32>
    %add3A_3724 = arith.addi %add3A_3711, %add3A_3723 : vector<16xi32>
    %gather3A_3725 = tpu.vector_load_idx %arg21[%add3A_3724] : memref<10240xf32, #tpu.memory_space<vmem>>[vector<16xi32>], vector<16xf32>,
    %add3A_3726 = arith.addf %add3A_3721, %gather3A_3725 : vector<16xf32>
    %add3A_3727 = arith.constant 3 : i32
    %add3A_3728 = vector.broadcast %add3A_3727 : i32 to vector<16xi32>
    %add3A_3729 = arith.addi %add3A_3711, %add3A_3728 : vector<16xi32>
    %gather3A_3730 = tpu.vector_load_idx %arg21[%add3A_3729] : memref<10240xf32, #tpu.memory_space<vmem>>[vector<16xi32>], vector<16xf32>,
    %add3A_3731 = arith.addf %add3A_3726, %gather3A_3730 : vector<16xf32>
    %add3A_3732 = arith.constant 4 : i32
    %add3A_3733 = vector.broadcast %add3A_3732 : i32 to vector<16xi32>
    %add3A_3734 = arith.addi %add3A_3711, %add3A_3733 : vector<16xi32>
    %gather3A_3735 = tpu.vector_load_idx %arg21[%add3A_3734] : memref<10240xf32, #tpu.memory_space<vmem>>[vector<16xi32>], vector<16xf32>,
    %add3A_3736 = arith.addf %add3A_3731, %gather3A_3735 : vector<16xf32>
    %add3A_3737 = arith.constant 5 : i32
    %add3A_3738 = vector.broadcast %add3A_3737 : i32 to vector<16xi32>
    %add3A_3739 = arith.addi %add3A_3711, %add3A_3738 : vector<16xi32>
    %gather3A_3740 = tpu.vector_load_idx %arg21[%add3A_3739] : memref<10240xf32, #tpu.memory_space<vmem>>[vector<16xi32>], vector<16xf32>,
    %add3A_3741 = arith.addf %add3A_3736, %gather3A_3740 : vector<16xf32>
    %add3A_3742 = arith.constant 6 : i32
    %add3A_3743 = vector.broadcast %add3A_3742 : i32 to vector<16xi32>
    %add3A_3744 = arith.addi %add3A_3711, %add3A_3743 : vector<16xi32>
    %gather3A_3745 = tpu.vector_load_idx %arg21[%add3A_3744] : memref<10240xf32, #tpu.memory_space<vmem>>[vector<16xi32>], vector<16xf32>,
    %add3A_3746 = arith.addf %add3A_3741, %gather3A_3745 : vector<16xf32>
    %add3A_3747 = arith.constant 7 : i32
    %add3A_3748 = vector.broadcast %add3A_3747 : i32 to vector<16xi32>
    %add3A_3749 = arith.addi %add3A_3711, %add3A_3748 : vector<16xi32>
    %gather3A_3750 = tpu.vector_load_idx %arg21[%add3A_3749] : memref<10240xf32, #tpu.memory_space<vmem>>[vector<16xi32>], vector<16xf32>,
    %add3A_3751 = arith.addf %add3A_3746, %gather3A_3750 : vector<16xf32>
    %add3A_3752 = arith.constant 8 : i32
    %add3A_3753 = vector.broadcast %add3A_3752 : i32 to vector<16xi32>
    %add3A_3754 = arith.addi %add3A_3711, %add3A_3753 : vector<16xi32>
    %gather3A_3755 = tpu.vector_load_idx %arg21[%add3A_3754] : memref<10240xf32, #tpu.memory_space<vmem>>[vector<16xi32>], vector<16xf32>,
    %add3A_3756 = arith.addf %add3A_3751, %gather3A_3755 : vector<16xf32>
    %add3A_3757 = arith.constant 9 : i32
    %add3A_3758 = vector.broadcast %add3A_3757 : i32 to vector<16xi32>
    %add3A_3759 = arith.addi %add3A_3711, %add3A_3758 : vector<16xi32>
    %gather3A_3760 = tpu.vector_load_idx %arg21[%add3A_3759] : memref<10240xf32, #tpu.memory_space<vmem>>[vector<16xi32>], vector<16xf32>,
    %add3A_3761 = arith.addf %add3A_3756, %gather3A_3760 : vector<16xf32>
    %add3A_3762 = arith.constant 10 : i32
    %add3A_3763 = vector.broadcast %add3A_3762 : i32 to vector<16xi32>
    %add3A_3764 = arith.addi %add3A_3711, %add3A_3763 : vector<16xi32>
    %gather3A_3765 = tpu.vector_load_idx %arg21[%add3A_3764] : memref<10240xf32, #tpu.memory_space<vmem>>[vector<16xi32>], vector<16xf32>,
    %add3A_3766 = arith.addf %add3A_3761, %gather3A_3765 : vector<16xf32>
    %add3A_3767 = arith.constant 11 : i32
    %add3A_3768 = vector.broadcast %add3A_3767 : i32 to vector<16xi32>
    %add3A_3769 = arith.addi %add3A_3711, %add3A_3768 : vector<16xi32>
    %gather3A_3770 = tpu.vector_load_idx %arg21[%add3A_3769] : memref<10240xf32, #tpu.memory_space<vmem>>[vector<16xi32>], vector<16xf32>,
    %add3A_3771 = arith.addf %add3A_3766, %gather3A_3770 : vector<16xf32>
    %add3A_3772 = arith.constant 12 : i32
    %add3A_3773 = vector.broadcast %add3A_3772 : i32 to vector<16xi32>
    %add3A_3774 = arith.addi %add3A_3711, %add3A_3773 : vector<16xi32>
    %gather3A_3775 = tpu.vector_load_idx %arg21[%add3A_3774] : memref<10240xf32, #tpu.memory_space<vmem>>[vector<16xi32>], vector<16xf32>,
    %add3A_3776 = arith.addf %add3A_3771, %gather3A_3775 : vector<16xf32>
    %add3A_3777 = arith.constant 13 : i32
    %add3A_3778 = vector.broadcast %add3A_3777 : i32 to vector<16xi32>
    %add3A_3779 = arith.addi %add3A_3711, %add3A_3778 : vector<16xi32>
    %gather3A_3780 = tpu.vector_load_idx %arg21[%add3A_3779] : memref<10240xf32, #tpu.memory_space<vmem>>[vector<16xi32>], vector<16xf32>,
    %add3A_3781 = arith.addf %add3A_3776, %gather3A_3780 : vector<16xf32>
    %add3A_3782 = arith.constant 14 : i32
    %add3A_3783 = vector.broadcast %add3A_3782 : i32 to vector<16xi32>
    %add3A_3784 = arith.addi %add3A_3711, %add3A_3783 : vector<16xi32>
    %gather3A_3785 = tpu.vector_load_idx %arg21[%add3A_3784] : memref<10240xf32, #tpu.memory_space<vmem>>[vector<16xi32>], vector<16xf32>,
    %add3A_3786 = arith.addf %add3A_3781, %gather3A_3785 : vector<16xf32>
    %add3A_3787 = arith.constant 15 : i32
    %add3A_3788 = vector.broadcast %add3A_3787 : i32 to vector<16xi32>
    %add3A_3789 = arith.addi %add3A_3711, %add3A_3788 : vector<16xi32>
    %gather3A_3790 = tpu.vector_load_idx %arg21[%add3A_3789] : memref<10240xf32, #tpu.memory_space<vmem>>[vector<16xi32>], vector<16xf32>,
    %add3A_3791 = arith.addf %add3A_3786, %gather3A_3790 : vector<16xf32>
    %add3A_3792 = arith.constant 16 : i32
    %add3A_3793 = vector.broadcast %add3A_3792 : i32 to vector<16xi32>
    %add3A_3794 = arith.addi %add3A_3711, %add3A_3793 : vector<16xi32>
    %gather3A_3795 = tpu.vector_load_idx %arg21[%add3A_3794] : memref<10240xf32, #tpu.memory_space<vmem>>[vector<16xi32>], vector<16xf32>,
    %add3A_3796 = arith.addf %add3A_3791, %gather3A_3795 : vector<16xf32>
    %add3A_3797 = arith.constant 17 : i32
    %add3A_3798 = vector.broadcast %add3A_3797 : i32 to vector<16xi32>
    %add3A_3799 = arith.addi %add3A_3711, %add3A_3798 : vector<16xi32>
    %gather3A_3800 = tpu.vector_load_idx %arg21[%add3A_3799] : memref<10240xf32, #tpu.memory_space<vmem>>[vector<16xi32>], vector<16xf32>,
    %add3A_3801 = arith.addf %add3A_3796, %gather3A_3800 : vector<16xf32>
    %add3A_3802 = arith.constant 18 : i32
    %add3A_3803 = vector.broadcast %add3A_3802 : i32 to vector<16xi32>
    %add3A_3804 = arith.addi %add3A_3711, %add3A_3803 : vector<16xi32>
    %gather3A_3805 = tpu.vector_load_idx %arg21[%add3A_3804] : memref<10240xf32, #tpu.memory_space<vmem>>[vector<16xi32>], vector<16xf32>,
    %add3A_3806 = arith.addf %add3A_3801, %gather3A_3805 : vector<16xf32>
    %add3A_3807 = arith.constant 19 : i32
    %add3A_3808 = vector.broadcast %add3A_3807 : i32 to vector<16xi32>
    %add3A_3809 = arith.addi %add3A_3711, %add3A_3808 : vector<16xi32>
    %gather3A_3810 = tpu.vector_load_idx %arg21[%add3A_3809] : memref<10240xf32, #tpu.memory_space<vmem>>[vector<16xi32>], vector<16xf32>,
    %add3A_3811 = arith.addf %add3A_3806, %gather3A_3810 : vector<16xf32>
    %swap3A_3812 = arith.constant 464 : index
    %swap3A_3813 = tpu.vector_load %arg27[%swap3A_3812] {strides = array<i32>} : memref<512xf32, #tpu.memory_space<vmem>>, vector<16xf32>,
    tpu.vector_store %arg27[%swap3A_3812], %add3A_3811 {strides = array<i32>} : memref<512xf32, #tpu.memory_space<vmem>>, vector<16xf32>,
    %get3A_3814 = arith.constant 480 : index
    %get3A_3815 = tpu.vector_load %arg19[%get3A_3814] {strides = array<i32>} : memref<512xf32, #tpu.memory_space<vmem>>, vector<16xf32>,
    %mul3A_3816 = arith.mulf %get3A_3815, %get3A_33 : vector<16xf32>
    %add3A_3817 = arith.addf %mul3A_3816, %get3A_35 : vector<16xf32>
    %get3A_3818 = arith.constant 480 : index
    %get3A_3819 = tpu.vector_load %arg22[%get3A_3818] {strides = array<i32>} : memref<512xf32, #tpu.memory_space<vmem>>, vector<16xf32>,
    %add3A_3820 = arith.addf %add3A_3817, %get3A_3819 : vector<16xf32>
    %get3A_3821 = arith.constant 480 : index
    %get3A_3822 = tpu.vector_load %arg23[%get3A_3821] {strides = array<i32>} : memref<512xf32, #tpu.memory_space<vmem>>, vector<16xf32>,
    %add3A_3823 = arith.addf %add3A_3820, %get3A_3822 : vector<16xf32>
    %get3A_3824 = arith.constant 480 : index
    %get3A_3825 = tpu.vector_load %arg17[%get3A_3824] {strides = array<i32>} : memref<512xi32, #tpu.memory_space<vmem>>, vector<16xi32>,
    %gather3A_3826 = tpu.vector_load_idx %arg24[%get3A_3825] : memref<128xf32, #tpu.memory_space<vmem>>[vector<16xi32>], vector<16xf32>,
    %add3A_3827 = arith.addf %add3A_3823, %gather3A_3826 : vector<16xf32>
    %get3A_3828 = arith.constant 480 : index
    %get3A_3829 = tpu.vector_load %arg18[%get3A_3828] {strides = array<i32>} : memref<512xi32, #tpu.memory_space<vmem>>, vector<16xi32>,
    %gather3A_3830 = tpu.vector_load_idx %arg25[%get3A_3829] : memref<16xf32, #tpu.memory_space<vmem>>[vector<16xi32>], vector<16xf32>,
    %add3A_3831 = arith.addf %add3A_3827, %gather3A_3830 : vector<16xf32>
    %mul3A_3832 = arith.constant 20 : i32
    %mul3A_3833 = vector.broadcast %mul3A_3832 : i32 to vector<16xi32>
    %mul3A_3834 = arith.muli %iota3A, %mul3A_3833 : vector<16xi32>
    %add3A_3835 = arith.constant 9600 : i32
    %add3A_3836 = vector.broadcast %add3A_3835 : i32 to vector<16xi32>
    %add3A_3837 = arith.addi %mul3A_3834, %add3A_3836 : vector<16xi32>
    %add3A_3838 = arith.constant 0 : i32
    %add3A_3839 = vector.broadcast %add3A_3838 : i32 to vector<16xi32>
    %add3A_3840 = arith.addi %add3A_3837, %add3A_3839 : vector<16xi32>
    %gather3A_3841 = tpu.vector_load_idx %arg21[%add3A_3840] : memref<10240xf32, #tpu.memory_space<vmem>>[vector<16xi32>], vector<16xf32>,
    %add3A_3842 = arith.addf %add3A_3831, %gather3A_3841 : vector<16xf32>
    %add3A_3843 = arith.constant 1 : i32
    %add3A_3844 = vector.broadcast %add3A_3843 : i32 to vector<16xi32>
    %add3A_3845 = arith.addi %add3A_3837, %add3A_3844 : vector<16xi32>
    %gather3A_3846 = tpu.vector_load_idx %arg21[%add3A_3845] : memref<10240xf32, #tpu.memory_space<vmem>>[vector<16xi32>], vector<16xf32>,
    %add3A_3847 = arith.addf %add3A_3842, %gather3A_3846 : vector<16xf32>
    %add3A_3848 = arith.constant 2 : i32
    %add3A_3849 = vector.broadcast %add3A_3848 : i32 to vector<16xi32>
    %add3A_3850 = arith.addi %add3A_3837, %add3A_3849 : vector<16xi32>
    %gather3A_3851 = tpu.vector_load_idx %arg21[%add3A_3850] : memref<10240xf32, #tpu.memory_space<vmem>>[vector<16xi32>], vector<16xf32>,
    %add3A_3852 = arith.addf %add3A_3847, %gather3A_3851 : vector<16xf32>
    %add3A_3853 = arith.constant 3 : i32
    %add3A_3854 = vector.broadcast %add3A_3853 : i32 to vector<16xi32>
    %add3A_3855 = arith.addi %add3A_3837, %add3A_3854 : vector<16xi32>
    %gather3A_3856 = tpu.vector_load_idx %arg21[%add3A_3855] : memref<10240xf32, #tpu.memory_space<vmem>>[vector<16xi32>], vector<16xf32>,
    %add3A_3857 = arith.addf %add3A_3852, %gather3A_3856 : vector<16xf32>
    %add3A_3858 = arith.constant 4 : i32
    %add3A_3859 = vector.broadcast %add3A_3858 : i32 to vector<16xi32>
    %add3A_3860 = arith.addi %add3A_3837, %add3A_3859 : vector<16xi32>
    %gather3A_3861 = tpu.vector_load_idx %arg21[%add3A_3860] : memref<10240xf32, #tpu.memory_space<vmem>>[vector<16xi32>], vector<16xf32>,
    %add3A_3862 = arith.addf %add3A_3857, %gather3A_3861 : vector<16xf32>
    %add3A_3863 = arith.constant 5 : i32
    %add3A_3864 = vector.broadcast %add3A_3863 : i32 to vector<16xi32>
    %add3A_3865 = arith.addi %add3A_3837, %add3A_3864 : vector<16xi32>
    %gather3A_3866 = tpu.vector_load_idx %arg21[%add3A_3865] : memref<10240xf32, #tpu.memory_space<vmem>>[vector<16xi32>], vector<16xf32>,
    %add3A_3867 = arith.addf %add3A_3862, %gather3A_3866 : vector<16xf32>
    %add3A_3868 = arith.constant 6 : i32
    %add3A_3869 = vector.broadcast %add3A_3868 : i32 to vector<16xi32>
    %add3A_3870 = arith.addi %add3A_3837, %add3A_3869 : vector<16xi32>
    %gather3A_3871 = tpu.vector_load_idx %arg21[%add3A_3870] : memref<10240xf32, #tpu.memory_space<vmem>>[vector<16xi32>], vector<16xf32>,
    %add3A_3872 = arith.addf %add3A_3867, %gather3A_3871 : vector<16xf32>
    %add3A_3873 = arith.constant 7 : i32
    %add3A_3874 = vector.broadcast %add3A_3873 : i32 to vector<16xi32>
    %add3A_3875 = arith.addi %add3A_3837, %add3A_3874 : vector<16xi32>
    %gather3A_3876 = tpu.vector_load_idx %arg21[%add3A_3875] : memref<10240xf32, #tpu.memory_space<vmem>>[vector<16xi32>], vector<16xf32>,
    %add3A_3877 = arith.addf %add3A_3872, %gather3A_3876 : vector<16xf32>
    %add3A_3878 = arith.constant 8 : i32
    %add3A_3879 = vector.broadcast %add3A_3878 : i32 to vector<16xi32>
    %add3A_3880 = arith.addi %add3A_3837, %add3A_3879 : vector<16xi32>
    %gather3A_3881 = tpu.vector_load_idx %arg21[%add3A_3880] : memref<10240xf32, #tpu.memory_space<vmem>>[vector<16xi32>], vector<16xf32>,
    %add3A_3882 = arith.addf %add3A_3877, %gather3A_3881 : vector<16xf32>
    %add3A_3883 = arith.constant 9 : i32
    %add3A_3884 = vector.broadcast %add3A_3883 : i32 to vector<16xi32>
    %add3A_3885 = arith.addi %add3A_3837, %add3A_3884 : vector<16xi32>
    %gather3A_3886 = tpu.vector_load_idx %arg21[%add3A_3885] : memref<10240xf32, #tpu.memory_space<vmem>>[vector<16xi32>], vector<16xf32>,
    %add3A_3887 = arith.addf %add3A_3882, %gather3A_3886 : vector<16xf32>
    %add3A_3888 = arith.constant 10 : i32
    %add3A_3889 = vector.broadcast %add3A_3888 : i32 to vector<16xi32>
    %add3A_3890 = arith.addi %add3A_3837, %add3A_3889 : vector<16xi32>
    %gather3A_3891 = tpu.vector_load_idx %arg21[%add3A_3890] : memref<10240xf32, #tpu.memory_space<vmem>>[vector<16xi32>], vector<16xf32>,
    %add3A_3892 = arith.addf %add3A_3887, %gather3A_3891 : vector<16xf32>
    %add3A_3893 = arith.constant 11 : i32
    %add3A_3894 = vector.broadcast %add3A_3893 : i32 to vector<16xi32>
    %add3A_3895 = arith.addi %add3A_3837, %add3A_3894 : vector<16xi32>
    %gather3A_3896 = tpu.vector_load_idx %arg21[%add3A_3895] : memref<10240xf32, #tpu.memory_space<vmem>>[vector<16xi32>], vector<16xf32>,
    %add3A_3897 = arith.addf %add3A_3892, %gather3A_3896 : vector<16xf32>
    %add3A_3898 = arith.constant 12 : i32
    %add3A_3899 = vector.broadcast %add3A_3898 : i32 to vector<16xi32>
    %add3A_3900 = arith.addi %add3A_3837, %add3A_3899 : vector<16xi32>
    %gather3A_3901 = tpu.vector_load_idx %arg21[%add3A_3900] : memref<10240xf32, #tpu.memory_space<vmem>>[vector<16xi32>], vector<16xf32>,
    %add3A_3902 = arith.addf %add3A_3897, %gather3A_3901 : vector<16xf32>
    %add3A_3903 = arith.constant 13 : i32
    %add3A_3904 = vector.broadcast %add3A_3903 : i32 to vector<16xi32>
    %add3A_3905 = arith.addi %add3A_3837, %add3A_3904 : vector<16xi32>
    %gather3A_3906 = tpu.vector_load_idx %arg21[%add3A_3905] : memref<10240xf32, #tpu.memory_space<vmem>>[vector<16xi32>], vector<16xf32>,
    %add3A_3907 = arith.addf %add3A_3902, %gather3A_3906 : vector<16xf32>
    %add3A_3908 = arith.constant 14 : i32
    %add3A_3909 = vector.broadcast %add3A_3908 : i32 to vector<16xi32>
    %add3A_3910 = arith.addi %add3A_3837, %add3A_3909 : vector<16xi32>
    %gather3A_3911 = tpu.vector_load_idx %arg21[%add3A_3910] : memref<10240xf32, #tpu.memory_space<vmem>>[vector<16xi32>], vector<16xf32>,
    %add3A_3912 = arith.addf %add3A_3907, %gather3A_3911 : vector<16xf32>
    %add3A_3913 = arith.constant 15 : i32
    %add3A_3914 = vector.broadcast %add3A_3913 : i32 to vector<16xi32>
    %add3A_3915 = arith.addi %add3A_3837, %add3A_3914 : vector<16xi32>
    %gather3A_3916 = tpu.vector_load_idx %arg21[%add3A_3915] : memref<10240xf32, #tpu.memory_space<vmem>>[vector<16xi32>], vector<16xf32>,
    %add3A_3917 = arith.addf %add3A_3912, %gather3A_3916 : vector<16xf32>
    %add3A_3918 = arith.constant 16 : i32
    %add3A_3919 = vector.broadcast %add3A_3918 : i32 to vector<16xi32>
    %add3A_3920 = arith.addi %add3A_3837, %add3A_3919 : vector<16xi32>
    %gather3A_3921 = tpu.vector_load_idx %arg21[%add3A_3920] : memref<10240xf32, #tpu.memory_space<vmem>>[vector<16xi32>], vector<16xf32>,
    %add3A_3922 = arith.addf %add3A_3917, %gather3A_3921 : vector<16xf32>
    %add3A_3923 = arith.constant 17 : i32
    %add3A_3924 = vector.broadcast %add3A_3923 : i32 to vector<16xi32>
    %add3A_3925 = arith.addi %add3A_3837, %add3A_3924 : vector<16xi32>
    %gather3A_3926 = tpu.vector_load_idx %arg21[%add3A_3925] : memref<10240xf32, #tpu.memory_space<vmem>>[vector<16xi32>], vector<16xf32>,
    %add3A_3927 = arith.addf %add3A_3922, %gather3A_3926 : vector<16xf32>
    %add3A_3928 = arith.constant 18 : i32
    %add3A_3929 = vector.broadcast %add3A_3928 : i32 to vector<16xi32>
    %add3A_3930 = arith.addi %add3A_3837, %add3A_3929 : vector<16xi32>
    %gather3A_3931 = tpu.vector_load_idx %arg21[%add3A_3930] : memref<10240xf32, #tpu.memory_space<vmem>>[vector<16xi32>], vector<16xf32>,
    %add3A_3932 = arith.addf %add3A_3927, %gather3A_3931 : vector<16xf32>
    %add3A_3933 = arith.constant 19 : i32
    %add3A_3934 = vector.broadcast %add3A_3933 : i32 to vector<16xi32>
    %add3A_3935 = arith.addi %add3A_3837, %add3A_3934 : vector<16xi32>
    %gather3A_3936 = tpu.vector_load_idx %arg21[%add3A_3935] : memref<10240xf32, #tpu.memory_space<vmem>>[vector<16xi32>], vector<16xf32>,
    %add3A_3937 = arith.addf %add3A_3932, %gather3A_3936 : vector<16xf32>
    %swap3A_3938 = arith.constant 480 : index
    %swap3A_3939 = tpu.vector_load %arg27[%swap3A_3938] {strides = array<i32>} : memref<512xf32, #tpu.memory_space<vmem>>, vector<16xf32>,
    tpu.vector_store %arg27[%swap3A_3938], %add3A_3937 {strides = array<i32>} : memref<512xf32, #tpu.memory_space<vmem>>, vector<16xf32>,
    %get3A_3940 = arith.constant 496 : index
    %get3A_3941 = tpu.vector_load %arg19[%get3A_3940] {strides = array<i32>} : memref<512xf32, #tpu.memory_space<vmem>>, vector<16xf32>,
    %mul3A_3942 = arith.mulf %get3A_3941, %get3A_33 : vector<16xf32>
    %add3A_3943 = arith.addf %mul3A_3942, %get3A_35 : vector<16xf32>
    %get3A_3944 = arith.constant 496 : index
    %get3A_3945 = tpu.vector_load %arg22[%get3A_3944] {strides = array<i32>} : memref<512xf32, #tpu.memory_space<vmem>>, vector<16xf32>,
    %add3A_3946 = arith.addf %add3A_3943, %get3A_3945 : vector<16xf32>
    %get3A_3947 = arith.constant 496 : index
    %get3A_3948 = tpu.vector_load %arg23[%get3A_3947] {strides = array<i32>} : memref<512xf32, #tpu.memory_space<vmem>>, vector<16xf32>,
    %add3A_3949 = arith.addf %add3A_3946, %get3A_3948 : vector<16xf32>
    %get3A_3950 = arith.constant 496 : index
    %get3A_3951 = tpu.vector_load %arg17[%get3A_3950] {strides = array<i32>} : memref<512xi32, #tpu.memory_space<vmem>>, vector<16xi32>,
    %gather3A_3952 = tpu.vector_load_idx %arg24[%get3A_3951] : memref<128xf32, #tpu.memory_space<vmem>>[vector<16xi32>], vector<16xf32>,
    %add3A_3953 = arith.addf %add3A_3949, %gather3A_3952 : vector<16xf32>
    %get3A_3954 = arith.constant 496 : index
    %get3A_3955 = tpu.vector_load %arg18[%get3A_3954] {strides = array<i32>} : memref<512xi32, #tpu.memory_space<vmem>>, vector<16xi32>,
    %gather3A_3956 = tpu.vector_load_idx %arg25[%get3A_3955] : memref<16xf32, #tpu.memory_space<vmem>>[vector<16xi32>], vector<16xf32>,
    %add3A_3957 = arith.addf %add3A_3953, %gather3A_3956 : vector<16xf32>
    %mul3A_3958 = arith.constant 20 : i32
    %mul3A_3959 = vector.broadcast %mul3A_3958 : i32 to vector<16xi32>
    %mul3A_3960 = arith.muli %iota3A, %mul3A_3959 : vector<16xi32>
    %add3A_3961 = arith.constant 9920 : i32
    %add3A_3962 = vector.broadcast %add3A_3961 : i32 to vector<16xi32>
    %add3A_3963 = arith.addi %mul3A_3960, %add3A_3962 : vector<16xi32>
    %add3A_3964 = arith.constant 0 : i32
    %add3A_3965 = vector.broadcast %add3A_3964 : i32 to vector<16xi32>
    %add3A_3966 = arith.addi %add3A_3963, %add3A_3965 : vector<16xi32>
    %gather3A_3967 = tpu.vector_load_idx %arg21[%add3A_3966] : memref<10240xf32, #tpu.memory_space<vmem>>[vector<16xi32>], vector<16xf32>,
    %add3A_3968 = arith.addf %add3A_3957, %gather3A_3967 : vector<16xf32>
    %add3A_3969 = arith.constant 1 : i32
    %add3A_3970 = vector.broadcast %add3A_3969 : i32 to vector<16xi32>
    %add3A_3971 = arith.addi %add3A_3963, %add3A_3970 : vector<16xi32>
    %gather3A_3972 = tpu.vector_load_idx %arg21[%add3A_3971] : memref<10240xf32, #tpu.memory_space<vmem>>[vector<16xi32>], vector<16xf32>,
    %add3A_3973 = arith.addf %add3A_3968, %gather3A_3972 : vector<16xf32>
    %add3A_3974 = arith.constant 2 : i32
    %add3A_3975 = vector.broadcast %add3A_3974 : i32 to vector<16xi32>
    %add3A_3976 = arith.addi %add3A_3963, %add3A_3975 : vector<16xi32>
    %gather3A_3977 = tpu.vector_load_idx %arg21[%add3A_3976] : memref<10240xf32, #tpu.memory_space<vmem>>[vector<16xi32>], vector<16xf32>,
    %add3A_3978 = arith.addf %add3A_3973, %gather3A_3977 : vector<16xf32>
    %add3A_3979 = arith.constant 3 : i32
    %add3A_3980 = vector.broadcast %add3A_3979 : i32 to vector<16xi32>
    %add3A_3981 = arith.addi %add3A_3963, %add3A_3980 : vector<16xi32>
    %gather3A_3982 = tpu.vector_load_idx %arg21[%add3A_3981] : memref<10240xf32, #tpu.memory_space<vmem>>[vector<16xi32>], vector<16xf32>,
    %add3A_3983 = arith.addf %add3A_3978, %gather3A_3982 : vector<16xf32>
    %add3A_3984 = arith.constant 4 : i32
    %add3A_3985 = vector.broadcast %add3A_3984 : i32 to vector<16xi32>
    %add3A_3986 = arith.addi %add3A_3963, %add3A_3985 : vector<16xi32>
    %gather3A_3987 = tpu.vector_load_idx %arg21[%add3A_3986] : memref<10240xf32, #tpu.memory_space<vmem>>[vector<16xi32>], vector<16xf32>,
    %add3A_3988 = arith.addf %add3A_3983, %gather3A_3987 : vector<16xf32>
    %add3A_3989 = arith.constant 5 : i32
    %add3A_3990 = vector.broadcast %add3A_3989 : i32 to vector<16xi32>
    %add3A_3991 = arith.addi %add3A_3963, %add3A_3990 : vector<16xi32>
    %gather3A_3992 = tpu.vector_load_idx %arg21[%add3A_3991] : memref<10240xf32, #tpu.memory_space<vmem>>[vector<16xi32>], vector<16xf32>,
    %add3A_3993 = arith.addf %add3A_3988, %gather3A_3992 : vector<16xf32>
    %add3A_3994 = arith.constant 6 : i32
    %add3A_3995 = vector.broadcast %add3A_3994 : i32 to vector<16xi32>
    %add3A_3996 = arith.addi %add3A_3963, %add3A_3995 : vector<16xi32>
    %gather3A_3997 = tpu.vector_load_idx %arg21[%add3A_3996] : memref<10240xf32, #tpu.memory_space<vmem>>[vector<16xi32>], vector<16xf32>,
    %add3A_3998 = arith.addf %add3A_3993, %gather3A_3997 : vector<16xf32>
    %add3A_3999 = arith.constant 7 : i32
    %add3A_4000 = vector.broadcast %add3A_3999 : i32 to vector<16xi32>
    %add3A_4001 = arith.addi %add3A_3963, %add3A_4000 : vector<16xi32>
    %gather3A_4002 = tpu.vector_load_idx %arg21[%add3A_4001] : memref<10240xf32, #tpu.memory_space<vmem>>[vector<16xi32>], vector<16xf32>,
    %add3A_4003 = arith.addf %add3A_3998, %gather3A_4002 : vector<16xf32>
    %add3A_4004 = arith.constant 8 : i32
    %add3A_4005 = vector.broadcast %add3A_4004 : i32 to vector<16xi32>
    %add3A_4006 = arith.addi %add3A_3963, %add3A_4005 : vector<16xi32>
    %gather3A_4007 = tpu.vector_load_idx %arg21[%add3A_4006] : memref<10240xf32, #tpu.memory_space<vmem>>[vector<16xi32>], vector<16xf32>,
    %add3A_4008 = arith.addf %add3A_4003, %gather3A_4007 : vector<16xf32>
    %add3A_4009 = arith.constant 9 : i32
    %add3A_4010 = vector.broadcast %add3A_4009 : i32 to vector<16xi32>
    %add3A_4011 = arith.addi %add3A_3963, %add3A_4010 : vector<16xi32>
    %gather3A_4012 = tpu.vector_load_idx %arg21[%add3A_4011] : memref<10240xf32, #tpu.memory_space<vmem>>[vector<16xi32>], vector<16xf32>,
    %add3A_4013 = arith.addf %add3A_4008, %gather3A_4012 : vector<16xf32>
    %add3A_4014 = arith.constant 10 : i32
    %add3A_4015 = vector.broadcast %add3A_4014 : i32 to vector<16xi32>
    %add3A_4016 = arith.addi %add3A_3963, %add3A_4015 : vector<16xi32>
    %gather3A_4017 = tpu.vector_load_idx %arg21[%add3A_4016] : memref<10240xf32, #tpu.memory_space<vmem>>[vector<16xi32>], vector<16xf32>,
    %add3A_4018 = arith.addf %add3A_4013, %gather3A_4017 : vector<16xf32>
    %add3A_4019 = arith.constant 11 : i32
    %add3A_4020 = vector.broadcast %add3A_4019 : i32 to vector<16xi32>
    %add3A_4021 = arith.addi %add3A_3963, %add3A_4020 : vector<16xi32>
    %gather3A_4022 = tpu.vector_load_idx %arg21[%add3A_4021] : memref<10240xf32, #tpu.memory_space<vmem>>[vector<16xi32>], vector<16xf32>,
    %add3A_4023 = arith.addf %add3A_4018, %gather3A_4022 : vector<16xf32>
    %add3A_4024 = arith.constant 12 : i32
    %add3A_4025 = vector.broadcast %add3A_4024 : i32 to vector<16xi32>
    %add3A_4026 = arith.addi %add3A_3963, %add3A_4025 : vector<16xi32>
    %gather3A_4027 = tpu.vector_load_idx %arg21[%add3A_4026] : memref<10240xf32, #tpu.memory_space<vmem>>[vector<16xi32>], vector<16xf32>,
    %add3A_4028 = arith.addf %add3A_4023, %gather3A_4027 : vector<16xf32>
    %add3A_4029 = arith.constant 13 : i32
    %add3A_4030 = vector.broadcast %add3A_4029 : i32 to vector<16xi32>
    %add3A_4031 = arith.addi %add3A_3963, %add3A_4030 : vector<16xi32>
    %gather3A_4032 = tpu.vector_load_idx %arg21[%add3A_4031] : memref<10240xf32, #tpu.memory_space<vmem>>[vector<16xi32>], vector<16xf32>,
    %add3A_4033 = arith.addf %add3A_4028, %gather3A_4032 : vector<16xf32>
    %add3A_4034 = arith.constant 14 : i32
    %add3A_4035 = vector.broadcast %add3A_4034 : i32 to vector<16xi32>
    %add3A_4036 = arith.addi %add3A_3963, %add3A_4035 : vector<16xi32>
    %gather3A_4037 = tpu.vector_load_idx %arg21[%add3A_4036] : memref<10240xf32, #tpu.memory_space<vmem>>[vector<16xi32>], vector<16xf32>,
    %add3A_4038 = arith.addf %add3A_4033, %gather3A_4037 : vector<16xf32>
    %add3A_4039 = arith.constant 15 : i32
    %add3A_4040 = vector.broadcast %add3A_4039 : i32 to vector<16xi32>
    %add3A_4041 = arith.addi %add3A_3963, %add3A_4040 : vector<16xi32>
    %gather3A_4042 = tpu.vector_load_idx %arg21[%add3A_4041] : memref<10240xf32, #tpu.memory_space<vmem>>[vector<16xi32>], vector<16xf32>,
    %add3A_4043 = arith.addf %add3A_4038, %gather3A_4042 : vector<16xf32>
    %add3A_4044 = arith.constant 16 : i32
    %add3A_4045 = vector.broadcast %add3A_4044 : i32 to vector<16xi32>
    %add3A_4046 = arith.addi %add3A_3963, %add3A_4045 : vector<16xi32>
    %gather3A_4047 = tpu.vector_load_idx %arg21[%add3A_4046] : memref<10240xf32, #tpu.memory_space<vmem>>[vector<16xi32>], vector<16xf32>,
    %add3A_4048 = arith.addf %add3A_4043, %gather3A_4047 : vector<16xf32>
    %add3A_4049 = arith.constant 17 : i32
    %add3A_4050 = vector.broadcast %add3A_4049 : i32 to vector<16xi32>
    %add3A_4051 = arith.addi %add3A_3963, %add3A_4050 : vector<16xi32>
    %gather3A_4052 = tpu.vector_load_idx %arg21[%add3A_4051] : memref<10240xf32, #tpu.memory_space<vmem>>[vector<16xi32>], vector<16xf32>,
    %add3A_4053 = arith.addf %add3A_4048, %gather3A_4052 : vector<16xf32>
    %add3A_4054 = arith.constant 18 : i32
    %add3A_4055 = vector.broadcast %add3A_4054 : i32 to vector<16xi32>
    %add3A_4056 = arith.addi %add3A_3963, %add3A_4055 : vector<16xi32>
    %gather3A_4057 = tpu.vector_load_idx %arg21[%add3A_4056] : memref<10240xf32, #tpu.memory_space<vmem>>[vector<16xi32>], vector<16xf32>,
    %add3A_4058 = arith.addf %add3A_4053, %gather3A_4057 : vector<16xf32>
    %add3A_4059 = arith.constant 19 : i32
    %add3A_4060 = vector.broadcast %add3A_4059 : i32 to vector<16xi32>
    %add3A_4061 = arith.addi %add3A_3963, %add3A_4060 : vector<16xi32>
    %gather3A_4062 = tpu.vector_load_idx %arg21[%add3A_4061] : memref<10240xf32, #tpu.memory_space<vmem>>[vector<16xi32>], vector<16xf32>,
    %add3A_4063 = arith.addf %add3A_4058, %gather3A_4062 : vector<16xf32>
    %swap3A_4064 = arith.constant 496 : index
    %swap3A_4065 = tpu.vector_load %arg27[%swap3A_4064] {strides = array<i32>} : memref<512xf32, #tpu.memory_space<vmem>>, vector<16xf32>,
    tpu.vector_store %arg27[%swap3A_4064], %add3A_4063 {strides = array<i32>} : memref<512xf32, #tpu.memory_space<vmem>>, vector<16xf32>,
    "tpu.region"() ({
      %run_scoped3A = tpu.sem_alloc : memref<!tpu.dma_semaphore, #tpu.memory_space<semaphore_mem>>
      %dma_start3A_4066 = tpu.memref_slice %arg14[%mul3A_2] : memref<16384xf32, #tpu.memory_space<hbm>> -> memref<512xf32, #tpu.memory_space<hbm>>
      %dma_start3A_4067 = tpu.memref_slice %arg14[%mul3A_2] : memref<16384xf32, #tpu.memory_space<hbm>> -> memref<512xf32, #tpu.memory_space<hbm>>
      tpu.enqueue_dma source(%arg27 : memref<512xf32, #tpu.memory_space<vmem>>) target(%dma_start3A_4067 : memref<512xf32, #tpu.memory_space<hbm>>) target_semaphore(%run_scoped3A : memref<!tpu.dma_semaphore, #tpu.memory_space<semaphore_mem>>)
      %dma_wait3A_4068 = tpu.memref_slice %arg14[%mul3A_2] : memref<16384xf32, #tpu.memory_space<hbm>> -> memref<512xf32, #tpu.memory_space<hbm>>
      %dma_wait3A_4069 = tpu.memref_slice %arg14[%mul3A_2] : memref<16384xf32, #tpu.memory_space<hbm>> -> memref<512xf32, #tpu.memory_space<hbm>>
      tpu.wait_dma2 semaphore(%run_scoped3A : memref<!tpu.dma_semaphore, #tpu.memory_space<semaphore_mem>>) src(%arg27 : memref<512xf32, #tpu.memory_space<vmem>>) dst(%dma_wait3A_4069 : memref<512xf32, #tpu.memory_space<hbm>>)
      tpu.yield
    }) : () -> ()
    return
  }
}

module attributes {stable_mosaic.version = 14 : i64} {
  func.func @_proj_body(%arg0: i32, %arg1: memref<8192x64xf32, #tpu.memory_space<vmem>>, %arg2: memref<8192x64xf32, #tpu.memory_space<vmem>>, %arg3: memref<8192x64xf32, #tpu.memory_space<vmem>>, %arg4: memref<100x16xf32, #tpu.memory_space<vmem>>, %arg5: memref<2x16xf32, #tpu.memory_space<vmem>>, %arg6: memref<64x1xf32, #tpu.memory_space<vmem>>, %arg7: memref<64x1xf32, #tpu.memory_space<vmem>>, %arg8: memref<64x1xf32, #tpu.memory_space<vmem>>, %arg9: memref<16x1xf32, #tpu.memory_space<vmem>>, %arg10: memref<16x1xf32, #tpu.memory_space<vmem>>, %arg11: memref<8192xf32, #tpu.memory_space<vmem>>, %arg12: memref<8192xf32, #tpu.memory_space<vmem>>, %arg13: memref<8192xf32, #tpu.memory_space<vmem>>, %arg14: memref<1x100xf32, #tpu.memory_space<vmem>>, %arg15: memref<1x2xf32, #tpu.memory_space<vmem>>) attributes {dimension_semantics = [#tpu.dimension_semantics<arbitrary>], iteration_bounds = array<i64: 13>, scalar_prefetch = 0 : i64, scratch_operands = 0 : i64, tpu.core_type = #tpu.core_type<tc>, window_params = [{transform_indices = @transform_0, window_bounds = array<i64: 8192, 64>}, {transform_indices = @transform_1, window_bounds = array<i64: 8192, 64>}, {transform_indices = @transform_2, window_bounds = array<i64: 8192, 64>}, {pipeline_mode = #tpu.pipeline_mode<synchronous>, transform_indices = @transform_3, window_bounds = array<i64: 100, 16>}, {pipeline_mode = #tpu.pipeline_mode<synchronous>, transform_indices = @transform_4, window_bounds = array<i64: 2, 16>}, {pipeline_mode = #tpu.pipeline_mode<synchronous>, transform_indices = @transform_5, window_bounds = array<i64: 64, 1>}, {pipeline_mode = #tpu.pipeline_mode<synchronous>, transform_indices = @transform_6, window_bounds = array<i64: 64, 1>}, {pipeline_mode = #tpu.pipeline_mode<synchronous>, transform_indices = @transform_7, window_bounds = array<i64: 64, 1>}, {pipeline_mode = #tpu.pipeline_mode<synchronous>, transform_indices = @transform_8, window_bounds = array<i64: 16, 1>}, {pipeline_mode = #tpu.pipeline_mode<synchronous>, transform_indices = @transform_9, window_bounds = array<i64: 16, 1>}, {transform_indices = @transform_10, window_bounds = array<i64: 8192>}, {transform_indices = @transform_11, window_bounds = array<i64: 8192>}, {transform_indices = @transform_12, window_bounds = array<i64: 8192>}, {pipeline_mode = #tpu.pipeline_mode<synchronous>, transform_indices = @transform_13, window_bounds = array<i64: 1, 100>}, {pipeline_mode = #tpu.pipeline_mode<synchronous>, transform_indices = @transform_14, window_bounds = array<i64: 1, 2>}]} {
    %get3A = arith.constant 0 : index
    %get3A_0 = arith.constant 0 : index
    %get3A_1 = vector.load %arg6[%get3A, %get3A_0] : memref<64x1xf32, #tpu.memory_space<vmem>>, vector<64x1xf32>
    %convert_element_type3A = arith.truncf %get3A_1 : vector<64x1xf32> to vector<64x1xbf16>
    %get3A_2 = arith.constant 0 : index
    %get3A_3 = arith.constant 0 : index
    %get3A_4 = vector.load %arg1[%get3A_2, %get3A_3] : memref<8192x64xf32, #tpu.memory_space<vmem>>, vector<8192x64xf32>
    %convert_element_type3A_5 = arith.truncf %get3A_4 : vector<8192x64xf32> to vector<8192x64xbf16>
    %dot_general3A = arith.constant dense<0.000000e+00> : vector<1x8192xf32>
    %dot_general3A_6 = tpu.matmul %convert_element_type3A, %convert_element_type3A_5, %dot_general3A {dimension_numbers = #tpu.dot_dimension_numbers<[0], [1], [1], [0], [0, 1, 1, 0], [], []>, transpose_lhs_hint = false} : vector<64x1xbf16>, vector<8192x64xbf16>, vector<1x8192xf32> -> vector<1x8192xf32>
    %squeeze3A = vector.shape_cast %dot_general3A_6 : vector<1x8192xf32> to vector<8192xf32>
    %swap3A = arith.constant 0 : index
    %swap3A_7 = vector.load %arg11[%swap3A] : memref<8192xf32, #tpu.memory_space<vmem>>, vector<8192xf32>
    tpu.vector_store %arg11[%swap3A], %squeeze3A {strides = array<i32>} : memref<8192xf32, #tpu.memory_space<vmem>>, vector<8192xf32>,
    %get3A_8 = arith.constant 0 : index
    %get3A_9 = arith.constant 0 : index
    %get3A_10 = vector.load %arg7[%get3A_8, %get3A_9] : memref<64x1xf32, #tpu.memory_space<vmem>>, vector<64x1xf32>
    %convert_element_type3A_11 = arith.truncf %get3A_10 : vector<64x1xf32> to vector<64x1xbf16>
    %get3A_12 = arith.constant 0 : index
    %get3A_13 = arith.constant 0 : index
    %get3A_14 = vector.load %arg2[%get3A_12, %get3A_13] : memref<8192x64xf32, #tpu.memory_space<vmem>>, vector<8192x64xf32>
    %convert_element_type3A_15 = arith.truncf %get3A_14 : vector<8192x64xf32> to vector<8192x64xbf16>
    %dot_general3A_16 = arith.constant dense<0.000000e+00> : vector<1x8192xf32>
    %dot_general3A_17 = tpu.matmul %convert_element_type3A_11, %convert_element_type3A_15, %dot_general3A_16 {dimension_numbers = #tpu.dot_dimension_numbers<[0], [1], [1], [0], [0, 1, 1, 0], [], []>, transpose_lhs_hint = false} : vector<64x1xbf16>, vector<8192x64xbf16>, vector<1x8192xf32> -> vector<1x8192xf32>
    %squeeze3A_18 = vector.shape_cast %dot_general3A_17 : vector<1x8192xf32> to vector<8192xf32>
    %swap3A_19 = arith.constant 0 : index
    %swap3A_20 = vector.load %arg12[%swap3A_19] : memref<8192xf32, #tpu.memory_space<vmem>>, vector<8192xf32>
    tpu.vector_store %arg12[%swap3A_19], %squeeze3A_18 {strides = array<i32>} : memref<8192xf32, #tpu.memory_space<vmem>>, vector<8192xf32>,
    %get3A_21 = arith.constant 0 : index
    %get3A_22 = arith.constant 0 : index
    %get3A_23 = vector.load %arg8[%get3A_21, %get3A_22] : memref<64x1xf32, #tpu.memory_space<vmem>>, vector<64x1xf32>
    %convert_element_type3A_24 = arith.truncf %get3A_23 : vector<64x1xf32> to vector<64x1xbf16>
    %get3A_25 = arith.constant 0 : index
    %get3A_26 = arith.constant 0 : index
    %get3A_27 = vector.load %arg3[%get3A_25, %get3A_26] : memref<8192x64xf32, #tpu.memory_space<vmem>>, vector<8192x64xf32>
    %convert_element_type3A_28 = arith.truncf %get3A_27 : vector<8192x64xf32> to vector<8192x64xbf16>
    %dot_general3A_29 = arith.constant dense<0.000000e+00> : vector<1x8192xf32>
    %dot_general3A_30 = tpu.matmul %convert_element_type3A_24, %convert_element_type3A_28, %dot_general3A_29 {dimension_numbers = #tpu.dot_dimension_numbers<[0], [1], [1], [0], [0, 1, 1, 0], [], []>, transpose_lhs_hint = false} : vector<64x1xbf16>, vector<8192x64xbf16>, vector<1x8192xf32> -> vector<1x8192xf32>
    %squeeze3A_31 = vector.shape_cast %dot_general3A_30 : vector<1x8192xf32> to vector<8192xf32>
    %swap3A_32 = arith.constant 0 : index
    %swap3A_33 = vector.load %arg13[%swap3A_32] : memref<8192xf32, #tpu.memory_space<vmem>>, vector<8192xf32>
    tpu.vector_store %arg13[%swap3A_32], %squeeze3A_31 {strides = array<i32>} : memref<8192xf32, #tpu.memory_space<vmem>>, vector<8192xf32>,
    %eq3A = arith.constant 0 : i32
    %eq3A_34 = arith.cmpi eq, %arg0, %eq3A : i32
    %convert_element_type3A_35 = arith.extui %eq3A_34 : i1 to i32
    %cond3A = arith.constant 0 : i32
    %cond3A_36 = arith.cmpi ne, %convert_element_type3A_35, %cond3A : i32
    scf.if %cond3A_36 {
      %get3A_37 = arith.constant 0 : index
      %get3A_38 = arith.constant 0 : index
      %get3A_39 = vector.load %arg9[%get3A_37, %get3A_38] : memref<16x1xf32, #tpu.memory_space<vmem>>, vector<16x1xf32>
      %get3A_40 = arith.constant 0 : index
      %get3A_41 = arith.constant 0 : index
      %get3A_42 = vector.load %arg4[%get3A_40, %get3A_41] : memref<100x16xf32, #tpu.memory_space<vmem>>, vector<100x16xf32>
      %dot_general3A_43 = arith.constant dense<0.000000e+00> : vector<1x100xf32>
      %dot_general3A_44 = tpu.matmul %get3A_39, %get3A_42, %dot_general3A_43 {dimension_numbers = #tpu.dot_dimension_numbers<[0], [1], [1], [0], [0, 1, 1, 0], [], []>, transpose_lhs_hint = false} : vector<16x1xf32>, vector<100x16xf32>, vector<1x100xf32> -> vector<1x100xf32>
      %swap3A_45 = arith.constant 0 : index
      %swap3A_46 = arith.constant 0 : index
      %swap3A_47 = vector.load %arg14[%swap3A_45, %swap3A_46] : memref<1x100xf32, #tpu.memory_space<vmem>>, vector<1x100xf32>
      tpu.vector_store %arg14[%swap3A_45, %swap3A_46], %dot_general3A_44 {strides = array<i32>} : memref<1x100xf32, #tpu.memory_space<vmem>>, vector<1x100xf32>,
      %get3A_48 = arith.constant 0 : index
      %get3A_49 = arith.constant 0 : index
      %get3A_50 = vector.load %arg10[%get3A_48, %get3A_49] : memref<16x1xf32, #tpu.memory_space<vmem>>, vector<16x1xf32>
      %get3A_51 = arith.constant 0 : index
      %get3A_52 = arith.constant 0 : index
      %get3A_53 = vector.load %arg5[%get3A_51, %get3A_52] : memref<2x16xf32, #tpu.memory_space<vmem>>, vector<2x16xf32>
      %dot_general3A_54 = arith.constant dense<0.000000e+00> : vector<1x2xf32>
      %dot_general3A_55 = tpu.matmul %get3A_50, %get3A_53, %dot_general3A_54 {dimension_numbers = #tpu.dot_dimension_numbers<[0], [1], [1], [0], [0, 1, 1, 0], [], []>, transpose_lhs_hint = false} : vector<16x1xf32>, vector<2x16xf32>, vector<1x2xf32> -> vector<1x2xf32>
      %swap3A_56 = arith.constant 0 : index
      %swap3A_57 = arith.constant 0 : index
      %swap3A_58 = vector.load %arg15[%swap3A_56, %swap3A_57] : memref<1x2xf32, #tpu.memory_space<vmem>>, vector<1x2xf32>
      tpu.vector_store %arg15[%swap3A_56, %swap3A_57], %dot_general3A_55 {strides = array<i32>} : memref<1x2xf32, #tpu.memory_space<vmem>>, vector<1x2xf32>,
    } else {
    }
    return
  }
  func.func @transform_0(%arg0: i32) -> (i32, i32) {
    %c0_i32 = arith.constant 0 : i32
    %c0_i32_0 = arith.constant 0 : i32
    return %arg0, %c0_i32 : i32, i32
  }
  func.func @transform_1(%arg0: i32) -> (i32, i32) {
    %c0_i32 = arith.constant 0 : i32
    %c0_i32_0 = arith.constant 0 : i32
    return %arg0, %c0_i32 : i32, i32
  }
  func.func @transform_2(%arg0: i32) -> (i32, i32) {
    %c0_i32 = arith.constant 0 : i32
    %c0_i32_0 = arith.constant 0 : i32
    return %arg0, %c0_i32 : i32, i32
  }
  func.func @transform_3(%arg0: i32) -> (i32, i32) {
    %c0_i32 = arith.constant 0 : i32
    %c0_i32_0 = arith.constant 0 : i32
    %c0_i32_1 = arith.constant 0 : i32
    return %c0_i32, %c0_i32_0 : i32, i32
  }
  func.func @transform_4(%arg0: i32) -> (i32, i32) {
    %c0_i32 = arith.constant 0 : i32
    %c0_i32_0 = arith.constant 0 : i32
    %c0_i32_1 = arith.constant 0 : i32
    return %c0_i32, %c0_i32_0 : i32, i32
  }
  func.func @transform_5(%arg0: i32) -> (i32, i32) {
    %c0_i32 = arith.constant 0 : i32
    %c0_i32_0 = arith.constant 0 : i32
    %c0_i32_1 = arith.constant 0 : i32
    return %c0_i32, %c0_i32_0 : i32, i32
  }
  func.func @transform_6(%arg0: i32) -> (i32, i32) {
    %c0_i32 = arith.constant 0 : i32
    %c0_i32_0 = arith.constant 0 : i32
    %c0_i32_1 = arith.constant 0 : i32
    return %c0_i32, %c0_i32_0 : i32, i32
  }
  func.func @transform_7(%arg0: i32) -> (i32, i32) {
    %c0_i32 = arith.constant 0 : i32
    %c0_i32_0 = arith.constant 0 : i32
    %c0_i32_1 = arith.constant 0 : i32
    return %c0_i32, %c0_i32_0 : i32, i32
  }
  func.func @transform_8(%arg0: i32) -> (i32, i32) {
    %c0_i32 = arith.constant 0 : i32
    %c0_i32_0 = arith.constant 0 : i32
    %c0_i32_1 = arith.constant 0 : i32
    return %c0_i32, %c0_i32_0 : i32, i32
  }
  func.func @transform_9(%arg0: i32) -> (i32, i32) {
    %c0_i32 = arith.constant 0 : i32
    %c0_i32_0 = arith.constant 0 : i32
    %c0_i32_1 = arith.constant 0 : i32
    return %c0_i32, %c0_i32_0 : i32, i32
  }
  func.func @transform_10(%arg0: i32) -> i32 {
    %c0_i32 = arith.constant 0 : i32
    return %arg0 : i32
  }
  func.func @transform_11(%arg0: i32) -> i32 {
    %c0_i32 = arith.constant 0 : i32
    return %arg0 : i32
  }
  func.func @transform_12(%arg0: i32) -> i32 {
    %c0_i32 = arith.constant 0 : i32
    return %arg0 : i32
  }
  func.func @transform_13(%arg0: i32) -> (i32, i32) {
    %c0_i32 = arith.constant 0 : i32
    %c0_i32_0 = arith.constant 0 : i32
    %c0_i32_1 = arith.constant 0 : i32
    return %c0_i32, %c0_i32_0 : i32, i32
  }
  func.func @transform_14(%arg0: i32) -> (i32, i32) {
    %c0_i32 = arith.constant 0 : i32
    %c0_i32_0 = arith.constant 0 : i32
    %c0_i32_1 = arith.constant 0 : i32
    return %c0_i32, %c0_i32_0 : i32, i32
  }
}

</mosaic_0001>

<sc_bundles>
// kernel: kernel.4.cloned.1.call-start
scs
__scs_entry_jumppad:
0x0: {  	(pc) =	sbr.rel $0x88, $3  }
0x1: {  	(tag) =	ssettag $0x0;
	lr =	simm.s32 $0x1  }
0x2: {  	[smem:$0x3F94] =	sst lr;
	_ =	strace $0xD0000000  }
0x3: {  	_ = 	snop  }
0x4: {  	_ = 	snop  }
0x5: {  	_ = 	snop  }
0x6: {  	_ = 	snop  }
0x7: {  	_ = 	snop  }
__scs_overlays_trampoline_lowered:
0x8: {  	[smem:$0x3FA3] =	sst s0  }
0x9: {  	[smem:$0x3FA4] =	sst s1  }
0xa: {  	[smem:$0x3FA5] =	sst s2  }
0xb: {  	[smem:$0x3FA6] =	sst s3  }
0xc: {  	[smem:$0x3FA7] =	sst s4  }
0xd: {  	[smem:$0x3FA8] =	sst s5  }
0xe: {  	[smem:$0x3FA9] =	sst s6  }
0xf: {  	[smem:$0x3FAA] =	sst s7  }
0x10: {  	[smem:$0x3FAB] =	sst s8  }
0x11: {  	[smem:$0x3FAC] =	sst s9;
	s0 =	simm.s32 @!p0 $0x0  }
0x12: {  	s1 =	sld [smem:$0x3F92];
	s0 =	simm.s32 @p0 $0x1  }
0x13: {  	[smem:$0x3FAD] =	sst s0;
	s0 =	simm.s32 @!p1 $0x0  }
0x14: {  	s2 =	sld [smem:$0x3F91];
	s0 =	simm.s32 @p1 $0x1  }
0x15: {  	[smem:$0x3FAE] =	sst s0;
	s0 =	simm.s32 @!p2 $0x0  }
0x16: {  	s3 =	sld [smem:$0x3FDB];
	s0 =	simm.s32 @p2 $0x1  }
0x17: {  	s4 =	simm.s32 $0x1BF5;
	[smem:$0x3FB0] =	sst s0  }
0x18: {  	s0 =	sld [smem:$0x3F93];
	_ =	swait.ge [sflag:s4], $0x0  }
0x19: {  	s7 =	sld [smem:$0x3F94]  }
0x1a: {  	s8 =	sadd.s32 $0xFFFFE003, lr  }
0x1b: {  	s9 =	sadd.s32 $0xFFFFFEF7, lr;
	s5 =	simm.s32 $0xFFFFFFFF;
	p2 =	slt.u32 s8, $0xFFFFF086  }
0x1c: {  	p1 =	slt.u32 s9, $0xF7A;
	s5 =	simm.s32 @!p2 $0x0  }
0x1d: {  	s5 =	simm.s32 @p1 $0x1;
	p0 =	seq.s32 s7, s2  }
0x1e: {  	s7 =	smul.u32 @!p0 $0xF7A, s2;
	p2 =	seq.s32 @!p0 s5, $0x0  }
0x1f: {  	s9 =	smul.u32 $0xF7A, s1;
	s8 =	simm.s32 @!p0 $0x1BF5;
	p2 =	por !p2, p0  }
0x20: {  	[sflag:s8] =	ssyncset.s32 @!p0 $0xFFFFF086;
	s6 =	sadd.s32 @!p0 s3, s7;
	s7 =	simm.s32 @!p0 $0x108  }
0x21: {  	s3 =	sadd.s32 s3, s9;
	s6 =	sadd.s32 @!p0 $0x88, s6;
	s7 =	simm.s32 @p2 $0x1082  }
0x22: {  	[simem:s7], [sflag:s8] =	dma.local @!p0 [hbm:s6], $0xF7A  }
0x23: {  	s9 =	sor.u32 $0xD0000000, s2;
	s6 =	simm.s32 $0x108;
	_ =	swait.ge @!p0 [sflag:s8], $0x0  }
0x24: {  	s3 =	sadd.s32 $0x88, s3;
	s6 =	simm.s32 @!p1 $0x1082;
	[sflag:s4] =	ssyncset.s32 $0xFFFFF086  }
0x25: {  	[simem:s6], [sflag:s4] =	dma.local [hbm:s3], $0xF7A  }
0x26: {  	[smem:$0x3F94] =	sst s1;
	(tag) =	ssettag s2;
	_ =	strace s9  }
0x27: {  	s1 =	sld [smem:$0x3FA4]  }
0x28: {  	s2 =	sld [smem:$0x3FA5]  }
0x29: {  	s4 =	sld [smem:$0x3FA7]  }
0x2a: {  	p0 =	seq.s32 s5, $0x0;
	s5 =	sld [smem:$0x3FA8]  }
0x2b: {  	s6 =	sld [smem:$0x3FA9]  }
0x2c: {  	s7 =	sld [smem:$0x3FAA]  }
0x2d: {  	s3 =	simm.s32 $0x108;
	s8 =	sld [smem:$0x3FAB]  }
0x2e: {  	s3 =	simm.s32 @!p0 $0x1082;
	s9 =	sld [smem:$0x3FAC]  }
0x2f: {  	lr =	sadd.s32 s0, s3;
	s0 =	sld [smem:$0x3FA3]  }
0x30: {  	s3 =	sld [smem:$0x3FA6]  }
0x31: {  	[smem:$0x3FAF] =	sst s10  }
0x32: {  	s10 =	sld [smem:$0x3FAD];
	_ =	sdelay $0x3  }
0x33: {  	p0 =	seq.s32 s10, $0x1;
	s10 =	sld [smem:$0x3FAF];
	_ =	sdelay $0x3  }
0x34: {  	[smem:$0x3FAF] =	sst s10  }
0x35: {  	s10 =	sld [smem:$0x3FAE];
	_ =	sdelay $0x3  }
0x36: {  	p1 =	seq.s32 s10, $0x1;
	s10 =	sld [smem:$0x3FAF];
	_ =	sdelay $0x3  }
0x37: {  	[smem:$0x3FAF] =	sst s10  }
0x38: {  	s10 =	sld [smem:$0x3FB0]  }
0x39: {  	_ = 	snop;
	(pc) =	sbr.ind lr, $3  }
0x3a: {  	_ = 	snop  }
0x3b: {  	_ = 	snop  }
0x3c: {  	p2 =	seq.s32 s10, $0x1;
	s10 =	sld [smem:$0x3FAF]  }
0x3d: {  	_ =	shalt  }
0x3e: {  	_ =	shalt  }
0x3f: {  	_ =	shalt  }
0x40: {  	_ =	shalt  }
0x41: {  	_ =	shalt  }
0x42: {  	_ =	shalt  }
0x43: {  	_ =	shalt  }
0x44: {  	_ =	shalt  }
0x45: {  	_ =	shalt  }
0x46: {  	_ =	shalt  }
0x47: {  	_ =	shalt  }
0x48: {  	_ =	shalt  }
0x49: {  	_ =	shalt  }
0x4a: {  	_ =	shalt  }
0x4b: {  	_ =	shalt  }
0x4c: {  	_ =	shalt  }
0x4d: {  	_ =	shalt  }
0x4e: {  	_ =	shalt  }
0x4f: {  	_ =	shalt  }
0x50: {  	_ =	shalt  }
0x51: {  	_ =	shalt  }
0x52: {  	_ =	shalt  }
0x53: {  	_ =	shalt  }
0x54: {  	_ =	shalt  }
0x55: {  	_ =	shalt  }
0x56: {  	_ =	shalt  }
0x57: {  	_ =	shalt  }
0x58: {  	_ =	shalt  }
0x59: {  	_ =	shalt  }
0x5a: {  	_ =	shalt  }
0x5b: {  	_ =	shalt  }
0x5c: {  	_ =	shalt  }
0x5d: {  	_ =	shalt  }
0x5e: {  	_ =	shalt  }
0x5f: {  	_ =	shalt  }
0x60: {  	_ =	shalt  }
0x61: {  	_ =	shalt  }
0x62: {  	_ =	shalt  }
0x63: {  	_ =	shalt  }
0x64: {  	_ =	shalt  }
0x65: {  	_ =	shalt  }
0x66: {  	_ =	shalt  }
0x67: {  	_ =	shalt  }
0x68: {  	_ =	shalt  }
0x69: {  	_ =	shalt  }
0x6a: {  	_ =	shalt  }
0x6b: {  	_ =	shalt  }
0x6c: {  	_ =	shalt  }
0x6d: {  	_ =	shalt  }
0x6e: {  	_ =	shalt  }
0x6f: {  	_ =	shalt  }
0x70: {  	_ =	shalt  }
0x71: {  	_ =	shalt  }
0x72: {  	_ =	shalt  }
0x73: {  	_ =	shalt  }
0x74: {  	_ =	shalt  }
0x75: {  	_ =	shalt  }
0x76: {  	_ =	shalt  }
0x77: {  	_ =	shalt  }
0x78: {  	_ =	shalt  }
0x79: {  	_ =	shalt  }
0x7a: {  	_ =	shalt  }
0x7b: {  	_ =	shalt  }
0x7c: {  	_ =	shalt  }
0x7d: {  	_ =	shalt  }
0x7e: {  	_ =	shalt  }
0x7f: {  	_ =	shalt  }
0x80: {  	_ =	shalt  }
0x81: {  	_ =	shalt  }
0x82: {  	_ =	shalt  }
0x83: {  	_ =	shalt  }
0x84: {  	_ =	shalt  }
0x85: {  	_ =	shalt  }
0x86: {  	_ =	shalt  }
0x87: {  	_ =	shalt  }
.Lfunc_end0:
.L_simem_size_0:
called_computation_lowered:
.L_overlay_start_0:
0x88: {  	s2 =	sld [smem:$0x3FD9]  }
0x89: {  	s3 =	sld [smem:$0x3FFE];
	_ =	sdelay $0x1  }
0x8a: {  	s1 =	srdreg.scid  }
0x8b: {  	s0 =	sand.u32 $0x1, s1  }
0x8c: {  	s17 =	sshll.u32 s0, $0xA;
	s2 =	sadd.s32 s3, s2  }
0x8d: {  	s2 =	sadd.s32 s2, s17  }
0x8e: {  	[smem:$0x3FBB] =	sst s2  }
0x8f: {  	_ = 	snop  }
0x90: {  	s2 =	sld [smem:$0x3FC9]  }
0x91: {  	s18 =	sld [smem:$0x3FC8]  }
0x92: {  	s4 =	sld [smem:$0x3FC7]  }
0x93: {  	s5 =	sld [smem:$0x3FC5]  }
0x94: {  	s6 =	sld [smem:$0x3FC4]  }
0x95: {  	s7 =	sld [smem:$0x3FD0];
	(tm) =	ssettm $0x1  }
0x96: {  	s8 =	sld [smem:$0x3FFB];
	_ =	sdelay $0x3  }
0x97: {  	_ =	strace s8  }
0x98: {  	s8 =	sld [smem:$0x3FFC];
	_ =	sdelay $0x3  }
0x99: {  	_ =	strace s8  }
0x9a: {  	s8 =	sld [smem:$0x3FFD];
	_ =	sdelay $0x3  }
0x9b: {  	_ =	strace s8  }
0x9c: {  	_ =	strace $0x8FFFFFFF  }
0x9d: {  	s19 =	sld [smem:$0x3FDB];
	_ =	sdelay $0x1  }
0x9e: {  	s9 =	simm.s32 $_scs_section_size  }
0x9f: {  	s10 =	simm.s32 $_size__tile_overlayer_lowered;
	s11 =	simm.s32 $_tile_overlayer_lowered  }
0xa0: {  	s22 =	simm.s32 $0x1BFF;
	s21 =	sshll.u32 s11, $0x1;
	s8 =	sadd.s32 s9, s19  }
0xa1: {  	s12 =	simm.s32 $0x0;
	s20 =	sshll.u32 s10, $0x1;
	s10 =	sadd.s32 s21, s8  }
0xa2: {  	[timem:s12], [sflag:s22] =	dma.local [hbm:s10], s20  }
0xa3: {  	_ =	swait.ge [sflag:s22], s20  }
0xa4: {  	s9 =	ssub.s32 $0x0, s20;
	[sflag:s22] =	ssyncset.done $0x0  }
0xa5: {  	[sflag:s22] =	ssyncadd.s32 s9;
	_ =	sdelay $0x1  }
0xa6: {  	s23 =	simm.s32 $0x1B8B  }
0xa7: {  	_ =	swait.ge [sflag:s23], $0x1  }
0xa8: {  	[sflag:s23] =	ssyncset.done $0x0  }
0xa9: {  	s25 =	simm.s32 $0x1B8E;
	s24 =	sld [smem:$0x3FFE];
	[sflag:s23] =	ssyncadd.s32 $0xFFFFFFFF  }
0xaa: {  	s26 =	simm.s32 $execute0_lowered;
	[smem:$0x3FD2] =	sst s25  }
0xab: {  	s10 =	sshll.u32 s26, $0x1;
	_ =	strace $0x80000046;
	[dreg:$0x1] =	wrdreg $0xFFFFFFFF  }
0xac: {  	s28 =	simm.s32 $_size_execute0_lowered;
	s8 =	sadd.s32 s8, s10;
	[dreg:$0x0] =	wrdreg $0x0  }
0xad: {  	s10 =	sshll.u32 s28, $0x1;
	[dreg:$0x2] =	wrdreg s8  }
0xae: {  	[dreg:$0x3] =	wrdreg s10  }
0xaf: {  	[dreg:$0x4] =	wrdreg $0xC0  }
0xb0: {  	_ =	task [dreg:s12], $0x5FFFF  }
0xb1: {  	[dreg:$0x1] =	wrdreg $0xFFFFFFFF  }
0xb2: {  	[dreg:$0x0] =	wrdreg $0x60  }
0xb3: {  	[dreg:$0x2] =	wrdreg s24  }
0xb4: {  	[dreg:$0x3] =	wrdreg s2  }
0xb5: {  	[dreg:$0x4] =	wrdreg s5  }
0xb6: {  	[dreg:$0x5] =	wrdreg s4  }
0xb7: {  	[dreg:$0x6] =	wrdreg s18  }
0xb8: {  	[dreg:$0x7] =	wrdreg s6  }
0xb9: {  	[dreg:$0x8] =	wrdreg s7  }
0xba: {  	[dreg:$0x9] =	wrdreg $0x61800  }
0xbb: {  	[dreg:$0xa] =	wrdreg $0x9  }
0xbc: {  	_ =	task.clear_ibuf [dreg:s12], $0xBFFFF;
	_ =	strace $0x90000046  }
0xbd: {  	s29 =	simm.s32 $0x9;
	_ =	strace $0x80000048  }
0xbe: {  	_ =	swait.ge [sflag:s29], $0x1  }
0xbf: {  	[sflag:s29] =	ssyncadd.s32 $0xFFFFFFFF  }
0xc0: {  	_ =	strace $0x90000048  }
0xc1: {  	_ =	sfence  }
0xc2: {  	s30 =	sld [smem:$0x0];
	_ =	sdelay $0x2  }
0xc3: {  	s31 =	sshll.u32 s1, $0xD;
	s1 =	sshrl.u32 s1, $0x2  }
0xc4: {  	s3 =	sand.u32 $0x4000, s31;
	s1 =	sadd.s32 s1, s30  }
0xc5: {  	s0 =	sor.u32 s3, s0;
	s1 =	sshll.u32 s1, $0x11  }
0xc6: {  	s0 =	sor.u32 s1, s0  }
0xc7: {  	s0 =	sadd.s32 $0x8F2B, s0  }
0xc8: {  	[sflag:s0] =	ssyncadd.remote.s32 $0x1  }
0xc9: {  	_ =	sfence.sel $0xFFFF  }
0xca: {  	[dreg:$0x0] =	wrdreg $0xFFFFFFFF;
	(pc) =	sbr.abs _section_cstart, $3  }
0xcb: {  	[dreg:$0x1] =	wrdreg $0xFFFFFFFF  }
0xcc: {  	_ =	task.clear_ibuf [dreg:s12], $0x2FFFF;
	_ =	strace $0x9FFFFFFF  }
0xcd: {  	(tm) =	ssettm $0x7FFFFFFF  }
tec
execute0_lowered:
.L_overlay_start_1:
0x0: {  	(tag) =	ssettag $0x1  }
0x1: {  	s3 =	rddreg [dreg:$0x0];
	v0 =	vlaneseq.u32  }
0x2: {  	s4 =	rddreg [dreg:$0x1];
	v0 =	vmul.u32 $0x14, v0  }
0x3: {  	s5 =	rddreg [dreg:$0x2]  }
0x4: {  	s7 =	rddreg [dreg:$0x3];
	v1 =	vor.u32 $0x1, v0  }
0x5: {  	s8 =	rddreg [dreg:$0x4];
	v10 =	vadd.s32 $0xA, v0;
	[tilespmem:$0x1FF70] =	vst v1;
	v1 =	vor.u32 $0x2, v0  }
0x6: {  	s9 =	rddreg [dreg:$0x5];
	v11 =	vadd.s32 $0xB, v0;
	v12 =	vadd.s32 $0xC, v0;
	[tilespmem:$0x1FF80] =	vst v1;
	v1 =	vor.u32 $0x3, v0  }
0x7: {  	s10 =	rddreg [dreg:$0x6];
	v13 =	vadd.s32 $0xD, v0;
	v14 =	vadd.s32 $0xE, v0;
	[tilespmem:$0x1FF90] =	vst v1;
	v1 =	vadd.s32 $0x4, v0  }
0x8: {  	s1 =	rddreg [dreg:$0x7];
	v15 =	vadd.s32 $0xF, v0;
	v16 =	vadd.s32 $0x10, v0;
	[tilespmem:$0x1FFA0] =	vst v1;
	v1 =	vadd.s32 $0x5, v0  }
0x9: {  	s0 =	rddreg [dreg:$0x8];
	s2 =	simm.s32 $0x0;
	s25 =	srdreg.scid;
	v17 =	vadd.s32 $0x11, v0;
	v18 =	vadd.s32 $0x12, v0;
	[tilespmem:$0x1FFB0] =	vst v1;
	v1 =	vadd.s32 $0x6, v0  }
0xa: {  	s15 =	simm.s32 $0x5C00;
	s16 =	simm.s32 $0xA00;
	s17 =	simm.s32 $0x400;
	v19 =	vadd.s32 $0x13, v0;
	v20 =	vadd.s32 $0x140, v0;
	[tilespmem:$0x1FFC0] =	vst v1;
	v1 =	vadd.s32 $0x7, v0  }
0xb: {  	s18 =	simm.s32 $0x600;
	s19 =	simm.s32 $0x800;
	s20 =	simm.s32 $0x5E00;
	v21 =	vadd.s32 $0x141, v0;
	v22 =	vadd.s32 $0x142, v0;
	[tilespmem:$0x1FFD0] =	vst v1;
	v1 =	vadd.s32 $0x8, v0  }
0xc: {  	s12 =	stileid.u32;
	s21 =	simm.s32 $0x5E80;
	s22 =	simm.s32 $0x5F00;
	v23 =	vadd.s32 $0x143, v0;
	v24 =	vadd.s32 $0x144, v0;
	[tilespmem:$0x1FFE0] =	vst v1;
	v1 =	vadd.s32 $0x9, v0  }
0xd: {  	s23 =	simm.s32 $0x2;
	[smem:$0x7FF] =	sst s2;
	s6 =	sadd.s32 $0x1800, s3;
	v25 =	vadd.s32 $0x145, v0;
	v26 =	vadd.s32 $0x146, v0;
	v27 =	vadd.s32 $0x147, v0;
	[tilespmem:$0x1FFF0] =	vst v1  }
0xe: {  	s24 =	sadd.s32 $0x4C00, s3;
	v28 =	vadd.s32 $0x148, v0;
	v29 =	vadd.s32 $0x149, v0;
	v30 =	vadd.s32 $0x14A, v0;
	_ =	strace $0x80000047;
	[dreg:$0x9] =	wrdreg s6  }
0xf: {  	s28 =	simm.s32 $0x5F80;
	s11 =	sadd.s32 $0x8000, s3;
	v31 =	vadd.s32 $0x14B, v0;
	v32 =	vadd.s32 $0x14C, v0;
	v33 =	vadd.s32 $0x14D, v0;
	[dreg:$0xa] =	wrdreg s24  }
0x10: {  	s13 =	sshll.u32 s12, $0x1;
	s26 =	sadd.s32 $0xB400, s3;
	v34 =	vadd.s32 $0x14E, v0;
	v35 =	vadd.s32 $0x14F, v0;
	v36 =	vadd.s32 $0x150, v0;
	[dreg:$0xb] =	wrdreg s11  }
0x11: {  	s29 =	sadd.s32 $0xB600, s3;
	p0 =	sne.s32 s12, $0x0;
	v37 =	vadd.s32 $0x151, v0;
	v38 =	vadd.s32 $0x152, v0;
	v39 =	vadd.s32 $0x153, v0;
	[dreg:$0xc] =	wrdreg s26  }
0x12: {  	s12 =	simm.s32 $0x3;
	v40 =	vadd.s32 $0x280, v0;
	v41 =	vadd.s32 $0x281, v0;
	v42 =	vadd.s32 $0x282, v0;
	s6 =	sand.u32 $0x1, s25;
	[dreg:$0xd] =	wrdreg s29  }
0x13: {  	v43 =	vadd.s32 $0x283, v0;
	v44 =	vadd.s32 $0x284, v0;
	v45 =	vadd.s32 $0x285, v0;
	s24 =	simm.s32 $0x2800;
	s25 =	simm.s32 $0x3200;
	s13 =	sor.u32 s6, s13  }
0x14: {  	v46 =	vadd.s32 $0x286, v0;
	v47 =	vadd.s32 $0x287, v0;
	v48 =	vadd.s32 $0x288, v0;
	s6 =	ssub.s32 $0x2, s6;
	s14 =	smul.u32 $0x500, s13;
	s13 =	sshll.u32 s13, $0x6  }
0x15: {  	v49 =	vadd.s32 $0x289, v0;
	v50 =	vadd.s32 $0x28A, v0;
	v51 =	vadd.s32 $0x28B, v0;
	s26 =	simm.s32 $0x1;
	s31 =	sshrl.u32 s6, $0x1;
	s4 =	sadd.s32 s4, s13  }
0x16: {  	v52 =	vadd.s32 $0x28C, v0;
	v53 =	vadd.s32 $0x28D, v0;
	v54 =	vadd.s32 $0x28E, v0;
	s5 =	sadd.s32 s5, s13;
	s7 =	sadd.s32 s7, s13;
	s8 =	sadd.s32 s8, s13  }
0x17: {  	v55 =	vadd.s32 $0x28F, v0;
	v56 =	vadd.s32 $0x290, v0;
	v57 =	vadd.s32 $0x291, v0;
	s9 =	sadd.s32 s9, s13;
	s10 =	sadd.s32 s10, s13;
	s13 =	simm.s32 $0x200  }
0x18: {  	v58 =	vadd.s32 $0x292, v0;
	v59 =	vadd.s32 $0x293, v0;
	v60 =	vadd.s32 $0x3C0, v0;
	s30 =	sadd.s32 s14, s3;
	s3 =	sadd.s32 $0x15A00, s3;
	s14 =	ssub.s32 s6, s31  }
0x19: {  	v61 =	vadd.s32 $0x3C1, v0;
	v62 =	vadd.s32 $0x3C2, v0;
	v63 =	vadd.s32 $0x3C3, v0;
	s6 =	sadd.s32 $0xB800, s30;
	s11 =	smax.u32 s14, $0x1;
	s14 =	simm.s32 $0x5A00  }
.LBB2_1:
0x1a: {  	[tilespmem:s2], [sflag:$0x3] =	stream.linear.gather [hbm4b:s4+s2], $0x200, $0x38;
	[tilespmem:$0x7B80] =	vst v63  }
0x1b: {  	_ =	swait.ge [sflag:s12], $0x200  }
0x1c: {  	[sflag:s12] =	ssyncset.done $0x0  }
0x1d: {  	[sflag:s12] =	ssyncadd.s32 $0xFFFFFE00  }
0x1e: {  	[tilespmem:s13], [sflag:$0x3] =	stream.linear.gather [hbm4b:s5+s2], $0x200, $0x38;
	[tilespmem:$0x7B80] =	vst v63  }
0x1f: {  	_ =	swait.ge [sflag:s12], $0x200  }
0x20: {  	[sflag:s12] =	ssyncset.done $0x0  }
0x21: {  	s29 =	rddreg [dreg:$0x9];
	[sflag:s12] =	ssyncadd.s32 $0xFFFFFE00  }
0x22: {  	[tilespmem:s14], [sflag:$0x1] =	stream.indirect.gather [hbm4b:s29+s13], $0x1, s2, s13, $0xb8;
	[tilespmem:$0x7B80] =	vst v63  }
0x23: {  	s30 =	rddreg [dreg:$0xa]  }
0x24: {  	[tilespmem:s15], [sflag:$0x1] =	stream.indirect.gather [hbm4b:s30+s13], $0x1, s13, s13, $0xb8;
	[tilespmem:$0x7B80] =	vst v63  }
0x25: {  	_ = 	snop  }
0x26: {  	[tilespmem:s16], [sflag:$0x2] =	stream.linear.gather [hbm4b:s6+s2], $0x2800, $0x38;
	[tilespmem:$0x7B80] =	vst v63  }
0x27: {  	_ = 	snop  }
0x28: {  	[tilespmem:s17], [sflag:$0x2] =	stream.linear.gather [hbm4b:s7+s2], $0x200, $0x38;
	[tilespmem:$0x7B80] =	vst v63  }
0x29: {  	_ = 	snop  }
0x2a: {  	[tilespmem:s18], [sflag:$0x2] =	stream.linear.gather [hbm4b:s8+s2], $0x200, $0x38;
	[tilespmem:$0x7B80] =	vst v63  }
0x2b: {  	_ = 	snop  }
0x2c: {  	[tilespmem:s19], [sflag:$0x2] =	stream.linear.gather [hbm4b:s9+s2], $0x200, $0x38;
	[tilespmem:$0x7B80] =	vst v63  }
0x2d: {  	s29 =	rddreg [dreg:$0xc]  }
0x2e: {  	[tilespmem:s20], [sflag:$0x2] =	stream.linear.gather [hbm4b:s29+s2], $0x80, $0x38;
	[tilespmem:$0x7B80] =	vst v63  }
0x2f: {  	s31 =	rddreg [dreg:$0xd]  }
0x30: {  	[tilespmem:s21], [sflag:$0x2] =	stream.linear.gather [hbm4b:s31+s2], $0x80, $0x38;
	[tilespmem:$0x7B80] =	vst v63  }
0x31: {  	s30 =	sshrl.u32 @!p0 s1, $0x3;
	s29 =	rddreg [dreg:$0xb];
	s31 =	simm.s32 @!p0 $0x1C03  }
0x32: {  	[tilespmem:s22], [sflag:$0x2] =	stream.linear.gather [hbm4b:s3+s2], $0x80, $0x38;
	[tilespmem:$0x7B80] =	vst v63  }
0x33: {  	[spmem:s30], [sflag:s31] =	dma.local @!p0 [hbm:s29], $0x3400  }
0x34: {  	s29 =	simm.s32 @!p0 $0x3  }
0x35: {  	_ =	swait.ge @!p0 [sflag:s29], $0x3400  }
0x36: {  	[sflag:s29] =	ssyncset.done @!p0 $0x0  }
0x37: {  	[sflag:s29] =	ssyncadd.s32 @!p0 $0xFFFFCC00  }
0x38: {  	_ =	swait.ge [sflag:s23], $0x2800  }
0x39: {  	[sflag:s23] =	ssyncset.done $0x0  }
0x3a: {  	[sflag:s23] =	ssyncadd.s32 $0xFFFFD800  }
0x3b: {  	_ =	swait.ge [sflag:s23], $0x200  }
0x3c: {  	[sflag:s23] =	ssyncset.done $0x0  }
0x3d: {  	[sflag:s23] =	ssyncadd.s32 $0xFFFFFE00  }
0x3e: {  	_ =	swait.ge [sflag:s23], $0x200  }
0x3f: {  	[sflag:s23] =	ssyncset.done $0x0  }
0x40: {  	[sflag:s23] =	ssyncadd.s32 $0xFFFFFE00  }
0x41: {  	_ =	swait.ge [sflag:s23], $0x200  }
0x42: {  	[sflag:s23] =	ssyncset.done $0x0  }
0x43: {  	[sflag:s23] =	ssyncadd.s32 $0xFFFFFE00  }
0x44: {  	_ =	swait.ge [sflag:s23], $0x80  }
0x45: {  	[sflag:s23] =	ssyncset.done $0x0  }
0x46: {  	[sflag:s23] =	ssyncadd.s32 $0xFFFFFF80  }
0x47: {  	_ =	swait.ge [sflag:s23], $0x80  }
0x48: {  	[sflag:s23] =	ssyncset.done $0x0  }
0x49: {  	[sflag:s23] =	ssyncadd.s32 $0xFFFFFF80  }
0x4a: {  	_ =	swait.ge [sflag:s23], $0x80  }
0x4b: {  	[sflag:s23] =	ssyncset.done $0x0  }
0x4c: {  	[sflag:s23] =	ssyncadd.s32 $0xFFFFFF80  }
0x4d: {  	[bflag:$0x0] =	sbarrier.arrive $0xFFFF  }
0x4e: {  	[tilespmem:s25], [sflag:$0x2] =	stream.indirect.gather [spmem:s1], $0x1, s16, s24, $0xb8;
	[tilespmem:$0x7B80] =	vst v63  }
0x4f: {  	_ =	swait.ge [sflag:s23], $0x2800  }
0x50: {  	[sflag:s23] =	ssyncset.done $0x0  }
0x51: {  	[sflag:s23] =	ssyncadd.s32 $0xFFFFD800  }
0x52: {  	_ =	swait.ge [sflag:s26], $0x200  }
0x53: {  	[sflag:s26] =	ssyncset.done $0x0  }
0x54: {  	[sflag:s26] =	ssyncadd.s32 $0xFFFFFE00  }
0x55: {  	_ =	swait.ge [sflag:s26], $0x200  }
0x56: {  	[sflag:s26] =	ssyncset.done $0x0  }
0x57: {  	[sflag:s26] =	ssyncadd.s32 $0xFFFFFE00  }
0x58: {  	v1 =	vld [tilespmem:$0x5F00]  }
0x59: {  	v3 =	vld [tilespmem:$0x800]  }
0x5a: {  	v4 =	vld [tilespmem:$0x400]  }
0x5b: {  	v2 =	vld [tilespmem:$0x5F10]  }
0x5c: {  	v5 =	vld [tilespmem:$0x600];
	_ =	sdelay $0x1  }
0x5d: {  	v6 =	vld [tilespmem:$0x5A00]  }
0x5e: {  	v3 =	vmul.f32 v3, v1  }
0x5f: {  	v7 =	vld [tilespmem:$0x5C00]  }
0x60: {  	v3 =	vadd.f32 v3, v2  }
0x61: {  	v4 =	vld.idx.msk [tilespmem:v4+s20+$0x0], $0xffff  }
0x62: {  	v3 =	vadd.f32 v3, v6  }
0x63: {  	v5 =	vld.idx.msk [tilespmem:v5+s21+$0x0], $0xffff  }
0x64: {  	v3 =	vadd.f32 v3, v7  }
0x65: {  	v6 =	vld.idx.msk [tilespmem:v0+s25+$0x0], $0xffff  }
0x66: {  	v3 =	vadd.f32 v4, v3;
	v4 =	vld [tilespmem:$0x1FF70];
	_ =	sdelay $0x1  }
0x67: {  	v3 =	vadd.f32 v5, v3;
	v5 =	vld [tilespmem:$0x1FF80];
	_ =	sdelay $0x1  }
0x68: {  	v3 =	vadd.f32 v6, v3;
	v6 =	vld [tilespmem:$0x1FF90];
	_ =	sdelay $0x3  }
0x69: {  	v4 =	vld.idx.msk [tilespmem:v4+s25+$0x0], $0xffff;
	_ =	sdelay $0x1  }
0x6a: {  	v5 =	vld.idx.msk [tilespmem:v5+s25+$0x0], $0xffff;
	_ =	sdelay $0x1  }
0x6b: {  	v6 =	vld.idx.msk [tilespmem:v6+s25+$0x0], $0xffff  }
0x6c: {  	v3 =	vadd.f32 v4, v3;
	v4 =	vld [tilespmem:$0x1FFA0];
	_ =	sdelay $0x1  }
0x6d: {  	v3 =	vadd.f32 v5, v3;
	v5 =	vld [tilespmem:$0x1FFB0];
	_ =	sdelay $0x1  }
0x6e: {  	v3 =	vadd.f32 v6, v3;
	v6 =	vld [tilespmem:$0x1FFC0];
	_ =	sdelay $0x3  }
0x6f: {  	v4 =	vld.idx.msk [tilespmem:v4+s25+$0x0], $0xffff;
	_ =	sdelay $0x1  }
0x70: {  	v5 =	vld.idx.msk [tilespmem:v5+s25+$0x0], $0xffff;
	_ =	sdelay $0x1  }
0x71: {  	v6 =	vld.idx.msk [tilespmem:v6+s25+$0x0], $0xffff  }
0x72: {  	v3 =	vadd.f32 v4, v3;
	v4 =	vld [tilespmem:$0x1FFD0];
	_ =	sdelay $0x1  }
0x73: {  	v3 =	vadd.f32 v5, v3;
	v5 =	vld [tilespmem:$0x1FFE0];
	_ =	sdelay $0x1  }
0x74: {  	v3 =	vadd.f32 v6, v3;
	v6 =	vld [tilespmem:$0x1FFF0];
	_ =	sdelay $0x3  }
0x75: {  	v4 =	vld.idx.msk [tilespmem:v4+s25+$0x0], $0xffff;
	_ =	sdelay $0x1  }
0x76: {  	v5 =	vld.idx.msk [tilespmem:v5+s25+$0x0], $0xffff;
	_ =	sdelay $0x1  }
0x77: {  	v6 =	vld.idx.msk [tilespmem:v6+s25+$0x0], $0xffff  }
0x78: {  	v3 =	vadd.f32 v4, v3  }
0x79: {  	v4 =	vld.idx.msk [tilespmem:v10+s25+$0x0], $0xffff  }
0x7a: {  	v3 =	vadd.f32 v5, v3  }
0x7b: {  	v5 =	vld.idx.msk [tilespmem:v11+s25+$0x0], $0xffff  }
0x7c: {  	v3 =	vadd.f32 v6, v3  }
0x7d: {  	v6 =	vld.idx.msk [tilespmem:v12+s25+$0x0], $0xffff  }
0x7e: {  	v3 =	vadd.f32 v4, v3  }
0x7f: {  	v4 =	vld.idx.msk [tilespmem:v13+s25+$0x0], $0xffff  }
0x80: {  	v3 =	vadd.f32 v5, v3  }
0x81: {  	v5 =	vld.idx.msk [tilespmem:v14+s25+$0x0], $0xffff  }
0x82: {  	v3 =	vadd.f32 v6, v3  }
0x83: {  	v6 =	vld.idx.msk [tilespmem:v15+s25+$0x0], $0xffff  }
0x84: {  	v3 =	vadd.f32 v4, v3  }
0x85: {  	v4 =	vld.idx.msk [tilespmem:v16+s25+$0x0], $0xffff  }
0x86: {  	v3 =	vadd.f32 v5, v3  }
0x87: {  	v5 =	vld.idx.msk [tilespmem:v17+s25+$0x0], $0xffff  }
0x88: {  	v8 =	vld [tilespmem:$0x410];
	v3 =	vadd.f32 v6, v3  }
0x89: {  	v6 =	vld.idx.msk [tilespmem:v18+s25+$0x0], $0xffff  }
0x8a: {  	v7 =	vld.idx.msk [tilespmem:v19+s25+$0x0], $0xffff;
	v3 =	vadd.f32 v4, v3  }
0x8b: {  	v4 =	vld [tilespmem:$0x810]  }
0x8c: {  	v3 =	vadd.f32 v5, v3  }
0x8d: {  	v5 =	vld [tilespmem:$0x610]  }
0x8e: {  	v3 =	vadd.f32 v6, v3  }
0x8f: {  	v6 =	vld [tilespmem:$0x5A10]  }
0x90: {  	v4 =	vmul.f32 v4, v1;
	v3 =	vadd.f32 v7, v3  }
0x91: {  	v7 =	vld [tilespmem:$0x5C10]  }
0x92: {  	[tilespmem:$0x5F80] =	vst v3;
	v3 =	vadd.f32 v4, v2  }
0x93: {  	v4 =	vld.idx.msk [tilespmem:v8+s20+$0x0], $0xffff  }
0x94: {  	v3 =	vadd.f32 v3, v6  }
0x95: {  	v5 =	vld.idx.msk [tilespmem:v5+s21+$0x0], $0xffff  }
0x96: {  	v3 =	vadd.f32 v3, v7  }
0x97: {  	v6 =	vld.idx.msk [tilespmem:v20+s25+$0x0], $0xffff  }
0x98: {  	v3 =	vadd.f32 v4, v3  }
0x99: {  	v4 =	vld.idx.msk [tilespmem:v21+s25+$0x0], $0xffff  }
0x9a: {  	v3 =	vadd.f32 v5, v3  }
0x9b: {  	v5 =	vld.idx.msk [tilespmem:v22+s25+$0x0], $0xffff  }
0x9c: {  	v3 =	vadd.f32 v6, v3  }
0x9d: {  	v6 =	vld.idx.msk [tilespmem:v23+s25+$0x0], $0xffff  }
0x9e: {  	v3 =	vadd.f32 v4, v3  }
0x9f: {  	v4 =	vld.idx.msk [tilespmem:v24+s25+$0x0], $0xffff  }
0xa0: {  	v3 =	vadd.f32 v5, v3  }
0xa1: {  	v5 =	vld.idx.msk [tilespmem:v25+s25+$0x0], $0xffff  }
0xa2: {  	v3 =	vadd.f32 v6, v3  }
0xa3: {  	v6 =	vld.idx.msk [tilespmem:v26+s25+$0x0], $0xffff  }
0xa4: {  	v3 =	vadd.f32 v4, v3  }
0xa5: {  	v4 =	vld.idx.msk [tilespmem:v27+s25+$0x0], $0xffff  }
0xa6: {  	v3 =	vadd.f32 v5, v3  }
0xa7: {  	v5 =	vld.idx.msk [tilespmem:v28+s25+$0x0], $0xffff  }
0xa8: {  	v3 =	vadd.f32 v6, v3  }
0xa9: {  	v6 =	vld.idx.msk [tilespmem:v29+s25+$0x0], $0xffff  }
0xaa: {  	v3 =	vadd.f32 v4, v3  }
0xab: {  	v4 =	vld.idx.msk [tilespmem:v30+s25+$0x0], $0xffff  }
0xac: {  	v3 =	vadd.f32 v5, v3  }
0xad: {  	v5 =	vld.idx.msk [tilespmem:v31+s25+$0x0], $0xffff  }
0xae: {  	v3 =	vadd.f32 v6, v3  }
0xaf: {  	v6 =	vld.idx.msk [tilespmem:v32+s25+$0x0], $0xffff  }
0xb0: {  	v3 =	vadd.f32 v4, v3  }
0xb1: {  	v4 =	vld.idx.msk [tilespmem:v33+s25+$0x0], $0xffff  }
0xb2: {  	v3 =	vadd.f32 v5, v3  }
0xb3: {  	v5 =	vld.idx.msk [tilespmem:v34+s25+$0x0], $0xffff  }
0xb4: {  	v3 =	vadd.f32 v6, v3  }
0xb5: {  	v6 =	vld.idx.msk [tilespmem:v35+s25+$0x0], $0xffff  }
0xb6: {  	v3 =	vadd.f32 v4, v3  }
0xb7: {  	v4 =	vld.idx.msk [tilespmem:v36+s25+$0x0], $0xffff  }
0xb8: {  	v3 =	vadd.f32 v5, v3  }
0xb9: {  	v5 =	vld.idx.msk [tilespmem:v37+s25+$0x0], $0xffff  }
0xba: {  	v8 =	vld [tilespmem:$0x420];
	v3 =	vadd.f32 v6, v3  }
0xbb: {  	v6 =	vld.idx.msk [tilespmem:v38+s25+$0x0], $0xffff  }
0xbc: {  	v7 =	vld.idx.msk [tilespmem:v39+s25+$0x0], $0xffff;
	v3 =	vadd.f32 v4, v3  }
0xbd: {  	v4 =	vld [tilespmem:$0x820]  }
0xbe: {  	v3 =	vadd.f32 v5, v3  }
0xbf: {  	v5 =	vld [tilespmem:$0x620]  }
0xc0: {  	v3 =	vadd.f32 v6, v3  }
0xc1: {  	v6 =	vld [tilespmem:$0x5A20]  }
0xc2: {  	v4 =	vmul.f32 v4, v1;
	v3 =	vadd.f32 v7, v3  }
0xc3: {  	v7 =	vld [tilespmem:$0x5C20]  }
0xc4: {  	[tilespmem:$0x5F90] =	vst v3;
	v3 =	vadd.f32 v4, v2  }
0xc5: {  	v4 =	vld.idx.msk [tilespmem:v8+s20+$0x0], $0xffff  }
0xc6: {  	v3 =	vadd.f32 v3, v6  }
0xc7: {  	v5 =	vld.idx.msk [tilespmem:v5+s21+$0x0], $0xffff  }
0xc8: {  	v3 =	vadd.f32 v3, v7  }
0xc9: {  	v6 =	vld.idx.msk [tilespmem:v40+s25+$0x0], $0xffff  }
0xca: {  	v3 =	vadd.f32 v4, v3  }
0xcb: {  	v4 =	vld.idx.msk [tilespmem:v41+s25+$0x0], $0xffff  }
0xcc: {  	v3 =	vadd.f32 v5, v3  }
0xcd: {  	v5 =	vld.idx.msk [tilespmem:v42+s25+$0x0], $0xffff  }
0xce: {  	v3 =	vadd.f32 v6, v3  }
0xcf: {  	v6 =	vld.idx.msk [tilespmem:v43+s25+$0x0], $0xffff  }
0xd0: {  	v3 =	vadd.f32 v4, v3  }
0xd1: {  	v4 =	vld.idx.msk [tilespmem:v44+s25+$0x0], $0xffff  }
0xd2: {  	v3 =	vadd.f32 v5, v3  }
0xd3: {  	v5 =	vld.idx.msk [tilespmem:v45+s25+$0x0], $0xffff  }
0xd4: {  	v3 =	vadd.f32 v6, v3  }
0xd5: {  	v6 =	vld.idx.msk [tilespmem:v46+s25+$0x0], $0xffff  }
0xd6: {  	v3 =	vadd.f32 v4, v3  }
0xd7: {  	v4 =	vld.idx.msk [tilespmem:v47+s25+$0x0], $0xffff  }
0xd8: {  	v3 =	vadd.f32 v5, v3  }
0xd9: {  	v5 =	vld.idx.msk [tilespmem:v48+s25+$0x0], $0xffff  }
0xda: {  	v3 =	vadd.f32 v6, v3  }
0xdb: {  	v6 =	vld.idx.msk [tilespmem:v49+s25+$0x0], $0xffff  }
0xdc: {  	v3 =	vadd.f32 v4, v3  }
0xdd: {  	v4 =	vld.idx.msk [tilespmem:v50+s25+$0x0], $0xffff  }
0xde: {  	v3 =	vadd.f32 v5, v3  }
0xdf: {  	v5 =	vld.idx.msk [tilespmem:v51+s25+$0x0], $0xffff  }
0xe0: {  	v3 =	vadd.f32 v6, v3  }
0xe1: {  	v6 =	vld.idx.msk [tilespmem:v52+s25+$0x0], $0xffff  }
0xe2: {  	v3 =	vadd.f32 v4, v3  }
0xe3: {  	v4 =	vld.idx.msk [tilespmem:v53+s25+$0x0], $0xffff  }
0xe4: {  	v3 =	vadd.f32 v5, v3  }
0xe5: {  	v5 =	vld.idx.msk [tilespmem:v54+s25+$0x0], $0xffff  }
0xe6: {  	v3 =	vadd.f32 v6, v3  }
0xe7: {  	v6 =	vld.idx.msk [tilespmem:v55+s25+$0x0], $0xffff  }
0xe8: {  	v3 =	vadd.f32 v4, v3  }
0xe9: {  	v4 =	vld.idx.msk [tilespmem:v56+s25+$0x0], $0xffff  }
0xea: {  	v3 =	vadd.f32 v5, v3  }
0xeb: {  	v5 =	vld.idx.msk [tilespmem:v57+s25+$0x0], $0xffff  }
0xec: {  	v8 =	vld [tilespmem:$0x430];
	v3 =	vadd.f32 v6, v3  }
0xed: {  	v6 =	vld.idx.msk [tilespmem:v58+s25+$0x0], $0xffff  }
0xee: {  	v7 =	vld.idx.msk [tilespmem:v59+s25+$0x0], $0xffff;
	v3 =	vadd.f32 v4, v3  }
0xef: {  	v4 =	vld [tilespmem:$0x830]  }
0xf0: {  	v3 =	vadd.f32 v5, v3  }
0xf1: {  	v5 =	vld [tilespmem:$0x630]  }
0xf2: {  	v3 =	vadd.f32 v6, v3  }
0xf3: {  	v6 =	vld [tilespmem:$0x5A30]  }
0xf4: {  	v4 =	vmul.f32 v4, v1;
	v3 =	vadd.f32 v7, v3  }
0xf5: {  	v7 =	vld [tilespmem:$0x5C30]  }
0xf6: {  	[tilespmem:$0x5FA0] =	vst v3;
	v3 =	vadd.f32 v4, v2  }
0xf7: {  	v4 =	vld.idx.msk [tilespmem:v8+s20+$0x0], $0xffff  }
0xf8: {  	v3 =	vadd.f32 v3, v6  }
0xf9: {  	v5 =	vld.idx.msk [tilespmem:v5+s21+$0x0], $0xffff  }
0xfa: {  	v3 =	vadd.f32 v3, v7  }
0xfb: {  	v6 =	vld.idx.msk [tilespmem:v60+s25+$0x0], $0xffff  }
0xfc: {  	v3 =	vadd.f32 v4, v3  }
0xfd: {  	v4 =	vld.idx.msk [tilespmem:v61+s25+$0x0], $0xffff  }
0xfe: {  	v3 =	vadd.f32 v5, v3;
	v5 =	vadd.s32 $0x3C4, v0  }
0xff: {  	v7 =	vld.idx.msk [tilespmem:v62+s25+$0x0], $0xffff  }
0x100: {  	v3 =	vadd.f32 v6, v3;
	v6 =	vadd.s32 $0x3C5, v0  }
0x101: {  	v8 =	vld.idx.msk [tilespmem:v63+s25+$0x0], $0xffff  }
0x102: {  	v3 =	vadd.f32 v4, v3;
	v4 =	vadd.s32 $0x3C6, v0  }
0x103: {  	v5 =	vld.idx.msk [tilespmem:v5+s25+$0x0], $0xffff  }
0x104: {  	v3 =	vadd.f32 v7, v3;
	v7 =	vadd.s32 $0x3C7, v0  }
0x105: {  	v6 =	vld.idx.msk [tilespmem:v6+s25+$0x0], $0xffff  }
0x106: {  	v3 =	vadd.f32 v8, v3;
	v8 =	vadd.s32 $0x3C8, v0  }
0x107: {  	v4 =	vld.idx.msk [tilespmem:v4+s25+$0x0], $0xffff  }
0x108: {  	v3 =	vadd.f32 v5, v3;
	v5 =	vadd.s32 $0x3C9, v0  }
0x109: {  	v7 =	vld.idx.msk [tilespmem:v7+s25+$0x0], $0xffff  }
0x10a: {  	v3 =	vadd.f32 v6, v3;
	v6 =	vadd.s32 $0x3CA, v0  }
0x10b: {  	v8 =	vld.idx.msk [tilespmem:v8+s25+$0x0], $0xffff  }
0x10c: {  	v3 =	vadd.f32 v4, v3;
	v4 =	vadd.s32 $0x3CB, v0  }
0x10d: {  	v5 =	vld.idx.msk [tilespmem:v5+s25+$0x0], $0xffff  }
0x10e: {  	v3 =	vadd.f32 v7, v3;
	v7 =	vadd.s32 $0x3CC, v0  }
0x10f: {  	v6 =	vld.idx.msk [tilespmem:v6+s25+$0x0], $0xffff  }
0x110: {  	v3 =	vadd.f32 v8, v3;
	v8 =	vadd.s32 $0x3CD, v0  }
0x111: {  	v4 =	vld.idx.msk [tilespmem:v4+s25+$0x0], $0xffff  }
0x112: {  	v3 =	vadd.f32 v5, v3;
	v5 =	vadd.s32 $0x3CE, v0  }
0x113: {  	v7 =	vld.idx.msk [tilespmem:v7+s25+$0x0], $0xffff  }
0x114: {  	v3 =	vadd.f32 v6, v3;
	v6 =	vadd.s32 $0x3CF, v0  }
0x115: {  	v8 =	vld.idx.msk [tilespmem:v8+s25+$0x0], $0xffff  }
0x116: {  	v3 =	vadd.f32 v4, v3;
	v4 =	vadd.s32 $0x3D0, v0  }
0x117: {  	v5 =	vld.idx.msk [tilespmem:v5+s25+$0x0], $0xffff  }
0x118: {  	v3 =	vadd.f32 v7, v3;
	v7 =	vadd.s32 $0x3D1, v0  }
0x119: {  	v9 =	vadd.s32 $0x3D2, v0;
	v6 =	vld.idx.msk [tilespmem:v6+s25+$0x0], $0xffff  }
0x11a: {  	v3 =	vadd.f32 v8, v3;
	v8 =	vadd.s32 $0x3D3, v0  }
0x11b: {  	v4 =	vld.idx.msk [tilespmem:v4+s25+$0x0], $0xffff  }
0x11c: {  	v3 =	vadd.f32 v5, v3  }
0x11d: {  	v5 =	vld.idx.msk [tilespmem:v7+s25+$0x0], $0xffff  }
0x11e: {  	v3 =	vadd.f32 v6, v3;
	v6 =	vld.idx.msk [tilespmem:v9+s25+$0x0], $0xffff  }
0x11f: {  	v7 =	vld.idx.msk [tilespmem:v8+s25+$0x0], $0xffff  }
0x120: {  	v8 =	vld [tilespmem:$0x440];
	v3 =	vadd.f32 v4, v3  }
0x121: {  	v4 =	vld [tilespmem:$0x840]  }
0x122: {  	v3 =	vadd.f32 v5, v3  }
0x123: {  	v5 =	vld [tilespmem:$0x640]  }
0x124: {  	v3 =	vadd.f32 v6, v3  }
0x125: {  	v6 =	vld [tilespmem:$0x5A40]  }
0x126: {  	v4 =	vmul.f32 v4, v1;
	v3 =	vadd.f32 v7, v3  }
0x127: {  	v7 =	vld [tilespmem:$0x5C40]  }
0x128: {  	[tilespmem:$0x5FB0] =	vst v3;
	v3 =	vadd.f32 v4, v2;
	v4 =	vadd.s32 $0x500, v0  }
0x129: {  	v8 =	vld.idx.msk [tilespmem:v8+s20+$0x0], $0xffff  }
0x12a: {  	v3 =	vadd.f32 v3, v6;
	v6 =	vadd.s32 $0x501, v0  }
0x12b: {  	v5 =	vld.idx.msk [tilespmem:v5+s21+$0x0], $0xffff  }
0x12c: {  	v3 =	vadd.f32 v3, v7;
	v7 =	vadd.s32 $0x502, v0  }
0x12d: {  	v4 =	vld.idx.msk [tilespmem:v4+s25+$0x0], $0xffff  }
0x12e: {  	v3 =	vadd.f32 v8, v3;
	v8 =	vadd.s32 $0x503, v0  }
0x12f: {  	v6 =	vld.idx.msk [tilespmem:v6+s25+$0x0], $0xffff  }
0x130: {  	v3 =	vadd.f32 v5, v3;
	v5 =	vadd.s32 $0x504, v0  }
0x131: {  	v7 =	vld.idx.msk [tilespmem:v7+s25+$0x0], $0xffff  }
0x132: {  	v3 =	vadd.f32 v4, v3;
	v4 =	vadd.s32 $0x505, v0  }
0x133: {  	v8 =	vld.idx.msk [tilespmem:v8+s25+$0x0], $0xffff  }
0x134: {  	v3 =	vadd.f32 v6, v3;
	v6 =	vadd.s32 $0x506, v0  }
0x135: {  	v5 =	vld.idx.msk [tilespmem:v5+s25+$0x0], $0xffff  }
0x136: {  	v3 =	vadd.f32 v7, v3;
	v7 =	vadd.s32 $0x507, v0  }
0x137: {  	v4 =	vld.idx.msk [tilespmem:v4+s25+$0x0], $0xffff  }
0x138: {  	v3 =	vadd.f32 v8, v3;
	v8 =	vadd.s32 $0x508, v0  }
0x139: {  	v6 =	vld.idx.msk [tilespmem:v6+s25+$0x0], $0xffff  }
0x13a: {  	v3 =	vadd.f32 v5, v3;
	v5 =	vadd.s32 $0x509, v0  }
0x13b: {  	v7 =	vld.idx.msk [tilespmem:v7+s25+$0x0], $0xffff  }
0x13c: {  	v3 =	vadd.f32 v4, v3;
	v4 =	vadd.s32 $0x50A, v0  }
0x13d: {  	v8 =	vld.idx.msk [tilespmem:v8+s25+$0x0], $0xffff  }
0x13e: {  	v3 =	vadd.f32 v6, v3;
	v6 =	vadd.s32 $0x50B, v0  }
0x13f: {  	v5 =	vld.idx.msk [tilespmem:v5+s25+$0x0], $0xffff  }
0x140: {  	v3 =	vadd.f32 v7, v3;
	v7 =	vadd.s32 $0x50C, v0  }
0x141: {  	v4 =	vld.idx.msk [tilespmem:v4+s25+$0x0], $0xffff  }
0x142: {  	v3 =	vadd.f32 v8, v3;
	v8 =	vadd.s32 $0x50D, v0  }
0x143: {  	v6 =	vld.idx.msk [tilespmem:v6+s25+$0x0], $0xffff  }
0x144: {  	v3 =	vadd.f32 v5, v3;
	v5 =	vadd.s32 $0x50E, v0  }
0x145: {  	v7 =	vld.idx.msk [tilespmem:v7+s25+$0x0], $0xffff  }
0x146: {  	v3 =	vadd.f32 v4, v3;
	v4 =	vadd.s32 $0x50F, v0  }
0x147: {  	v8 =	vld.idx.msk [tilespmem:v8+s25+$0x0], $0xffff  }
0x148: {  	v3 =	vadd.f32 v6, v3;
	v6 =	vadd.s32 $0x510, v0  }
0x149: {  	v5 =	vld.idx.msk [tilespmem:v5+s25+$0x0], $0xffff  }
0x14a: {  	v3 =	vadd.f32 v7, v3;
	v7 =	vadd.s32 $0x511, v0  }
0x14b: {  	v9 =	vadd.s32 $0x512, v0;
	v4 =	vld.idx.msk [tilespmem:v4+s25+$0x0], $0xffff  }
0x14c: {  	v3 =	vadd.f32 v8, v3;
	v8 =	vadd.s32 $0x513, v0  }
0x14d: {  	v6 =	vld.idx.msk [tilespmem:v6+s25+$0x0], $0xffff  }
0x14e: {  	v3 =	vadd.f32 v5, v3  }
0x14f: {  	v5 =	vld.idx.msk [tilespmem:v7+s25+$0x0], $0xffff  }
0x150: {  	v3 =	vadd.f32 v4, v3;
	v4 =	vld.idx.msk [tilespmem:v9+s25+$0x0], $0xffff  }
0x151: {  	v7 =	vld.idx.msk [tilespmem:v8+s25+$0x0], $0xffff  }
0x152: {  	v8 =	vld [tilespmem:$0x450];
	v3 =	vadd.f32 v6, v3  }
0x153: {  	v6 =	vld [tilespmem:$0x850]  }
0x154: {  	v3 =	vadd.f32 v5, v3  }
0x155: {  	v5 =	vld [tilespmem:$0x650]  }
0x156: {  	v3 =	vadd.f32 v4, v3  }
0x157: {  	v4 =	vld [tilespmem:$0x5A50]  }
0x158: {  	v6 =	vmul.f32 v6, v1;
	v3 =	vadd.f32 v7, v3  }
0x159: {  	v7 =	vld [tilespmem:$0x5C50]  }
0x15a: {  	[tilespmem:$0x5FC0] =	vst v3;
	v3 =	vadd.f32 v6, v2;
	v6 =	vadd.s32 $0x640, v0  }
0x15b: {  	v8 =	vld.idx.msk [tilespmem:v8+s20+$0x0], $0xffff  }
0x15c: {  	v3 =	vadd.f32 v3, v4;
	v4 =	vadd.s32 $0x641, v0  }
0x15d: {  	v5 =	vld.idx.msk [tilespmem:v5+s21+$0x0], $0xffff  }
0x15e: {  	v3 =	vadd.f32 v3, v7;
	v7 =	vadd.s32 $0x642, v0  }
0x15f: {  	v6 =	vld.idx.msk [tilespmem:v6+s25+$0x0], $0xffff  }
0x160: {  	v3 =	vadd.f32 v8, v3;
	v8 =	vadd.s32 $0x643, v0  }
0x161: {  	v4 =	vld.idx.msk [tilespmem:v4+s25+$0x0], $0xffff  }
0x162: {  	v3 =	vadd.f32 v5, v3;
	v5 =	vadd.s32 $0x644, v0  }
0x163: {  	v7 =	vld.idx.msk [tilespmem:v7+s25+$0x0], $0xffff  }
0x164: {  	v3 =	vadd.f32 v6, v3;
	v6 =	vadd.s32 $0x645, v0  }
0x165: {  	v8 =	vld.idx.msk [tilespmem:v8+s25+$0x0], $0xffff  }
0x166: {  	v3 =	vadd.f32 v4, v3;
	v4 =	vadd.s32 $0x646, v0  }
0x167: {  	v5 =	vld.idx.msk [tilespmem:v5+s25+$0x0], $0xffff  }
0x168: {  	v3 =	vadd.f32 v7, v3;
	v7 =	vadd.s32 $0x647, v0  }
0x169: {  	v6 =	vld.idx.msk [tilespmem:v6+s25+$0x0], $0xffff  }
0x16a: {  	v3 =	vadd.f32 v8, v3;
	v8 =	vadd.s32 $0x648, v0  }
0x16b: {  	v4 =	vld.idx.msk [tilespmem:v4+s25+$0x0], $0xffff  }
0x16c: {  	v3 =	vadd.f32 v5, v3;
	v5 =	vadd.s32 $0x649, v0  }
0x16d: {  	v7 =	vld.idx.msk [tilespmem:v7+s25+$0x0], $0xffff  }
0x16e: {  	v3 =	vadd.f32 v6, v3;
	v6 =	vadd.s32 $0x64A, v0  }
0x16f: {  	v8 =	vld.idx.msk [tilespmem:v8+s25+$0x0], $0xffff  }
0x170: {  	v3 =	vadd.f32 v4, v3;
	v4 =	vadd.s32 $0x64B, v0  }
0x171: {  	v5 =	vld.idx.msk [tilespmem:v5+s25+$0x0], $0xffff  }
0x172: {  	v3 =	vadd.f32 v7, v3;
	v7 =	vadd.s32 $0x64C, v0  }
0x173: {  	v6 =	vld.idx.msk [tilespmem:v6+s25+$0x0], $0xffff  }
0x174: {  	v3 =	vadd.f32 v8, v3;
	v8 =	vadd.s32 $0x64D, v0  }
0x175: {  	v4 =	vld.idx.msk [tilespmem:v4+s25+$0x0], $0xffff  }
0x176: {  	v3 =	vadd.f32 v5, v3;
	v5 =	vadd.s32 $0x64E, v0  }
0x177: {  	v7 =	vld.idx.msk [tilespmem:v7+s25+$0x0], $0xffff  }
0x178: {  	v3 =	vadd.f32 v6, v3;
	v6 =	vadd.s32 $0x64F, v0  }
0x179: {  	v8 =	vld.idx.msk [tilespmem:v8+s25+$0x0], $0xffff  }
0x17a: {  	v3 =	vadd.f32 v4, v3;
	v4 =	vadd.s32 $0x650, v0  }
0x17b: {  	v5 =	vld.idx.msk [tilespmem:v5+s25+$0x0], $0xffff  }
0x17c: {  	v3 =	vadd.f32 v7, v3;
	v7 =	vadd.s32 $0x651, v0  }
0x17d: {  	v9 =	vadd.s32 $0x652, v0;
	v6 =	vld.idx.msk [tilespmem:v6+s25+$0x0], $0xffff  }
0x17e: {  	v3 =	vadd.f32 v8, v3;
	v8 =	vadd.s32 $0x653, v0  }
0x17f: {  	v4 =	vld.idx.msk [tilespmem:v4+s25+$0x0], $0xffff  }
0x180: {  	v3 =	vadd.f32 v5, v3  }
0x181: {  	v5 =	vld.idx.msk [tilespmem:v7+s25+$0x0], $0xffff  }
0x182: {  	v3 =	vadd.f32 v6, v3;
	v6 =	vld.idx.msk [tilespmem:v9+s25+$0x0], $0xffff  }
0x183: {  	v7 =	vld.idx.msk [tilespmem:v8+s25+$0x0], $0xffff  }
0x184: {  	v8 =	vld [tilespmem:$0x460];
	v3 =	vadd.f32 v4, v3  }
0x185: {  	v4 =	vld [tilespmem:$0x860]  }
0x186: {  	v3 =	vadd.f32 v5, v3  }
0x187: {  	v5 =	vld [tilespmem:$0x660]  }
0x188: {  	v3 =	vadd.f32 v6, v3  }
0x189: {  	v6 =	vld [tilespmem:$0x5A60]  }
0x18a: {  	v4 =	vmul.f32 v4, v1;
	v3 =	vadd.f32 v7, v3  }
0x18b: {  	v7 =	vld [tilespmem:$0x5C60]  }
0x18c: {  	[tilespmem:$0x5FD0] =	vst v3;
	v3 =	vadd.f32 v4, v2;
	v4 =	vadd.s32 $0x780, v0  }
0x18d: {  	v8 =	vld.idx.msk [tilespmem:v8+s20+$0x0], $0xffff  }
0x18e: {  	v3 =	vadd.f32 v3, v6;
	v6 =	vadd.s32 $0x781, v0  }
0x18f: {  	v5 =	vld.idx.msk [tilespmem:v5+s21+$0x0], $0xffff  }
0x190: {  	v3 =	vadd.f32 v3, v7;
	v7 =	vadd.s32 $0x782, v0  }
0x191: {  	v4 =	vld.idx.msk [tilespmem:v4+s25+$0x0], $0xffff  }
0x192: {  	v3 =	vadd.f32 v8, v3;
	v8 =	vadd.s32 $0x783, v0  }
0x193: {  	v6 =	vld.idx.msk [tilespmem:v6+s25+$0x0], $0xffff  }
0x194: {  	v3 =	vadd.f32 v5, v3;
	v5 =	vadd.s32 $0x784, v0  }
0x195: {  	v7 =	vld.idx.msk [tilespmem:v7+s25+$0x0], $0xffff  }
0x196: {  	v3 =	vadd.f32 v4, v3;
	v4 =	vadd.s32 $0x785, v0  }
0x197: {  	v8 =	vld.idx.msk [tilespmem:v8+s25+$0x0], $0xffff  }
0x198: {  	v3 =	vadd.f32 v6, v3;
	v6 =	vadd.s32 $0x786, v0  }
0x199: {  	v5 =	vld.idx.msk [tilespmem:v5+s25+$0x0], $0xffff  }
0x19a: {  	v3 =	vadd.f32 v7, v3;
	v7 =	vadd.s32 $0x787, v0  }
0x19b: {  	v4 =	vld.idx.msk [tilespmem:v4+s25+$0x0], $0xffff  }
0x19c: {  	v3 =	vadd.f32 v8, v3;
	v8 =	vadd.s32 $0x788, v0  }
0x19d: {  	v6 =	vld.idx.msk [tilespmem:v6+s25+$0x0], $0xffff  }
0x19e: {  	v3 =	vadd.f32 v5, v3;
	v5 =	vadd.s32 $0x789, v0  }
0x19f: {  	v7 =	vld.idx.msk [tilespmem:v7+s25+$0x0], $0xffff  }
0x1a0: {  	v3 =	vadd.f32 v4, v3;
	v4 =	vadd.s32 $0x78A, v0  }
0x1a1: {  	v8 =	vld.idx.msk [tilespmem:v8+s25+$0x0], $0xffff  }
0x1a2: {  	v3 =	vadd.f32 v6, v3;
	v6 =	vadd.s32 $0x78B, v0  }
0x1a3: {  	v5 =	vld.idx.msk [tilespmem:v5+s25+$0x0], $0xffff  }
0x1a4: {  	v3 =	vadd.f32 v7, v3;
	v7 =	vadd.s32 $0x78C, v0  }
0x1a5: {  	v4 =	vld.idx.msk [tilespmem:v4+s25+$0x0], $0xffff  }
0x1a6: {  	v3 =	vadd.f32 v8, v3;
	v8 =	vadd.s32 $0x78D, v0  }
0x1a7: {  	v6 =	vld.idx.msk [tilespmem:v6+s25+$0x0], $0xffff  }
0x1a8: {  	v3 =	vadd.f32 v5, v3;
	v5 =	vadd.s32 $0x78E, v0  }
0x1a9: {  	v7 =	vld.idx.msk [tilespmem:v7+s25+$0x0], $0xffff  }
0x1aa: {  	v3 =	vadd.f32 v4, v3;
	v4 =	vadd.s32 $0x78F, v0  }
0x1ab: {  	v8 =	vld.idx.msk [tilespmem:v8+s25+$0x0], $0xffff  }
0x1ac: {  	v3 =	vadd.f32 v6, v3;
	v6 =	vadd.s32 $0x790, v0  }
0x1ad: {  	v5 =	vld.idx.msk [tilespmem:v5+s25+$0x0], $0xffff  }
0x1ae: {  	v3 =	vadd.f32 v7, v3;
	v7 =	vadd.s32 $0x791, v0  }
0x1af: {  	v9 =	vadd.s32 $0x792, v0;
	v4 =	vld.idx.msk [tilespmem:v4+s25+$0x0], $0xffff  }
0x1b0: {  	v3 =	vadd.f32 v8, v3;
	v8 =	vadd.s32 $0x793, v0  }
0x1b1: {  	v6 =	vld.idx.msk [tilespmem:v6+s25+$0x0], $0xffff  }
0x1b2: {  	v3 =	vadd.f32 v5, v3  }
0x1b3: {  	v5 =	vld.idx.msk [tilespmem:v7+s25+$0x0], $0xffff  }
0x1b4: {  	v3 =	vadd.f32 v4, v3;
	v4 =	vld.idx.msk [tilespmem:v9+s25+$0x0], $0xffff  }
0x1b5: {  	v7 =	vld.idx.msk [tilespmem:v8+s25+$0x0], $0xffff  }
0x1b6: {  	v8 =	vld [tilespmem:$0x470];
	v3 =	vadd.f32 v6, v3  }
0x1b7: {  	v6 =	vld [tilespmem:$0x870]  }
0x1b8: {  	v3 =	vadd.f32 v5, v3  }
0x1b9: {  	v5 =	vld [tilespmem:$0x670]  }
0x1ba: {  	v3 =	vadd.f32 v4, v3  }
0x1bb: {  	v4 =	vld [tilespmem:$0x5A70]  }
0x1bc: {  	v6 =	vmul.f32 v6, v1;
	v3 =	vadd.f32 v7, v3  }
0x1bd: {  	v7 =	vld [tilespmem:$0x5C70]  }
0x1be: {  	[tilespmem:$0x5FE0] =	vst v3;
	v3 =	vadd.f32 v6, v2;
	v6 =	vadd.s32 $0x8C0, v0  }
0x1bf: {  	v8 =	vld.idx.msk [tilespmem:v8+s20+$0x0], $0xffff  }
0x1c0: {  	v3 =	vadd.f32 v3, v4;
	v4 =	vadd.s32 $0x8C1, v0  }
0x1c1: {  	v5 =	vld.idx.msk [tilespmem:v5+s21+$0x0], $0xffff  }
0x1c2: {  	v3 =	vadd.f32 v3, v7;
	v7 =	vadd.s32 $0x8C2, v0  }
0x1c3: {  	v6 =	vld.idx.msk [tilespmem:v6+s25+$0x0], $0xffff  }
0x1c4: {  	v3 =	vadd.f32 v8, v3;
	v8 =	vadd.s32 $0x8C3, v0  }
0x1c5: {  	v4 =	vld.idx.msk [tilespmem:v4+s25+$0x0], $0xffff  }
0x1c6: {  	v3 =	vadd.f32 v5, v3;
	v5 =	vadd.s32 $0x8C4, v0  }
0x1c7: {  	v7 =	vld.idx.msk [tilespmem:v7+s25+$0x0], $0xffff  }
0x1c8: {  	v3 =	vadd.f32 v6, v3;
	v6 =	vadd.s32 $0x8C5, v0  }
0x1c9: {  	v8 =	vld.idx.msk [tilespmem:v8+s25+$0x0], $0xffff  }
0x1ca: {  	v3 =	vadd.f32 v4, v3;
	v4 =	vadd.s32 $0x8C6, v0  }
0x1cb: {  	v5 =	vld.idx.msk [tilespmem:v5+s25+$0x0], $0xffff  }
0x1cc: {  	v3 =	vadd.f32 v7, v3;
	v7 =	vadd.s32 $0x8C7, v0  }
0x1cd: {  	v6 =	vld.idx.msk [tilespmem:v6+s25+$0x0], $0xffff  }
0x1ce: {  	v3 =	vadd.f32 v8, v3;
	v8 =	vadd.s32 $0x8C8, v0  }
0x1cf: {  	v4 =	vld.idx.msk [tilespmem:v4+s25+$0x0], $0xffff  }
0x1d0: {  	v3 =	vadd.f32 v5, v3;
	v5 =	vadd.s32 $0x8C9, v0  }
0x1d1: {  	v7 =	vld.idx.msk [tilespmem:v7+s25+$0x0], $0xffff  }
0x1d2: {  	v3 =	vadd.f32 v6, v3;
	v6 =	vadd.s32 $0x8CA, v0  }
0x1d3: {  	v8 =	vld.idx.msk [tilespmem:v8+s25+$0x0], $0xffff  }
0x1d4: {  	v3 =	vadd.f32 v4, v3;
	v4 =	vadd.s32 $0x8CB, v0  }
0x1d5: {  	v5 =	vld.idx.msk [tilespmem:v5+s25+$0x0], $0xffff  }
0x1d6: {  	v3 =	vadd.f32 v7, v3;
	v7 =	vadd.s32 $0x8CC, v0  }
0x1d7: {  	v6 =	vld.idx.msk [tilespmem:v6+s25+$0x0], $0xffff  }
0x1d8: {  	v3 =	vadd.f32 v8, v3;
	v8 =	vadd.s32 $0x8CD, v0  }
0x1d9: {  	v4 =	vld.idx.msk [tilespmem:v4+s25+$0x0], $0xffff  }
0x1da: {  	v3 =	vadd.f32 v5, v3;
	v5 =	vadd.s32 $0x8CE, v0  }
0x1db: {  	v7 =	vld.idx.msk [tilespmem:v7+s25+$0x0], $0xffff  }
0x1dc: {  	v3 =	vadd.f32 v6, v3;
	v6 =	vadd.s32 $0x8CF, v0  }
0x1dd: {  	v8 =	vld.idx.msk [tilespmem:v8+s25+$0x0], $0xffff  }
0x1de: {  	v3 =	vadd.f32 v4, v3;
	v4 =	vadd.s32 $0x8D0, v0  }
0x1df: {  	v5 =	vld.idx.msk [tilespmem:v5+s25+$0x0], $0xffff  }
0x1e0: {  	v3 =	vadd.f32 v7, v3;
	v7 =	vadd.s32 $0x8D1, v0  }
0x1e1: {  	v9 =	vadd.s32 $0x8D2, v0;
	v6 =	vld.idx.msk [tilespmem:v6+s25+$0x0], $0xffff  }
0x1e2: {  	v3 =	vadd.f32 v8, v3;
	v8 =	vadd.s32 $0x8D3, v0  }
0x1e3: {  	v4 =	vld.idx.msk [tilespmem:v4+s25+$0x0], $0xffff  }
0x1e4: {  	v3 =	vadd.f32 v5, v3  }
0x1e5: {  	v5 =	vld.idx.msk [tilespmem:v7+s25+$0x0], $0xffff  }
0x1e6: {  	v3 =	vadd.f32 v6, v3;
	v6 =	vld.idx.msk [tilespmem:v9+s25+$0x0], $0xffff  }
0x1e7: {  	v7 =	vld.idx.msk [tilespmem:v8+s25+$0x0], $0xffff  }
0x1e8: {  	v8 =	vld [tilespmem:$0x480];
	v3 =	vadd.f32 v4, v3  }
0x1e9: {  	v4 =	vld [tilespmem:$0x880]  }
0x1ea: {  	v3 =	vadd.f32 v5, v3  }
0x1eb: {  	v5 =	vld [tilespmem:$0x680]  }
0x1ec: {  	v3 =	vadd.f32 v6, v3  }
0x1ed: {  	v6 =	vld [tilespmem:$0x5A80]  }
0x1ee: {  	v4 =	vmul.f32 v4, v1;
	v3 =	vadd.f32 v7, v3  }
0x1ef: {  	v7 =	vld [tilespmem:$0x5C80]  }
0x1f0: {  	[tilespmem:$0x5FF0] =	vst v3;
	v3 =	vadd.f32 v4, v2;
	v4 =	vor.u32 $0xA00, v0  }
0x1f1: {  	v8 =	vld.idx.msk [tilespmem:v8+s20+$0x0], $0xffff  }
0x1f2: {  	v3 =	vadd.f32 v3, v6;
	v6 =	vor.u32 $0xA01, v0  }
0x1f3: {  	v5 =	vld.idx.msk [tilespmem:v5+s21+$0x0], $0xffff  }
0x1f4: {  	v3 =	vadd.f32 v3, v7;
	v7 =	vor.u32 $0xA02, v0  }
0x1f5: {  	v4 =	vld.idx.msk [tilespmem:v4+s25+$0x0], $0xffff  }
0x1f6: {  	v3 =	vadd.f32 v8, v3;
	v8 =	vor.u32 $0xA03, v0  }
0x1f7: {  	v6 =	vld.idx.msk [tilespmem:v6+s25+$0x0], $0xffff  }
0x1f8: {  	v3 =	vadd.f32 v5, v3;
	v5 =	vadd.s32 $0xA04, v0  }
0x1f9: {  	v7 =	vld.idx.msk [tilespmem:v7+s25+$0x0], $0xffff  }
0x1fa: {  	v3 =	vadd.f32 v4, v3;
	v4 =	vadd.s32 $0xA05, v0  }
0x1fb: {  	v8 =	vld.idx.msk [tilespmem:v8+s25+$0x0], $0xffff  }
0x1fc: {  	v3 =	vadd.f32 v6, v3;
	v6 =	vadd.s32 $0xA06, v0  }
0x1fd: {  	v5 =	vld.idx.msk [tilespmem:v5+s25+$0x0], $0xffff  }
0x1fe: {  	v3 =	vadd.f32 v7, v3;
	v7 =	vadd.s32 $0xA07, v0  }
0x1ff: {  	v4 =	vld.idx.msk [tilespmem:v4+s25+$0x0], $0xffff  }
0x200: {  	v3 =	vadd.f32 v8, v3;
	v8 =	vadd.s32 $0xA08, v0  }
0x201: {  	v6 =	vld.idx.msk [tilespmem:v6+s25+$0x0], $0xffff  }
0x202: {  	v3 =	vadd.f32 v5, v3;
	v5 =	vadd.s32 $0xA09, v0  }
0x203: {  	v7 =	vld.idx.msk [tilespmem:v7+s25+$0x0], $0xffff  }
0x204: {  	v3 =	vadd.f32 v4, v3;
	v4 =	vadd.s32 $0xA0A, v0  }
0x205: {  	v8 =	vld.idx.msk [tilespmem:v8+s25+$0x0], $0xffff  }
0x206: {  	v3 =	vadd.f32 v6, v3;
	v6 =	vadd.s32 $0xA0B, v0  }
0x207: {  	v5 =	vld.idx.msk [tilespmem:v5+s25+$0x0], $0xffff  }
0x208: {  	v3 =	vadd.f32 v7, v3;
	v7 =	vadd.s32 $0xA0C, v0  }
0x209: {  	v4 =	vld.idx.msk [tilespmem:v4+s25+$0x0], $0xffff  }
0x20a: {  	v3 =	vadd.f32 v8, v3;
	v8 =	vadd.s32 $0xA0D, v0  }
0x20b: {  	v6 =	vld.idx.msk [tilespmem:v6+s25+$0x0], $0xffff  }
0x20c: {  	v3 =	vadd.f32 v5, v3;
	v5 =	vadd.s32 $0xA0E, v0  }
0x20d: {  	v7 =	vld.idx.msk [tilespmem:v7+s25+$0x0], $0xffff  }
0x20e: {  	v3 =	vadd.f32 v4, v3;
	v4 =	vadd.s32 $0xA0F, v0  }
0x20f: {  	v8 =	vld.idx.msk [tilespmem:v8+s25+$0x0], $0xffff  }
0x210: {  	v3 =	vadd.f32 v6, v3;
	v6 =	vadd.s32 $0xA10, v0  }
0x211: {  	v5 =	vld.idx.msk [tilespmem:v5+s25+$0x0], $0xffff  }
0x212: {  	v3 =	vadd.f32 v7, v3;
	v7 =	vadd.s32 $0xA11, v0  }
0x213: {  	v9 =	vadd.s32 $0xA12, v0;
	v4 =	vld.idx.msk [tilespmem:v4+s25+$0x0], $0xffff  }
0x214: {  	v3 =	vadd.f32 v8, v3;
	v8 =	vadd.s32 $0xA13, v0  }
0x215: {  	v6 =	vld.idx.msk [tilespmem:v6+s25+$0x0], $0xffff  }
0x216: {  	v3 =	vadd.f32 v5, v3  }
0x217: {  	v5 =	vld.idx.msk [tilespmem:v7+s25+$0x0], $0xffff  }
0x218: {  	v3 =	vadd.f32 v4, v3;
	v4 =	vld.idx.msk [tilespmem:v9+s25+$0x0], $0xffff  }
0x219: {  	v7 =	vld.idx.msk [tilespmem:v8+s25+$0x0], $0xffff  }
0x21a: {  	v8 =	vld [tilespmem:$0x490];
	v3 =	vadd.f32 v6, v3  }
0x21b: {  	v6 =	vld [tilespmem:$0x890]  }
0x21c: {  	v3 =	vadd.f32 v5, v3  }
0x21d: {  	v5 =	vld [tilespmem:$0x690]  }
0x21e: {  	v3 =	vadd.f32 v4, v3  }
0x21f: {  	v4 =	vld [tilespmem:$0x5A90]  }
0x220: {  	v6 =	vmul.f32 v6, v1;
	v3 =	vadd.f32 v7, v3  }
0x221: {  	v7 =	vld [tilespmem:$0x5C90]  }
0x222: {  	[tilespmem:$0x6000] =	vst v3;
	v3 =	vadd.f32 v6, v2;
	v6 =	vadd.s32 $0xB40, v0  }
0x223: {  	v8 =	vld.idx.msk [tilespmem:v8+s20+$0x0], $0xffff  }
0x224: {  	v3 =	vadd.f32 v3, v4;
	v4 =	vadd.s32 $0xB41, v0  }
0x225: {  	v5 =	vld.idx.msk [tilespmem:v5+s21+$0x0], $0xffff  }
0x226: {  	v3 =	vadd.f32 v3, v7;
	v7 =	vadd.s32 $0xB42, v0  }
0x227: {  	v6 =	vld.idx.msk [tilespmem:v6+s25+$0x0], $0xffff  }
0x228: {  	v3 =	vadd.f32 v8, v3;
	v8 =	vadd.s32 $0xB43, v0  }
0x229: {  	v4 =	vld.idx.msk [tilespmem:v4+s25+$0x0], $0xffff  }
0x22a: {  	v3 =	vadd.f32 v5, v3;
	v5 =	vadd.s32 $0xB44, v0  }
0x22b: {  	v7 =	vld.idx.msk [tilespmem:v7+s25+$0x0], $0xffff  }
0x22c: {  	v3 =	vadd.f32 v6, v3;
	v6 =	vadd.s32 $0xB45, v0  }
0x22d: {  	v8 =	vld.idx.msk [tilespmem:v8+s25+$0x0], $0xffff  }
0x22e: {  	v3 =	vadd.f32 v4, v3;
	v4 =	vadd.s32 $0xB46, v0  }
0x22f: {  	v5 =	vld.idx.msk [tilespmem:v5+s25+$0x0], $0xffff  }
0x230: {  	v3 =	vadd.f32 v7, v3;
	v7 =	vadd.s32 $0xB47, v0  }
0x231: {  	v6 =	vld.idx.msk [tilespmem:v6+s25+$0x0], $0xffff  }
0x232: {  	v3 =	vadd.f32 v8, v3;
	v8 =	vadd.s32 $0xB48, v0  }
0x233: {  	v4 =	vld.idx.msk [tilespmem:v4+s25+$0x0], $0xffff  }
0x234: {  	v3 =	vadd.f32 v5, v3;
	v5 =	vadd.s32 $0xB49, v0  }
0x235: {  	v7 =	vld.idx.msk [tilespmem:v7+s25+$0x0], $0xffff  }
0x236: {  	v3 =	vadd.f32 v6, v3;
	v6 =	vadd.s32 $0xB4A, v0  }
0x237: {  	v8 =	vld.idx.msk [tilespmem:v8+s25+$0x0], $0xffff  }
0x238: {  	v3 =	vadd.f32 v4, v3;
	v4 =	vadd.s32 $0xB4B, v0  }
0x239: {  	v5 =	vld.idx.msk [tilespmem:v5+s25+$0x0], $0xffff  }
0x23a: {  	v3 =	vadd.f32 v7, v3;
	v7 =	vadd.s32 $0xB4C, v0  }
0x23b: {  	v6 =	vld.idx.msk [tilespmem:v6+s25+$0x0], $0xffff  }
0x23c: {  	v3 =	vadd.f32 v8, v3;
	v8 =	vadd.s32 $0xB4D, v0  }
0x23d: {  	v4 =	vld.idx.msk [tilespmem:v4+s25+$0x0], $0xffff  }
0x23e: {  	v3 =	vadd.f32 v5, v3;
	v5 =	vadd.s32 $0xB4E, v0  }
0x23f: {  	v7 =	vld.idx.msk [tilespmem:v7+s25+$0x0], $0xffff  }
0x240: {  	v3 =	vadd.f32 v6, v3;
	v6 =	vadd.s32 $0xB4F, v0  }
0x241: {  	v8 =	vld.idx.msk [tilespmem:v8+s25+$0x0], $0xffff  }
0x242: {  	v3 =	vadd.f32 v4, v3;
	v4 =	vadd.s32 $0xB50, v0  }
0x243: {  	v5 =	vld.idx.msk [tilespmem:v5+s25+$0x0], $0xffff  }
0x244: {  	v3 =	vadd.f32 v7, v3;
	v7 =	vadd.s32 $0xB51, v0  }
0x245: {  	v9 =	vadd.s32 $0xB52, v0;
	v6 =	vld.idx.msk [tilespmem:v6+s25+$0x0], $0xffff  }
0x246: {  	v3 =	vadd.f32 v8, v3;
	v8 =	vadd.s32 $0xB53, v0  }
0x247: {  	v4 =	vld.idx.msk [tilespmem:v4+s25+$0x0], $0xffff  }
0x248: {  	v3 =	vadd.f32 v5, v3  }
0x249: {  	v5 =	vld.idx.msk [tilespmem:v7+s25+$0x0], $0xffff  }
0x24a: {  	v3 =	vadd.f32 v6, v3;
	v6 =	vld.idx.msk [tilespmem:v9+s25+$0x0], $0xffff  }
0x24b: {  	v7 =	vld.idx.msk [tilespmem:v8+s25+$0x0], $0xffff  }
0x24c: {  	v8 =	vld [tilespmem:$0x4A0];
	v3 =	vadd.f32 v4, v3  }
0x24d: {  	v4 =	vld [tilespmem:$0x8A0]  }
0x24e: {  	v3 =	vadd.f32 v5, v3  }
0x24f: {  	v5 =	vld [tilespmem:$0x6A0]  }
0x250: {  	v3 =	vadd.f32 v6, v3  }
0x251: {  	v6 =	vld [tilespmem:$0x5AA0]  }
0x252: {  	v4 =	vmul.f32 v4, v1;
	v3 =	vadd.f32 v7, v3  }
0x253: {  	v7 =	vld [tilespmem:$0x5CA0]  }
0x254: {  	[tilespmem:$0x6010] =	vst v3;
	v3 =	vadd.f32 v4, v2;
	v4 =	vadd.s32 $0xC80, v0  }
0x255: {  	v8 =	vld.idx.msk [tilespmem:v8+s20+$0x0], $0xffff  }
0x256: {  	v3 =	vadd.f32 v3, v6;
	v6 =	vadd.s32 $0xC81, v0  }
0x257: {  	v5 =	vld.idx.msk [tilespmem:v5+s21+$0x0], $0xffff  }
0x258: {  	v3 =	vadd.f32 v3, v7;
	v7 =	vadd.s32 $0xC82, v0  }
0x259: {  	v4 =	vld.idx.msk [tilespmem:v4+s25+$0x0], $0xffff  }
0x25a: {  	v3 =	vadd.f32 v8, v3;
	v8 =	vadd.s32 $0xC83, v0  }
0x25b: {  	v6 =	vld.idx.msk [tilespmem:v6+s25+$0x0], $0xffff  }
0x25c: {  	v3 =	vadd.f32 v5, v3;
	v5 =	vadd.s32 $0xC84, v0  }
0x25d: {  	v7 =	vld.idx.msk [tilespmem:v7+s25+$0x0], $0xffff  }
0x25e: {  	v3 =	vadd.f32 v4, v3;
	v4 =	vadd.s32 $0xC85, v0  }
0x25f: {  	v8 =	vld.idx.msk [tilespmem:v8+s25+$0x0], $0xffff  }
0x260: {  	v3 =	vadd.f32 v6, v3;
	v6 =	vadd.s32 $0xC86, v0  }
0x261: {  	v5 =	vld.idx.msk [tilespmem:v5+s25+$0x0], $0xffff  }
0x262: {  	v3 =	vadd.f32 v7, v3;
	v7 =	vadd.s32 $0xC87, v0  }
0x263: {  	v4 =	vld.idx.msk [tilespmem:v4+s25+$0x0], $0xffff  }
0x264: {  	v3 =	vadd.f32 v8, v3;
	v8 =	vadd.s32 $0xC88, v0  }
0x265: {  	v6 =	vld.idx.msk [tilespmem:v6+s25+$0x0], $0xffff  }
0x266: {  	v3 =	vadd.f32 v5, v3;
	v5 =	vadd.s32 $0xC89, v0  }
0x267: {  	v7 =	vld.idx.msk [tilespmem:v7+s25+$0x0], $0xffff  }
0x268: {  	v3 =	vadd.f32 v4, v3;
	v4 =	vadd.s32 $0xC8A, v0  }
0x269: {  	v8 =	vld.idx.msk [tilespmem:v8+s25+$0x0], $0xffff  }
0x26a: {  	v3 =	vadd.f32 v6, v3;
	v6 =	vadd.s32 $0xC8B, v0  }
0x26b: {  	v5 =	vld.idx.msk [tilespmem:v5+s25+$0x0], $0xffff  }
0x26c: {  	v3 =	vadd.f32 v7, v3;
	v7 =	vadd.s32 $0xC8C, v0  }
0x26d: {  	v4 =	vld.idx.msk [tilespmem:v4+s25+$0x0], $0xffff  }
0x26e: {  	v3 =	vadd.f32 v8, v3;
	v8 =	vadd.s32 $0xC8D, v0  }
0x26f: {  	v6 =	vld.idx.msk [tilespmem:v6+s25+$0x0], $0xffff  }
0x270: {  	v3 =	vadd.f32 v5, v3;
	v5 =	vadd.s32 $0xC8E, v0  }
0x271: {  	v7 =	vld.idx.msk [tilespmem:v7+s25+$0x0], $0xffff  }
0x272: {  	v3 =	vadd.f32 v4, v3;
	v4 =	vadd.s32 $0xC8F, v0  }
0x273: {  	v8 =	vld.idx.msk [tilespmem:v8+s25+$0x0], $0xffff  }
0x274: {  	v3 =	vadd.f32 v6, v3;
	v6 =	vadd.s32 $0xC90, v0  }
0x275: {  	v5 =	vld.idx.msk [tilespmem:v5+s25+$0x0], $0xffff  }
0x276: {  	v3 =	vadd.f32 v7, v3;
	v7 =	vadd.s32 $0xC91, v0  }
0x277: {  	v9 =	vadd.s32 $0xC92, v0;
	v4 =	vld.idx.msk [tilespmem:v4+s25+$0x0], $0xffff  }
0x278: {  	v3 =	vadd.f32 v8, v3;
	v8 =	vadd.s32 $0xC93, v0  }
0x279: {  	v6 =	vld.idx.msk [tilespmem:v6+s25+$0x0], $0xffff  }
0x27a: {  	v3 =	vadd.f32 v5, v3  }
0x27b: {  	v5 =	vld.idx.msk [tilespmem:v7+s25+$0x0], $0xffff  }
0x27c: {  	v3 =	vadd.f32 v4, v3;
	v4 =	vld.idx.msk [tilespmem:v9+s25+$0x0], $0xffff  }
0x27d: {  	v7 =	vld.idx.msk [tilespmem:v8+s25+$0x0], $0xffff  }
0x27e: {  	v8 =	vld [tilespmem:$0x4B0];
	v3 =	vadd.f32 v6, v3  }
0x27f: {  	v6 =	vld [tilespmem:$0x8B0]  }
0x280: {  	v3 =	vadd.f32 v5, v3  }
0x281: {  	v5 =	vld [tilespmem:$0x6B0]  }
0x282: {  	v3 =	vadd.f32 v4, v3  }
0x283: {  	v4 =	vld [tilespmem:$0x5AB0]  }
0x284: {  	v6 =	vmul.f32 v6, v1;
	v3 =	vadd.f32 v7, v3  }
0x285: {  	v7 =	vld [tilespmem:$0x5CB0]  }
0x286: {  	[tilespmem:$0x6020] =	vst v3;
	v3 =	vadd.f32 v6, v2;
	v6 =	vadd.s32 $0xDC0, v0  }
0x287: {  	v8 =	vld.idx.msk [tilespmem:v8+s20+$0x0], $0xffff  }
0x288: {  	v3 =	vadd.f32 v3, v4;
	v4 =	vadd.s32 $0xDC1, v0  }
0x289: {  	v5 =	vld.idx.msk [tilespmem:v5+s21+$0x0], $0xffff  }
0x28a: {  	v3 =	vadd.f32 v3, v7;
	v7 =	vadd.s32 $0xDC2, v0  }
0x28b: {  	v6 =	vld.idx.msk [tilespmem:v6+s25+$0x0], $0xffff  }
0x28c: {  	v3 =	vadd.f32 v8, v3;
	v8 =	vadd.s32 $0xDC3, v0  }
0x28d: {  	v4 =	vld.idx.msk [tilespmem:v4+s25+$0x0], $0xffff  }
0x28e: {  	v3 =	vadd.f32 v5, v3;
	v5 =	vadd.s32 $0xDC4, v0  }
0x28f: {  	v7 =	vld.idx.msk [tilespmem:v7+s25+$0x0], $0xffff  }
0x290: {  	v3 =	vadd.f32 v6, v3;
	v6 =	vadd.s32 $0xDC5, v0  }
0x291: {  	v8 =	vld.idx.msk [tilespmem:v8+s25+$0x0], $0xffff  }
0x292: {  	v3 =	vadd.f32 v4, v3;
	v4 =	vadd.s32 $0xDC6, v0  }
0x293: {  	v5 =	vld.idx.msk [tilespmem:v5+s25+$0x0], $0xffff  }
0x294: {  	v3 =	vadd.f32 v7, v3;
	v7 =	vadd.s32 $0xDC7, v0  }
0x295: {  	v6 =	vld.idx.msk [tilespmem:v6+s25+$0x0], $0xffff  }
0x296: {  	v3 =	vadd.f32 v8, v3;
	v8 =	vadd.s32 $0xDC8, v0  }
0x297: {  	v4 =	vld.idx.msk [tilespmem:v4+s25+$0x0], $0xffff  }
0x298: {  	v3 =	vadd.f32 v5, v3;
	v5 =	vadd.s32 $0xDC9, v0  }
0x299: {  	v7 =	vld.idx.msk [tilespmem:v7+s25+$0x0], $0xffff  }
0x29a: {  	v3 =	vadd.f32 v6, v3;
	v6 =	vadd.s32 $0xDCA, v0  }
0x29b: {  	v8 =	vld.idx.msk [tilespmem:v8+s25+$0x0], $0xffff  }
0x29c: {  	v3 =	vadd.f32 v4, v3;
	v4 =	vadd.s32 $0xDCB, v0  }
0x29d: {  	v5 =	vld.idx.msk [tilespmem:v5+s25+$0x0], $0xffff  }
0x29e: {  	v3 =	vadd.f32 v7, v3;
	v7 =	vadd.s32 $0xDCC, v0  }
0x29f: {  	v6 =	vld.idx.msk [tilespmem:v6+s25+$0x0], $0xffff  }
0x2a0: {  	v3 =	vadd.f32 v8, v3;
	v8 =	vadd.s32 $0xDCD, v0  }
0x2a1: {  	v4 =	vld.idx.msk [tilespmem:v4+s25+$0x0], $0xffff  }
0x2a2: {  	v3 =	vadd.f32 v5, v3;
	v5 =	vadd.s32 $0xDCE, v0  }
0x2a3: {  	v7 =	vld.idx.msk [tilespmem:v7+s25+$0x0], $0xffff  }
0x2a4: {  	v3 =	vadd.f32 v6, v3;
	v6 =	vadd.s32 $0xDCF, v0  }
0x2a5: {  	v8 =	vld.idx.msk [tilespmem:v8+s25+$0x0], $0xffff  }
0x2a6: {  	v3 =	vadd.f32 v4, v3;
	v4 =	vadd.s32 $0xDD0, v0  }
0x2a7: {  	v5 =	vld.idx.msk [tilespmem:v5+s25+$0x0], $0xffff  }
0x2a8: {  	v3 =	vadd.f32 v7, v3;
	v7 =	vadd.s32 $0xDD1, v0  }
0x2a9: {  	v9 =	vadd.s32 $0xDD2, v0;
	v6 =	vld.idx.msk [tilespmem:v6+s25+$0x0], $0xffff  }
0x2aa: {  	v3 =	vadd.f32 v8, v3;
	v8 =	vadd.s32 $0xDD3, v0  }
0x2ab: {  	v4 =	vld.idx.msk [tilespmem:v4+s25+$0x0], $0xffff  }
0x2ac: {  	v3 =	vadd.f32 v5, v3  }
0x2ad: {  	v5 =	vld.idx.msk [tilespmem:v7+s25+$0x0], $0xffff  }
0x2ae: {  	v3 =	vadd.f32 v6, v3;
	v6 =	vld.idx.msk [tilespmem:v9+s25+$0x0], $0xffff  }
0x2af: {  	v7 =	vld.idx.msk [tilespmem:v8+s25+$0x0], $0xffff  }
0x2b0: {  	v8 =	vld [tilespmem:$0x4C0];
	v3 =	vadd.f32 v4, v3  }
0x2b1: {  	v4 =	vld [tilespmem:$0x8C0]  }
0x2b2: {  	v3 =	vadd.f32 v5, v3  }
0x2b3: {  	v5 =	vld [tilespmem:$0x6C0]  }
0x2b4: {  	v3 =	vadd.f32 v6, v3  }
0x2b5: {  	v6 =	vld [tilespmem:$0x5AC0]  }
0x2b6: {  	v4 =	vmul.f32 v4, v1;
	v3 =	vadd.f32 v7, v3  }
0x2b7: {  	v7 =	vld [tilespmem:$0x5CC0]  }
0x2b8: {  	[tilespmem:$0x6030] =	vst v3;
	v3 =	vadd.f32 v4, v2;
	v4 =	vadd.s32 $0xF00, v0  }
0x2b9: {  	v8 =	vld.idx.msk [tilespmem:v8+s20+$0x0], $0xffff  }
0x2ba: {  	v3 =	vadd.f32 v3, v6;
	v6 =	vadd.s32 $0xF01, v0  }
0x2bb: {  	v5 =	vld.idx.msk [tilespmem:v5+s21+$0x0], $0xffff  }
0x2bc: {  	v3 =	vadd.f32 v3, v7;
	v7 =	vadd.s32 $0xF02, v0  }
0x2bd: {  	v4 =	vld.idx.msk [tilespmem:v4+s25+$0x0], $0xffff  }
0x2be: {  	v3 =	vadd.f32 v8, v3;
	v8 =	vadd.s32 $0xF03, v0  }
0x2bf: {  	v6 =	vld.idx.msk [tilespmem:v6+s25+$0x0], $0xffff  }
0x2c0: {  	v3 =	vadd.f32 v5, v3;
	v5 =	vadd.s32 $0xF04, v0  }
0x2c1: {  	v7 =	vld.idx.msk [tilespmem:v7+s25+$0x0], $0xffff  }
0x2c2: {  	v3 =	vadd.f32 v4, v3;
	v4 =	vadd.s32 $0xF05, v0  }
0x2c3: {  	v8 =	vld.idx.msk [tilespmem:v8+s25+$0x0], $0xffff  }
0x2c4: {  	v3 =	vadd.f32 v6, v3;
	v6 =	vadd.s32 $0xF06, v0  }
0x2c5: {  	v5 =	vld.idx.msk [tilespmem:v5+s25+$0x0], $0xffff  }
0x2c6: {  	v3 =	vadd.f32 v7, v3;
	v7 =	vadd.s32 $0xF07, v0  }
0x2c7: {  	v4 =	vld.idx.msk [tilespmem:v4+s25+$0x0], $0xffff  }
0x2c8: {  	v3 =	vadd.f32 v8, v3;
	v8 =	vadd.s32 $0xF08, v0  }
0x2c9: {  	v6 =	vld.idx.msk [tilespmem:v6+s25+$0x0], $0xffff  }
0x2ca: {  	v3 =	vadd.f32 v5, v3;
	v5 =	vadd.s32 $0xF09, v0  }
0x2cb: {  	v7 =	vld.idx.msk [tilespmem:v7+s25+$0x0], $0xffff  }
0x2cc: {  	v3 =	vadd.f32 v4, v3;
	v4 =	vadd.s32 $0xF0A, v0  }
0x2cd: {  	v8 =	vld.idx.msk [tilespmem:v8+s25+$0x0], $0xffff  }
0x2ce: {  	v3 =	vadd.f32 v6, v3;
	v6 =	vadd.s32 $0xF0B, v0  }
0x2cf: {  	v5 =	vld.idx.msk [tilespmem:v5+s25+$0x0], $0xffff  }
0x2d0: {  	v3 =	vadd.f32 v7, v3;
	v7 =	vadd.s32 $0xF0C, v0  }
0x2d1: {  	v4 =	vld.idx.msk [tilespmem:v4+s25+$0x0], $0xffff  }
0x2d2: {  	v3 =	vadd.f32 v8, v3;
	v8 =	vadd.s32 $0xF0D, v0  }
0x2d3: {  	v6 =	vld.idx.msk [tilespmem:v6+s25+$0x0], $0xffff  }
0x2d4: {  	v3 =	vadd.f32 v5, v3;
	v5 =	vadd.s32 $0xF0E, v0  }
0x2d5: {  	v7 =	vld.idx.msk [tilespmem:v7+s25+$0x0], $0xffff  }
0x2d6: {  	v3 =	vadd.f32 v4, v3;
	v4 =	vadd.s32 $0xF0F, v0  }
0x2d7: {  	v8 =	vld.idx.msk [tilespmem:v8+s25+$0x0], $0xffff  }
0x2d8: {  	v3 =	vadd.f32 v6, v3;
	v6 =	vadd.s32 $0xF10, v0  }
0x2d9: {  	v5 =	vld.idx.msk [tilespmem:v5+s25+$0x0], $0xffff  }
0x2da: {  	v3 =	vadd.f32 v7, v3;
	v7 =	vadd.s32 $0xF11, v0  }
0x2db: {  	v9 =	vadd.s32 $0xF12, v0;
	v4 =	vld.idx.msk [tilespmem:v4+s25+$0x0], $0xffff  }
0x2dc: {  	v3 =	vadd.f32 v8, v3;
	v8 =	vadd.s32 $0xF13, v0  }
0x2dd: {  	v6 =	vld.idx.msk [tilespmem:v6+s25+$0x0], $0xffff  }
0x2de: {  	v3 =	vadd.f32 v5, v3  }
0x2df: {  	v5 =	vld.idx.msk [tilespmem:v7+s25+$0x0], $0xffff  }
0x2e0: {  	v3 =	vadd.f32 v4, v3;
	v4 =	vld.idx.msk [tilespmem:v9+s25+$0x0], $0xffff  }
0x2e1: {  	v7 =	vld.idx.msk [tilespmem:v8+s25+$0x0], $0xffff  }
0x2e2: {  	v8 =	vld [tilespmem:$0x4D0];
	v3 =	vadd.f32 v6, v3  }
0x2e3: {  	v6 =	vld [tilespmem:$0x8D0]  }
0x2e4: {  	v3 =	vadd.f32 v5, v3  }
0x2e5: {  	v5 =	vld [tilespmem:$0x6D0]  }
0x2e6: {  	v3 =	vadd.f32 v4, v3  }
0x2e7: {  	v4 =	vld [tilespmem:$0x5AD0]  }
0x2e8: {  	v6 =	vmul.f32 v6, v1;
	v3 =	vadd.f32 v7, v3  }
0x2e9: {  	v7 =	vld [tilespmem:$0x5CD0]  }
0x2ea: {  	[tilespmem:$0x6040] =	vst v3;
	v3 =	vadd.f32 v6, v2;
	v6 =	vadd.s32 $0x1040, v0  }
0x2eb: {  	v8 =	vld.idx.msk [tilespmem:v8+s20+$0x0], $0xffff  }
0x2ec: {  	v3 =	vadd.f32 v3, v4;
	v4 =	vadd.s32 $0x1041, v0  }
0x2ed: {  	v5 =	vld.idx.msk [tilespmem:v5+s21+$0x0], $0xffff  }
0x2ee: {  	v3 =	vadd.f32 v3, v7;
	v7 =	vadd.s32 $0x1042, v0  }
0x2ef: {  	v6 =	vld.idx.msk [tilespmem:v6+s25+$0x0], $0xffff  }
0x2f0: {  	v3 =	vadd.f32 v8, v3;
	v8 =	vadd.s32 $0x1043, v0  }
0x2f1: {  	v4 =	vld.idx.msk [tilespmem:v4+s25+$0x0], $0xffff  }
0x2f2: {  	v3 =	vadd.f32 v5, v3;
	v5 =	vadd.s32 $0x1044, v0  }
0x2f3: {  	v7 =	vld.idx.msk [tilespmem:v7+s25+$0x0], $0xffff  }
0x2f4: {  	v3 =	vadd.f32 v6, v3;
	v6 =	vadd.s32 $0x1045, v0  }
0x2f5: {  	v8 =	vld.idx.msk [tilespmem:v8+s25+$0x0], $0xffff  }
0x2f6: {  	v3 =	vadd.f32 v4, v3;
	v4 =	vadd.s32 $0x1046, v0  }
0x2f7: {  	v5 =	vld.idx.msk [tilespmem:v5+s25+$0x0], $0xffff  }
0x2f8: {  	v3 =	vadd.f32 v7, v3;
	v7 =	vadd.s32 $0x1047, v0  }
0x2f9: {  	v6 =	vld.idx.msk [tilespmem:v6+s25+$0x0], $0xffff  }
0x2fa: {  	v3 =	vadd.f32 v8, v3;
	v8 =	vadd.s32 $0x1048, v0  }
0x2fb: {  	v4 =	vld.idx.msk [tilespmem:v4+s25+$0x0], $0xffff  }
0x2fc: {  	v3 =	vadd.f32 v5, v3;
	v5 =	vadd.s32 $0x1049, v0  }
0x2fd: {  	v7 =	vld.idx.msk [tilespmem:v7+s25+$0x0], $0xffff  }
0x2fe: {  	v3 =	vadd.f32 v6, v3;
	v6 =	vadd.s32 $0x104A, v0  }
0x2ff: {  	v8 =	vld.idx.msk [tilespmem:v8+s25+$0x0], $0xffff  }
0x300: {  	v3 =	vadd.f32 v4, v3;
	v4 =	vadd.s32 $0x104B, v0  }
0x301: {  	v5 =	vld.idx.msk [tilespmem:v5+s25+$0x0], $0xffff  }
0x302: {  	v3 =	vadd.f32 v7, v3;
	v7 =	vadd.s32 $0x104C, v0  }
0x303: {  	v6 =	vld.idx.msk [tilespmem:v6+s25+$0x0], $0xffff  }
0x304: {  	v3 =	vadd.f32 v8, v3;
	v8 =	vadd.s32 $0x104D, v0  }
0x305: {  	v4 =	vld.idx.msk [tilespmem:v4+s25+$0x0], $0xffff  }
0x306: {  	v3 =	vadd.f32 v5, v3;
	v5 =	vadd.s32 $0x104E, v0  }
0x307: {  	v7 =	vld.idx.msk [tilespmem:v7+s25+$0x0], $0xffff  }
0x308: {  	v3 =	vadd.f32 v6, v3;
	v6 =	vadd.s32 $0x104F, v0  }
0x309: {  	v8 =	vld.idx.msk [tilespmem:v8+s25+$0x0], $0xffff  }
0x30a: {  	v3 =	vadd.f32 v4, v3;
	v4 =	vadd.s32 $0x1050, v0  }
0x30b: {  	v5 =	vld.idx.msk [tilespmem:v5+s25+$0x0], $0xffff  }
0x30c: {  	v3 =	vadd.f32 v7, v3;
	v7 =	vadd.s32 $0x1051, v0  }
0x30d: {  	v9 =	vadd.s32 $0x1052, v0;
	v6 =	vld.idx.msk [tilespmem:v6+s25+$0x0], $0xffff  }
0x30e: {  	v3 =	vadd.f32 v8, v3;
	v8 =	vadd.s32 $0x1053, v0  }
0x30f: {  	v4 =	vld.idx.msk [tilespmem:v4+s25+$0x0], $0xffff  }
0x310: {  	v3 =	vadd.f32 v5, v3  }
0x311: {  	v5 =	vld.idx.msk [tilespmem:v7+s25+$0x0], $0xffff  }
0x312: {  	v3 =	vadd.f32 v6, v3;
	v6 =	vld.idx.msk [tilespmem:v9+s25+$0x0], $0xffff  }
0x313: {  	v7 =	vld.idx.msk [tilespmem:v8+s25+$0x0], $0xffff  }
0x314: {  	v8 =	vld [tilespmem:$0x4E0];
	v3 =	vadd.f32 v4, v3  }
0x315: {  	v4 =	vld [tilespmem:$0x8E0]  }
0x316: {  	v3 =	vadd.f32 v5, v3  }
0x317: {  	v5 =	vld [tilespmem:$0x6E0]  }
0x318: {  	v3 =	vadd.f32 v6, v3  }
0x319: {  	v6 =	vld [tilespmem:$0x5AE0]  }
0x31a: {  	v4 =	vmul.f32 v4, v1;
	v3 =	vadd.f32 v7, v3  }
0x31b: {  	v7 =	vld [tilespmem:$0x5CE0]  }
0x31c: {  	[tilespmem:$0x6050] =	vst v3;
	v3 =	vadd.f32 v4, v2;
	v4 =	vadd.s32 $0x1180, v0  }
0x31d: {  	v8 =	vld.idx.msk [tilespmem:v8+s20+$0x0], $0xffff  }
0x31e: {  	v3 =	vadd.f32 v3, v6;
	v6 =	vadd.s32 $0x1181, v0  }
0x31f: {  	v5 =	vld.idx.msk [tilespmem:v5+s21+$0x0], $0xffff  }
0x320: {  	v3 =	vadd.f32 v3, v7;
	v7 =	vadd.s32 $0x1182, v0  }
0x321: {  	v4 =	vld.idx.msk [tilespmem:v4+s25+$0x0], $0xffff  }
0x322: {  	v3 =	vadd.f32 v8, v3;
	v8 =	vadd.s32 $0x1183, v0  }
0x323: {  	v6 =	vld.idx.msk [tilespmem:v6+s25+$0x0], $0xffff  }
0x324: {  	v3 =	vadd.f32 v5, v3;
	v5 =	vadd.s32 $0x1184, v0  }
0x325: {  	v7 =	vld.idx.msk [tilespmem:v7+s25+$0x0], $0xffff  }
0x326: {  	v3 =	vadd.f32 v4, v3;
	v4 =	vadd.s32 $0x1185, v0  }
0x327: {  	v8 =	vld.idx.msk [tilespmem:v8+s25+$0x0], $0xffff  }
0x328: {  	v3 =	vadd.f32 v6, v3;
	v6 =	vadd.s32 $0x1186, v0  }
0x329: {  	v5 =	vld.idx.msk [tilespmem:v5+s25+$0x0], $0xffff  }
0x32a: {  	v3 =	vadd.f32 v7, v3;
	v7 =	vadd.s32 $0x1187, v0  }
0x32b: {  	v4 =	vld.idx.msk [tilespmem:v4+s25+$0x0], $0xffff  }
0x32c: {  	v3 =	vadd.f32 v8, v3;
	v8 =	vadd.s32 $0x1188, v0  }
0x32d: {  	v6 =	vld.idx.msk [tilespmem:v6+s25+$0x0], $0xffff  }
0x32e: {  	v3 =	vadd.f32 v5, v3;
	v5 =	vadd.s32 $0x1189, v0  }
0x32f: {  	v7 =	vld.idx.msk [tilespmem:v7+s25+$0x0], $0xffff  }
0x330: {  	v3 =	vadd.f32 v4, v3;
	v4 =	vadd.s32 $0x118A, v0  }
0x331: {  	v8 =	vld.idx.msk [tilespmem:v8+s25+$0x0], $0xffff  }
0x332: {  	v3 =	vadd.f32 v6, v3;
	v6 =	vadd.s32 $0x118B, v0  }
0x333: {  	v5 =	vld.idx.msk [tilespmem:v5+s25+$0x0], $0xffff  }
0x334: {  	v3 =	vadd.f32 v7, v3;
	v7 =	vadd.s32 $0x118C, v0  }
0x335: {  	v4 =	vld.idx.msk [tilespmem:v4+s25+$0x0], $0xffff  }
0x336: {  	v3 =	vadd.f32 v8, v3;
	v8 =	vadd.s32 $0x118D, v0  }
0x337: {  	v6 =	vld.idx.msk [tilespmem:v6+s25+$0x0], $0xffff  }
0x338: {  	v3 =	vadd.f32 v5, v3;
	v5 =	vadd.s32 $0x118E, v0  }
0x339: {  	v7 =	vld.idx.msk [tilespmem:v7+s25+$0x0], $0xffff  }
0x33a: {  	v3 =	vadd.f32 v4, v3;
	v4 =	vadd.s32 $0x118F, v0  }
0x33b: {  	v8 =	vld.idx.msk [tilespmem:v8+s25+$0x0], $0xffff  }
0x33c: {  	v3 =	vadd.f32 v6, v3;
	v6 =	vadd.s32 $0x1190, v0  }
0x33d: {  	v5 =	vld.idx.msk [tilespmem:v5+s25+$0x0], $0xffff  }
0x33e: {  	v3 =	vadd.f32 v7, v3;
	v7 =	vadd.s32 $0x1191, v0  }
0x33f: {  	v9 =	vadd.s32 $0x1192, v0;
	v4 =	vld.idx.msk [tilespmem:v4+s25+$0x0], $0xffff  }
0x340: {  	v3 =	vadd.f32 v8, v3;
	v8 =	vadd.s32 $0x1193, v0  }
0x341: {  	v6 =	vld.idx.msk [tilespmem:v6+s25+$0x0], $0xffff  }
0x342: {  	v3 =	vadd.f32 v5, v3  }
0x343: {  	v5 =	vld.idx.msk [tilespmem:v7+s25+$0x0], $0xffff  }
0x344: {  	v3 =	vadd.f32 v4, v3;
	v4 =	vld.idx.msk [tilespmem:v9+s25+$0x0], $0xffff  }
0x345: {  	v7 =	vld.idx.msk [tilespmem:v8+s25+$0x0], $0xffff  }
0x346: {  	v8 =	vld [tilespmem:$0x4F0];
	v3 =	vadd.f32 v6, v3  }
0x347: {  	v6 =	vld [tilespmem:$0x8F0]  }
0x348: {  	v3 =	vadd.f32 v5, v3  }
0x349: {  	v5 =	vld [tilespmem:$0x6F0]  }
0x34a: {  	v3 =	vadd.f32 v4, v3  }
0x34b: {  	v4 =	vld [tilespmem:$0x5AF0]  }
0x34c: {  	v6 =	vmul.f32 v6, v1;
	v3 =	vadd.f32 v7, v3  }
0x34d: {  	v7 =	vld [tilespmem:$0x5CF0]  }
0x34e: {  	[tilespmem:$0x6060] =	vst v3;
	v3 =	vadd.f32 v6, v2;
	v6 =	vadd.s32 $0x12C0, v0  }
0x34f: {  	v8 =	vld.idx.msk [tilespmem:v8+s20+$0x0], $0xffff  }
0x350: {  	v3 =	vadd.f32 v3, v4;
	v4 =	vadd.s32 $0x12C1, v0  }
0x351: {  	v5 =	vld.idx.msk [tilespmem:v5+s21+$0x0], $0xffff  }
0x352: {  	v3 =	vadd.f32 v3, v7;
	v7 =	vadd.s32 $0x12C2, v0  }
0x353: {  	v6 =	vld.idx.msk [tilespmem:v6+s25+$0x0], $0xffff  }
0x354: {  	v3 =	vadd.f32 v8, v3;
	v8 =	vadd.s32 $0x12C3, v0  }
0x355: {  	v4 =	vld.idx.msk [tilespmem:v4+s25+$0x0], $0xffff  }
0x356: {  	v3 =	vadd.f32 v5, v3;
	v5 =	vadd.s32 $0x12C4, v0  }
0x357: {  	v7 =	vld.idx.msk [tilespmem:v7+s25+$0x0], $0xffff  }
0x358: {  	v3 =	vadd.f32 v6, v3;
	v6 =	vadd.s32 $0x12C5, v0  }
0x359: {  	v8 =	vld.idx.msk [tilespmem:v8+s25+$0x0], $0xffff  }
0x35a: {  	v3 =	vadd.f32 v4, v3;
	v4 =	vadd.s32 $0x12C6, v0  }
0x35b: {  	v5 =	vld.idx.msk [tilespmem:v5+s25+$0x0], $0xffff  }
0x35c: {  	v3 =	vadd.f32 v7, v3;
	v7 =	vadd.s32 $0x12C7, v0  }
0x35d: {  	v6 =	vld.idx.msk [tilespmem:v6+s25+$0x0], $0xffff  }
0x35e: {  	v3 =	vadd.f32 v8, v3;
	v8 =	vadd.s32 $0x12C8, v0  }
0x35f: {  	v4 =	vld.idx.msk [tilespmem:v4+s25+$0x0], $0xffff  }
0x360: {  	v3 =	vadd.f32 v5, v3;
	v5 =	vadd.s32 $0x12C9, v0  }
0x361: {  	v7 =	vld.idx.msk [tilespmem:v7+s25+$0x0], $0xffff  }
0x362: {  	v3 =	vadd.f32 v6, v3;
	v6 =	vadd.s32 $0x12CA, v0  }
0x363: {  	v8 =	vld.idx.msk [tilespmem:v8+s25+$0x0], $0xffff  }
0x364: {  	v3 =	vadd.f32 v4, v3;
	v4 =	vadd.s32 $0x12CB, v0  }
0x365: {  	v5 =	vld.idx.msk [tilespmem:v5+s25+$0x0], $0xffff  }
0x366: {  	v3 =	vadd.f32 v7, v3;
	v7 =	vadd.s32 $0x12CC, v0  }
0x367: {  	v6 =	vld.idx.msk [tilespmem:v6+s25+$0x0], $0xffff  }
0x368: {  	v3 =	vadd.f32 v8, v3;
	v8 =	vadd.s32 $0x12CD, v0  }
0x369: {  	v4 =	vld.idx.msk [tilespmem:v4+s25+$0x0], $0xffff  }
0x36a: {  	v3 =	vadd.f32 v5, v3;
	v5 =	vadd.s32 $0x12CE, v0  }
0x36b: {  	v7 =	vld.idx.msk [tilespmem:v7+s25+$0x0], $0xffff  }
0x36c: {  	v3 =	vadd.f32 v6, v3;
	v6 =	vadd.s32 $0x12CF, v0  }
0x36d: {  	v8 =	vld.idx.msk [tilespmem:v8+s25+$0x0], $0xffff  }
0x36e: {  	v3 =	vadd.f32 v4, v3;
	v4 =	vadd.s32 $0x12D0, v0  }
0x36f: {  	v5 =	vld.idx.msk [tilespmem:v5+s25+$0x0], $0xffff  }
0x370: {  	v3 =	vadd.f32 v7, v3;
	v7 =	vadd.s32 $0x12D1, v0  }
0x371: {  	v9 =	vadd.s32 $0x12D2, v0;
	v6 =	vld.idx.msk [tilespmem:v6+s25+$0x0], $0xffff  }
0x372: {  	v3 =	vadd.f32 v8, v3;
	v8 =	vadd.s32 $0x12D3, v0  }
0x373: {  	v4 =	vld.idx.msk [tilespmem:v4+s25+$0x0], $0xffff  }
0x374: {  	v3 =	vadd.f32 v5, v3  }
0x375: {  	v5 =	vld.idx.msk [tilespmem:v7+s25+$0x0], $0xffff  }
0x376: {  	v3 =	vadd.f32 v6, v3;
	v6 =	vld.idx.msk [tilespmem:v9+s25+$0x0], $0xffff  }
0x377: {  	v7 =	vld.idx.msk [tilespmem:v8+s25+$0x0], $0xffff  }
0x378: {  	v8 =	vld [tilespmem:$0x500];
	v3 =	vadd.f32 v4, v3  }
0x379: {  	v4 =	vld [tilespmem:$0x900]  }
0x37a: {  	v3 =	vadd.f32 v5, v3  }
0x37b: {  	v5 =	vld [tilespmem:$0x700]  }
0x37c: {  	v3 =	vadd.f32 v6, v3  }
0x37d: {  	v6 =	vld [tilespmem:$0x5B00]  }
0x37e: {  	v4 =	vmul.f32 v4, v1;
	v3 =	vadd.f32 v7, v3  }
0x37f: {  	v7 =	vld [tilespmem:$0x5D00]  }
0x380: {  	[tilespmem:$0x6070] =	vst v3;
	v3 =	vadd.f32 v4, v2;
	v4 =	vor.u32 $0x1400, v0  }
0x381: {  	v8 =	vld.idx.msk [tilespmem:v8+s20+$0x0], $0xffff  }
0x382: {  	v3 =	vadd.f32 v3, v6;
	v6 =	vor.u32 $0x1401, v0  }
0x383: {  	v5 =	vld.idx.msk [tilespmem:v5+s21+$0x0], $0xffff  }
0x384: {  	v3 =	vadd.f32 v3, v7;
	v7 =	vor.u32 $0x1402, v0  }
0x385: {  	v4 =	vld.idx.msk [tilespmem:v4+s25+$0x0], $0xffff  }
0x386: {  	v3 =	vadd.f32 v8, v3;
	v8 =	vor.u32 $0x1403, v0  }
0x387: {  	v6 =	vld.idx.msk [tilespmem:v6+s25+$0x0], $0xffff  }
0x388: {  	v3 =	vadd.f32 v5, v3;
	v5 =	vadd.s32 $0x1404, v0  }
0x389: {  	v7 =	vld.idx.msk [tilespmem:v7+s25+$0x0], $0xffff  }
0x38a: {  	v3 =	vadd.f32 v4, v3;
	v4 =	vadd.s32 $0x1405, v0  }
0x38b: {  	v8 =	vld.idx.msk [tilespmem:v8+s25+$0x0], $0xffff  }
0x38c: {  	v3 =	vadd.f32 v6, v3;
	v6 =	vadd.s32 $0x1406, v0  }
0x38d: {  	v5 =	vld.idx.msk [tilespmem:v5+s25+$0x0], $0xffff  }
0x38e: {  	v3 =	vadd.f32 v7, v3;
	v7 =	vadd.s32 $0x1407, v0  }
0x38f: {  	v4 =	vld.idx.msk [tilespmem:v4+s25+$0x0], $0xffff  }
0x390: {  	v3 =	vadd.f32 v8, v3;
	v8 =	vadd.s32 $0x1408, v0  }
0x391: {  	v6 =	vld.idx.msk [tilespmem:v6+s25+$0x0], $0xffff  }
0x392: {  	v3 =	vadd.f32 v5, v3;
	v5 =	vadd.s32 $0x1409, v0  }
0x393: {  	v7 =	vld.idx.msk [tilespmem:v7+s25+$0x0], $0xffff  }
0x394: {  	v3 =	vadd.f32 v4, v3;
	v4 =	vadd.s32 $0x140A, v0  }
0x395: {  	v8 =	vld.idx.msk [tilespmem:v8+s25+$0x0], $0xffff  }
0x396: {  	v3 =	vadd.f32 v6, v3;
	v6 =	vadd.s32 $0x140B, v0  }
0x397: {  	v5 =	vld.idx.msk [tilespmem:v5+s25+$0x0], $0xffff  }
0x398: {  	v3 =	vadd.f32 v7, v3;
	v7 =	vadd.s32 $0x140C, v0  }
0x399: {  	v4 =	vld.idx.msk [tilespmem:v4+s25+$0x0], $0xffff  }
0x39a: {  	v3 =	vadd.f32 v8, v3;
	v8 =	vadd.s32 $0x140D, v0  }
0x39b: {  	v6 =	vld.idx.msk [tilespmem:v6+s25+$0x0], $0xffff  }
0x39c: {  	v3 =	vadd.f32 v5, v3;
	v5 =	vadd.s32 $0x140E, v0  }
0x39d: {  	v7 =	vld.idx.msk [tilespmem:v7+s25+$0x0], $0xffff  }
0x39e: {  	v3 =	vadd.f32 v4, v3;
	v4 =	vadd.s32 $0x140F, v0  }
0x39f: {  	v8 =	vld.idx.msk [tilespmem:v8+s25+$0x0], $0xffff  }
0x3a0: {  	v3 =	vadd.f32 v6, v3;
	v6 =	vadd.s32 $0x1410, v0  }
0x3a1: {  	v5 =	vld.idx.msk [tilespmem:v5+s25+$0x0], $0xffff  }
0x3a2: {  	v3 =	vadd.f32 v7, v3;
	v7 =	vadd.s32 $0x1411, v0  }
0x3a3: {  	v9 =	vadd.s32 $0x1412, v0;
	v4 =	vld.idx.msk [tilespmem:v4+s25+$0x0], $0xffff  }
0x3a4: {  	v3 =	vadd.f32 v8, v3;
	v8 =	vadd.s32 $0x1413, v0  }
0x3a5: {  	v6 =	vld.idx.msk [tilespmem:v6+s25+$0x0], $0xffff  }
0x3a6: {  	v3 =	vadd.f32 v5, v3  }
0x3a7: {  	v5 =	vld.idx.msk [tilespmem:v7+s25+$0x0], $0xffff  }
0x3a8: {  	v3 =	vadd.f32 v4, v3;
	v4 =	vld.idx.msk [tilespmem:v9+s25+$0x0], $0xffff  }
0x3a9: {  	v7 =	vld.idx.msk [tilespmem:v8+s25+$0x0], $0xffff  }
0x3aa: {  	v8 =	vld [tilespmem:$0x510];
	v3 =	vadd.f32 v6, v3  }
0x3ab: {  	v6 =	vld [tilespmem:$0x910]  }
0x3ac: {  	v3 =	vadd.f32 v5, v3  }
0x3ad: {  	v5 =	vld [tilespmem:$0x710]  }
0x3ae: {  	v3 =	vadd.f32 v4, v3  }
0x3af: {  	v4 =	vld [tilespmem:$0x5B10]  }
0x3b0: {  	v6 =	vmul.f32 v6, v1;
	v3 =	vadd.f32 v7, v3  }
0x3b1: {  	v7 =	vld [tilespmem:$0x5D10]  }
0x3b2: {  	[tilespmem:$0x6080] =	vst v3;
	v3 =	vadd.f32 v6, v2;
	v6 =	vadd.s32 $0x1540, v0  }
0x3b3: {  	v8 =	vld.idx.msk [tilespmem:v8+s20+$0x0], $0xffff  }
0x3b4: {  	v3 =	vadd.f32 v3, v4;
	v4 =	vadd.s32 $0x1541, v0  }
0x3b5: {  	v5 =	vld.idx.msk [tilespmem:v5+s21+$0x0], $0xffff  }
0x3b6: {  	v3 =	vadd.f32 v3, v7;
	v7 =	vadd.s32 $0x1542, v0  }
0x3b7: {  	v6 =	vld.idx.msk [tilespmem:v6+s25+$0x0], $0xffff  }
0x3b8: {  	v3 =	vadd.f32 v8, v3;
	v8 =	vadd.s32 $0x1543, v0  }
0x3b9: {  	v4 =	vld.idx.msk [tilespmem:v4+s25+$0x0], $0xffff  }
0x3ba: {  	v3 =	vadd.f32 v5, v3;
	v5 =	vadd.s32 $0x1544, v0  }
0x3bb: {  	v7 =	vld.idx.msk [tilespmem:v7+s25+$0x0], $0xffff  }
0x3bc: {  	v3 =	vadd.f32 v6, v3;
	v6 =	vadd.s32 $0x1545, v0  }
0x3bd: {  	v8 =	vld.idx.msk [tilespmem:v8+s25+$0x0], $0xffff  }
0x3be: {  	v3 =	vadd.f32 v4, v3;
	v4 =	vadd.s32 $0x1546, v0  }
0x3bf: {  	v5 =	vld.idx.msk [tilespmem:v5+s25+$0x0], $0xffff  }
0x3c0: {  	v3 =	vadd.f32 v7, v3;
	v7 =	vadd.s32 $0x1547, v0  }
0x3c1: {  	v6 =	vld.idx.msk [tilespmem:v6+s25+$0x0], $0xffff  }
0x3c2: {  	v3 =	vadd.f32 v8, v3;
	v8 =	vadd.s32 $0x1548, v0  }
0x3c3: {  	v4 =	vld.idx.msk [tilespmem:v4+s25+$0x0], $0xffff  }
0x3c4: {  	v3 =	vadd.f32 v5, v3;
	v5 =	vadd.s32 $0x1549, v0  }
0x3c5: {  	v7 =	vld.idx.msk [tilespmem:v7+s25+$0x0], $0xffff  }
0x3c6: {  	v3 =	vadd.f32 v6, v3;
	v6 =	vadd.s32 $0x154A, v0  }
0x3c7: {  	v8 =	vld.idx.msk [tilespmem:v8+s25+$0x0], $0xffff  }
0x3c8: {  	v3 =	vadd.f32 v4, v3;
	v4 =	vadd.s32 $0x154B, v0  }
0x3c9: {  	v5 =	vld.idx.msk [tilespmem:v5+s25+$0x0], $0xffff  }
0x3ca: {  	v3 =	vadd.f32 v7, v3;
	v7 =	vadd.s32 $0x154C, v0  }
0x3cb: {  	v6 =	vld.idx.msk [tilespmem:v6+s25+$0x0], $0xffff  }
0x3cc: {  	v3 =	vadd.f32 v8, v3;
	v8 =	vadd.s32 $0x154D, v0  }
0x3cd: {  	v4 =	vld.idx.msk [tilespmem:v4+s25+$0x0], $0xffff  }
0x3ce: {  	v3 =	vadd.f32 v5, v3;
	v5 =	vadd.s32 $0x154E, v0  }
0x3cf: {  	v7 =	vld.idx.msk [tilespmem:v7+s25+$0x0], $0xffff  }
0x3d0: {  	v3 =	vadd.f32 v6, v3;
	v6 =	vadd.s32 $0x154F, v0  }
0x3d1: {  	v8 =	vld.idx.msk [tilespmem:v8+s25+$0x0], $0xffff  }
0x3d2: {  	v3 =	vadd.f32 v4, v3;
	v4 =	vadd.s32 $0x1550, v0  }
0x3d3: {  	v5 =	vld.idx.msk [tilespmem:v5+s25+$0x0], $0xffff  }
0x3d4: {  	v3 =	vadd.f32 v7, v3;
	v7 =	vadd.s32 $0x1551, v0  }
0x3d5: {  	v9 =	vadd.s32 $0x1552, v0;
	v6 =	vld.idx.msk [tilespmem:v6+s25+$0x0], $0xffff  }
0x3d6: {  	v3 =	vadd.f32 v8, v3;
	v8 =	vadd.s32 $0x1553, v0  }
0x3d7: {  	v4 =	vld.idx.msk [tilespmem:v4+s25+$0x0], $0xffff  }
0x3d8: {  	v3 =	vadd.f32 v5, v3  }
0x3d9: {  	v5 =	vld.idx.msk [tilespmem:v7+s25+$0x0], $0xffff  }
0x3da: {  	v3 =	vadd.f32 v6, v3;
	v6 =	vld.idx.msk [tilespmem:v9+s25+$0x0], $0xffff  }
0x3db: {  	v7 =	vld.idx.msk [tilespmem:v8+s25+$0x0], $0xffff  }
0x3dc: {  	v8 =	vld [tilespmem:$0x520];
	v3 =	vadd.f32 v4, v3  }
0x3dd: {  	v4 =	vld [tilespmem:$0x920]  }
0x3de: {  	v3 =	vadd.f32 v5, v3  }
0x3df: {  	v5 =	vld [tilespmem:$0x720]  }
0x3e0: {  	v3 =	vadd.f32 v6, v3  }
0x3e1: {  	v6 =	vld [tilespmem:$0x5B20]  }
0x3e2: {  	v4 =	vmul.f32 v4, v1;
	v3 =	vadd.f32 v7, v3  }
0x3e3: {  	v7 =	vld [tilespmem:$0x5D20]  }
0x3e4: {  	[tilespmem:$0x6090] =	vst v3;
	v3 =	vadd.f32 v4, v2;
	v4 =	vadd.s32 $0x1680, v0  }
0x3e5: {  	v8 =	vld.idx.msk [tilespmem:v8+s20+$0x0], $0xffff  }
0x3e6: {  	v3 =	vadd.f32 v3, v6;
	v6 =	vadd.s32 $0x1681, v0  }
0x3e7: {  	v5 =	vld.idx.msk [tilespmem:v5+s21+$0x0], $0xffff  }
0x3e8: {  	v3 =	vadd.f32 v3, v7;
	v7 =	vadd.s32 $0x1682, v0  }
0x3e9: {  	v4 =	vld.idx.msk [tilespmem:v4+s25+$0x0], $0xffff  }
0x3ea: {  	v3 =	vadd.f32 v8, v3;
	v8 =	vadd.s32 $0x1683, v0  }
0x3eb: {  	v6 =	vld.idx.msk [tilespmem:v6+s25+$0x0], $0xffff  }
0x3ec: {  	v3 =	vadd.f32 v5, v3;
	v5 =	vadd.s32 $0x1684, v0  }
0x3ed: {  	v7 =	vld.idx.msk [tilespmem:v7+s25+$0x0], $0xffff  }
0x3ee: {  	v3 =	vadd.f32 v4, v3;
	v4 =	vadd.s32 $0x1685, v0  }
0x3ef: {  	v8 =	vld.idx.msk [tilespmem:v8+s25+$0x0], $0xffff  }
0x3f0: {  	v3 =	vadd.f32 v6, v3;
	v6 =	vadd.s32 $0x1686, v0  }
0x3f1: {  	v5 =	vld.idx.msk [tilespmem:v5+s25+$0x0], $0xffff  }
0x3f2: {  	v3 =	vadd.f32 v7, v3;
	v7 =	vadd.s32 $0x1687, v0  }
0x3f3: {  	v4 =	vld.idx.msk [tilespmem:v4+s25+$0x0], $0xffff  }
0x3f4: {  	v3 =	vadd.f32 v8, v3;
	v8 =	vadd.s32 $0x1688, v0  }
0x3f5: {  	v6 =	vld.idx.msk [tilespmem:v6+s25+$0x0], $0xffff  }
0x3f6: {  	v3 =	vadd.f32 v5, v3;
	v5 =	vadd.s32 $0x1689, v0  }
0x3f7: {  	v7 =	vld.idx.msk [tilespmem:v7+s25+$0x0], $0xffff  }
0x3f8: {  	v3 =	vadd.f32 v4, v3;
	v4 =	vadd.s32 $0x168A, v0  }
0x3f9: {  	v8 =	vld.idx.msk [tilespmem:v8+s25+$0x0], $0xffff  }
0x3fa: {  	v3 =	vadd.f32 v6, v3;
	v6 =	vadd.s32 $0x168B, v0  }
0x3fb: {  	v5 =	vld.idx.msk [tilespmem:v5+s25+$0x0], $0xffff  }
0x3fc: {  	v3 =	vadd.f32 v7, v3;
	v7 =	vadd.s32 $0x168C, v0  }
0x3fd: {  	v4 =	vld.idx.msk [tilespmem:v4+s25+$0x0], $0xffff  }
0x3fe: {  	v3 =	vadd.f32 v8, v3;
	v8 =	vadd.s32 $0x168D, v0  }
0x3ff: {  	v6 =	vld.idx.msk [tilespmem:v6+s25+$0x0], $0xffff  }
0x400: {  	v3 =	vadd.f32 v5, v3;
	v5 =	vadd.s32 $0x168E, v0  }
0x401: {  	v7 =	vld.idx.msk [tilespmem:v7+s25+$0x0], $0xffff  }
0x402: {  	v3 =	vadd.f32 v4, v3;
	v4 =	vadd.s32 $0x168F, v0  }
0x403: {  	v8 =	vld.idx.msk [tilespmem:v8+s25+$0x0], $0xffff  }
0x404: {  	v3 =	vadd.f32 v6, v3;
	v6 =	vadd.s32 $0x1690, v0  }
0x405: {  	v5 =	vld.idx.msk [tilespmem:v5+s25+$0x0], $0xffff  }
0x406: {  	v3 =	vadd.f32 v7, v3;
	v7 =	vadd.s32 $0x1691, v0  }
0x407: {  	v9 =	vadd.s32 $0x1692, v0;
	v4 =	vld.idx.msk [tilespmem:v4+s25+$0x0], $0xffff  }
0x408: {  	v3 =	vadd.f32 v8, v3;
	v8 =	vadd.s32 $0x1693, v0  }
0x409: {  	v6 =	vld.idx.msk [tilespmem:v6+s25+$0x0], $0xffff  }
0x40a: {  	v3 =	vadd.f32 v5, v3  }
0x40b: {  	v5 =	vld.idx.msk [tilespmem:v7+s25+$0x0], $0xffff  }
0x40c: {  	v3 =	vadd.f32 v4, v3;
	v4 =	vld.idx.msk [tilespmem:v9+s25+$0x0], $0xffff  }
0x40d: {  	v7 =	vld.idx.msk [tilespmem:v8+s25+$0x0], $0xffff  }
0x40e: {  	v8 =	vld [tilespmem:$0x530];
	v3 =	vadd.f32 v6, v3  }
0x40f: {  	v6 =	vld [tilespmem:$0x930]  }
0x410: {  	v3 =	vadd.f32 v5, v3  }
0x411: {  	v5 =	vld [tilespmem:$0x730]  }
0x412: {  	v3 =	vadd.f32 v4, v3  }
0x413: {  	v4 =	vld [tilespmem:$0x5B30]  }
0x414: {  	v6 =	vmul.f32 v6, v1;
	v3 =	vadd.f32 v7, v3  }
0x415: {  	v7 =	vld [tilespmem:$0x5D30]  }
0x416: {  	[tilespmem:$0x60A0] =	vst v3;
	v3 =	vadd.f32 v6, v2;
	v6 =	vadd.s32 $0x17C0, v0  }
0x417: {  	v8 =	vld.idx.msk [tilespmem:v8+s20+$0x0], $0xffff  }
0x418: {  	v3 =	vadd.f32 v3, v4;
	v4 =	vadd.s32 $0x17C1, v0  }
0x419: {  	v5 =	vld.idx.msk [tilespmem:v5+s21+$0x0], $0xffff  }
0x41a: {  	v3 =	vadd.f32 v3, v7;
	v7 =	vadd.s32 $0x17C2, v0  }
0x41b: {  	v6 =	vld.idx.msk [tilespmem:v6+s25+$0x0], $0xffff  }
0x41c: {  	v3 =	vadd.f32 v8, v3;
	v8 =	vadd.s32 $0x17C3, v0  }
0x41d: {  	v4 =	vld.idx.msk [tilespmem:v4+s25+$0x0], $0xffff  }
0x41e: {  	v3 =	vadd.f32 v5, v3;
	v5 =	vadd.s32 $0x17C4, v0  }
0x41f: {  	v7 =	vld.idx.msk [tilespmem:v7+s25+$0x0], $0xffff  }
0x420: {  	v3 =	vadd.f32 v6, v3;
	v6 =	vadd.s32 $0x17C5, v0  }
0x421: {  	v8 =	vld.idx.msk [tilespmem:v8+s25+$0x0], $0xffff  }
0x422: {  	v3 =	vadd.f32 v4, v3;
	v4 =	vadd.s32 $0x17C6, v0  }
0x423: {  	v5 =	vld.idx.msk [tilespmem:v5+s25+$0x0], $0xffff  }
0x424: {  	v3 =	vadd.f32 v7, v3;
	v7 =	vadd.s32 $0x17C7, v0  }
0x425: {  	v6 =	vld.idx.msk [tilespmem:v6+s25+$0x0], $0xffff  }
0x426: {  	v3 =	vadd.f32 v8, v3;
	v8 =	vadd.s32 $0x17C8, v0  }
0x427: {  	v4 =	vld.idx.msk [tilespmem:v4+s25+$0x0], $0xffff  }
0x428: {  	v3 =	vadd.f32 v5, v3;
	v5 =	vadd.s32 $0x17C9, v0  }
0x429: {  	v7 =	vld.idx.msk [tilespmem:v7+s25+$0x0], $0xffff  }
0x42a: {  	v3 =	vadd.f32 v6, v3;
	v6 =	vadd.s32 $0x17CA, v0  }
0x42b: {  	v8 =	vld.idx.msk [tilespmem:v8+s25+$0x0], $0xffff  }
0x42c: {  	v3 =	vadd.f32 v4, v3;
	v4 =	vadd.s32 $0x17CB, v0  }
0x42d: {  	v5 =	vld.idx.msk [tilespmem:v5+s25+$0x0], $0xffff  }
0x42e: {  	v3 =	vadd.f32 v7, v3;
	v7 =	vadd.s32 $0x17CC, v0  }
0x42f: {  	v6 =	vld.idx.msk [tilespmem:v6+s25+$0x0], $0xffff  }
0x430: {  	v3 =	vadd.f32 v8, v3;
	v8 =	vadd.s32 $0x17CD, v0  }
0x431: {  	v4 =	vld.idx.msk [tilespmem:v4+s25+$0x0], $0xffff  }
0x432: {  	v3 =	vadd.f32 v5, v3;
	v5 =	vadd.s32 $0x17CE, v0  }
0x433: {  	v7 =	vld.idx.msk [tilespmem:v7+s25+$0x0], $0xffff  }
0x434: {  	v3 =	vadd.f32 v6, v3;
	v6 =	vadd.s32 $0x17CF, v0  }
0x435: {  	v8 =	vld.idx.msk [tilespmem:v8+s25+$0x0], $0xffff  }
0x436: {  	v3 =	vadd.f32 v4, v3;
	v4 =	vadd.s32 $0x17D0, v0  }
0x437: {  	v5 =	vld.idx.msk [tilespmem:v5+s25+$0x0], $0xffff  }
0x438: {  	v3 =	vadd.f32 v7, v3;
	v7 =	vadd.s32 $0x17D1, v0  }
0x439: {  	v9 =	vadd.s32 $0x17D2, v0;
	v6 =	vld.idx.msk [tilespmem:v6+s25+$0x0], $0xffff  }
0x43a: {  	v3 =	vadd.f32 v8, v3;
	v8 =	vadd.s32 $0x17D3, v0  }
0x43b: {  	v4 =	vld.idx.msk [tilespmem:v4+s25+$0x0], $0xffff  }
0x43c: {  	v3 =	vadd.f32 v5, v3  }
0x43d: {  	v5 =	vld.idx.msk [tilespmem:v7+s25+$0x0], $0xffff  }
0x43e: {  	v3 =	vadd.f32 v6, v3;
	v6 =	vld.idx.msk [tilespmem:v9+s25+$0x0], $0xffff  }
0x43f: {  	v7 =	vld.idx.msk [tilespmem:v8+s25+$0x0], $0xffff  }
0x440: {  	v8 =	vld [tilespmem:$0x540];
	v3 =	vadd.f32 v4, v3  }
0x441: {  	v4 =	vld [tilespmem:$0x940]  }
0x442: {  	v3 =	vadd.f32 v5, v3  }
0x443: {  	v5 =	vld [tilespmem:$0x740]  }
0x444: {  	v3 =	vadd.f32 v6, v3  }
0x445: {  	v6 =	vld [tilespmem:$0x5B40]  }
0x446: {  	v4 =	vmul.f32 v4, v1;
	v3 =	vadd.f32 v7, v3  }
0x447: {  	v7 =	vld [tilespmem:$0x5D40]  }
0x448: {  	[tilespmem:$0x60B0] =	vst v3;
	v3 =	vadd.f32 v4, v2;
	v4 =	vadd.s32 $0x1900, v0  }
0x449: {  	v8 =	vld.idx.msk [tilespmem:v8+s20+$0x0], $0xffff  }
0x44a: {  	v3 =	vadd.f32 v3, v6;
	v6 =	vadd.s32 $0x1901, v0  }
0x44b: {  	v5 =	vld.idx.msk [tilespmem:v5+s21+$0x0], $0xffff  }
0x44c: {  	v3 =	vadd.f32 v3, v7;
	v7 =	vadd.s32 $0x1902, v0  }
0x44d: {  	v4 =	vld.idx.msk [tilespmem:v4+s25+$0x0], $0xffff  }
0x44e: {  	v3 =	vadd.f32 v8, v3;
	v8 =	vadd.s32 $0x1903, v0  }
0x44f: {  	v6 =	vld.idx.msk [tilespmem:v6+s25+$0x0], $0xffff  }
0x450: {  	v3 =	vadd.f32 v5, v3;
	v5 =	vadd.s32 $0x1904, v0  }
0x451: {  	v7 =	vld.idx.msk [tilespmem:v7+s25+$0x0], $0xffff  }
0x452: {  	v3 =	vadd.f32 v4, v3;
	v4 =	vadd.s32 $0x1905, v0  }
0x453: {  	v8 =	vld.idx.msk [tilespmem:v8+s25+$0x0], $0xffff  }
0x454: {  	v3 =	vadd.f32 v6, v3;
	v6 =	vadd.s32 $0x1906, v0  }
0x455: {  	v5 =	vld.idx.msk [tilespmem:v5+s25+$0x0], $0xffff  }
0x456: {  	v3 =	vadd.f32 v7, v3;
	v7 =	vadd.s32 $0x1907, v0  }
0x457: {  	v4 =	vld.idx.msk [tilespmem:v4+s25+$0x0], $0xffff  }
0x458: {  	v3 =	vadd.f32 v8, v3;
	v8 =	vadd.s32 $0x1908, v0  }
0x459: {  	v6 =	vld.idx.msk [tilespmem:v6+s25+$0x0], $0xffff  }
0x45a: {  	v3 =	vadd.f32 v5, v3;
	v5 =	vadd.s32 $0x1909, v0  }
0x45b: {  	v7 =	vld.idx.msk [tilespmem:v7+s25+$0x0], $0xffff  }
0x45c: {  	v3 =	vadd.f32 v4, v3;
	v4 =	vadd.s32 $0x190A, v0  }
0x45d: {  	v8 =	vld.idx.msk [tilespmem:v8+s25+$0x0], $0xffff  }
0x45e: {  	v3 =	vadd.f32 v6, v3;
	v6 =	vadd.s32 $0x190B, v0  }
0x45f: {  	v5 =	vld.idx.msk [tilespmem:v5+s25+$0x0], $0xffff  }
0x460: {  	v3 =	vadd.f32 v7, v3;
	v7 =	vadd.s32 $0x190C, v0  }
0x461: {  	v4 =	vld.idx.msk [tilespmem:v4+s25+$0x0], $0xffff  }
0x462: {  	v3 =	vadd.f32 v8, v3;
	v8 =	vadd.s32 $0x190D, v0  }
0x463: {  	v6 =	vld.idx.msk [tilespmem:v6+s25+$0x0], $0xffff  }
0x464: {  	v3 =	vadd.f32 v5, v3;
	v5 =	vadd.s32 $0x190E, v0  }
0x465: {  	v7 =	vld.idx.msk [tilespmem:v7+s25+$0x0], $0xffff  }
0x466: {  	v3 =	vadd.f32 v4, v3;
	v4 =	vadd.s32 $0x190F, v0  }
0x467: {  	v8 =	vld.idx.msk [tilespmem:v8+s25+$0x0], $0xffff  }
0x468: {  	v3 =	vadd.f32 v6, v3;
	v6 =	vadd.s32 $0x1910, v0  }
0x469: {  	v5 =	vld.idx.msk [tilespmem:v5+s25+$0x0], $0xffff  }
0x46a: {  	v3 =	vadd.f32 v7, v3;
	v7 =	vadd.s32 $0x1911, v0  }
0x46b: {  	v9 =	vadd.s32 $0x1912, v0;
	v4 =	vld.idx.msk [tilespmem:v4+s25+$0x0], $0xffff  }
0x46c: {  	v3 =	vadd.f32 v8, v3;
	v8 =	vadd.s32 $0x1913, v0  }
0x46d: {  	v6 =	vld.idx.msk [tilespmem:v6+s25+$0x0], $0xffff  }
0x46e: {  	v3 =	vadd.f32 v5, v3  }
0x46f: {  	v5 =	vld.idx.msk [tilespmem:v7+s25+$0x0], $0xffff  }
0x470: {  	v3 =	vadd.f32 v4, v3;
	v4 =	vld.idx.msk [tilespmem:v9+s25+$0x0], $0xffff  }
0x471: {  	v7 =	vld.idx.msk [tilespmem:v8+s25+$0x0], $0xffff  }
0x472: {  	v8 =	vld [tilespmem:$0x550];
	v3 =	vadd.f32 v6, v3  }
0x473: {  	v6 =	vld [tilespmem:$0x950]  }
0x474: {  	v3 =	vadd.f32 v5, v3  }
0x475: {  	v5 =	vld [tilespmem:$0x750]  }
0x476: {  	v3 =	vadd.f32 v4, v3  }
0x477: {  	v4 =	vld [tilespmem:$0x5B50]  }
0x478: {  	v6 =	vmul.f32 v6, v1;
	v3 =	vadd.f32 v7, v3  }
0x479: {  	v7 =	vld [tilespmem:$0x5D50]  }
0x47a: {  	[tilespmem:$0x60C0] =	vst v3;
	v3 =	vadd.f32 v6, v2;
	v6 =	vadd.s32 $0x1A40, v0  }
0x47b: {  	v8 =	vld.idx.msk [tilespmem:v8+s20+$0x0], $0xffff  }
0x47c: {  	v3 =	vadd.f32 v3, v4;
	v4 =	vadd.s32 $0x1A41, v0  }
0x47d: {  	v5 =	vld.idx.msk [tilespmem:v5+s21+$0x0], $0xffff  }
0x47e: {  	v3 =	vadd.f32 v3, v7;
	v7 =	vadd.s32 $0x1A42, v0  }
0x47f: {  	v6 =	vld.idx.msk [tilespmem:v6+s25+$0x0], $0xffff  }
0x480: {  	v3 =	vadd.f32 v8, v3;
	v8 =	vadd.s32 $0x1A43, v0  }
0x481: {  	v4 =	vld.idx.msk [tilespmem:v4+s25+$0x0], $0xffff  }
0x482: {  	v3 =	vadd.f32 v5, v3;
	v5 =	vadd.s32 $0x1A44, v0  }
0x483: {  	v7 =	vld.idx.msk [tilespmem:v7+s25+$0x0], $0xffff  }
0x484: {  	v3 =	vadd.f32 v6, v3;
	v6 =	vadd.s32 $0x1A45, v0  }
0x485: {  	v8 =	vld.idx.msk [tilespmem:v8+s25+$0x0], $0xffff  }
0x486: {  	v3 =	vadd.f32 v4, v3;
	v4 =	vadd.s32 $0x1A46, v0  }
0x487: {  	v5 =	vld.idx.msk [tilespmem:v5+s25+$0x0], $0xffff  }
0x488: {  	v3 =	vadd.f32 v7, v3;
	v7 =	vadd.s32 $0x1A47, v0  }
0x489: {  	v6 =	vld.idx.msk [tilespmem:v6+s25+$0x0], $0xffff  }
0x48a: {  	v3 =	vadd.f32 v8, v3;
	v8 =	vadd.s32 $0x1A48, v0  }
0x48b: {  	v4 =	vld.idx.msk [tilespmem:v4+s25+$0x0], $0xffff  }
0x48c: {  	v3 =	vadd.f32 v5, v3;
	v5 =	vadd.s32 $0x1A49, v0  }
0x48d: {  	v7 =	vld.idx.msk [tilespmem:v7+s25+$0x0], $0xffff  }
0x48e: {  	v3 =	vadd.f32 v6, v3;
	v6 =	vadd.s32 $0x1A4A, v0  }
0x48f: {  	v8 =	vld.idx.msk [tilespmem:v8+s25+$0x0], $0xffff  }
0x490: {  	v3 =	vadd.f32 v4, v3;
	v4 =	vadd.s32 $0x1A4B, v0  }
0x491: {  	v5 =	vld.idx.msk [tilespmem:v5+s25+$0x0], $0xffff  }
0x492: {  	v3 =	vadd.f32 v7, v3;
	v7 =	vadd.s32 $0x1A4C, v0  }
0x493: {  	v6 =	vld.idx.msk [tilespmem:v6+s25+$0x0], $0xffff  }
0x494: {  	v3 =	vadd.f32 v8, v3;
	v8 =	vadd.s32 $0x1A4D, v0  }
0x495: {  	v4 =	vld.idx.msk [tilespmem:v4+s25+$0x0], $0xffff  }
0x496: {  	v3 =	vadd.f32 v5, v3;
	v5 =	vadd.s32 $0x1A4E, v0  }
0x497: {  	v7 =	vld.idx.msk [tilespmem:v7+s25+$0x0], $0xffff  }
0x498: {  	v3 =	vadd.f32 v6, v3;
	v6 =	vadd.s32 $0x1A4F, v0  }
0x499: {  	v8 =	vld.idx.msk [tilespmem:v8+s25+$0x0], $0xffff  }
0x49a: {  	v3 =	vadd.f32 v4, v3;
	v4 =	vadd.s32 $0x1A50, v0  }
0x49b: {  	v5 =	vld.idx.msk [tilespmem:v5+s25+$0x0], $0xffff  }
0x49c: {  	v3 =	vadd.f32 v7, v3;
	v7 =	vadd.s32 $0x1A51, v0  }
0x49d: {  	v9 =	vadd.s32 $0x1A52, v0;
	v6 =	vld.idx.msk [tilespmem:v6+s25+$0x0], $0xffff  }
0x49e: {  	v3 =	vadd.f32 v8, v3;
	v8 =	vadd.s32 $0x1A53, v0  }
0x49f: {  	v4 =	vld.idx.msk [tilespmem:v4+s25+$0x0], $0xffff  }
0x4a0: {  	v3 =	vadd.f32 v5, v3  }
0x4a1: {  	v5 =	vld.idx.msk [tilespmem:v7+s25+$0x0], $0xffff  }
0x4a2: {  	v3 =	vadd.f32 v6, v3;
	v6 =	vld.idx.msk [tilespmem:v9+s25+$0x0], $0xffff  }
0x4a3: {  	v7 =	vld.idx.msk [tilespmem:v8+s25+$0x0], $0xffff  }
0x4a4: {  	v8 =	vld [tilespmem:$0x560];
	v3 =	vadd.f32 v4, v3  }
0x4a5: {  	v4 =	vld [tilespmem:$0x960]  }
0x4a6: {  	v3 =	vadd.f32 v5, v3  }
0x4a7: {  	v5 =	vld [tilespmem:$0x760]  }
0x4a8: {  	v3 =	vadd.f32 v6, v3  }
0x4a9: {  	v6 =	vld [tilespmem:$0x5B60]  }
0x4aa: {  	v4 =	vmul.f32 v4, v1;
	v3 =	vadd.f32 v7, v3  }
0x4ab: {  	v7 =	vld [tilespmem:$0x5D60]  }
0x4ac: {  	[tilespmem:$0x60D0] =	vst v3;
	v3 =	vadd.f32 v4, v2;
	v4 =	vadd.s32 $0x1B80, v0  }
0x4ad: {  	v8 =	vld.idx.msk [tilespmem:v8+s20+$0x0], $0xffff  }
0x4ae: {  	v3 =	vadd.f32 v3, v6;
	v6 =	vadd.s32 $0x1B81, v0  }
0x4af: {  	v5 =	vld.idx.msk [tilespmem:v5+s21+$0x0], $0xffff  }
0x4b0: {  	v3 =	vadd.f32 v3, v7;
	v7 =	vadd.s32 $0x1B82, v0  }
0x4b1: {  	v4 =	vld.idx.msk [tilespmem:v4+s25+$0x0], $0xffff  }
0x4b2: {  	v3 =	vadd.f32 v8, v3;
	v8 =	vadd.s32 $0x1B83, v0  }
0x4b3: {  	v6 =	vld.idx.msk [tilespmem:v6+s25+$0x0], $0xffff  }
0x4b4: {  	v3 =	vadd.f32 v5, v3;
	v5 =	vadd.s32 $0x1B84, v0  }
0x4b5: {  	v7 =	vld.idx.msk [tilespmem:v7+s25+$0x0], $0xffff  }
0x4b6: {  	v3 =	vadd.f32 v4, v3;
	v4 =	vadd.s32 $0x1B85, v0  }
0x4b7: {  	v8 =	vld.idx.msk [tilespmem:v8+s25+$0x0], $0xffff  }
0x4b8: {  	v3 =	vadd.f32 v6, v3;
	v6 =	vadd.s32 $0x1B86, v0  }
0x4b9: {  	v5 =	vld.idx.msk [tilespmem:v5+s25+$0x0], $0xffff  }
0x4ba: {  	v3 =	vadd.f32 v7, v3;
	v7 =	vadd.s32 $0x1B87, v0  }
0x4bb: {  	v4 =	vld.idx.msk [tilespmem:v4+s25+$0x0], $0xffff  }
0x4bc: {  	v3 =	vadd.f32 v8, v3;
	v8 =	vadd.s32 $0x1B88, v0  }
0x4bd: {  	v6 =	vld.idx.msk [tilespmem:v6+s25+$0x0], $0xffff  }
0x4be: {  	v3 =	vadd.f32 v5, v3;
	v5 =	vadd.s32 $0x1B89, v0  }
0x4bf: {  	v7 =	vld.idx.msk [tilespmem:v7+s25+$0x0], $0xffff  }
0x4c0: {  	v3 =	vadd.f32 v4, v3;
	v4 =	vadd.s32 $0x1B8A, v0  }
0x4c1: {  	v8 =	vld.idx.msk [tilespmem:v8+s25+$0x0], $0xffff  }
0x4c2: {  	v3 =	vadd.f32 v6, v3;
	v6 =	vadd.s32 $0x1B8B, v0  }
0x4c3: {  	v5 =	vld.idx.msk [tilespmem:v5+s25+$0x0], $0xffff  }
0x4c4: {  	v3 =	vadd.f32 v7, v3;
	v7 =	vadd.s32 $0x1B8C, v0  }
0x4c5: {  	v4 =	vld.idx.msk [tilespmem:v4+s25+$0x0], $0xffff  }
0x4c6: {  	v3 =	vadd.f32 v8, v3;
	v8 =	vadd.s32 $0x1B8D, v0  }
0x4c7: {  	v6 =	vld.idx.msk [tilespmem:v6+s25+$0x0], $0xffff  }
0x4c8: {  	v3 =	vadd.f32 v5, v3;
	v5 =	vadd.s32 $0x1B8E, v0  }
0x4c9: {  	v7 =	vld.idx.msk [tilespmem:v7+s25+$0x0], $0xffff  }
0x4ca: {  	v3 =	vadd.f32 v4, v3;
	v4 =	vadd.s32 $0x1B8F, v0  }
0x4cb: {  	v8 =	vld.idx.msk [tilespmem:v8+s25+$0x0], $0xffff  }
0x4cc: {  	v3 =	vadd.f32 v6, v3;
	v6 =	vadd.s32 $0x1B90, v0  }
0x4cd: {  	v5 =	vld.idx.msk [tilespmem:v5+s25+$0x0], $0xffff  }
0x4ce: {  	v3 =	vadd.f32 v7, v3;
	v7 =	vadd.s32 $0x1B91, v0  }
0x4cf: {  	v9 =	vadd.s32 $0x1B92, v0;
	v4 =	vld.idx.msk [tilespmem:v4+s25+$0x0], $0xffff  }
0x4d0: {  	v3 =	vadd.f32 v8, v3;
	v8 =	vadd.s32 $0x1B93, v0  }
0x4d1: {  	v6 =	vld.idx.msk [tilespmem:v6+s25+$0x0], $0xffff  }
0x4d2: {  	v3 =	vadd.f32 v5, v3  }
0x4d3: {  	v5 =	vld.idx.msk [tilespmem:v7+s25+$0x0], $0xffff  }
0x4d4: {  	v3 =	vadd.f32 v4, v3;
	v4 =	vld.idx.msk [tilespmem:v9+s25+$0x0], $0xffff  }
0x4d5: {  	v7 =	vld.idx.msk [tilespmem:v8+s25+$0x0], $0xffff  }
0x4d6: {  	v8 =	vld [tilespmem:$0x570];
	v3 =	vadd.f32 v6, v3  }
0x4d7: {  	v6 =	vld [tilespmem:$0x970]  }
0x4d8: {  	v3 =	vadd.f32 v5, v3  }
0x4d9: {  	v5 =	vld [tilespmem:$0x770]  }
0x4da: {  	v3 =	vadd.f32 v4, v3  }
0x4db: {  	v4 =	vld [tilespmem:$0x5B70]  }
0x4dc: {  	v6 =	vmul.f32 v6, v1;
	v3 =	vadd.f32 v7, v3  }
0x4dd: {  	v7 =	vld [tilespmem:$0x5D70]  }
0x4de: {  	[tilespmem:$0x60E0] =	vst v3;
	v3 =	vadd.f32 v6, v2;
	v6 =	vadd.s32 $0x1CC0, v0  }
0x4df: {  	v8 =	vld.idx.msk [tilespmem:v8+s20+$0x0], $0xffff  }
0x4e0: {  	v3 =	vadd.f32 v3, v4;
	v4 =	vadd.s32 $0x1CC1, v0  }
0x4e1: {  	v5 =	vld.idx.msk [tilespmem:v5+s21+$0x0], $0xffff  }
0x4e2: {  	v3 =	vadd.f32 v3, v7;
	v7 =	vadd.s32 $0x1CC2, v0  }
0x4e3: {  	v6 =	vld.idx.msk [tilespmem:v6+s25+$0x0], $0xffff  }
0x4e4: {  	v3 =	vadd.f32 v8, v3;
	v8 =	vadd.s32 $0x1CC3, v0  }
0x4e5: {  	v4 =	vld.idx.msk [tilespmem:v4+s25+$0x0], $0xffff  }
0x4e6: {  	v3 =	vadd.f32 v5, v3;
	v5 =	vadd.s32 $0x1CC4, v0  }
0x4e7: {  	v7 =	vld.idx.msk [tilespmem:v7+s25+$0x0], $0xffff  }
0x4e8: {  	v3 =	vadd.f32 v6, v3;
	v6 =	vadd.s32 $0x1CC5, v0  }
0x4e9: {  	v8 =	vld.idx.msk [tilespmem:v8+s25+$0x0], $0xffff  }
0x4ea: {  	v3 =	vadd.f32 v4, v3;
	v4 =	vadd.s32 $0x1CC6, v0  }
0x4eb: {  	v5 =	vld.idx.msk [tilespmem:v5+s25+$0x0], $0xffff  }
0x4ec: {  	v3 =	vadd.f32 v7, v3;
	v7 =	vadd.s32 $0x1CC7, v0  }
0x4ed: {  	v6 =	vld.idx.msk [tilespmem:v6+s25+$0x0], $0xffff  }
0x4ee: {  	v3 =	vadd.f32 v8, v3;
	v8 =	vadd.s32 $0x1CC8, v0  }
0x4ef: {  	v4 =	vld.idx.msk [tilespmem:v4+s25+$0x0], $0xffff  }
0x4f0: {  	v3 =	vadd.f32 v5, v3;
	v5 =	vadd.s32 $0x1CC9, v0  }
0x4f1: {  	v7 =	vld.idx.msk [tilespmem:v7+s25+$0x0], $0xffff  }
0x4f2: {  	v3 =	vadd.f32 v6, v3;
	v6 =	vadd.s32 $0x1CCA, v0  }
0x4f3: {  	v8 =	vld.idx.msk [tilespmem:v8+s25+$0x0], $0xffff  }
0x4f4: {  	v3 =	vadd.f32 v4, v3;
	v4 =	vadd.s32 $0x1CCB, v0  }
0x4f5: {  	v5 =	vld.idx.msk [tilespmem:v5+s25+$0x0], $0xffff  }
0x4f6: {  	v3 =	vadd.f32 v7, v3;
	v7 =	vadd.s32 $0x1CCC, v0  }
0x4f7: {  	v6 =	vld.idx.msk [tilespmem:v6+s25+$0x0], $0xffff  }
0x4f8: {  	v3 =	vadd.f32 v8, v3;
	v8 =	vadd.s32 $0x1CCD, v0  }
0x4f9: {  	v4 =	vld.idx.msk [tilespmem:v4+s25+$0x0], $0xffff  }
0x4fa: {  	v3 =	vadd.f32 v5, v3;
	v5 =	vadd.s32 $0x1CCE, v0  }
0x4fb: {  	v7 =	vld.idx.msk [tilespmem:v7+s25+$0x0], $0xffff  }
0x4fc: {  	v3 =	vadd.f32 v6, v3;
	v6 =	vadd.s32 $0x1CCF, v0  }
0x4fd: {  	v8 =	vld.idx.msk [tilespmem:v8+s25+$0x0], $0xffff  }
0x4fe: {  	v3 =	vadd.f32 v4, v3;
	v4 =	vadd.s32 $0x1CD0, v0  }
0x4ff: {  	v5 =	vld.idx.msk [tilespmem:v5+s25+$0x0], $0xffff  }
0x500: {  	v3 =	vadd.f32 v7, v3;
	v7 =	vadd.s32 $0x1CD1, v0  }
0x501: {  	v9 =	vadd.s32 $0x1CD2, v0;
	v6 =	vld.idx.msk [tilespmem:v6+s25+$0x0], $0xffff  }
0x502: {  	v3 =	vadd.f32 v8, v3;
	v8 =	vadd.s32 $0x1CD3, v0  }
0x503: {  	v4 =	vld.idx.msk [tilespmem:v4+s25+$0x0], $0xffff  }
0x504: {  	v3 =	vadd.f32 v5, v3  }
0x505: {  	v5 =	vld.idx.msk [tilespmem:v7+s25+$0x0], $0xffff  }
0x506: {  	v3 =	vadd.f32 v6, v3;
	v6 =	vld.idx.msk [tilespmem:v9+s25+$0x0], $0xffff  }
0x507: {  	v7 =	vld.idx.msk [tilespmem:v8+s25+$0x0], $0xffff  }
0x508: {  	v8 =	vld [tilespmem:$0x580];
	v3 =	vadd.f32 v4, v3  }
0x509: {  	v4 =	vld [tilespmem:$0x980]  }
0x50a: {  	v3 =	vadd.f32 v5, v3  }
0x50b: {  	v5 =	vld [tilespmem:$0x780]  }
0x50c: {  	v3 =	vadd.f32 v6, v3  }
0x50d: {  	v6 =	vld [tilespmem:$0x5B80]  }
0x50e: {  	v4 =	vmul.f32 v4, v1;
	v3 =	vadd.f32 v7, v3  }
0x50f: {  	v7 =	vld [tilespmem:$0x5D80]  }
0x510: {  	[tilespmem:$0x60F0] =	vst v3;
	v3 =	vadd.f32 v4, v2;
	v4 =	vor.u32 $0x1E00, v0  }
0x511: {  	v8 =	vld.idx.msk [tilespmem:v8+s20+$0x0], $0xffff  }
0x512: {  	v3 =	vadd.f32 v3, v6;
	v6 =	vor.u32 $0x1E01, v0  }
0x513: {  	v5 =	vld.idx.msk [tilespmem:v5+s21+$0x0], $0xffff  }
0x514: {  	v3 =	vadd.f32 v3, v7;
	v7 =	vor.u32 $0x1E02, v0  }
0x515: {  	v4 =	vld.idx.msk [tilespmem:v4+s25+$0x0], $0xffff  }
0x516: {  	v3 =	vadd.f32 v8, v3;
	v8 =	vor.u32 $0x1E03, v0  }
0x517: {  	v6 =	vld.idx.msk [tilespmem:v6+s25+$0x0], $0xffff  }
0x518: {  	v3 =	vadd.f32 v5, v3;
	v5 =	vadd.s32 $0x1E04, v0  }
0x519: {  	v7 =	vld.idx.msk [tilespmem:v7+s25+$0x0], $0xffff  }
0x51a: {  	v3 =	vadd.f32 v4, v3;
	v4 =	vadd.s32 $0x1E05, v0  }
0x51b: {  	v8 =	vld.idx.msk [tilespmem:v8+s25+$0x0], $0xffff  }
0x51c: {  	v3 =	vadd.f32 v6, v3;
	v6 =	vadd.s32 $0x1E06, v0  }
0x51d: {  	v5 =	vld.idx.msk [tilespmem:v5+s25+$0x0], $0xffff  }
0x51e: {  	v3 =	vadd.f32 v7, v3;
	v7 =	vadd.s32 $0x1E07, v0  }
0x51f: {  	v4 =	vld.idx.msk [tilespmem:v4+s25+$0x0], $0xffff  }
0x520: {  	v3 =	vadd.f32 v8, v3;
	v8 =	vadd.s32 $0x1E08, v0  }
0x521: {  	v6 =	vld.idx.msk [tilespmem:v6+s25+$0x0], $0xffff  }
0x522: {  	v3 =	vadd.f32 v5, v3;
	v5 =	vadd.s32 $0x1E09, v0  }
0x523: {  	v7 =	vld.idx.msk [tilespmem:v7+s25+$0x0], $0xffff  }
0x524: {  	v3 =	vadd.f32 v4, v3;
	v4 =	vadd.s32 $0x1E0A, v0  }
0x525: {  	v8 =	vld.idx.msk [tilespmem:v8+s25+$0x0], $0xffff  }
0x526: {  	v3 =	vadd.f32 v6, v3;
	v6 =	vadd.s32 $0x1E0B, v0  }
0x527: {  	v5 =	vld.idx.msk [tilespmem:v5+s25+$0x0], $0xffff  }
0x528: {  	v3 =	vadd.f32 v7, v3;
	v7 =	vadd.s32 $0x1E0C, v0  }
0x529: {  	v4 =	vld.idx.msk [tilespmem:v4+s25+$0x0], $0xffff  }
0x52a: {  	v3 =	vadd.f32 v8, v3;
	v8 =	vadd.s32 $0x1E0D, v0  }
0x52b: {  	v6 =	vld.idx.msk [tilespmem:v6+s25+$0x0], $0xffff  }
0x52c: {  	v3 =	vadd.f32 v5, v3;
	v5 =	vadd.s32 $0x1E0E, v0  }
0x52d: {  	v7 =	vld.idx.msk [tilespmem:v7+s25+$0x0], $0xffff  }
0x52e: {  	v3 =	vadd.f32 v4, v3;
	v4 =	vadd.s32 $0x1E0F, v0  }
0x52f: {  	v8 =	vld.idx.msk [tilespmem:v8+s25+$0x0], $0xffff  }
0x530: {  	v3 =	vadd.f32 v6, v3;
	v6 =	vadd.s32 $0x1E10, v0  }
0x531: {  	v5 =	vld.idx.msk [tilespmem:v5+s25+$0x0], $0xffff  }
0x532: {  	v3 =	vadd.f32 v7, v3;
	v7 =	vadd.s32 $0x1E11, v0  }
0x533: {  	v9 =	vadd.s32 $0x1E12, v0;
	v4 =	vld.idx.msk [tilespmem:v4+s25+$0x0], $0xffff  }
0x534: {  	v3 =	vadd.f32 v8, v3;
	v8 =	vadd.s32 $0x1E13, v0  }
0x535: {  	v6 =	vld.idx.msk [tilespmem:v6+s25+$0x0], $0xffff  }
0x536: {  	v3 =	vadd.f32 v5, v3  }
0x537: {  	v5 =	vld.idx.msk [tilespmem:v7+s25+$0x0], $0xffff  }
0x538: {  	v3 =	vadd.f32 v4, v3;
	v4 =	vld.idx.msk [tilespmem:v9+s25+$0x0], $0xffff  }
0x539: {  	v7 =	vld.idx.msk [tilespmem:v8+s25+$0x0], $0xffff  }
0x53a: {  	v8 =	vld [tilespmem:$0x590];
	v3 =	vadd.f32 v6, v3  }
0x53b: {  	v6 =	vld [tilespmem:$0x990]  }
0x53c: {  	v3 =	vadd.f32 v5, v3  }
0x53d: {  	v5 =	vld [tilespmem:$0x790]  }
0x53e: {  	v3 =	vadd.f32 v4, v3  }
0x53f: {  	v4 =	vld [tilespmem:$0x5B90]  }
0x540: {  	v6 =	vmul.f32 v6, v1;
	v3 =	vadd.f32 v7, v3  }
0x541: {  	v7 =	vld [tilespmem:$0x5D90]  }
0x542: {  	[tilespmem:$0x6100] =	vst v3;
	v3 =	vadd.f32 v6, v2;
	v6 =	vadd.s32 $0x1F40, v0  }
0x543: {  	v8 =	vld.idx.msk [tilespmem:v8+s20+$0x0], $0xffff  }
0x544: {  	v3 =	vadd.f32 v3, v4;
	v4 =	vadd.s32 $0x1F41, v0  }
0x545: {  	v5 =	vld.idx.msk [tilespmem:v5+s21+$0x0], $0xffff  }
0x546: {  	v3 =	vadd.f32 v3, v7;
	v7 =	vadd.s32 $0x1F42, v0  }
0x547: {  	v6 =	vld.idx.msk [tilespmem:v6+s25+$0x0], $0xffff  }
0x548: {  	v3 =	vadd.f32 v8, v3;
	v8 =	vadd.s32 $0x1F43, v0  }
0x549: {  	v4 =	vld.idx.msk [tilespmem:v4+s25+$0x0], $0xffff  }
0x54a: {  	v3 =	vadd.f32 v5, v3;
	v5 =	vadd.s32 $0x1F44, v0  }
0x54b: {  	v7 =	vld.idx.msk [tilespmem:v7+s25+$0x0], $0xffff  }
0x54c: {  	v3 =	vadd.f32 v6, v3;
	v6 =	vadd.s32 $0x1F45, v0  }
0x54d: {  	v8 =	vld.idx.msk [tilespmem:v8+s25+$0x0], $0xffff  }
0x54e: {  	v3 =	vadd.f32 v4, v3;
	v4 =	vadd.s32 $0x1F46, v0  }
0x54f: {  	v5 =	vld.idx.msk [tilespmem:v5+s25+$0x0], $0xffff  }
0x550: {  	v3 =	vadd.f32 v7, v3;
	v7 =	vadd.s32 $0x1F47, v0  }
0x551: {  	v6 =	vld.idx.msk [tilespmem:v6+s25+$0x0], $0xffff  }
0x552: {  	v3 =	vadd.f32 v8, v3;
	v8 =	vadd.s32 $0x1F48, v0  }
0x553: {  	v4 =	vld.idx.msk [tilespmem:v4+s25+$0x0], $0xffff  }
0x554: {  	v3 =	vadd.f32 v5, v3;
	v5 =	vadd.s32 $0x1F49, v0  }
0x555: {  	v7 =	vld.idx.msk [tilespmem:v7+s25+$0x0], $0xffff  }
0x556: {  	v3 =	vadd.f32 v6, v3;
	v6 =	vadd.s32 $0x1F4A, v0  }
0x557: {  	v8 =	vld.idx.msk [tilespmem:v8+s25+$0x0], $0xffff  }
0x558: {  	v3 =	vadd.f32 v4, v3;
	v4 =	vadd.s32 $0x1F4B, v0  }
0x559: {  	v5 =	vld.idx.msk [tilespmem:v5+s25+$0x0], $0xffff  }
0x55a: {  	v3 =	vadd.f32 v7, v3;
	v7 =	vadd.s32 $0x1F4C, v0  }
0x55b: {  	v6 =	vld.idx.msk [tilespmem:v6+s25+$0x0], $0xffff  }
0x55c: {  	v3 =	vadd.f32 v8, v3;
	v8 =	vadd.s32 $0x1F4D, v0  }
0x55d: {  	v4 =	vld.idx.msk [tilespmem:v4+s25+$0x0], $0xffff  }
0x55e: {  	v3 =	vadd.f32 v5, v3;
	v5 =	vadd.s32 $0x1F4E, v0  }
0x55f: {  	v7 =	vld.idx.msk [tilespmem:v7+s25+$0x0], $0xffff  }
0x560: {  	v3 =	vadd.f32 v6, v3;
	v6 =	vadd.s32 $0x1F4F, v0  }
0x561: {  	v8 =	vld.idx.msk [tilespmem:v8+s25+$0x0], $0xffff  }
0x562: {  	v3 =	vadd.f32 v4, v3;
	v4 =	vadd.s32 $0x1F50, v0  }
0x563: {  	v5 =	vld.idx.msk [tilespmem:v5+s25+$0x0], $0xffff  }
0x564: {  	v3 =	vadd.f32 v7, v3;
	v7 =	vadd.s32 $0x1F51, v0  }
0x565: {  	v9 =	vadd.s32 $0x1F52, v0;
	v6 =	vld.idx.msk [tilespmem:v6+s25+$0x0], $0xffff  }
0x566: {  	v3 =	vadd.f32 v8, v3;
	v8 =	vadd.s32 $0x1F53, v0  }
0x567: {  	v4 =	vld.idx.msk [tilespmem:v4+s25+$0x0], $0xffff  }
0x568: {  	v3 =	vadd.f32 v5, v3  }
0x569: {  	v5 =	vld.idx.msk [tilespmem:v7+s25+$0x0], $0xffff  }
0x56a: {  	v3 =	vadd.f32 v6, v3;
	v6 =	vld.idx.msk [tilespmem:v9+s25+$0x0], $0xffff  }
0x56b: {  	v7 =	vld.idx.msk [tilespmem:v8+s25+$0x0], $0xffff  }
0x56c: {  	v8 =	vld [tilespmem:$0x5A0];
	v3 =	vadd.f32 v4, v3  }
0x56d: {  	v4 =	vld [tilespmem:$0x9A0]  }
0x56e: {  	v3 =	vadd.f32 v5, v3  }
0x56f: {  	v5 =	vld [tilespmem:$0x7A0]  }
0x570: {  	v3 =	vadd.f32 v6, v3  }
0x571: {  	v6 =	vld [tilespmem:$0x5BA0]  }
0x572: {  	v4 =	vmul.f32 v4, v1;
	v3 =	vadd.f32 v7, v3  }
0x573: {  	v7 =	vld [tilespmem:$0x5DA0]  }
0x574: {  	[tilespmem:$0x6110] =	vst v3;
	v3 =	vadd.f32 v4, v2;
	v4 =	vadd.s32 $0x2080, v0  }
0x575: {  	v8 =	vld.idx.msk [tilespmem:v8+s20+$0x0], $0xffff  }
0x576: {  	v3 =	vadd.f32 v3, v6;
	v6 =	vadd.s32 $0x2081, v0  }
0x577: {  	v5 =	vld.idx.msk [tilespmem:v5+s21+$0x0], $0xffff  }
0x578: {  	v3 =	vadd.f32 v3, v7;
	v7 =	vadd.s32 $0x2082, v0  }
0x579: {  	v4 =	vld.idx.msk [tilespmem:v4+s25+$0x0], $0xffff  }
0x57a: {  	v3 =	vadd.f32 v8, v3;
	v8 =	vadd.s32 $0x2083, v0  }
0x57b: {  	v6 =	vld.idx.msk [tilespmem:v6+s25+$0x0], $0xffff  }
0x57c: {  	v3 =	vadd.f32 v5, v3;
	v5 =	vadd.s32 $0x2084, v0  }
0x57d: {  	v7 =	vld.idx.msk [tilespmem:v7+s25+$0x0], $0xffff  }
0x57e: {  	v3 =	vadd.f32 v4, v3;
	v4 =	vadd.s32 $0x2085, v0  }
0x57f: {  	v8 =	vld.idx.msk [tilespmem:v8+s25+$0x0], $0xffff  }
0x580: {  	v3 =	vadd.f32 v6, v3;
	v6 =	vadd.s32 $0x2086, v0  }
0x581: {  	v5 =	vld.idx.msk [tilespmem:v5+s25+$0x0], $0xffff  }
0x582: {  	v3 =	vadd.f32 v7, v3;
	v7 =	vadd.s32 $0x2087, v0  }
0x583: {  	v4 =	vld.idx.msk [tilespmem:v4+s25+$0x0], $0xffff  }
0x584: {  	v3 =	vadd.f32 v8, v3;
	v8 =	vadd.s32 $0x2088, v0  }
0x585: {  	v6 =	vld.idx.msk [tilespmem:v6+s25+$0x0], $0xffff  }
0x586: {  	v3 =	vadd.f32 v5, v3;
	v5 =	vadd.s32 $0x2089, v0  }
0x587: {  	v7 =	vld.idx.msk [tilespmem:v7+s25+$0x0], $0xffff  }
0x588: {  	v3 =	vadd.f32 v4, v3;
	v4 =	vadd.s32 $0x208A, v0  }
0x589: {  	v8 =	vld.idx.msk [tilespmem:v8+s25+$0x0], $0xffff  }
0x58a: {  	v3 =	vadd.f32 v6, v3;
	v6 =	vadd.s32 $0x208B, v0  }
0x58b: {  	v5 =	vld.idx.msk [tilespmem:v5+s25+$0x0], $0xffff  }
0x58c: {  	v3 =	vadd.f32 v7, v3;
	v7 =	vadd.s32 $0x208C, v0  }
0x58d: {  	v4 =	vld.idx.msk [tilespmem:v4+s25+$0x0], $0xffff  }
0x58e: {  	v3 =	vadd.f32 v8, v3;
	v8 =	vadd.s32 $0x208D, v0  }
0x58f: {  	v6 =	vld.idx.msk [tilespmem:v6+s25+$0x0], $0xffff  }
0x590: {  	v3 =	vadd.f32 v5, v3;
	v5 =	vadd.s32 $0x208E, v0  }
0x591: {  	v7 =	vld.idx.msk [tilespmem:v7+s25+$0x0], $0xffff  }
0x592: {  	v3 =	vadd.f32 v4, v3;
	v4 =	vadd.s32 $0x208F, v0  }
0x593: {  	v8 =	vld.idx.msk [tilespmem:v8+s25+$0x0], $0xffff  }
0x594: {  	v3 =	vadd.f32 v6, v3;
	v6 =	vadd.s32 $0x2090, v0  }
0x595: {  	v5 =	vld.idx.msk [tilespmem:v5+s25+$0x0], $0xffff  }
0x596: {  	v3 =	vadd.f32 v7, v3;
	v7 =	vadd.s32 $0x2091, v0  }
0x597: {  	v9 =	vadd.s32 $0x2092, v0;
	v4 =	vld.idx.msk [tilespmem:v4+s25+$0x0], $0xffff  }
0x598: {  	v3 =	vadd.f32 v8, v3;
	v8 =	vadd.s32 $0x2093, v0  }
0x599: {  	v6 =	vld.idx.msk [tilespmem:v6+s25+$0x0], $0xffff  }
0x59a: {  	v3 =	vadd.f32 v5, v3  }
0x59b: {  	v5 =	vld.idx.msk [tilespmem:v7+s25+$0x0], $0xffff  }
0x59c: {  	v3 =	vadd.f32 v4, v3;
	v4 =	vld.idx.msk [tilespmem:v9+s25+$0x0], $0xffff  }
0x59d: {  	v7 =	vld.idx.msk [tilespmem:v8+s25+$0x0], $0xffff  }
0x59e: {  	v8 =	vld [tilespmem:$0x5B0];
	v3 =	vadd.f32 v6, v3  }
0x59f: {  	v6 =	vld [tilespmem:$0x9B0]  }
0x5a0: {  	v3 =	vadd.f32 v5, v3  }
0x5a1: {  	v5 =	vld [tilespmem:$0x7B0]  }
0x5a2: {  	v3 =	vadd.f32 v4, v3  }
0x5a3: {  	v4 =	vld [tilespmem:$0x5BB0]  }
0x5a4: {  	v6 =	vmul.f32 v6, v1;
	v3 =	vadd.f32 v7, v3  }
0x5a5: {  	v7 =	vld [tilespmem:$0x5DB0]  }
0x5a6: {  	[tilespmem:$0x6120] =	vst v3;
	v3 =	vadd.f32 v6, v2;
	v6 =	vadd.s32 $0x21C0, v0  }
0x5a7: {  	v8 =	vld.idx.msk [tilespmem:v8+s20+$0x0], $0xffff  }
0x5a8: {  	v3 =	vadd.f32 v3, v4;
	v4 =	vadd.s32 $0x21C1, v0  }
0x5a9: {  	v5 =	vld.idx.msk [tilespmem:v5+s21+$0x0], $0xffff  }
0x5aa: {  	v3 =	vadd.f32 v3, v7;
	v7 =	vadd.s32 $0x21C2, v0  }
0x5ab: {  	v6 =	vld.idx.msk [tilespmem:v6+s25+$0x0], $0xffff  }
0x5ac: {  	v3 =	vadd.f32 v8, v3;
	v8 =	vadd.s32 $0x21C3, v0  }
0x5ad: {  	v4 =	vld.idx.msk [tilespmem:v4+s25+$0x0], $0xffff  }
0x5ae: {  	v3 =	vadd.f32 v5, v3;
	v5 =	vadd.s32 $0x21C4, v0  }
0x5af: {  	v7 =	vld.idx.msk [tilespmem:v7+s25+$0x0], $0xffff  }
0x5b0: {  	v3 =	vadd.f32 v6, v3;
	v6 =	vadd.s32 $0x21C5, v0  }
0x5b1: {  	v8 =	vld.idx.msk [tilespmem:v8+s25+$0x0], $0xffff  }
0x5b2: {  	v3 =	vadd.f32 v4, v3;
	v4 =	vadd.s32 $0x21C6, v0  }
0x5b3: {  	v5 =	vld.idx.msk [tilespmem:v5+s25+$0x0], $0xffff  }
0x5b4: {  	v3 =	vadd.f32 v7, v3;
	v7 =	vadd.s32 $0x21C7, v0  }
0x5b5: {  	v6 =	vld.idx.msk [tilespmem:v6+s25+$0x0], $0xffff  }
0x5b6: {  	v3 =	vadd.f32 v8, v3;
	v8 =	vadd.s32 $0x21C8, v0  }
0x5b7: {  	v4 =	vld.idx.msk [tilespmem:v4+s25+$0x0], $0xffff  }
0x5b8: {  	v3 =	vadd.f32 v5, v3;
	v5 =	vadd.s32 $0x21C9, v0  }
0x5b9: {  	v7 =	vld.idx.msk [tilespmem:v7+s25+$0x0], $0xffff  }
0x5ba: {  	v3 =	vadd.f32 v6, v3;
	v6 =	vadd.s32 $0x21CA, v0  }
0x5bb: {  	v8 =	vld.idx.msk [tilespmem:v8+s25+$0x0], $0xffff  }
0x5bc: {  	v3 =	vadd.f32 v4, v3;
	v4 =	vadd.s32 $0x21CB, v0  }
0x5bd: {  	v5 =	vld.idx.msk [tilespmem:v5+s25+$0x0], $0xffff  }
0x5be: {  	v3 =	vadd.f32 v7, v3;
	v7 =	vadd.s32 $0x21CC, v0  }
0x5bf: {  	v6 =	vld.idx.msk [tilespmem:v6+s25+$0x0], $0xffff  }
0x5c0: {  	v3 =	vadd.f32 v8, v3;
	v8 =	vadd.s32 $0x21CD, v0  }
0x5c1: {  	v4 =	vld.idx.msk [tilespmem:v4+s25+$0x0], $0xffff  }
0x5c2: {  	v3 =	vadd.f32 v5, v3;
	v5 =	vadd.s32 $0x21CE, v0  }
0x5c3: {  	v7 =	vld.idx.msk [tilespmem:v7+s25+$0x0], $0xffff  }
0x5c4: {  	v3 =	vadd.f32 v6, v3;
	v6 =	vadd.s32 $0x21CF, v0  }
0x5c5: {  	v8 =	vld.idx.msk [tilespmem:v8+s25+$0x0], $0xffff  }
0x5c6: {  	v3 =	vadd.f32 v4, v3;
	v4 =	vadd.s32 $0x21D0, v0  }
0x5c7: {  	v5 =	vld.idx.msk [tilespmem:v5+s25+$0x0], $0xffff  }
0x5c8: {  	v3 =	vadd.f32 v7, v3;
	v7 =	vadd.s32 $0x21D1, v0  }
0x5c9: {  	v9 =	vadd.s32 $0x21D2, v0;
	v6 =	vld.idx.msk [tilespmem:v6+s25+$0x0], $0xffff  }
0x5ca: {  	v3 =	vadd.f32 v8, v3;
	v8 =	vadd.s32 $0x21D3, v0  }
0x5cb: {  	v4 =	vld.idx.msk [tilespmem:v4+s25+$0x0], $0xffff  }
0x5cc: {  	v3 =	vadd.f32 v5, v3  }
0x5cd: {  	v5 =	vld.idx.msk [tilespmem:v7+s25+$0x0], $0xffff  }
0x5ce: {  	v3 =	vadd.f32 v6, v3;
	v6 =	vld.idx.msk [tilespmem:v9+s25+$0x0], $0xffff  }
0x5cf: {  	v7 =	vld.idx.msk [tilespmem:v8+s25+$0x0], $0xffff  }
0x5d0: {  	v8 =	vld [tilespmem:$0x5C0];
	v3 =	vadd.f32 v4, v3  }
0x5d1: {  	v4 =	vld [tilespmem:$0x9C0]  }
0x5d2: {  	v3 =	vadd.f32 v5, v3  }
0x5d3: {  	v5 =	vld [tilespmem:$0x7C0]  }
0x5d4: {  	v3 =	vadd.f32 v6, v3  }
0x5d5: {  	v6 =	vld [tilespmem:$0x5BC0]  }
0x5d6: {  	v4 =	vmul.f32 v4, v1;
	v3 =	vadd.f32 v7, v3  }
0x5d7: {  	v7 =	vld [tilespmem:$0x5DC0]  }
0x5d8: {  	[tilespmem:$0x6130] =	vst v3;
	v3 =	vadd.f32 v4, v2;
	v4 =	vadd.s32 $0x2300, v0  }
0x5d9: {  	v8 =	vld.idx.msk [tilespmem:v8+s20+$0x0], $0xffff  }
0x5da: {  	v3 =	vadd.f32 v3, v6;
	v6 =	vadd.s32 $0x2301, v0  }
0x5db: {  	v5 =	vld.idx.msk [tilespmem:v5+s21+$0x0], $0xffff  }
0x5dc: {  	v3 =	vadd.f32 v3, v7;
	v7 =	vadd.s32 $0x2302, v0  }
0x5dd: {  	v4 =	vld.idx.msk [tilespmem:v4+s25+$0x0], $0xffff  }
0x5de: {  	v3 =	vadd.f32 v8, v3;
	v8 =	vadd.s32 $0x2303, v0  }
0x5df: {  	v6 =	vld.idx.msk [tilespmem:v6+s25+$0x0], $0xffff  }
0x5e0: {  	v3 =	vadd.f32 v5, v3;
	v5 =	vadd.s32 $0x2304, v0  }
0x5e1: {  	v7 =	vld.idx.msk [tilespmem:v7+s25+$0x0], $0xffff  }
0x5e2: {  	v3 =	vadd.f32 v4, v3;
	v4 =	vadd.s32 $0x2305, v0  }
0x5e3: {  	v8 =	vld.idx.msk [tilespmem:v8+s25+$0x0], $0xffff  }
0x5e4: {  	v3 =	vadd.f32 v6, v3;
	v6 =	vadd.s32 $0x2306, v0  }
0x5e5: {  	v5 =	vld.idx.msk [tilespmem:v5+s25+$0x0], $0xffff  }
0x5e6: {  	v3 =	vadd.f32 v7, v3;
	v7 =	vadd.s32 $0x2307, v0  }
0x5e7: {  	v4 =	vld.idx.msk [tilespmem:v4+s25+$0x0], $0xffff  }
0x5e8: {  	v3 =	vadd.f32 v8, v3;
	v8 =	vadd.s32 $0x2308, v0  }
0x5e9: {  	v6 =	vld.idx.msk [tilespmem:v6+s25+$0x0], $0xffff  }
0x5ea: {  	v3 =	vadd.f32 v5, v3;
	v5 =	vadd.s32 $0x2309, v0  }
0x5eb: {  	v7 =	vld.idx.msk [tilespmem:v7+s25+$0x0], $0xffff  }
0x5ec: {  	v3 =	vadd.f32 v4, v3;
	v4 =	vadd.s32 $0x230A, v0  }
0x5ed: {  	v8 =	vld.idx.msk [tilespmem:v8+s25+$0x0], $0xffff  }
0x5ee: {  	v3 =	vadd.f32 v6, v3;
	v6 =	vadd.s32 $0x230B, v0  }
0x5ef: {  	v5 =	vld.idx.msk [tilespmem:v5+s25+$0x0], $0xffff  }
0x5f0: {  	v3 =	vadd.f32 v7, v3;
	v7 =	vadd.s32 $0x230C, v0  }
0x5f1: {  	v4 =	vld.idx.msk [tilespmem:v4+s25+$0x0], $0xffff  }
0x5f2: {  	v3 =	vadd.f32 v8, v3;
	v8 =	vadd.s32 $0x230D, v0  }
0x5f3: {  	v6 =	vld.idx.msk [tilespmem:v6+s25+$0x0], $0xffff  }
0x5f4: {  	v3 =	vadd.f32 v5, v3;
	v5 =	vadd.s32 $0x230E, v0  }
0x5f5: {  	v7 =	vld.idx.msk [tilespmem:v7+s25+$0x0], $0xffff  }
0x5f6: {  	v3 =	vadd.f32 v4, v3;
	v4 =	vadd.s32 $0x230F, v0  }
0x5f7: {  	v8 =	vld.idx.msk [tilespmem:v8+s25+$0x0], $0xffff  }
0x5f8: {  	v3 =	vadd.f32 v6, v3;
	v6 =	vadd.s32 $0x2310, v0  }
0x5f9: {  	v5 =	vld.idx.msk [tilespmem:v5+s25+$0x0], $0xffff  }
0x5fa: {  	v3 =	vadd.f32 v7, v3;
	v7 =	vadd.s32 $0x2311, v0  }
0x5fb: {  	v9 =	vadd.s32 $0x2312, v0;
	v4 =	vld.idx.msk [tilespmem:v4+s25+$0x0], $0xffff  }
0x5fc: {  	v3 =	vadd.f32 v8, v3;
	v8 =	vadd.s32 $0x2313, v0  }
0x5fd: {  	v6 =	vld.idx.msk [tilespmem:v6+s25+$0x0], $0xffff  }
0x5fe: {  	v3 =	vadd.f32 v5, v3  }
0x5ff: {  	v5 =	vld.idx.msk [tilespmem:v7+s25+$0x0], $0xffff  }
0x600: {  	v3 =	vadd.f32 v4, v3;
	v4 =	vld.idx.msk [tilespmem:v9+s25+$0x0], $0xffff  }
0x601: {  	v7 =	vld.idx.msk [tilespmem:v8+s25+$0x0], $0xffff  }
0x602: {  	v8 =	vld [tilespmem:$0x5D0];
	v3 =	vadd.f32 v6, v3  }
0x603: {  	v6 =	vld [tilespmem:$0x9D0]  }
0x604: {  	v3 =	vadd.f32 v5, v3  }
0x605: {  	v5 =	vld [tilespmem:$0x7D0]  }
0x606: {  	v3 =	vadd.f32 v4, v3  }
0x607: {  	v4 =	vld [tilespmem:$0x5BD0]  }
0x608: {  	v6 =	vmul.f32 v6, v1;
	v3 =	vadd.f32 v7, v3  }
0x609: {  	v7 =	vld [tilespmem:$0x5DD0]  }
0x60a: {  	[tilespmem:$0x6140] =	vst v3;
	v3 =	vadd.f32 v6, v2;
	v6 =	vadd.s32 $0x2440, v0  }
0x60b: {  	v8 =	vld.idx.msk [tilespmem:v8+s20+$0x0], $0xffff  }
0x60c: {  	v3 =	vadd.f32 v3, v4;
	v4 =	vadd.s32 $0x2441, v0  }
0x60d: {  	v5 =	vld.idx.msk [tilespmem:v5+s21+$0x0], $0xffff  }
0x60e: {  	v3 =	vadd.f32 v3, v7;
	v7 =	vadd.s32 $0x2442, v0  }
0x60f: {  	v6 =	vld.idx.msk [tilespmem:v6+s25+$0x0], $0xffff  }
0x610: {  	v3 =	vadd.f32 v8, v3;
	v8 =	vadd.s32 $0x2443, v0  }
0x611: {  	v4 =	vld.idx.msk [tilespmem:v4+s25+$0x0], $0xffff  }
0x612: {  	v3 =	vadd.f32 v5, v3;
	v5 =	vadd.s32 $0x2444, v0  }
0x613: {  	v7 =	vld.idx.msk [tilespmem:v7+s25+$0x0], $0xffff  }
0x614: {  	v3 =	vadd.f32 v6, v3;
	v6 =	vadd.s32 $0x2445, v0  }
0x615: {  	v8 =	vld.idx.msk [tilespmem:v8+s25+$0x0], $0xffff  }
0x616: {  	v3 =	vadd.f32 v4, v3;
	v4 =	vadd.s32 $0x2446, v0  }
0x617: {  	v5 =	vld.idx.msk [tilespmem:v5+s25+$0x0], $0xffff  }
0x618: {  	v3 =	vadd.f32 v7, v3;
	v7 =	vadd.s32 $0x2447, v0  }
0x619: {  	v6 =	vld.idx.msk [tilespmem:v6+s25+$0x0], $0xffff  }
0x61a: {  	v3 =	vadd.f32 v8, v3;
	v8 =	vadd.s32 $0x2448, v0  }
0x61b: {  	v4 =	vld.idx.msk [tilespmem:v4+s25+$0x0], $0xffff  }
0x61c: {  	v3 =	vadd.f32 v5, v3;
	v5 =	vadd.s32 $0x2449, v0  }
0x61d: {  	v7 =	vld.idx.msk [tilespmem:v7+s25+$0x0], $0xffff  }
0x61e: {  	v3 =	vadd.f32 v6, v3;
	v6 =	vadd.s32 $0x244A, v0  }
0x61f: {  	v8 =	vld.idx.msk [tilespmem:v8+s25+$0x0], $0xffff  }
0x620: {  	v3 =	vadd.f32 v4, v3;
	v4 =	vadd.s32 $0x244B, v0  }
0x621: {  	v5 =	vld.idx.msk [tilespmem:v5+s25+$0x0], $0xffff  }
0x622: {  	v3 =	vadd.f32 v7, v3;
	v7 =	vadd.s32 $0x244C, v0  }
0x623: {  	v6 =	vld.idx.msk [tilespmem:v6+s25+$0x0], $0xffff  }
0x624: {  	v3 =	vadd.f32 v8, v3;
	v8 =	vadd.s32 $0x244D, v0  }
0x625: {  	v4 =	vld.idx.msk [tilespmem:v4+s25+$0x0], $0xffff  }
0x626: {  	v3 =	vadd.f32 v5, v3;
	v5 =	vadd.s32 $0x244E, v0  }
0x627: {  	v7 =	vld.idx.msk [tilespmem:v7+s25+$0x0], $0xffff  }
0x628: {  	v3 =	vadd.f32 v6, v3;
	v6 =	vadd.s32 $0x244F, v0  }
0x629: {  	v8 =	vld.idx.msk [tilespmem:v8+s25+$0x0], $0xffff  }
0x62a: {  	v3 =	vadd.f32 v4, v3;
	v4 =	vadd.s32 $0x2450, v0  }
0x62b: {  	v5 =	vld.idx.msk [tilespmem:v5+s25+$0x0], $0xffff  }
0x62c: {  	v3 =	vadd.f32 v7, v3;
	v7 =	vadd.s32 $0x2451, v0  }
0x62d: {  	v9 =	vadd.s32 $0x2452, v0;
	v6 =	vld.idx.msk [tilespmem:v6+s25+$0x0], $0xffff  }
0x62e: {  	v3 =	vadd.f32 v8, v3;
	v8 =	vadd.s32 $0x2453, v0  }
0x62f: {  	v4 =	vld.idx.msk [tilespmem:v4+s25+$0x0], $0xffff  }
0x630: {  	v3 =	vadd.f32 v5, v3  }
0x631: {  	v5 =	vld.idx.msk [tilespmem:v7+s25+$0x0], $0xffff  }
0x632: {  	v3 =	vadd.f32 v6, v3;
	v6 =	vld.idx.msk [tilespmem:v9+s25+$0x0], $0xffff  }
0x633: {  	v7 =	vld.idx.msk [tilespmem:v8+s25+$0x0], $0xffff  }
0x634: {  	v8 =	vld [tilespmem:$0x5E0];
	v3 =	vadd.f32 v4, v3  }
0x635: {  	v4 =	vld [tilespmem:$0x9E0]  }
0x636: {  	v3 =	vadd.f32 v5, v3  }
0x637: {  	v5 =	vld [tilespmem:$0x7E0]  }
0x638: {  	v3 =	vadd.f32 v6, v3  }
0x639: {  	v6 =	vld [tilespmem:$0x5BE0]  }
0x63a: {  	v4 =	vmul.f32 v4, v1;
	v3 =	vadd.f32 v7, v3  }
0x63b: {  	v7 =	vld [tilespmem:$0x5DE0]  }
0x63c: {  	[tilespmem:$0x6150] =	vst v3;
	v3 =	vadd.f32 v4, v2;
	v4 =	vadd.s32 $0x2580, v0  }
0x63d: {  	v8 =	vld.idx.msk [tilespmem:v8+s20+$0x0], $0xffff  }
0x63e: {  	v3 =	vadd.f32 v3, v6;
	v6 =	vadd.s32 $0x2581, v0  }
0x63f: {  	v5 =	vld.idx.msk [tilespmem:v5+s21+$0x0], $0xffff  }
0x640: {  	v3 =	vadd.f32 v3, v7;
	v7 =	vadd.s32 $0x2582, v0  }
0x641: {  	v4 =	vld.idx.msk [tilespmem:v4+s25+$0x0], $0xffff  }
0x642: {  	v3 =	vadd.f32 v8, v3;
	v8 =	vadd.s32 $0x2583, v0  }
0x643: {  	v6 =	vld.idx.msk [tilespmem:v6+s25+$0x0], $0xffff  }
0x644: {  	v3 =	vadd.f32 v5, v3;
	v5 =	vadd.s32 $0x2584, v0  }
0x645: {  	v7 =	vld.idx.msk [tilespmem:v7+s25+$0x0], $0xffff  }
0x646: {  	v3 =	vadd.f32 v4, v3;
	v4 =	vadd.s32 $0x2585, v0  }
0x647: {  	v8 =	vld.idx.msk [tilespmem:v8+s25+$0x0], $0xffff  }
0x648: {  	v3 =	vadd.f32 v6, v3;
	v6 =	vadd.s32 $0x2586, v0  }
0x649: {  	v5 =	vld.idx.msk [tilespmem:v5+s25+$0x0], $0xffff  }
0x64a: {  	v3 =	vadd.f32 v7, v3;
	v7 =	vadd.s32 $0x2587, v0  }
0x64b: {  	v4 =	vld.idx.msk [tilespmem:v4+s25+$0x0], $0xffff  }
0x64c: {  	v3 =	vadd.f32 v8, v3;
	v8 =	vadd.s32 $0x2588, v0  }
0x64d: {  	v6 =	vld.idx.msk [tilespmem:v6+s25+$0x0], $0xffff  }
0x64e: {  	v3 =	vadd.f32 v5, v3;
	v5 =	vadd.s32 $0x2589, v0  }
0x64f: {  	v7 =	vld.idx.msk [tilespmem:v7+s25+$0x0], $0xffff  }
0x650: {  	v3 =	vadd.f32 v4, v3;
	v4 =	vadd.s32 $0x258A, v0  }
0x651: {  	v8 =	vld.idx.msk [tilespmem:v8+s25+$0x0], $0xffff  }
0x652: {  	v3 =	vadd.f32 v6, v3;
	v6 =	vadd.s32 $0x258B, v0  }
0x653: {  	v5 =	vld.idx.msk [tilespmem:v5+s25+$0x0], $0xffff  }
0x654: {  	v3 =	vadd.f32 v7, v3;
	v7 =	vadd.s32 $0x258C, v0  }
0x655: {  	v4 =	vld.idx.msk [tilespmem:v4+s25+$0x0], $0xffff  }
0x656: {  	v3 =	vadd.f32 v8, v3;
	v8 =	vadd.s32 $0x258D, v0  }
0x657: {  	v6 =	vld.idx.msk [tilespmem:v6+s25+$0x0], $0xffff  }
0x658: {  	v3 =	vadd.f32 v5, v3;
	v5 =	vadd.s32 $0x258E, v0  }
0x659: {  	v7 =	vld.idx.msk [tilespmem:v7+s25+$0x0], $0xffff  }
0x65a: {  	v3 =	vadd.f32 v4, v3;
	v4 =	vadd.s32 $0x258F, v0  }
0x65b: {  	v8 =	vld.idx.msk [tilespmem:v8+s25+$0x0], $0xffff  }
0x65c: {  	v3 =	vadd.f32 v6, v3;
	v6 =	vadd.s32 $0x2590, v0  }
0x65d: {  	v5 =	vld.idx.msk [tilespmem:v5+s25+$0x0], $0xffff  }
0x65e: {  	v3 =	vadd.f32 v7, v3;
	v7 =	vadd.s32 $0x2591, v0  }
0x65f: {  	v9 =	vadd.s32 $0x2592, v0;
	v4 =	vld.idx.msk [tilespmem:v4+s25+$0x0], $0xffff  }
0x660: {  	v3 =	vadd.f32 v8, v3;
	v8 =	vadd.s32 $0x2593, v0  }
0x661: {  	v6 =	vld.idx.msk [tilespmem:v6+s25+$0x0], $0xffff  }
0x662: {  	v3 =	vadd.f32 v5, v3  }
0x663: {  	v5 =	vld.idx.msk [tilespmem:v7+s25+$0x0], $0xffff  }
0x664: {  	v3 =	vadd.f32 v4, v3;
	v4 =	vld.idx.msk [tilespmem:v9+s25+$0x0], $0xffff  }
0x665: {  	v7 =	vld.idx.msk [tilespmem:v8+s25+$0x0], $0xffff  }
0x666: {  	v8 =	vld [tilespmem:$0x5F0];
	v3 =	vadd.f32 v6, v3  }
0x667: {  	v6 =	vld [tilespmem:$0x9F0]  }
0x668: {  	v3 =	vadd.f32 v5, v3  }
0x669: {  	v5 =	vld [tilespmem:$0x7F0]  }
0x66a: {  	v3 =	vadd.f32 v4, v3  }
0x66b: {  	v4 =	vld [tilespmem:$0x5BF0]  }
0x66c: {  	v1 =	vmul.f32 v6, v1;
	v3 =	vadd.f32 v7, v3  }
0x66d: {  	v6 =	vld [tilespmem:$0x5DF0]  }
0x66e: {  	v1 =	vadd.f32 v1, v2;
	v2 =	vadd.s32 $0x26C0, v0;
	[tilespmem:$0x6160] =	vst v3  }
0x66f: {  	v3 =	vld.idx.msk [tilespmem:v8+s20+$0x0], $0xffff  }
0x670: {  	v1 =	vadd.f32 v1, v4;
	v4 =	vadd.s32 $0x26C1, v0  }
0x671: {  	v5 =	vld.idx.msk [tilespmem:v5+s21+$0x0], $0xffff  }
0x672: {  	v1 =	vadd.f32 v1, v6;
	v6 =	vadd.s32 $0x26C2, v0  }
0x673: {  	v2 =	vld.idx.msk [tilespmem:v2+s25+$0x0], $0xffff  }
0x674: {  	v1 =	vadd.f32 v3, v1;
	v3 =	vadd.s32 $0x26C3, v0  }
0x675: {  	v4 =	vld.idx.msk [tilespmem:v4+s25+$0x0], $0xffff  }
0x676: {  	v1 =	vadd.f32 v5, v1;
	v5 =	vadd.s32 $0x26C4, v0  }
0x677: {  	v6 =	vld.idx.msk [tilespmem:v6+s25+$0x0], $0xffff  }
0x678: {  	v1 =	vadd.f32 v2, v1;
	v2 =	vadd.s32 $0x26C5, v0  }
0x679: {  	v3 =	vld.idx.msk [tilespmem:v3+s25+$0x0], $0xffff  }
0x67a: {  	v1 =	vadd.f32 v4, v1;
	v4 =	vadd.s32 $0x26C6, v0  }
0x67b: {  	v5 =	vld.idx.msk [tilespmem:v5+s25+$0x0], $0xffff  }
0x67c: {  	v1 =	vadd.f32 v6, v1;
	v6 =	vadd.s32 $0x26C7, v0  }
0x67d: {  	v2 =	vld.idx.msk [tilespmem:v2+s25+$0x0], $0xffff  }
0x67e: {  	v1 =	vadd.f32 v3, v1;
	v3 =	vadd.s32 $0x26C8, v0  }
0x67f: {  	v4 =	vld.idx.msk [tilespmem:v4+s25+$0x0], $0xffff  }
0x680: {  	v1 =	vadd.f32 v5, v1;
	v5 =	vadd.s32 $0x26C9, v0  }
0x681: {  	v6 =	vld.idx.msk [tilespmem:v6+s25+$0x0], $0xffff  }
0x682: {  	v1 =	vadd.f32 v2, v1;
	v2 =	vadd.s32 $0x26CA, v0  }
0x683: {  	v3 =	vld.idx.msk [tilespmem:v3+s25+$0x0], $0xffff  }
0x684: {  	v1 =	vadd.f32 v4, v1;
	v4 =	vadd.s32 $0x26CB, v0  }
0x685: {  	v5 =	vld.idx.msk [tilespmem:v5+s25+$0x0], $0xffff  }
0x686: {  	v1 =	vadd.f32 v6, v1;
	v6 =	vadd.s32 $0x26CC, v0  }
0x687: {  	v2 =	vld.idx.msk [tilespmem:v2+s25+$0x0], $0xffff  }
0x688: {  	v1 =	vadd.f32 v3, v1;
	v3 =	vadd.s32 $0x26CD, v0  }
0x689: {  	v4 =	vld.idx.msk [tilespmem:v4+s25+$0x0], $0xffff  }
0x68a: {  	v1 =	vadd.f32 v5, v1;
	v5 =	vadd.s32 $0x26CE, v0  }
0x68b: {  	v6 =	vld.idx.msk [tilespmem:v6+s25+$0x0], $0xffff  }
0x68c: {  	v1 =	vadd.f32 v2, v1;
	v2 =	vadd.s32 $0x26CF, v0  }
0x68d: {  	v3 =	vld.idx.msk [tilespmem:v3+s25+$0x0], $0xffff  }
0x68e: {  	v1 =	vadd.f32 v4, v1;
	v4 =	vadd.s32 $0x26D0, v0  }
0x68f: {  	v5 =	vld.idx.msk [tilespmem:v5+s25+$0x0], $0xffff  }
0x690: {  	v1 =	vadd.f32 v6, v1;
	v6 =	vadd.s32 $0x26D1, v0  }
0x691: {  	v2 =	vld.idx.msk [tilespmem:v2+s25+$0x0], $0xffff  }
0x692: {  	v1 =	vadd.f32 v3, v1;
	v3 =	vadd.s32 $0x26D2, v0  }
0x693: {  	v4 =	vld.idx.msk [tilespmem:v4+s25+$0x0], $0xffff  }
0x694: {  	v1 =	vadd.f32 v5, v1;
	v5 =	vadd.s32 $0x26D3, v0  }
0x695: {  	v6 =	vld.idx.msk [tilespmem:v6+s25+$0x0], $0xffff  }
0x696: {  	v1 =	vadd.f32 v2, v1  }
0x697: {  	v2 =	vld.idx.msk [tilespmem:v3+s25+$0x0], $0xffff  }
0x698: {  	v1 =	vadd.f32 v4, v1  }
0x699: {  	v3 =	vld.idx.msk [tilespmem:v5+s25+$0x0], $0xffff  }
0x69a: {  	v1 =	vadd.f32 v6, v1;
	_ =	sdelay $0x1  }
0x69b: {  	v1 =	vadd.f32 v2, v1;
	_ =	sdelay $0x1  }
0x69c: {  	s11 =	sadd.s32 $0xFFFFFFFF, s11;
	v1 =	vadd.f32 v3, v1  }
0x69d: {  	p1 =	sne.s32 s11, $0x0  }
.Ltmp0:
0x69e: {  	[tilespmem:$0x6170] =	vst v1;
	(pc) =	sbr.rel @p1 .LBB2_1-.Ltmp0, $4  }
0x69f: {  	[hbm4b:s10+s2] =	stream.linear.scatter [tilespmem:s28], [sflag:$0x3], $0x200, $0x38;
	[tilespmem:$0x7B80] =	vst v63  }
0x6a0: {  	_ =	swait.ge [sflag:s12], $0x200  }
0x6a1: {  	[sflag:s12] =	ssyncset.done $0x0  }
0x6a2: {  	[sflag:s12] =	ssyncadd.s32 $0xFFFFFE00  }
0x6a3: {  	_ =	sfence.sel $0x180000  }
0x6a4: {  	[bflag:$0x0] =	sbarrier.arrive $0xFFFF  }
0x6a5: {  	_ =	strace $0x90000047  }
0x6a6: {  	s0 =	sadd.s32 @!p0 $0x100000, s0;
	[bflag:$0x2] =	sbarrier.arrive $0xFFFF  }
0x6a7: {  	[sflag:s0] =	ssyncadd.tile.s32 @!p0 $0x1;
	_ =	shalt  }
.Lfunc_end2:
_tile_overlayer_lowered:
.L_overlay_start_2:
0x6a8: {  	(tag) =	ssettag $0x2  }
0x6a9: {  	s0 =	rddreg [dreg:$0x0];
	s2 =	stileid.u32  }
0x6aa: {  	s1 =	rddreg [dreg:$0x1];
	p0 =	sne.s32 s2, $0x0  }
0x6ab: {  	s3 =	rddreg [dreg:$0x2];
	[bflag:$0x3] =	sbarrier.arrive $0xFFFF;
	s2 =	simm.s32 @!p0 $0x1C03  }
0x6ac: {  	[timem:s3], [sflag:s2] =	dma.local @!p0 [hbm:s0], s1  }
0x6ad: {  	s0 =	simm.s32 @!p0 $0x3  }
0x6ae: {  	_ =	swait.ge @!p0 [sflag:s0], s1  }
0x6af: {  	s1 =	ssub.s32 @!p0 $0x0, s1;
	[sflag:s0] =	ssyncset.done @!p0 $0x0  }
0x6b0: {  	[sflag:s0] =	ssyncadd.s32 @!p0 s1  }
0x6b1: {  	[bflag:$0x3] =	sbarrier.arrive $0xFFFF  }
0x6b2: {  	_ =	shalt  }

</sc_bundles>
